<compile_context>
chip_gen: v7x
topology: tpu7x:2x2x1
jax: 0.10.2.dev20260603
libtpu: 0.0.44.dev20260713+nightly
codegen_flags: <defaults>
</compile_context>

<pallas_src>
import functools

import jax
import jax.numpy as jnp
from jax import lax
from jax.experimental import pallas as pl
from jax.experimental.pallas import tpu as pltpu
from jax.experimental.pallas import tpu_sc as plsc

N_ANC = 20000
N_GT = 128
NW = 32
LANES = 16
K = 5
CHUNK = 640
NBLK = CHUNK // (K * LANES)

_LN2 = 0.6931471805599453
_SQRT2 = 1.4142135623730951


def _vlog(x):
    bits = plsc.bitcast(x, jnp.int32)
    e = jnp.right_shift(bits, 23) - 127
    m = plsc.bitcast((bits & 0x007FFFFF) | 0x3F800000, jnp.float32)
    big = m > _SQRT2
    m = jnp.where(big, m * 0.5, m)
    e = jnp.where(big, e + 1, e)
    t = (m - 1.0) / (m + 1.0)
    t2 = t * t
    p = t * (2.0 + t2 * (2.0 / 3.0 + t2 * (0.4 + t2 * (2.0 / 7.0 + t2 * (2.0 / 9.0)))))
    return e.astype(jnp.float32) * _LN2 + p


def _sc_body(ax1_h, ay1_h, ax2_h, ay2_h, g0_h, g1_h, g2_h, g3_h, g4_h,
             lbl_h, dx_h, dy_h, dw_h, dh_h,
             ax1_v, ay1_v, ax2_v, ay2_v, gv0, gv1, gv2, gv3, gv4,
             gag_v, gx2p_v, gy2p_v,
             lbl_v, dx_v, dy_v, dw_v, dh_v, sem):
    wid = lax.axis_index("s") * 2 + lax.axis_index("c")
    base = jnp.minimum(wid * CHUNK, N_ANC - CHUNK)

    ins = [pltpu.make_async_copy(h.at[pl.ds(base, CHUNK)], v, sem)
           for h, v in ((ax1_h, ax1_v), (ay1_h, ay1_v),
                        (ax2_h, ax2_v), (ay2_h, ay2_v))]
    ins += [pltpu.make_async_copy(h, v, sem)
            for h, v in ((g0_h, gv0), (g1_h, gv1), (g2_h, gv2),
                         (g3_h, gv3), (g4_h, gv4))]
    for c in ins:
        c.start()
    for c in ins:
        c.wait()

    def tbl_body(t, _):
        sl = pl.ds(t * LANES, LANES)
        tx1 = gv0[sl]
        ty1 = gv1[sl]
        tx2 = gv2[sl]
        ty2 = gv3[sl]
        gag_v[sl] = ((tx2 - tx1) + 1.0) * ((ty2 - ty1) + 1.0)
        gx2p_v[sl] = tx2 + 1.0
        gy2p_v[sl] = ty2 + 1.0
        return 0

    lax.fori_loop(0, N_GT // LANES, tbl_body, 0)

    def blk_body(b, _):
        off = b * (K * LANES)
        ax1 = [ax1_v[pl.ds(off + k * LANES, LANES)] for k in range(K)]
        ay1 = [ay1_v[pl.ds(off + k * LANES, LANES)] for k in range(K)]
        ax2 = [ax2_v[pl.ds(off + k * LANES, LANES)] for k in range(K)]
        ay2 = [ay2_v[pl.ds(off + k * LANES, LANES)] for k in range(K)]
        area = [((ax2[k] - ax1[k]) + 1.0) * ((ay2[k] - ay1[k]) + 1.0)
                for k in range(K)]
        ax2p = [a + 1.0 for a in ax2]
        ay2p = [a + 1.0 for a in ay2]

        def grp_body(g, carry):
            bo = list(carry[:K])
            bi = list(carry[K:])
            g16v = jnp.broadcast_to(g * LANES, (LANES,)).astype(jnp.int32)
            for l in range(LANES):
                jv = g16v + l
                gx1 = plsc.load_gather(gv0, [jv])
                gy1 = plsc.load_gather(gv1, [jv])
                gx2p = plsc.load_gather(gx2p_v, [jv])
                gy2p = plsc.load_gather(gy2p_v, [jv])
                gag = plsc.load_gather(gag_v, [jv])
                for k in range(K):
                    iw = jnp.minimum(ax2p[k], gx2p) - jnp.maximum(ax1[k], gx1)
                    ih = jnp.minimum(ay2p[k], gy2p) - jnp.maximum(ay1[k], gy1)
                    inter = jnp.maximum(iw, 0.0) * jnp.maximum(ih, 0.0)
                    union = (area[k] + gag) - inter
                    ov = inter / union
                    upd = ov > bo[k]
                    bo[k] = jnp.where(upd, ov, bo[k])
                    bi[k] = jnp.where(upd, jv, bi[k])
            return tuple(bo) + tuple(bi)

        init = tuple(jnp.full((LANES,), -1.0, jnp.float32) for _ in range(K)) \
            + tuple(jnp.zeros((LANES,), jnp.int32) for _ in range(K))
        res = lax.fori_loop(0, N_GT // LANES, grp_body, init)
        bo = res[:K]
        bi = res[K:]

        for k in range(K):
            gx1 = plsc.load_gather(gv0, [bi[k]])
            gy1 = plsc.load_gather(gv1, [bi[k]])
            gx2 = plsc.load_gather(gv2, [bi[k]])
            gy2 = plsc.load_gather(gv3, [bi[k]])
            gcls = plsc.load_gather(gv4, [bi[k]])
            gt_w = (gx2 - gx1) + 1.0
            gt_h = (gy2 - gy1) + 1.0
            gt_cx = gx1 + 0.5 * gt_w
            gt_cy = gy1 + 0.5 * gt_h
            ex_w = (ax2[k] - ax1[k]) + 1.0
            ex_h = (ay2[k] - ay1[k]) + 1.0
            ex_cx = ax1[k] + 0.5 * ex_w
            ex_cy = ay1[k] + 0.5 * ex_h
            lbl = jnp.where(bo[k] >= 0.5, gcls,
                            jnp.where(bo[k] < 0.4, 0.0, -1.0))
            sl = pl.ds(off + k * LANES, LANES)
            lbl_v[sl] = lbl
            dx_v[sl] = (gt_cx - ex_cx) / ex_w
            dy_v[sl] = (gt_cy - ex_cy) / ex_h
            dw_v[sl] = _vlog(gt_w / ex_w)
            dh_v[sl] = _vlog(gt_h / ex_h)
        return 0

    lax.fori_loop(0, NBLK, blk_body, 0)

    outs = [pltpu.make_async_copy(v, h.at[pl.ds(base, CHUNK)], sem)
            for v, h in ((lbl_v, lbl_h), (dx_v, dx_h), (dy_v, dy_h),
                         (dw_v, dw_h), (dh_v, dh_h))]
    for o in outs:
        o.start()
    for o in outs:
        o.wait()


_sc_call = functools.partial(
    pl.kernel,
    out_type=[jax.ShapeDtypeStruct((N_ANC,), jnp.float32)] * 5,
    mesh=plsc.VectorSubcoreMesh(core_axis_name="c", subcore_axis_name="s",
                                num_cores=2, num_subcores=16),
    compiler_params=pltpu.CompilerParams(needs_layout_passes=False),
    scratch_types=(
        [pltpu.VMEM((CHUNK,), jnp.float32)] * 4
        + [pltpu.VMEM((N_GT,), jnp.float32)] * 5
        + [pltpu.VMEM((N_GT,), jnp.float32)] * 3
        + [pltpu.VMEM((CHUNK,), jnp.float32)] * 5
        + [pltpu.SemaphoreType.DMA]
    ),
)(_sc_body)


def kernel(anchors, image_shape, gt_boxes):
    anc = anchors[0].astype(jnp.float32)
    gt = gt_boxes[0].astype(jnp.float32)
    lbl, dx, dy, dw, dh = _sc_call(
        anc[:, 0], anc[:, 1], anc[:, 2], anc[:, 3],
        gt[:, 0], gt[:, 1], gt[:, 2], gt[:, 3], gt[:, 4])
    labels = lbl[None]
    bbox = jnp.stack([dx, dy, dw, dh], axis=-1)[None]
    return labels, bbox

# --- scband reference (transcript-rebuilt; emitter-appended) ---
"""Pipeline reference for scband-anchor-target-21457656610882 (READ-ONLY COPY).

The authoritative reference and input builder live on the scoring server;
editing this copy changes nothing except your own understanding.
"""

import jax, jax.numpy as jnp
import numpy as np

N_ANCHORS = 20000
N_GT = 128


def _make_boxes(key, n, lo=16.0, hi=128.0, img=800.0):
    k1, k2 = jax.random.split(key)
    xy1 = jax.random.uniform(k1, (n, 2), minval=0.0, maxval=img)
    wh = jax.random.uniform(k2, (n, 2), minval=lo, maxval=hi)
    return jnp.concatenate([xy1, xy1 + wh], axis=-1)


def setup_inputs(seed: int = 0) -> dict:
    key = jax.random.key(seed)
    ka, kg, kc, ki = jax.random.split(key, 4)
    anchors = _make_boxes(ka, N_ANCHORS)[None]  # [1, N, 4]
    gt4 = _make_boxes(kg, N_GT)
    cls = jax.random.randint(kc, (N_GT, 1), 1, 81).astype(jnp.float32)
    gt_boxes = jnp.concatenate([gt4, cls], axis=-1)[None]  # [1, M, 5]
    image_shape = jax.random.normal(ki, (50, 50, 256), dtype=jnp.float32)
    return {"anchors": anchors, "image_shape": image_shape, "gt_boxes": gt_boxes}


def _overlapping(anchors, gt):
    # anchors [N,4], gt [M,4] -> per-anchor argmax over gt, max IoU, per-gt argmax over anchors
    area_a = (anchors[:, 2] - anchors[:, 0] + 1.0) * (anchors[:, 3] - anchors[:, 1] + 1.0)
    area_g = (gt[:, 2] - gt[:, 0] + 1.0) * (gt[:, 3] - gt[:, 1] + 1.0)
    iw = jnp.minimum(anchors[:, None, 2], gt[None, :, 2]) - jnp.maximum(anchors[:, None, 0], gt[None, :, 0]) + 1.0
    ih = jnp.minimum(anchors[:, None, 3], gt[None, :, 3]) - jnp.maximum(anchors[:, None, 1], gt[None, :, 1]) + 1.0
    inter = jnp.maximum(iw, 0.0) * jnp.maximum(ih, 0.0)
    union = area_a[:, None] + area_g[None, :] - inter
    overlaps = inter / union
    argmax_overlaps_inds = jnp.argmax(overlaps, axis=1)
    max_overlaps = jnp.take_along_axis(overlaps, argmax_overlaps_inds[:, None], axis=1)[:, 0]
    gt_argmax_overlaps_inds = jnp.argmax(overlaps, axis=0)
    return argmax_overlaps_inds, max_overlaps, gt_argmax_overlaps_inds


def _bbox_transform(ex, gt):
    ex_w = ex[:, 2] - ex[:, 0] + 1.0
    ex_h = ex[:, 3] - ex[:, 1] + 1.0
    ex_cx = ex[:, 0] + 0.5 * ex_w
    ex_cy = ex[:, 1] + 0.5 * ex_h
    gt_w = gt[:, 2] - gt[:, 0] + 1.0
    gt_h = gt[:, 3] - gt[:, 1] + 1.0
    gt_cx = gt[:, 0] + 0.5 * gt_w
    gt_cy = gt[:, 1] + 0.5 * gt_h
    dx = (gt_cx - ex_cx) / ex_w
    dy = (gt_cy - ex_cy) / ex_h
    dw = jnp.log(gt_w / ex_w)
    dh = jnp.log(gt_h / ex_h)
    return jnp.stack([dx, dy, dw, dh], axis=1)


def reference(anchors, image_shape, gt_boxes):
    NEGATIVE_OVERLAP = 0.4
    POSITIVE_OVERLAP = 0.5
    gt = gt_boxes[0]
    anc = anchors[0]
    n = anc.shape[0]
    foreground = jnp.ones((n,), dtype=anc.dtype)
    background = jnp.zeros((n,), dtype=anc.dtype)
    labels = foreground * -1.0
    argmax_overlaps_inds, max_overlaps, gt_argmax_overlaps_inds = _overlapping(anc, gt[:, :4])
    # clobber_positives = False: negatives assigned first
    labels = jnp.where(max_overlaps < NEGATIVE_OVERLAP, background, labels)
    labels = jnp.where(max_overlaps >= POSITIVE_OVERLAP, foreground, labels)
    gathered = jnp.take(gt, argmax_overlaps_inds, axis=0)  # [N, 5] gather
    bbox_reg_targets = _bbox_transform(anc, gathered[:, :4])
    labels = jnp.where(labels == 1.0, gathered[:, 4], labels)
    labels = labels[None, :]
    bbox_reg_targets = bbox_reg_targets[None, :, :]
    return labels, bbox_reg_targets

if __name__ == "__main__":
    import jax
    _d = setup_inputs()
    print(jax.jit(kernel)(*tuple(_d.values())))

</pallas_src>

<mosaic_0001>
#map = affine_map<(d0, d1) -> (0)>
module attributes {stable_mosaic.version = 14 : i64} {
  func.func @_sc_body(%arg0: i32, %arg1: i32, %arg2: memref<20000xf32, #tpu.memory_space<hbm>>, %arg3: memref<20000xf32, #tpu.memory_space<hbm>>, %arg4: memref<20000xf32, #tpu.memory_space<hbm>>, %arg5: memref<20000xf32, #tpu.memory_space<hbm>>, %arg6: memref<128xf32, #tpu.memory_space<hbm>>, %arg7: memref<128xf32, #tpu.memory_space<hbm>>, %arg8: memref<128xf32, #tpu.memory_space<hbm>>, %arg9: memref<128xf32, #tpu.memory_space<hbm>>, %arg10: memref<128xf32, #tpu.memory_space<hbm>>, %arg11: memref<20000xf32, #tpu.memory_space<hbm>>, %arg12: memref<20000xf32, #tpu.memory_space<hbm>>, %arg13: memref<20000xf32, #tpu.memory_space<hbm>>, %arg14: memref<20000xf32, #tpu.memory_space<hbm>>, %arg15: memref<20000xf32, #tpu.memory_space<hbm>>, %arg16: memref<640xf32, #tpu.memory_space<vmem>>, %arg17: memref<640xf32, #tpu.memory_space<vmem>>, %arg18: memref<640xf32, #tpu.memory_space<vmem>>, %arg19: memref<640xf32, #tpu.memory_space<vmem>>, %arg20: memref<128xf32, #tpu.memory_space<vmem>>, %arg21: memref<128xf32, #tpu.memory_space<vmem>>, %arg22: memref<128xf32, #tpu.memory_space<vmem>>, %arg23: memref<128xf32, #tpu.memory_space<vmem>>, %arg24: memref<128xf32, #tpu.memory_space<vmem>>, %arg25: memref<128xf32, #tpu.memory_space<vmem>>, %arg26: memref<128xf32, #tpu.memory_space<vmem>>, %arg27: memref<128xf32, #tpu.memory_space<vmem>>, %arg28: memref<640xf32, #tpu.memory_space<vmem>>, %arg29: memref<640xf32, #tpu.memory_space<vmem>>, %arg30: memref<640xf32, #tpu.memory_space<vmem>>, %arg31: memref<640xf32, #tpu.memory_space<vmem>>, %arg32: memref<640xf32, #tpu.memory_space<vmem>>, %arg33: memref<!tpu.dma_semaphore, #tpu.memory_space<semaphore_mem>>) attributes {dimension_semantics = [#tpu.dimension_semantics<core_parallel>, #tpu.dimension_semantics<subcore_parallel>], iteration_bounds = array<i64: 2, 16>, scalar_prefetch = 0 : i64, scratch_operands = 18 : i64, tpu.core_type = #tpu.core_type<sc_vector_subcore>, window_params = [{transform_indices = #map}, {transform_indices = #map}, {transform_indices = #map}, {transform_indices = #map}, {transform_indices = #map}, {transform_indices = #map}, {transform_indices = #map}, {transform_indices = #map}, {transform_indices = #map}, {transform_indices = #map}, {transform_indices = #map}, {transform_indices = #map}, {transform_indices = #map}, {transform_indices = #map}]} {
    %mul3A = arith.constant 2 : i32
    %mul3A_0 = arith.muli %arg1, %mul3A : i32
    %add3A = arith.addi %mul3A_0, %arg0 : i32
    %mul3A_1 = arith.constant 640 : i32
    %mul3A_2 = arith.muli %add3A, %mul3A_1 : i32
    %min3A = arith.constant 19360 : i32
    %min3A_3 = arith.minsi %mul3A_2, %min3A : i32
    %dma_start3A = tpu.memref_slice %arg2[%min3A_3] : memref<20000xf32, #tpu.memory_space<hbm>> -> memref<640xf32, #tpu.memory_space<hbm>>
    %dma_start3A_4 = tpu.memref_slice %arg2[%min3A_3] : memref<20000xf32, #tpu.memory_space<hbm>> -> memref<640xf32, #tpu.memory_space<hbm>>
    tpu.enqueue_dma source(%dma_start3A_4 : memref<640xf32, #tpu.memory_space<hbm>>) target(%arg16 : memref<640xf32, #tpu.memory_space<vmem>>) target_semaphore(%arg33 : memref<!tpu.dma_semaphore, #tpu.memory_space<semaphore_mem>>)
    %dma_start3A_5 = tpu.memref_slice %arg3[%min3A_3] : memref<20000xf32, #tpu.memory_space<hbm>> -> memref<640xf32, #tpu.memory_space<hbm>>
    %dma_start3A_6 = tpu.memref_slice %arg3[%min3A_3] : memref<20000xf32, #tpu.memory_space<hbm>> -> memref<640xf32, #tpu.memory_space<hbm>>
    tpu.enqueue_dma source(%dma_start3A_6 : memref<640xf32, #tpu.memory_space<hbm>>) target(%arg17 : memref<640xf32, #tpu.memory_space<vmem>>) target_semaphore(%arg33 : memref<!tpu.dma_semaphore, #tpu.memory_space<semaphore_mem>>)
    %dma_start3A_7 = tpu.memref_slice %arg4[%min3A_3] : memref<20000xf32, #tpu.memory_space<hbm>> -> memref<640xf32, #tpu.memory_space<hbm>>
    %dma_start3A_8 = tpu.memref_slice %arg4[%min3A_3] : memref<20000xf32, #tpu.memory_space<hbm>> -> memref<640xf32, #tpu.memory_space<hbm>>
    tpu.enqueue_dma source(%dma_start3A_8 : memref<640xf32, #tpu.memory_space<hbm>>) target(%arg18 : memref<640xf32, #tpu.memory_space<vmem>>) target_semaphore(%arg33 : memref<!tpu.dma_semaphore, #tpu.memory_space<semaphore_mem>>)
    %dma_start3A_9 = tpu.memref_slice %arg5[%min3A_3] : memref<20000xf32, #tpu.memory_space<hbm>> -> memref<640xf32, #tpu.memory_space<hbm>>
    %dma_start3A_10 = tpu.memref_slice %arg5[%min3A_3] : memref<20000xf32, #tpu.memory_space<hbm>> -> memref<640xf32, #tpu.memory_space<hbm>>
    tpu.enqueue_dma source(%dma_start3A_10 : memref<640xf32, #tpu.memory_space<hbm>>) target(%arg19 : memref<640xf32, #tpu.memory_space<vmem>>) target_semaphore(%arg33 : memref<!tpu.dma_semaphore, #tpu.memory_space<semaphore_mem>>)
    tpu.enqueue_dma source(%arg6 : memref<128xf32, #tpu.memory_space<hbm>>) target(%arg20 : memref<128xf32, #tpu.memory_space<vmem>>) target_semaphore(%arg33 : memref<!tpu.dma_semaphore, #tpu.memory_space<semaphore_mem>>)
    tpu.enqueue_dma source(%arg7 : memref<128xf32, #tpu.memory_space<hbm>>) target(%arg21 : memref<128xf32, #tpu.memory_space<vmem>>) target_semaphore(%arg33 : memref<!tpu.dma_semaphore, #tpu.memory_space<semaphore_mem>>)
    tpu.enqueue_dma source(%arg8 : memref<128xf32, #tpu.memory_space<hbm>>) target(%arg22 : memref<128xf32, #tpu.memory_space<vmem>>) target_semaphore(%arg33 : memref<!tpu.dma_semaphore, #tpu.memory_space<semaphore_mem>>)
    tpu.enqueue_dma source(%arg9 : memref<128xf32, #tpu.memory_space<hbm>>) target(%arg23 : memref<128xf32, #tpu.memory_space<vmem>>) target_semaphore(%arg33 : memref<!tpu.dma_semaphore, #tpu.memory_space<semaphore_mem>>)
    tpu.enqueue_dma source(%arg10 : memref<128xf32, #tpu.memory_space<hbm>>) target(%arg24 : memref<128xf32, #tpu.memory_space<vmem>>) target_semaphore(%arg33 : memref<!tpu.dma_semaphore, #tpu.memory_space<semaphore_mem>>)
    %dma_wait3A = tpu.memref_slice %arg2[%min3A_3] : memref<20000xf32, #tpu.memory_space<hbm>> -> memref<640xf32, #tpu.memory_space<hbm>>
    %dma_wait3A_11 = tpu.memref_slice %arg2[%min3A_3] : memref<20000xf32, #tpu.memory_space<hbm>> -> memref<640xf32, #tpu.memory_space<hbm>>
    tpu.wait_dma2 semaphore(%arg33 : memref<!tpu.dma_semaphore, #tpu.memory_space<semaphore_mem>>) src(%dma_wait3A_11 : memref<640xf32, #tpu.memory_space<hbm>>) dst(%arg16 : memref<640xf32, #tpu.memory_space<vmem>>)
    %dma_wait3A_12 = tpu.memref_slice %arg3[%min3A_3] : memref<20000xf32, #tpu.memory_space<hbm>> -> memref<640xf32, #tpu.memory_space<hbm>>
    %dma_wait3A_13 = tpu.memref_slice %arg3[%min3A_3] : memref<20000xf32, #tpu.memory_space<hbm>> -> memref<640xf32, #tpu.memory_space<hbm>>
    tpu.wait_dma2 semaphore(%arg33 : memref<!tpu.dma_semaphore, #tpu.memory_space<semaphore_mem>>) src(%dma_wait3A_13 : memref<640xf32, #tpu.memory_space<hbm>>) dst(%arg17 : memref<640xf32, #tpu.memory_space<vmem>>)
    %dma_wait3A_14 = tpu.memref_slice %arg4[%min3A_3] : memref<20000xf32, #tpu.memory_space<hbm>> -> memref<640xf32, #tpu.memory_space<hbm>>
    %dma_wait3A_15 = tpu.memref_slice %arg4[%min3A_3] : memref<20000xf32, #tpu.memory_space<hbm>> -> memref<640xf32, #tpu.memory_space<hbm>>
    tpu.wait_dma2 semaphore(%arg33 : memref<!tpu.dma_semaphore, #tpu.memory_space<semaphore_mem>>) src(%dma_wait3A_15 : memref<640xf32, #tpu.memory_space<hbm>>) dst(%arg18 : memref<640xf32, #tpu.memory_space<vmem>>)
    %dma_wait3A_16 = tpu.memref_slice %arg5[%min3A_3] : memref<20000xf32, #tpu.memory_space<hbm>> -> memref<640xf32, #tpu.memory_space<hbm>>
    %dma_wait3A_17 = tpu.memref_slice %arg5[%min3A_3] : memref<20000xf32, #tpu.memory_space<hbm>> -> memref<640xf32, #tpu.memory_space<hbm>>
    tpu.wait_dma2 semaphore(%arg33 : memref<!tpu.dma_semaphore, #tpu.memory_space<semaphore_mem>>) src(%dma_wait3A_17 : memref<640xf32, #tpu.memory_space<hbm>>) dst(%arg19 : memref<640xf32, #tpu.memory_space<vmem>>)
    tpu.wait_dma2 semaphore(%arg33 : memref<!tpu.dma_semaphore, #tpu.memory_space<semaphore_mem>>) src(%arg6 : memref<128xf32, #tpu.memory_space<hbm>>) dst(%arg20 : memref<128xf32, #tpu.memory_space<vmem>>)
    tpu.wait_dma2 semaphore(%arg33 : memref<!tpu.dma_semaphore, #tpu.memory_space<semaphore_mem>>) src(%arg7 : memref<128xf32, #tpu.memory_space<hbm>>) dst(%arg21 : memref<128xf32, #tpu.memory_space<vmem>>)
    tpu.wait_dma2 semaphore(%arg33 : memref<!tpu.dma_semaphore, #tpu.memory_space<semaphore_mem>>) src(%arg8 : memref<128xf32, #tpu.memory_space<hbm>>) dst(%arg22 : memref<128xf32, #tpu.memory_space<vmem>>)
    tpu.wait_dma2 semaphore(%arg33 : memref<!tpu.dma_semaphore, #tpu.memory_space<semaphore_mem>>) src(%arg9 : memref<128xf32, #tpu.memory_space<hbm>>) dst(%arg23 : memref<128xf32, #tpu.memory_space<vmem>>)
    tpu.wait_dma2 semaphore(%arg33 : memref<!tpu.dma_semaphore, #tpu.memory_space<semaphore_mem>>) src(%arg10 : memref<128xf32, #tpu.memory_space<hbm>>) dst(%arg24 : memref<128xf32, #tpu.memory_space<vmem>>)
    %scan3A = arith.constant 0 : i32
    %scan3A_18 = arith.constant 0 : i32
    %scan3A_19 = arith.constant 8 : i32
    %scan3A_20 = arith.addi %scan3A_18, %scan3A_19 : i32
    %scan3A_21 = arith.constant 1 : i32
    %scan3A_22 = scf.for %scan3A_51 = %scan3A_18 to %scan3A_20 step %scan3A_21 iter_args(%scan3A_52 = %scan3A) -> (i32)  : i32 {
      %mul3A_53 = arith.constant 16 : i32
      %mul3A_54 = arith.muli %scan3A_51, %mul3A_53 : i32
      %get3A = arith.index_cast %mul3A_54 : i32 to index
      %get3A_55 = tpu.vector_load %arg20[%get3A] {strides = array<i32>} : memref<128xf32, #tpu.memory_space<vmem>>, vector<16xf32>,
      %get3A_56 = arith.index_cast %mul3A_54 : i32 to index
      %get3A_57 = tpu.vector_load %arg21[%get3A_56] {strides = array<i32>} : memref<128xf32, #tpu.memory_space<vmem>>, vector<16xf32>,
      %get3A_58 = arith.index_cast %mul3A_54 : i32 to index
      %get3A_59 = tpu.vector_load %arg22[%get3A_58] {strides = array<i32>} : memref<128xf32, #tpu.memory_space<vmem>>, vector<16xf32>,
      %get3A_60 = arith.index_cast %mul3A_54 : i32 to index
      %get3A_61 = tpu.vector_load %arg23[%get3A_60] {strides = array<i32>} : memref<128xf32, #tpu.memory_space<vmem>>, vector<16xf32>,
      %sub3A = arith.subf %get3A_59, %get3A_55 : vector<16xf32>
      %add3A_62 = arith.constant 1.000000e+00 : f32
      %add3A_63 = vector.broadcast %add3A_62 : f32 to vector<16xf32>
      %add3A_64 = arith.addf %sub3A, %add3A_63 : vector<16xf32>
      %sub3A_65 = arith.subf %get3A_61, %get3A_57 : vector<16xf32>
      %add3A_66 = arith.constant 1.000000e+00 : f32
      %add3A_67 = vector.broadcast %add3A_66 : f32 to vector<16xf32>
      %add3A_68 = arith.addf %sub3A_65, %add3A_67 : vector<16xf32>
      %mul3A_69 = arith.mulf %add3A_64, %add3A_68 : vector<16xf32>
      %swap3A = arith.index_cast %mul3A_54 : i32 to index
      %swap3A_70 = tpu.vector_load %arg25[%swap3A] {strides = array<i32>} : memref<128xf32, #tpu.memory_space<vmem>>, vector<16xf32>,
      tpu.vector_store %arg25[%swap3A], %mul3A_69 {strides = array<i32>} : memref<128xf32, #tpu.memory_space<vmem>>, vector<16xf32>,
      %add3A_71 = arith.constant 1.000000e+00 : f32
      %add3A_72 = vector.broadcast %add3A_71 : f32 to vector<16xf32>
      %add3A_73 = arith.addf %get3A_59, %add3A_72 : vector<16xf32>
      %swap3A_74 = arith.index_cast %mul3A_54 : i32 to index
      %swap3A_75 = tpu.vector_load %arg26[%swap3A_74] {strides = array<i32>} : memref<128xf32, #tpu.memory_space<vmem>>, vector<16xf32>,
      tpu.vector_store %arg26[%swap3A_74], %add3A_73 {strides = array<i32>} : memref<128xf32, #tpu.memory_space<vmem>>, vector<16xf32>,
      %add3A_76 = arith.constant 1.000000e+00 : f32
      %add3A_77 = vector.broadcast %add3A_76 : f32 to vector<16xf32>
      %add3A_78 = arith.addf %get3A_61, %add3A_77 : vector<16xf32>
      %swap3A_79 = arith.index_cast %mul3A_54 : i32 to index
      %swap3A_80 = tpu.vector_load %arg27[%swap3A_79] {strides = array<i32>} : memref<128xf32, #tpu.memory_space<vmem>>, vector<16xf32>,
      tpu.vector_store %arg27[%swap3A_79], %add3A_78 {strides = array<i32>} : memref<128xf32, #tpu.memory_space<vmem>>, vector<16xf32>,
      %scan3A_81 = arith.constant 0 : i32
      scf.yield %scan3A_81 : i32
    }
    %scan3A_23 = arith.constant 8 : i32
    %scan3A_24 = arith.constant 0 : i32
    %scan3A_25 = arith.constant 0 : i32
    %scan3A_26 = arith.constant 8 : i32
    %scan3A_27 = arith.addi %scan3A_25, %scan3A_26 : i32
    %scan3A_28 = arith.constant 1 : i32
    %scan3A_29 = scf.for %scan3A_51 = %scan3A_25 to %scan3A_27 step %scan3A_28 iter_args(%scan3A_52 = %scan3A_24) -> (i32)  : i32 {
      %mul3A_53 = arith.constant 80 : i32
      %mul3A_54 = arith.muli %scan3A_51, %mul3A_53 : i32
      %add3A_55 = arith.constant 0 : i32
      %add3A_56 = arith.addi %mul3A_54, %add3A_55 : i32
      %get3A = arith.index_cast %add3A_56 : i32 to index
      %get3A_57 = tpu.vector_load %arg16[%get3A] {strides = array<i32>} : memref<640xf32, #tpu.memory_space<vmem>>, vector<16xf32>,
      %add3A_58 = arith.constant 16 : i32
      %add3A_59 = arith.addi %mul3A_54, %add3A_58 : i32
      %get3A_60 = arith.index_cast %add3A_59 : i32 to index
      %get3A_61 = tpu.vector_load %arg16[%get3A_60] {strides = array<i32>} : memref<640xf32, #tpu.memory_space<vmem>>, vector<16xf32>,
      %add3A_62 = arith.constant 32 : i32
      %add3A_63 = arith.addi %mul3A_54, %add3A_62 : i32
      %get3A_64 = arith.index_cast %add3A_63 : i32 to index
      %get3A_65 = tpu.vector_load %arg16[%get3A_64] {strides = array<i32>} : memref<640xf32, #tpu.memory_space<vmem>>, vector<16xf32>,
      %add3A_66 = arith.constant 48 : i32
      %add3A_67 = arith.addi %mul3A_54, %add3A_66 : i32
      %get3A_68 = arith.index_cast %add3A_67 : i32 to index
      %get3A_69 = tpu.vector_load %arg16[%get3A_68] {strides = array<i32>} : memref<640xf32, #tpu.memory_space<vmem>>, vector<16xf32>,
      %add3A_70 = arith.constant 64 : i32
      %add3A_71 = arith.addi %mul3A_54, %add3A_70 : i32
      %get3A_72 = arith.index_cast %add3A_71 : i32 to index
      %get3A_73 = tpu.vector_load %arg16[%get3A_72] {strides = array<i32>} : memref<640xf32, #tpu.memory_space<vmem>>, vector<16xf32>,
      %add3A_74 = arith.constant 0 : i32
      %add3A_75 = arith.addi %mul3A_54, %add3A_74 : i32
      %get3A_76 = arith.index_cast %add3A_75 : i32 to index
      %get3A_77 = tpu.vector_load %arg17[%get3A_76] {strides = array<i32>} : memref<640xf32, #tpu.memory_space<vmem>>, vector<16xf32>,
      %add3A_78 = arith.constant 16 : i32
      %add3A_79 = arith.addi %mul3A_54, %add3A_78 : i32
      %get3A_80 = arith.index_cast %add3A_79 : i32 to index
      %get3A_81 = tpu.vector_load %arg17[%get3A_80] {strides = array<i32>} : memref<640xf32, #tpu.memory_space<vmem>>, vector<16xf32>,
      %add3A_82 = arith.constant 32 : i32
      %add3A_83 = arith.addi %mul3A_54, %add3A_82 : i32
      %get3A_84 = arith.index_cast %add3A_83 : i32 to index
      %get3A_85 = tpu.vector_load %arg17[%get3A_84] {strides = array<i32>} : memref<640xf32, #tpu.memory_space<vmem>>, vector<16xf32>,
      %add3A_86 = arith.constant 48 : i32
      %add3A_87 = arith.addi %mul3A_54, %add3A_86 : i32
      %get3A_88 = arith.index_cast %add3A_87 : i32 to index
      %get3A_89 = tpu.vector_load %arg17[%get3A_88] {strides = array<i32>} : memref<640xf32, #tpu.memory_space<vmem>>, vector<16xf32>,
      %add3A_90 = arith.constant 64 : i32
      %add3A_91 = arith.addi %mul3A_54, %add3A_90 : i32
      %get3A_92 = arith.index_cast %add3A_91 : i32 to index
      %get3A_93 = tpu.vector_load %arg17[%get3A_92] {strides = array<i32>} : memref<640xf32, #tpu.memory_space<vmem>>, vector<16xf32>,
      %add3A_94 = arith.constant 0 : i32
      %add3A_95 = arith.addi %mul3A_54, %add3A_94 : i32
      %get3A_96 = arith.index_cast %add3A_95 : i32 to index
      %get3A_97 = tpu.vector_load %arg18[%get3A_96] {strides = array<i32>} : memref<640xf32, #tpu.memory_space<vmem>>, vector<16xf32>,
      %add3A_98 = arith.constant 16 : i32
      %add3A_99 = arith.addi %mul3A_54, %add3A_98 : i32
      %get3A_100 = arith.index_cast %add3A_99 : i32 to index
      %get3A_101 = tpu.vector_load %arg18[%get3A_100] {strides = array<i32>} : memref<640xf32, #tpu.memory_space<vmem>>, vector<16xf32>,
      %add3A_102 = arith.constant 32 : i32
      %add3A_103 = arith.addi %mul3A_54, %add3A_102 : i32
      %get3A_104 = arith.index_cast %add3A_103 : i32 to index
      %get3A_105 = tpu.vector_load %arg18[%get3A_104] {strides = array<i32>} : memref<640xf32, #tpu.memory_space<vmem>>, vector<16xf32>,
      %add3A_106 = arith.constant 48 : i32
      %add3A_107 = arith.addi %mul3A_54, %add3A_106 : i32
      %get3A_108 = arith.index_cast %add3A_107 : i32 to index
      %get3A_109 = tpu.vector_load %arg18[%get3A_108] {strides = array<i32>} : memref<640xf32, #tpu.memory_space<vmem>>, vector<16xf32>,
      %add3A_110 = arith.constant 64 : i32
      %add3A_111 = arith.addi %mul3A_54, %add3A_110 : i32
      %get3A_112 = arith.index_cast %add3A_111 : i32 to index
      %get3A_113 = tpu.vector_load %arg18[%get3A_112] {strides = array<i32>} : memref<640xf32, #tpu.memory_space<vmem>>, vector<16xf32>,
      %add3A_114 = arith.constant 0 : i32
      %add3A_115 = arith.addi %mul3A_54, %add3A_114 : i32
      %get3A_116 = arith.index_cast %add3A_115 : i32 to index
      %get3A_117 = tpu.vector_load %arg19[%get3A_116] {strides = array<i32>} : memref<640xf32, #tpu.memory_space<vmem>>, vector<16xf32>,
      %add3A_118 = arith.constant 16 : i32
      %add3A_119 = arith.addi %mul3A_54, %add3A_118 : i32
      %get3A_120 = arith.index_cast %add3A_119 : i32 to index
      %get3A_121 = tpu.vector_load %arg19[%get3A_120] {strides = array<i32>} : memref<640xf32, #tpu.memory_space<vmem>>, vector<16xf32>,
      %add3A_122 = arith.constant 32 : i32
      %add3A_123 = arith.addi %mul3A_54, %add3A_122 : i32
      %get3A_124 = arith.index_cast %add3A_123 : i32 to index
      %get3A_125 = tpu.vector_load %arg19[%get3A_124] {strides = array<i32>} : memref<640xf32, #tpu.memory_space<vmem>>, vector<16xf32>,
      %add3A_126 = arith.constant 48 : i32
      %add3A_127 = arith.addi %mul3A_54, %add3A_126 : i32
      %get3A_128 = arith.index_cast %add3A_127 : i32 to index
      %get3A_129 = tpu.vector_load %arg19[%get3A_128] {strides = array<i32>} : memref<640xf32, #tpu.memory_space<vmem>>, vector<16xf32>,
      %add3A_130 = arith.constant 64 : i32
      %add3A_131 = arith.addi %mul3A_54, %add3A_130 : i32
      %get3A_132 = arith.index_cast %add3A_131 : i32 to index
      %get3A_133 = tpu.vector_load %arg19[%get3A_132] {strides = array<i32>} : memref<640xf32, #tpu.memory_space<vmem>>, vector<16xf32>,
      %sub3A = arith.subf %get3A_97, %get3A_57 : vector<16xf32>
      %add3A_134 = arith.constant 1.000000e+00 : f32
      %add3A_135 = vector.broadcast %add3A_134 : f32 to vector<16xf32>
      %add3A_136 = arith.addf %sub3A, %add3A_135 : vector<16xf32>
      %sub3A_137 = arith.subf %get3A_117, %get3A_77 : vector<16xf32>
      %add3A_138 = arith.constant 1.000000e+00 : f32
      %add3A_139 = vector.broadcast %add3A_138 : f32 to vector<16xf32>
      %add3A_140 = arith.addf %sub3A_137, %add3A_139 : vector<16xf32>
      %mul3A_141 = arith.mulf %add3A_136, %add3A_140 : vector<16xf32>
      %sub3A_142 = arith.subf %get3A_101, %get3A_61 : vector<16xf32>
      %add3A_143 = arith.constant 1.000000e+00 : f32
      %add3A_144 = vector.broadcast %add3A_143 : f32 to vector<16xf32>
      %add3A_145 = arith.addf %sub3A_142, %add3A_144 : vector<16xf32>
      %sub3A_146 = arith.subf %get3A_121, %get3A_81 : vector<16xf32>
      %add3A_147 = arith.constant 1.000000e+00 : f32
      %add3A_148 = vector.broadcast %add3A_147 : f32 to vector<16xf32>
      %add3A_149 = arith.addf %sub3A_146, %add3A_148 : vector<16xf32>
      %mul3A_150 = arith.mulf %add3A_145, %add3A_149 : vector<16xf32>
      %sub3A_151 = arith.subf %get3A_105, %get3A_65 : vector<16xf32>
      %add3A_152 = arith.constant 1.000000e+00 : f32
      %add3A_153 = vector.broadcast %add3A_152 : f32 to vector<16xf32>
      %add3A_154 = arith.addf %sub3A_151, %add3A_153 : vector<16xf32>
      %sub3A_155 = arith.subf %get3A_125, %get3A_85 : vector<16xf32>
      %add3A_156 = arith.constant 1.000000e+00 : f32
      %add3A_157 = vector.broadcast %add3A_156 : f32 to vector<16xf32>
      %add3A_158 = arith.addf %sub3A_155, %add3A_157 : vector<16xf32>
      %mul3A_159 = arith.mulf %add3A_154, %add3A_158 : vector<16xf32>
      %sub3A_160 = arith.subf %get3A_109, %get3A_69 : vector<16xf32>
      %add3A_161 = arith.constant 1.000000e+00 : f32
      %add3A_162 = vector.broadcast %add3A_161 : f32 to vector<16xf32>
      %add3A_163 = arith.addf %sub3A_160, %add3A_162 : vector<16xf32>
      %sub3A_164 = arith.subf %get3A_129, %get3A_89 : vector<16xf32>
      %add3A_165 = arith.constant 1.000000e+00 : f32
      %add3A_166 = vector.broadcast %add3A_165 : f32 to vector<16xf32>
      %add3A_167 = arith.addf %sub3A_164, %add3A_166 : vector<16xf32>
      %mul3A_168 = arith.mulf %add3A_163, %add3A_167 : vector<16xf32>
      %sub3A_169 = arith.subf %get3A_113, %get3A_73 : vector<16xf32>
      %add3A_170 = arith.constant 1.000000e+00 : f32
      %add3A_171 = vector.broadcast %add3A_170 : f32 to vector<16xf32>
      %add3A_172 = arith.addf %sub3A_169, %add3A_171 : vector<16xf32>
      %sub3A_173 = arith.subf %get3A_133, %get3A_93 : vector<16xf32>
      %add3A_174 = arith.constant 1.000000e+00 : f32
      %add3A_175 = vector.broadcast %add3A_174 : f32 to vector<16xf32>
      %add3A_176 = arith.addf %sub3A_173, %add3A_175 : vector<16xf32>
      %mul3A_177 = arith.mulf %add3A_172, %add3A_176 : vector<16xf32>
      %add3A_178 = arith.constant 1.000000e+00 : f32
      %add3A_179 = vector.broadcast %add3A_178 : f32 to vector<16xf32>
      %add3A_180 = arith.addf %get3A_97, %add3A_179 : vector<16xf32>
      %add3A_181 = arith.constant 1.000000e+00 : f32
      %add3A_182 = vector.broadcast %add3A_181 : f32 to vector<16xf32>
      %add3A_183 = arith.addf %get3A_101, %add3A_182 : vector<16xf32>
      %add3A_184 = arith.constant 1.000000e+00 : f32
      %add3A_185 = vector.broadcast %add3A_184 : f32 to vector<16xf32>
      %add3A_186 = arith.addf %get3A_105, %add3A_185 : vector<16xf32>
      %add3A_187 = arith.constant 1.000000e+00 : f32
      %add3A_188 = vector.broadcast %add3A_187 : f32 to vector<16xf32>
      %add3A_189 = arith.addf %get3A_109, %add3A_188 : vector<16xf32>
      %add3A_190 = arith.constant 1.000000e+00 : f32
      %add3A_191 = vector.broadcast %add3A_190 : f32 to vector<16xf32>
      %add3A_192 = arith.addf %get3A_113, %add3A_191 : vector<16xf32>
      %add3A_193 = arith.constant 1.000000e+00 : f32
      %add3A_194 = vector.broadcast %add3A_193 : f32 to vector<16xf32>
      %add3A_195 = arith.addf %get3A_117, %add3A_194 : vector<16xf32>
      %add3A_196 = arith.constant 1.000000e+00 : f32
      %add3A_197 = vector.broadcast %add3A_196 : f32 to vector<16xf32>
      %add3A_198 = arith.addf %get3A_121, %add3A_197 : vector<16xf32>
      %add3A_199 = arith.constant 1.000000e+00 : f32
      %add3A_200 = vector.broadcast %add3A_199 : f32 to vector<16xf32>
      %add3A_201 = arith.addf %get3A_125, %add3A_200 : vector<16xf32>
      %add3A_202 = arith.constant 1.000000e+00 : f32
      %add3A_203 = vector.broadcast %add3A_202 : f32 to vector<16xf32>
      %add3A_204 = arith.addf %get3A_129, %add3A_203 : vector<16xf32>
      %add3A_205 = arith.constant 1.000000e+00 : f32
      %add3A_206 = vector.broadcast %add3A_205 : f32 to vector<16xf32>
      %add3A_207 = arith.addf %get3A_133, %add3A_206 : vector<16xf32>
      %broadcast_in_dim3A = arith.constant -1.000000e+00 : f32
      %broadcast_in_dim3A_208 = vector.broadcast %broadcast_in_dim3A : f32 to vector<16xf32>
      %broadcast_in_dim3A_209 = arith.constant -1.000000e+00 : f32
      %broadcast_in_dim3A_210 = vector.broadcast %broadcast_in_dim3A_209 : f32 to vector<16xf32>
      %broadcast_in_dim3A_211 = arith.constant -1.000000e+00 : f32
      %broadcast_in_dim3A_212 = vector.broadcast %broadcast_in_dim3A_211 : f32 to vector<16xf32>
      %broadcast_in_dim3A_213 = arith.constant -1.000000e+00 : f32
      %broadcast_in_dim3A_214 = vector.broadcast %broadcast_in_dim3A_213 : f32 to vector<16xf32>
      %broadcast_in_dim3A_215 = arith.constant -1.000000e+00 : f32
      %broadcast_in_dim3A_216 = vector.broadcast %broadcast_in_dim3A_215 : f32 to vector<16xf32>
      %broadcast_in_dim3A_217 = arith.constant 0 : i32
      %broadcast_in_dim3A_218 = vector.broadcast %broadcast_in_dim3A_217 : i32 to vector<16xi32>
      %broadcast_in_dim3A_219 = arith.constant 0 : i32
      %broadcast_in_dim3A_220 = vector.broadcast %broadcast_in_dim3A_219 : i32 to vector<16xi32>
      %broadcast_in_dim3A_221 = arith.constant 0 : i32
      %broadcast_in_dim3A_222 = vector.broadcast %broadcast_in_dim3A_221 : i32 to vector<16xi32>
      %broadcast_in_dim3A_223 = arith.constant 0 : i32
      %broadcast_in_dim3A_224 = vector.broadcast %broadcast_in_dim3A_223 : i32 to vector<16xi32>
      %broadcast_in_dim3A_225 = arith.constant 0 : i32
      %broadcast_in_dim3A_226 = vector.broadcast %broadcast_in_dim3A_225 : i32 to vector<16xi32>
      %scan3A_227 = arith.constant 0 : i32
      %scan3A_228 = arith.constant 8 : i32
      %scan3A_229 = arith.addi %scan3A_227, %scan3A_228 : i32
      %scan3A_230 = arith.constant 1 : i32
      %scan3A_231:10 = scf.for %scan3A_1126 = %scan3A_227 to %scan3A_229 step %scan3A_230 iter_args(%scan3A_1127 = %broadcast_in_dim3A_208, %scan3A_1128 = %broadcast_in_dim3A_210, %scan3A_1129 = %broadcast_in_dim3A_212, %scan3A_1130 = %broadcast_in_dim3A_214, %scan3A_1131 = %broadcast_in_dim3A_216, %scan3A_1132 = %broadcast_in_dim3A_218, %scan3A_1133 = %broadcast_in_dim3A_220, %scan3A_1134 = %broadcast_in_dim3A_222, %scan3A_1135 = %broadcast_in_dim3A_224, %scan3A_1136 = %broadcast_in_dim3A_226) -> (vector<16xf32>, vector<16xf32>, vector<16xf32>, vector<16xf32>, vector<16xf32>, vector<16xi32>, vector<16xi32>, vector<16xi32>, vector<16xi32>, vector<16xi32>)  : i32 {
        %mul3A_1137 = arith.constant 16 : i32
        %mul3A_1138 = arith.muli %scan3A_1126, %mul3A_1137 : i32
        %broadcast_in_dim3A_1139 = vector.broadcast %mul3A_1138 : i32 to vector<16xi32>
        %add3A_1140 = arith.constant 0 : i32
        %add3A_1141 = vector.broadcast %add3A_1140 : i32 to vector<16xi32>
        %add3A_1142 = arith.addi %broadcast_in_dim3A_1139, %add3A_1141 : vector<16xi32>
        %gather3A_1143 = tpu.vector_load_idx %arg20[%add3A_1142] : memref<128xf32, #tpu.memory_space<vmem>>[vector<16xi32>], vector<16xf32>,
        %gather3A_1144 = tpu.vector_load_idx %arg21[%add3A_1142] : memref<128xf32, #tpu.memory_space<vmem>>[vector<16xi32>], vector<16xf32>,
        %gather3A_1145 = tpu.vector_load_idx %arg26[%add3A_1142] : memref<128xf32, #tpu.memory_space<vmem>>[vector<16xi32>], vector<16xf32>,
        %gather3A_1146 = tpu.vector_load_idx %arg27[%add3A_1142] : memref<128xf32, #tpu.memory_space<vmem>>[vector<16xi32>], vector<16xf32>,
        %gather3A_1147 = tpu.vector_load_idx %arg25[%add3A_1142] : memref<128xf32, #tpu.memory_space<vmem>>[vector<16xi32>], vector<16xf32>,
        %min3A_1148 = arith.minimumf %add3A_180, %gather3A_1145 : vector<16xf32>
        %max3A = arith.maximumf %get3A_57, %gather3A_1143 : vector<16xf32>
        %sub3A_1149 = arith.subf %min3A_1148, %max3A : vector<16xf32>
        %min3A_1150 = arith.minimumf %add3A_195, %gather3A_1146 : vector<16xf32>
        %max3A_1151 = arith.maximumf %get3A_77, %gather3A_1144 : vector<16xf32>
        %sub3A_1152 = arith.subf %min3A_1150, %max3A_1151 : vector<16xf32>
        %max3A_1153 = arith.constant 0.000000e+00 : f32
        %max3A_1154 = vector.broadcast %max3A_1153 : f32 to vector<16xf32>
        %max3A_1155 = arith.maximumf %sub3A_1149, %max3A_1154 : vector<16xf32>
        %max3A_1156 = arith.constant 0.000000e+00 : f32
        %max3A_1157 = vector.broadcast %max3A_1156 : f32 to vector<16xf32>
        %max3A_1158 = arith.maximumf %sub3A_1152, %max3A_1157 : vector<16xf32>
        %mul3A_1159 = arith.mulf %max3A_1155, %max3A_1158 : vector<16xf32>
        %add3A_1160 = arith.addf %mul3A_141, %gather3A_1147 : vector<16xf32>
        %sub3A_1161 = arith.subf %add3A_1160, %mul3A_1159 : vector<16xf32>
        %div3A_1162 = arith.divf %mul3A_1159, %sub3A_1161 : vector<16xf32>
        %gt3A_1163 = arith.cmpf ogt, %div3A_1162, %scan3A_1127 : vector<16xf32>
        %select_n3A_1164 = arith.select %gt3A_1163, %div3A_1162, %scan3A_1127 : vector<16xi1>, vector<16xf32>
        %select_n3A_1165 = arith.select %gt3A_1163, %add3A_1142, %scan3A_1132 : vector<16xi1>, vector<16xi32>
        %min3A_1166 = arith.minimumf %add3A_183, %gather3A_1145 : vector<16xf32>
        %max3A_1167 = arith.maximumf %get3A_61, %gather3A_1143 : vector<16xf32>
        %sub3A_1168 = arith.subf %min3A_1166, %max3A_1167 : vector<16xf32>
        %min3A_1169 = arith.minimumf %add3A_198, %gather3A_1146 : vector<16xf32>
        %max3A_1170 = arith.maximumf %get3A_81, %gather3A_1144 : vector<16xf32>
        %sub3A_1171 = arith.subf %min3A_1169, %max3A_1170 : vector<16xf32>
        %max3A_1172 = arith.constant 0.000000e+00 : f32
        %max3A_1173 = vector.broadcast %max3A_1172 : f32 to vector<16xf32>
        %max3A_1174 = arith.maximumf %sub3A_1168, %max3A_1173 : vector<16xf32>
        %max3A_1175 = arith.constant 0.000000e+00 : f32
        %max3A_1176 = vector.broadcast %max3A_1175 : f32 to vector<16xf32>
        %max3A_1177 = arith.maximumf %sub3A_1171, %max3A_1176 : vector<16xf32>
        %mul3A_1178 = arith.mulf %max3A_1174, %max3A_1177 : vector<16xf32>
        %add3A_1179 = arith.addf %mul3A_150, %gather3A_1147 : vector<16xf32>
        %sub3A_1180 = arith.subf %add3A_1179, %mul3A_1178 : vector<16xf32>
        %div3A_1181 = arith.divf %mul3A_1178, %sub3A_1180 : vector<16xf32>
        %gt3A_1182 = arith.cmpf ogt, %div3A_1181, %scan3A_1128 : vector<16xf32>
        %select_n3A_1183 = arith.select %gt3A_1182, %div3A_1181, %scan3A_1128 : vector<16xi1>, vector<16xf32>
        %select_n3A_1184 = arith.select %gt3A_1182, %add3A_1142, %scan3A_1133 : vector<16xi1>, vector<16xi32>
        %min3A_1185 = arith.minimumf %add3A_186, %gather3A_1145 : vector<16xf32>
        %max3A_1186 = arith.maximumf %get3A_65, %gather3A_1143 : vector<16xf32>
        %sub3A_1187 = arith.subf %min3A_1185, %max3A_1186 : vector<16xf32>
        %min3A_1188 = arith.minimumf %add3A_201, %gather3A_1146 : vector<16xf32>
        %max3A_1189 = arith.maximumf %get3A_85, %gather3A_1144 : vector<16xf32>
        %sub3A_1190 = arith.subf %min3A_1188, %max3A_1189 : vector<16xf32>
        %max3A_1191 = arith.constant 0.000000e+00 : f32
        %max3A_1192 = vector.broadcast %max3A_1191 : f32 to vector<16xf32>
        %max3A_1193 = arith.maximumf %sub3A_1187, %max3A_1192 : vector<16xf32>
        %max3A_1194 = arith.constant 0.000000e+00 : f32
        %max3A_1195 = vector.broadcast %max3A_1194 : f32 to vector<16xf32>
        %max3A_1196 = arith.maximumf %sub3A_1190, %max3A_1195 : vector<16xf32>
        %mul3A_1197 = arith.mulf %max3A_1193, %max3A_1196 : vector<16xf32>
        %add3A_1198 = arith.addf %mul3A_159, %gather3A_1147 : vector<16xf32>
        %sub3A_1199 = arith.subf %add3A_1198, %mul3A_1197 : vector<16xf32>
        %div3A_1200 = arith.divf %mul3A_1197, %sub3A_1199 : vector<16xf32>
        %gt3A_1201 = arith.cmpf ogt, %div3A_1200, %scan3A_1129 : vector<16xf32>
        %select_n3A_1202 = arith.select %gt3A_1201, %div3A_1200, %scan3A_1129 : vector<16xi1>, vector<16xf32>
        %select_n3A_1203 = arith.select %gt3A_1201, %add3A_1142, %scan3A_1134 : vector<16xi1>, vector<16xi32>
        %min3A_1204 = arith.minimumf %add3A_189, %gather3A_1145 : vector<16xf32>
        %max3A_1205 = arith.maximumf %get3A_69, %gather3A_1143 : vector<16xf32>
        %sub3A_1206 = arith.subf %min3A_1204, %max3A_1205 : vector<16xf32>
        %min3A_1207 = arith.minimumf %add3A_204, %gather3A_1146 : vector<16xf32>
        %max3A_1208 = arith.maximumf %get3A_89, %gather3A_1144 : vector<16xf32>
        %sub3A_1209 = arith.subf %min3A_1207, %max3A_1208 : vector<16xf32>
        %max3A_1210 = arith.constant 0.000000e+00 : f32
        %max3A_1211 = vector.broadcast %max3A_1210 : f32 to vector<16xf32>
        %max3A_1212 = arith.maximumf %sub3A_1206, %max3A_1211 : vector<16xf32>
        %max3A_1213 = arith.constant 0.000000e+00 : f32
        %max3A_1214 = vector.broadcast %max3A_1213 : f32 to vector<16xf32>
        %max3A_1215 = arith.maximumf %sub3A_1209, %max3A_1214 : vector<16xf32>
        %mul3A_1216 = arith.mulf %max3A_1212, %max3A_1215 : vector<16xf32>
        %add3A_1217 = arith.addf %mul3A_168, %gather3A_1147 : vector<16xf32>
        %sub3A_1218 = arith.subf %add3A_1217, %mul3A_1216 : vector<16xf32>
        %div3A_1219 = arith.divf %mul3A_1216, %sub3A_1218 : vector<16xf32>
        %gt3A_1220 = arith.cmpf ogt, %div3A_1219, %scan3A_1130 : vector<16xf32>
        %select_n3A_1221 = arith.select %gt3A_1220, %div3A_1219, %scan3A_1130 : vector<16xi1>, vector<16xf32>
        %select_n3A_1222 = arith.select %gt3A_1220, %add3A_1142, %scan3A_1135 : vector<16xi1>, vector<16xi32>
        %min3A_1223 = arith.minimumf %add3A_192, %gather3A_1145 : vector<16xf32>
        %max3A_1224 = arith.maximumf %get3A_73, %gather3A_1143 : vector<16xf32>
        %sub3A_1225 = arith.subf %min3A_1223, %max3A_1224 : vector<16xf32>
        %min3A_1226 = arith.minimumf %add3A_207, %gather3A_1146 : vector<16xf32>
        %max3A_1227 = arith.maximumf %get3A_93, %gather3A_1144 : vector<16xf32>
        %sub3A_1228 = arith.subf %min3A_1226, %max3A_1227 : vector<16xf32>
        %max3A_1229 = arith.constant 0.000000e+00 : f32
        %max3A_1230 = vector.broadcast %max3A_1229 : f32 to vector<16xf32>
        %max3A_1231 = arith.maximumf %sub3A_1225, %max3A_1230 : vector<16xf32>
        %max3A_1232 = arith.constant 0.000000e+00 : f32
        %max3A_1233 = vector.broadcast %max3A_1232 : f32 to vector<16xf32>
        %max3A_1234 = arith.maximumf %sub3A_1228, %max3A_1233 : vector<16xf32>
        %mul3A_1235 = arith.mulf %max3A_1231, %max3A_1234 : vector<16xf32>
        %add3A_1236 = arith.addf %mul3A_177, %gather3A_1147 : vector<16xf32>
        %sub3A_1237 = arith.subf %add3A_1236, %mul3A_1235 : vector<16xf32>
        %div3A_1238 = arith.divf %mul3A_1235, %sub3A_1237 : vector<16xf32>
        %gt3A_1239 = arith.cmpf ogt, %div3A_1238, %scan3A_1131 : vector<16xf32>
        %select_n3A_1240 = arith.select %gt3A_1239, %div3A_1238, %scan3A_1131 : vector<16xi1>, vector<16xf32>
        %select_n3A_1241 = arith.select %gt3A_1239, %add3A_1142, %scan3A_1136 : vector<16xi1>, vector<16xi32>
        %add3A_1242 = arith.constant 1 : i32
        %add3A_1243 = vector.broadcast %add3A_1242 : i32 to vector<16xi32>
        %add3A_1244 = arith.addi %broadcast_in_dim3A_1139, %add3A_1243 : vector<16xi32>
        %gather3A_1245 = tpu.vector_load_idx %arg20[%add3A_1244] : memref<128xf32, #tpu.memory_space<vmem>>[vector<16xi32>], vector<16xf32>,
        %gather3A_1246 = tpu.vector_load_idx %arg21[%add3A_1244] : memref<128xf32, #tpu.memory_space<vmem>>[vector<16xi32>], vector<16xf32>,
        %gather3A_1247 = tpu.vector_load_idx %arg26[%add3A_1244] : memref<128xf32, #tpu.memory_space<vmem>>[vector<16xi32>], vector<16xf32>,
        %gather3A_1248 = tpu.vector_load_idx %arg27[%add3A_1244] : memref<128xf32, #tpu.memory_space<vmem>>[vector<16xi32>], vector<16xf32>,
        %gather3A_1249 = tpu.vector_load_idx %arg25[%add3A_1244] : memref<128xf32, #tpu.memory_space<vmem>>[vector<16xi32>], vector<16xf32>,
        %min3A_1250 = arith.minimumf %add3A_180, %gather3A_1247 : vector<16xf32>
        %max3A_1251 = arith.maximumf %get3A_57, %gather3A_1245 : vector<16xf32>
        %sub3A_1252 = arith.subf %min3A_1250, %max3A_1251 : vector<16xf32>
        %min3A_1253 = arith.minimumf %add3A_195, %gather3A_1248 : vector<16xf32>
        %max3A_1254 = arith.maximumf %get3A_77, %gather3A_1246 : vector<16xf32>
        %sub3A_1255 = arith.subf %min3A_1253, %max3A_1254 : vector<16xf32>
        %max3A_1256 = arith.constant 0.000000e+00 : f32
        %max3A_1257 = vector.broadcast %max3A_1256 : f32 to vector<16xf32>
        %max3A_1258 = arith.maximumf %sub3A_1252, %max3A_1257 : vector<16xf32>
        %max3A_1259 = arith.constant 0.000000e+00 : f32
        %max3A_1260 = vector.broadcast %max3A_1259 : f32 to vector<16xf32>
        %max3A_1261 = arith.maximumf %sub3A_1255, %max3A_1260 : vector<16xf32>
        %mul3A_1262 = arith.mulf %max3A_1258, %max3A_1261 : vector<16xf32>
        %add3A_1263 = arith.addf %mul3A_141, %gather3A_1249 : vector<16xf32>
        %sub3A_1264 = arith.subf %add3A_1263, %mul3A_1262 : vector<16xf32>
        %div3A_1265 = arith.divf %mul3A_1262, %sub3A_1264 : vector<16xf32>
        %gt3A_1266 = arith.cmpf ogt, %div3A_1265, %select_n3A_1164 : vector<16xf32>
        %select_n3A_1267 = arith.select %gt3A_1266, %div3A_1265, %select_n3A_1164 : vector<16xi1>, vector<16xf32>
        %select_n3A_1268 = arith.select %gt3A_1266, %add3A_1244, %select_n3A_1165 : vector<16xi1>, vector<16xi32>
        %min3A_1269 = arith.minimumf %add3A_183, %gather3A_1247 : vector<16xf32>
        %max3A_1270 = arith.maximumf %get3A_61, %gather3A_1245 : vector<16xf32>
        %sub3A_1271 = arith.subf %min3A_1269, %max3A_1270 : vector<16xf32>
        %min3A_1272 = arith.minimumf %add3A_198, %gather3A_1248 : vector<16xf32>
        %max3A_1273 = arith.maximumf %get3A_81, %gather3A_1246 : vector<16xf32>
        %sub3A_1274 = arith.subf %min3A_1272, %max3A_1273 : vector<16xf32>
        %max3A_1275 = arith.constant 0.000000e+00 : f32
        %max3A_1276 = vector.broadcast %max3A_1275 : f32 to vector<16xf32>
        %max3A_1277 = arith.maximumf %sub3A_1271, %max3A_1276 : vector<16xf32>
        %max3A_1278 = arith.constant 0.000000e+00 : f32
        %max3A_1279 = vector.broadcast %max3A_1278 : f32 to vector<16xf32>
        %max3A_1280 = arith.maximumf %sub3A_1274, %max3A_1279 : vector<16xf32>
        %mul3A_1281 = arith.mulf %max3A_1277, %max3A_1280 : vector<16xf32>
        %add3A_1282 = arith.addf %mul3A_150, %gather3A_1249 : vector<16xf32>
        %sub3A_1283 = arith.subf %add3A_1282, %mul3A_1281 : vector<16xf32>
        %div3A_1284 = arith.divf %mul3A_1281, %sub3A_1283 : vector<16xf32>
        %gt3A_1285 = arith.cmpf ogt, %div3A_1284, %select_n3A_1183 : vector<16xf32>
        %select_n3A_1286 = arith.select %gt3A_1285, %div3A_1284, %select_n3A_1183 : vector<16xi1>, vector<16xf32>
        %select_n3A_1287 = arith.select %gt3A_1285, %add3A_1244, %select_n3A_1184 : vector<16xi1>, vector<16xi32>
        %min3A_1288 = arith.minimumf %add3A_186, %gather3A_1247 : vector<16xf32>
        %max3A_1289 = arith.maximumf %get3A_65, %gather3A_1245 : vector<16xf32>
        %sub3A_1290 = arith.subf %min3A_1288, %max3A_1289 : vector<16xf32>
        %min3A_1291 = arith.minimumf %add3A_201, %gather3A_1248 : vector<16xf32>
        %max3A_1292 = arith.maximumf %get3A_85, %gather3A_1246 : vector<16xf32>
        %sub3A_1293 = arith.subf %min3A_1291, %max3A_1292 : vector<16xf32>
        %max3A_1294 = arith.constant 0.000000e+00 : f32
        %max3A_1295 = vector.broadcast %max3A_1294 : f32 to vector<16xf32>
        %max3A_1296 = arith.maximumf %sub3A_1290, %max3A_1295 : vector<16xf32>
        %max3A_1297 = arith.constant 0.000000e+00 : f32
        %max3A_1298 = vector.broadcast %max3A_1297 : f32 to vector<16xf32>
        %max3A_1299 = arith.maximumf %sub3A_1293, %max3A_1298 : vector<16xf32>
        %mul3A_1300 = arith.mulf %max3A_1296, %max3A_1299 : vector<16xf32>
        %add3A_1301 = arith.addf %mul3A_159, %gather3A_1249 : vector<16xf32>
        %sub3A_1302 = arith.subf %add3A_1301, %mul3A_1300 : vector<16xf32>
        %div3A_1303 = arith.divf %mul3A_1300, %sub3A_1302 : vector<16xf32>
        %gt3A_1304 = arith.cmpf ogt, %div3A_1303, %select_n3A_1202 : vector<16xf32>
        %select_n3A_1305 = arith.select %gt3A_1304, %div3A_1303, %select_n3A_1202 : vector<16xi1>, vector<16xf32>
        %select_n3A_1306 = arith.select %gt3A_1304, %add3A_1244, %select_n3A_1203 : vector<16xi1>, vector<16xi32>
        %min3A_1307 = arith.minimumf %add3A_189, %gather3A_1247 : vector<16xf32>
        %max3A_1308 = arith.maximumf %get3A_69, %gather3A_1245 : vector<16xf32>
        %sub3A_1309 = arith.subf %min3A_1307, %max3A_1308 : vector<16xf32>
        %min3A_1310 = arith.minimumf %add3A_204, %gather3A_1248 : vector<16xf32>
        %max3A_1311 = arith.maximumf %get3A_89, %gather3A_1246 : vector<16xf32>
        %sub3A_1312 = arith.subf %min3A_1310, %max3A_1311 : vector<16xf32>
        %max3A_1313 = arith.constant 0.000000e+00 : f32
        %max3A_1314 = vector.broadcast %max3A_1313 : f32 to vector<16xf32>
        %max3A_1315 = arith.maximumf %sub3A_1309, %max3A_1314 : vector<16xf32>
        %max3A_1316 = arith.constant 0.000000e+00 : f32
        %max3A_1317 = vector.broadcast %max3A_1316 : f32 to vector<16xf32>
        %max3A_1318 = arith.maximumf %sub3A_1312, %max3A_1317 : vector<16xf32>
        %mul3A_1319 = arith.mulf %max3A_1315, %max3A_1318 : vector<16xf32>
        %add3A_1320 = arith.addf %mul3A_168, %gather3A_1249 : vector<16xf32>
        %sub3A_1321 = arith.subf %add3A_1320, %mul3A_1319 : vector<16xf32>
        %div3A_1322 = arith.divf %mul3A_1319, %sub3A_1321 : vector<16xf32>
        %gt3A_1323 = arith.cmpf ogt, %div3A_1322, %select_n3A_1221 : vector<16xf32>
        %select_n3A_1324 = arith.select %gt3A_1323, %div3A_1322, %select_n3A_1221 : vector<16xi1>, vector<16xf32>
        %select_n3A_1325 = arith.select %gt3A_1323, %add3A_1244, %select_n3A_1222 : vector<16xi1>, vector<16xi32>
        %min3A_1326 = arith.minimumf %add3A_192, %gather3A_1247 : vector<16xf32>
        %max3A_1327 = arith.maximumf %get3A_73, %gather3A_1245 : vector<16xf32>
        %sub3A_1328 = arith.subf %min3A_1326, %max3A_1327 : vector<16xf32>
        %min3A_1329 = arith.minimumf %add3A_207, %gather3A_1248 : vector<16xf32>
        %max3A_1330 = arith.maximumf %get3A_93, %gather3A_1246 : vector<16xf32>
        %sub3A_1331 = arith.subf %min3A_1329, %max3A_1330 : vector<16xf32>
        %max3A_1332 = arith.constant 0.000000e+00 : f32
        %max3A_1333 = vector.broadcast %max3A_1332 : f32 to vector<16xf32>
        %max3A_1334 = arith.maximumf %sub3A_1328, %max3A_1333 : vector<16xf32>
        %max3A_1335 = arith.constant 0.000000e+00 : f32
        %max3A_1336 = vector.broadcast %max3A_1335 : f32 to vector<16xf32>
        %max3A_1337 = arith.maximumf %sub3A_1331, %max3A_1336 : vector<16xf32>
        %mul3A_1338 = arith.mulf %max3A_1334, %max3A_1337 : vector<16xf32>
        %add3A_1339 = arith.addf %mul3A_177, %gather3A_1249 : vector<16xf32>
        %sub3A_1340 = arith.subf %add3A_1339, %mul3A_1338 : vector<16xf32>
        %div3A_1341 = arith.divf %mul3A_1338, %sub3A_1340 : vector<16xf32>
        %gt3A_1342 = arith.cmpf ogt, %div3A_1341, %select_n3A_1240 : vector<16xf32>
        %select_n3A_1343 = arith.select %gt3A_1342, %div3A_1341, %select_n3A_1240 : vector<16xi1>, vector<16xf32>
        %select_n3A_1344 = arith.select %gt3A_1342, %add3A_1244, %select_n3A_1241 : vector<16xi1>, vector<16xi32>
        %add3A_1345 = arith.constant 2 : i32
        %add3A_1346 = vector.broadcast %add3A_1345 : i32 to vector<16xi32>
        %add3A_1347 = arith.addi %broadcast_in_dim3A_1139, %add3A_1346 : vector<16xi32>
        %gather3A_1348 = tpu.vector_load_idx %arg20[%add3A_1347] : memref<128xf32, #tpu.memory_space<vmem>>[vector<16xi32>], vector<16xf32>,
        %gather3A_1349 = tpu.vector_load_idx %arg21[%add3A_1347] : memref<128xf32, #tpu.memory_space<vmem>>[vector<16xi32>], vector<16xf32>,
        %gather3A_1350 = tpu.vector_load_idx %arg26[%add3A_1347] : memref<128xf32, #tpu.memory_space<vmem>>[vector<16xi32>], vector<16xf32>,
        %gather3A_1351 = tpu.vector_load_idx %arg27[%add3A_1347] : memref<128xf32, #tpu.memory_space<vmem>>[vector<16xi32>], vector<16xf32>,
        %gather3A_1352 = tpu.vector_load_idx %arg25[%add3A_1347] : memref<128xf32, #tpu.memory_space<vmem>>[vector<16xi32>], vector<16xf32>,
        %min3A_1353 = arith.minimumf %add3A_180, %gather3A_1350 : vector<16xf32>
        %max3A_1354 = arith.maximumf %get3A_57, %gather3A_1348 : vector<16xf32>
        %sub3A_1355 = arith.subf %min3A_1353, %max3A_1354 : vector<16xf32>
        %min3A_1356 = arith.minimumf %add3A_195, %gather3A_1351 : vector<16xf32>
        %max3A_1357 = arith.maximumf %get3A_77, %gather3A_1349 : vector<16xf32>
        %sub3A_1358 = arith.subf %min3A_1356, %max3A_1357 : vector<16xf32>
        %max3A_1359 = arith.constant 0.000000e+00 : f32
        %max3A_1360 = vector.broadcast %max3A_1359 : f32 to vector<16xf32>
        %max3A_1361 = arith.maximumf %sub3A_1355, %max3A_1360 : vector<16xf32>
        %max3A_1362 = arith.constant 0.000000e+00 : f32
        %max3A_1363 = vector.broadcast %max3A_1362 : f32 to vector<16xf32>
        %max3A_1364 = arith.maximumf %sub3A_1358, %max3A_1363 : vector<16xf32>
        %mul3A_1365 = arith.mulf %max3A_1361, %max3A_1364 : vector<16xf32>
        %add3A_1366 = arith.addf %mul3A_141, %gather3A_1352 : vector<16xf32>
        %sub3A_1367 = arith.subf %add3A_1366, %mul3A_1365 : vector<16xf32>
        %div3A_1368 = arith.divf %mul3A_1365, %sub3A_1367 : vector<16xf32>
        %gt3A_1369 = arith.cmpf ogt, %div3A_1368, %select_n3A_1267 : vector<16xf32>
        %select_n3A_1370 = arith.select %gt3A_1369, %div3A_1368, %select_n3A_1267 : vector<16xi1>, vector<16xf32>
        %select_n3A_1371 = arith.select %gt3A_1369, %add3A_1347, %select_n3A_1268 : vector<16xi1>, vector<16xi32>
        %min3A_1372 = arith.minimumf %add3A_183, %gather3A_1350 : vector<16xf32>
        %max3A_1373 = arith.maximumf %get3A_61, %gather3A_1348 : vector<16xf32>
        %sub3A_1374 = arith.subf %min3A_1372, %max3A_1373 : vector<16xf32>
        %min3A_1375 = arith.minimumf %add3A_198, %gather3A_1351 : vector<16xf32>
        %max3A_1376 = arith.maximumf %get3A_81, %gather3A_1349 : vector<16xf32>
        %sub3A_1377 = arith.subf %min3A_1375, %max3A_1376 : vector<16xf32>
        %max3A_1378 = arith.constant 0.000000e+00 : f32
        %max3A_1379 = vector.broadcast %max3A_1378 : f32 to vector<16xf32>
        %max3A_1380 = arith.maximumf %sub3A_1374, %max3A_1379 : vector<16xf32>
        %max3A_1381 = arith.constant 0.000000e+00 : f32
        %max3A_1382 = vector.broadcast %max3A_1381 : f32 to vector<16xf32>
        %max3A_1383 = arith.maximumf %sub3A_1377, %max3A_1382 : vector<16xf32>
        %mul3A_1384 = arith.mulf %max3A_1380, %max3A_1383 : vector<16xf32>
        %add3A_1385 = arith.addf %mul3A_150, %gather3A_1352 : vector<16xf32>
        %sub3A_1386 = arith.subf %add3A_1385, %mul3A_1384 : vector<16xf32>
        %div3A_1387 = arith.divf %mul3A_1384, %sub3A_1386 : vector<16xf32>
        %gt3A_1388 = arith.cmpf ogt, %div3A_1387, %select_n3A_1286 : vector<16xf32>
        %select_n3A_1389 = arith.select %gt3A_1388, %div3A_1387, %select_n3A_1286 : vector<16xi1>, vector<16xf32>
        %select_n3A_1390 = arith.select %gt3A_1388, %add3A_1347, %select_n3A_1287 : vector<16xi1>, vector<16xi32>
        %min3A_1391 = arith.minimumf %add3A_186, %gather3A_1350 : vector<16xf32>
        %max3A_1392 = arith.maximumf %get3A_65, %gather3A_1348 : vector<16xf32>
        %sub3A_1393 = arith.subf %min3A_1391, %max3A_1392 : vector<16xf32>
        %min3A_1394 = arith.minimumf %add3A_201, %gather3A_1351 : vector<16xf32>
        %max3A_1395 = arith.maximumf %get3A_85, %gather3A_1349 : vector<16xf32>
        %sub3A_1396 = arith.subf %min3A_1394, %max3A_1395 : vector<16xf32>
        %max3A_1397 = arith.constant 0.000000e+00 : f32
        %max3A_1398 = vector.broadcast %max3A_1397 : f32 to vector<16xf32>
        %max3A_1399 = arith.maximumf %sub3A_1393, %max3A_1398 : vector<16xf32>
        %max3A_1400 = arith.constant 0.000000e+00 : f32
        %max3A_1401 = vector.broadcast %max3A_1400 : f32 to vector<16xf32>
        %max3A_1402 = arith.maximumf %sub3A_1396, %max3A_1401 : vector<16xf32>
        %mul3A_1403 = arith.mulf %max3A_1399, %max3A_1402 : vector<16xf32>
        %add3A_1404 = arith.addf %mul3A_159, %gather3A_1352 : vector<16xf32>
        %sub3A_1405 = arith.subf %add3A_1404, %mul3A_1403 : vector<16xf32>
        %div3A_1406 = arith.divf %mul3A_1403, %sub3A_1405 : vector<16xf32>
        %gt3A_1407 = arith.cmpf ogt, %div3A_1406, %select_n3A_1305 : vector<16xf32>
        %select_n3A_1408 = arith.select %gt3A_1407, %div3A_1406, %select_n3A_1305 : vector<16xi1>, vector<16xf32>
        %select_n3A_1409 = arith.select %gt3A_1407, %add3A_1347, %select_n3A_1306 : vector<16xi1>, vector<16xi32>
        %min3A_1410 = arith.minimumf %add3A_189, %gather3A_1350 : vector<16xf32>
        %max3A_1411 = arith.maximumf %get3A_69, %gather3A_1348 : vector<16xf32>
        %sub3A_1412 = arith.subf %min3A_1410, %max3A_1411 : vector<16xf32>
        %min3A_1413 = arith.minimumf %add3A_204, %gather3A_1351 : vector<16xf32>
        %max3A_1414 = arith.maximumf %get3A_89, %gather3A_1349 : vector<16xf32>
        %sub3A_1415 = arith.subf %min3A_1413, %max3A_1414 : vector<16xf32>
        %max3A_1416 = arith.constant 0.000000e+00 : f32
        %max3A_1417 = vector.broadcast %max3A_1416 : f32 to vector<16xf32>
        %max3A_1418 = arith.maximumf %sub3A_1412, %max3A_1417 : vector<16xf32>
        %max3A_1419 = arith.constant 0.000000e+00 : f32
        %max3A_1420 = vector.broadcast %max3A_1419 : f32 to vector<16xf32>
        %max3A_1421 = arith.maximumf %sub3A_1415, %max3A_1420 : vector<16xf32>
        %mul3A_1422 = arith.mulf %max3A_1418, %max3A_1421 : vector<16xf32>
        %add3A_1423 = arith.addf %mul3A_168, %gather3A_1352 : vector<16xf32>
        %sub3A_1424 = arith.subf %add3A_1423, %mul3A_1422 : vector<16xf32>
        %div3A_1425 = arith.divf %mul3A_1422, %sub3A_1424 : vector<16xf32>
        %gt3A_1426 = arith.cmpf ogt, %div3A_1425, %select_n3A_1324 : vector<16xf32>
        %select_n3A_1427 = arith.select %gt3A_1426, %div3A_1425, %select_n3A_1324 : vector<16xi1>, vector<16xf32>
        %select_n3A_1428 = arith.select %gt3A_1426, %add3A_1347, %select_n3A_1325 : vector<16xi1>, vector<16xi32>
        %min3A_1429 = arith.minimumf %add3A_192, %gather3A_1350 : vector<16xf32>
        %max3A_1430 = arith.maximumf %get3A_73, %gather3A_1348 : vector<16xf32>
        %sub3A_1431 = arith.subf %min3A_1429, %max3A_1430 : vector<16xf32>
        %min3A_1432 = arith.minimumf %add3A_207, %gather3A_1351 : vector<16xf32>
        %max3A_1433 = arith.maximumf %get3A_93, %gather3A_1349 : vector<16xf32>
        %sub3A_1434 = arith.subf %min3A_1432, %max3A_1433 : vector<16xf32>
        %max3A_1435 = arith.constant 0.000000e+00 : f32
        %max3A_1436 = vector.broadcast %max3A_1435 : f32 to vector<16xf32>
        %max3A_1437 = arith.maximumf %sub3A_1431, %max3A_1436 : vector<16xf32>
        %max3A_1438 = arith.constant 0.000000e+00 : f32
        %max3A_1439 = vector.broadcast %max3A_1438 : f32 to vector<16xf32>
        %max3A_1440 = arith.maximumf %sub3A_1434, %max3A_1439 : vector<16xf32>
        %mul3A_1441 = arith.mulf %max3A_1437, %max3A_1440 : vector<16xf32>
        %add3A_1442 = arith.addf %mul3A_177, %gather3A_1352 : vector<16xf32>
        %sub3A_1443 = arith.subf %add3A_1442, %mul3A_1441 : vector<16xf32>
        %div3A_1444 = arith.divf %mul3A_1441, %sub3A_1443 : vector<16xf32>
        %gt3A_1445 = arith.cmpf ogt, %div3A_1444, %select_n3A_1343 : vector<16xf32>
        %select_n3A_1446 = arith.select %gt3A_1445, %div3A_1444, %select_n3A_1343 : vector<16xi1>, vector<16xf32>
        %select_n3A_1447 = arith.select %gt3A_1445, %add3A_1347, %select_n3A_1344 : vector<16xi1>, vector<16xi32>
        %add3A_1448 = arith.constant 3 : i32
        %add3A_1449 = vector.broadcast %add3A_1448 : i32 to vector<16xi32>
        %add3A_1450 = arith.addi %broadcast_in_dim3A_1139, %add3A_1449 : vector<16xi32>
        %gather3A_1451 = tpu.vector_load_idx %arg20[%add3A_1450] : memref<128xf32, #tpu.memory_space<vmem>>[vector<16xi32>], vector<16xf32>,
        %gather3A_1452 = tpu.vector_load_idx %arg21[%add3A_1450] : memref<128xf32, #tpu.memory_space<vmem>>[vector<16xi32>], vector<16xf32>,
        %gather3A_1453 = tpu.vector_load_idx %arg26[%add3A_1450] : memref<128xf32, #tpu.memory_space<vmem>>[vector<16xi32>], vector<16xf32>,
        %gather3A_1454 = tpu.vector_load_idx %arg27[%add3A_1450] : memref<128xf32, #tpu.memory_space<vmem>>[vector<16xi32>], vector<16xf32>,
        %gather3A_1455 = tpu.vector_load_idx %arg25[%add3A_1450] : memref<128xf32, #tpu.memory_space<vmem>>[vector<16xi32>], vector<16xf32>,
        %min3A_1456 = arith.minimumf %add3A_180, %gather3A_1453 : vector<16xf32>
        %max3A_1457 = arith.maximumf %get3A_57, %gather3A_1451 : vector<16xf32>
        %sub3A_1458 = arith.subf %min3A_1456, %max3A_1457 : vector<16xf32>
        %min3A_1459 = arith.minimumf %add3A_195, %gather3A_1454 : vector<16xf32>
        %max3A_1460 = arith.maximumf %get3A_77, %gather3A_1452 : vector<16xf32>
        %sub3A_1461 = arith.subf %min3A_1459, %max3A_1460 : vector<16xf32>
        %max3A_1462 = arith.constant 0.000000e+00 : f32
        %max3A_1463 = vector.broadcast %max3A_1462 : f32 to vector<16xf32>
        %max3A_1464 = arith.maximumf %sub3A_1458, %max3A_1463 : vector<16xf32>
        %max3A_1465 = arith.constant 0.000000e+00 : f32
        %max3A_1466 = vector.broadcast %max3A_1465 : f32 to vector<16xf32>
        %max3A_1467 = arith.maximumf %sub3A_1461, %max3A_1466 : vector<16xf32>
        %mul3A_1468 = arith.mulf %max3A_1464, %max3A_1467 : vector<16xf32>
        %add3A_1469 = arith.addf %mul3A_141, %gather3A_1455 : vector<16xf32>
        %sub3A_1470 = arith.subf %add3A_1469, %mul3A_1468 : vector<16xf32>
        %div3A_1471 = arith.divf %mul3A_1468, %sub3A_1470 : vector<16xf32>
        %gt3A_1472 = arith.cmpf ogt, %div3A_1471, %select_n3A_1370 : vector<16xf32>
        %select_n3A_1473 = arith.select %gt3A_1472, %div3A_1471, %select_n3A_1370 : vector<16xi1>, vector<16xf32>
        %select_n3A_1474 = arith.select %gt3A_1472, %add3A_1450, %select_n3A_1371 : vector<16xi1>, vector<16xi32>
        %min3A_1475 = arith.minimumf %add3A_183, %gather3A_1453 : vector<16xf32>
        %max3A_1476 = arith.maximumf %get3A_61, %gather3A_1451 : vector<16xf32>
        %sub3A_1477 = arith.subf %min3A_1475, %max3A_1476 : vector<16xf32>
        %min3A_1478 = arith.minimumf %add3A_198, %gather3A_1454 : vector<16xf32>
        %max3A_1479 = arith.maximumf %get3A_81, %gather3A_1452 : vector<16xf32>
        %sub3A_1480 = arith.subf %min3A_1478, %max3A_1479 : vector<16xf32>
        %max3A_1481 = arith.constant 0.000000e+00 : f32
        %max3A_1482 = vector.broadcast %max3A_1481 : f32 to vector<16xf32>
        %max3A_1483 = arith.maximumf %sub3A_1477, %max3A_1482 : vector<16xf32>
        %max3A_1484 = arith.constant 0.000000e+00 : f32
        %max3A_1485 = vector.broadcast %max3A_1484 : f32 to vector<16xf32>
        %max3A_1486 = arith.maximumf %sub3A_1480, %max3A_1485 : vector<16xf32>
        %mul3A_1487 = arith.mulf %max3A_1483, %max3A_1486 : vector<16xf32>
        %add3A_1488 = arith.addf %mul3A_150, %gather3A_1455 : vector<16xf32>
        %sub3A_1489 = arith.subf %add3A_1488, %mul3A_1487 : vector<16xf32>
        %div3A_1490 = arith.divf %mul3A_1487, %sub3A_1489 : vector<16xf32>
        %gt3A_1491 = arith.cmpf ogt, %div3A_1490, %select_n3A_1389 : vector<16xf32>
        %select_n3A_1492 = arith.select %gt3A_1491, %div3A_1490, %select_n3A_1389 : vector<16xi1>, vector<16xf32>
        %select_n3A_1493 = arith.select %gt3A_1491, %add3A_1450, %select_n3A_1390 : vector<16xi1>, vector<16xi32>
        %min3A_1494 = arith.minimumf %add3A_186, %gather3A_1453 : vector<16xf32>
        %max3A_1495 = arith.maximumf %get3A_65, %gather3A_1451 : vector<16xf32>
        %sub3A_1496 = arith.subf %min3A_1494, %max3A_1495 : vector<16xf32>
        %min3A_1497 = arith.minimumf %add3A_201, %gather3A_1454 : vector<16xf32>
        %max3A_1498 = arith.maximumf %get3A_85, %gather3A_1452 : vector<16xf32>
        %sub3A_1499 = arith.subf %min3A_1497, %max3A_1498 : vector<16xf32>
        %max3A_1500 = arith.constant 0.000000e+00 : f32
        %max3A_1501 = vector.broadcast %max3A_1500 : f32 to vector<16xf32>
        %max3A_1502 = arith.maximumf %sub3A_1496, %max3A_1501 : vector<16xf32>
        %max3A_1503 = arith.constant 0.000000e+00 : f32
        %max3A_1504 = vector.broadcast %max3A_1503 : f32 to vector<16xf32>
        %max3A_1505 = arith.maximumf %sub3A_1499, %max3A_1504 : vector<16xf32>
        %mul3A_1506 = arith.mulf %max3A_1502, %max3A_1505 : vector<16xf32>
        %add3A_1507 = arith.addf %mul3A_159, %gather3A_1455 : vector<16xf32>
        %sub3A_1508 = arith.subf %add3A_1507, %mul3A_1506 : vector<16xf32>
        %div3A_1509 = arith.divf %mul3A_1506, %sub3A_1508 : vector<16xf32>
        %gt3A_1510 = arith.cmpf ogt, %div3A_1509, %select_n3A_1408 : vector<16xf32>
        %select_n3A_1511 = arith.select %gt3A_1510, %div3A_1509, %select_n3A_1408 : vector<16xi1>, vector<16xf32>
        %select_n3A_1512 = arith.select %gt3A_1510, %add3A_1450, %select_n3A_1409 : vector<16xi1>, vector<16xi32>
        %min3A_1513 = arith.minimumf %add3A_189, %gather3A_1453 : vector<16xf32>
        %max3A_1514 = arith.maximumf %get3A_69, %gather3A_1451 : vector<16xf32>
        %sub3A_1515 = arith.subf %min3A_1513, %max3A_1514 : vector<16xf32>
        %min3A_1516 = arith.minimumf %add3A_204, %gather3A_1454 : vector<16xf32>
        %max3A_1517 = arith.maximumf %get3A_89, %gather3A_1452 : vector<16xf32>
        %sub3A_1518 = arith.subf %min3A_1516, %max3A_1517 : vector<16xf32>
        %max3A_1519 = arith.constant 0.000000e+00 : f32
        %max3A_1520 = vector.broadcast %max3A_1519 : f32 to vector<16xf32>
        %max3A_1521 = arith.maximumf %sub3A_1515, %max3A_1520 : vector<16xf32>
        %max3A_1522 = arith.constant 0.000000e+00 : f32
        %max3A_1523 = vector.broadcast %max3A_1522 : f32 to vector<16xf32>
        %max3A_1524 = arith.maximumf %sub3A_1518, %max3A_1523 : vector<16xf32>
        %mul3A_1525 = arith.mulf %max3A_1521, %max3A_1524 : vector<16xf32>
        %add3A_1526 = arith.addf %mul3A_168, %gather3A_1455 : vector<16xf32>
        %sub3A_1527 = arith.subf %add3A_1526, %mul3A_1525 : vector<16xf32>
        %div3A_1528 = arith.divf %mul3A_1525, %sub3A_1527 : vector<16xf32>
        %gt3A_1529 = arith.cmpf ogt, %div3A_1528, %select_n3A_1427 : vector<16xf32>
        %select_n3A_1530 = arith.select %gt3A_1529, %div3A_1528, %select_n3A_1427 : vector<16xi1>, vector<16xf32>
        %select_n3A_1531 = arith.select %gt3A_1529, %add3A_1450, %select_n3A_1428 : vector<16xi1>, vector<16xi32>
        %min3A_1532 = arith.minimumf %add3A_192, %gather3A_1453 : vector<16xf32>
        %max3A_1533 = arith.maximumf %get3A_73, %gather3A_1451 : vector<16xf32>
        %sub3A_1534 = arith.subf %min3A_1532, %max3A_1533 : vector<16xf32>
        %min3A_1535 = arith.minimumf %add3A_207, %gather3A_1454 : vector<16xf32>
        %max3A_1536 = arith.maximumf %get3A_93, %gather3A_1452 : vector<16xf32>
        %sub3A_1537 = arith.subf %min3A_1535, %max3A_1536 : vector<16xf32>
        %max3A_1538 = arith.constant 0.000000e+00 : f32
        %max3A_1539 = vector.broadcast %max3A_1538 : f32 to vector<16xf32>
        %max3A_1540 = arith.maximumf %sub3A_1534, %max3A_1539 : vector<16xf32>
        %max3A_1541 = arith.constant 0.000000e+00 : f32
        %max3A_1542 = vector.broadcast %max3A_1541 : f32 to vector<16xf32>
        %max3A_1543 = arith.maximumf %sub3A_1537, %max3A_1542 : vector<16xf32>
        %mul3A_1544 = arith.mulf %max3A_1540, %max3A_1543 : vector<16xf32>
        %add3A_1545 = arith.addf %mul3A_177, %gather3A_1455 : vector<16xf32>
        %sub3A_1546 = arith.subf %add3A_1545, %mul3A_1544 : vector<16xf32>
        %div3A_1547 = arith.divf %mul3A_1544, %sub3A_1546 : vector<16xf32>
        %gt3A_1548 = arith.cmpf ogt, %div3A_1547, %select_n3A_1446 : vector<16xf32>
        %select_n3A_1549 = arith.select %gt3A_1548, %div3A_1547, %select_n3A_1446 : vector<16xi1>, vector<16xf32>
        %select_n3A_1550 = arith.select %gt3A_1548, %add3A_1450, %select_n3A_1447 : vector<16xi1>, vector<16xi32>
        %add3A_1551 = arith.constant 4 : i32
        %add3A_1552 = vector.broadcast %add3A_1551 : i32 to vector<16xi32>
        %add3A_1553 = arith.addi %broadcast_in_dim3A_1139, %add3A_1552 : vector<16xi32>
        %gather3A_1554 = tpu.vector_load_idx %arg20[%add3A_1553] : memref<128xf32, #tpu.memory_space<vmem>>[vector<16xi32>], vector<16xf32>,
        %gather3A_1555 = tpu.vector_load_idx %arg21[%add3A_1553] : memref<128xf32, #tpu.memory_space<vmem>>[vector<16xi32>], vector<16xf32>,
        %gather3A_1556 = tpu.vector_load_idx %arg26[%add3A_1553] : memref<128xf32, #tpu.memory_space<vmem>>[vector<16xi32>], vector<16xf32>,
        %gather3A_1557 = tpu.vector_load_idx %arg27[%add3A_1553] : memref<128xf32, #tpu.memory_space<vmem>>[vector<16xi32>], vector<16xf32>,
        %gather3A_1558 = tpu.vector_load_idx %arg25[%add3A_1553] : memref<128xf32, #tpu.memory_space<vmem>>[vector<16xi32>], vector<16xf32>,
        %min3A_1559 = arith.minimumf %add3A_180, %gather3A_1556 : vector<16xf32>
        %max3A_1560 = arith.maximumf %get3A_57, %gather3A_1554 : vector<16xf32>
        %sub3A_1561 = arith.subf %min3A_1559, %max3A_1560 : vector<16xf32>
        %min3A_1562 = arith.minimumf %add3A_195, %gather3A_1557 : vector<16xf32>
        %max3A_1563 = arith.maximumf %get3A_77, %gather3A_1555 : vector<16xf32>
        %sub3A_1564 = arith.subf %min3A_1562, %max3A_1563 : vector<16xf32>
        %max3A_1565 = arith.constant 0.000000e+00 : f32
        %max3A_1566 = vector.broadcast %max3A_1565 : f32 to vector<16xf32>
        %max3A_1567 = arith.maximumf %sub3A_1561, %max3A_1566 : vector<16xf32>
        %max3A_1568 = arith.constant 0.000000e+00 : f32
        %max3A_1569 = vector.broadcast %max3A_1568 : f32 to vector<16xf32>
        %max3A_1570 = arith.maximumf %sub3A_1564, %max3A_1569 : vector<16xf32>
        %mul3A_1571 = arith.mulf %max3A_1567, %max3A_1570 : vector<16xf32>
        %add3A_1572 = arith.addf %mul3A_141, %gather3A_1558 : vector<16xf32>
        %sub3A_1573 = arith.subf %add3A_1572, %mul3A_1571 : vector<16xf32>
        %div3A_1574 = arith.divf %mul3A_1571, %sub3A_1573 : vector<16xf32>
        %gt3A_1575 = arith.cmpf ogt, %div3A_1574, %select_n3A_1473 : vector<16xf32>
        %select_n3A_1576 = arith.select %gt3A_1575, %div3A_1574, %select_n3A_1473 : vector<16xi1>, vector<16xf32>
        %select_n3A_1577 = arith.select %gt3A_1575, %add3A_1553, %select_n3A_1474 : vector<16xi1>, vector<16xi32>
        %min3A_1578 = arith.minimumf %add3A_183, %gather3A_1556 : vector<16xf32>
        %max3A_1579 = arith.maximumf %get3A_61, %gather3A_1554 : vector<16xf32>
        %sub3A_1580 = arith.subf %min3A_1578, %max3A_1579 : vector<16xf32>
        %min3A_1581 = arith.minimumf %add3A_198, %gather3A_1557 : vector<16xf32>
        %max3A_1582 = arith.maximumf %get3A_81, %gather3A_1555 : vector<16xf32>
        %sub3A_1583 = arith.subf %min3A_1581, %max3A_1582 : vector<16xf32>
        %max3A_1584 = arith.constant 0.000000e+00 : f32
        %max3A_1585 = vector.broadcast %max3A_1584 : f32 to vector<16xf32>
        %max3A_1586 = arith.maximumf %sub3A_1580, %max3A_1585 : vector<16xf32>
        %max3A_1587 = arith.constant 0.000000e+00 : f32
        %max3A_1588 = vector.broadcast %max3A_1587 : f32 to vector<16xf32>
        %max3A_1589 = arith.maximumf %sub3A_1583, %max3A_1588 : vector<16xf32>
        %mul3A_1590 = arith.mulf %max3A_1586, %max3A_1589 : vector<16xf32>
        %add3A_1591 = arith.addf %mul3A_150, %gather3A_1558 : vector<16xf32>
        %sub3A_1592 = arith.subf %add3A_1591, %mul3A_1590 : vector<16xf32>
        %div3A_1593 = arith.divf %mul3A_1590, %sub3A_1592 : vector<16xf32>
        %gt3A_1594 = arith.cmpf ogt, %div3A_1593, %select_n3A_1492 : vector<16xf32>
        %select_n3A_1595 = arith.select %gt3A_1594, %div3A_1593, %select_n3A_1492 : vector<16xi1>, vector<16xf32>
        %select_n3A_1596 = arith.select %gt3A_1594, %add3A_1553, %select_n3A_1493 : vector<16xi1>, vector<16xi32>
        %min3A_1597 = arith.minimumf %add3A_186, %gather3A_1556 : vector<16xf32>
        %max3A_1598 = arith.maximumf %get3A_65, %gather3A_1554 : vector<16xf32>
        %sub3A_1599 = arith.subf %min3A_1597, %max3A_1598 : vector<16xf32>
        %min3A_1600 = arith.minimumf %add3A_201, %gather3A_1557 : vector<16xf32>
        %max3A_1601 = arith.maximumf %get3A_85, %gather3A_1555 : vector<16xf32>
        %sub3A_1602 = arith.subf %min3A_1600, %max3A_1601 : vector<16xf32>
        %max3A_1603 = arith.constant 0.000000e+00 : f32
        %max3A_1604 = vector.broadcast %max3A_1603 : f32 to vector<16xf32>
        %max3A_1605 = arith.maximumf %sub3A_1599, %max3A_1604 : vector<16xf32>
        %max3A_1606 = arith.constant 0.000000e+00 : f32
        %max3A_1607 = vector.broadcast %max3A_1606 : f32 to vector<16xf32>
        %max3A_1608 = arith.maximumf %sub3A_1602, %max3A_1607 : vector<16xf32>
        %mul3A_1609 = arith.mulf %max3A_1605, %max3A_1608 : vector<16xf32>
        %add3A_1610 = arith.addf %mul3A_159, %gather3A_1558 : vector<16xf32>
        %sub3A_1611 = arith.subf %add3A_1610, %mul3A_1609 : vector<16xf32>
        %div3A_1612 = arith.divf %mul3A_1609, %sub3A_1611 : vector<16xf32>
        %gt3A_1613 = arith.cmpf ogt, %div3A_1612, %select_n3A_1511 : vector<16xf32>
        %select_n3A_1614 = arith.select %gt3A_1613, %div3A_1612, %select_n3A_1511 : vector<16xi1>, vector<16xf32>
        %select_n3A_1615 = arith.select %gt3A_1613, %add3A_1553, %select_n3A_1512 : vector<16xi1>, vector<16xi32>
        %min3A_1616 = arith.minimumf %add3A_189, %gather3A_1556 : vector<16xf32>
        %max3A_1617 = arith.maximumf %get3A_69, %gather3A_1554 : vector<16xf32>
        %sub3A_1618 = arith.subf %min3A_1616, %max3A_1617 : vector<16xf32>
        %min3A_1619 = arith.minimumf %add3A_204, %gather3A_1557 : vector<16xf32>
        %max3A_1620 = arith.maximumf %get3A_89, %gather3A_1555 : vector<16xf32>
        %sub3A_1621 = arith.subf %min3A_1619, %max3A_1620 : vector<16xf32>
        %max3A_1622 = arith.constant 0.000000e+00 : f32
        %max3A_1623 = vector.broadcast %max3A_1622 : f32 to vector<16xf32>
        %max3A_1624 = arith.maximumf %sub3A_1618, %max3A_1623 : vector<16xf32>
        %max3A_1625 = arith.constant 0.000000e+00 : f32
        %max3A_1626 = vector.broadcast %max3A_1625 : f32 to vector<16xf32>
        %max3A_1627 = arith.maximumf %sub3A_1621, %max3A_1626 : vector<16xf32>
        %mul3A_1628 = arith.mulf %max3A_1624, %max3A_1627 : vector<16xf32>
        %add3A_1629 = arith.addf %mul3A_168, %gather3A_1558 : vector<16xf32>
        %sub3A_1630 = arith.subf %add3A_1629, %mul3A_1628 : vector<16xf32>
        %div3A_1631 = arith.divf %mul3A_1628, %sub3A_1630 : vector<16xf32>
        %gt3A_1632 = arith.cmpf ogt, %div3A_1631, %select_n3A_1530 : vector<16xf32>
        %select_n3A_1633 = arith.select %gt3A_1632, %div3A_1631, %select_n3A_1530 : vector<16xi1>, vector<16xf32>
        %select_n3A_1634 = arith.select %gt3A_1632, %add3A_1553, %select_n3A_1531 : vector<16xi1>, vector<16xi32>
        %min3A_1635 = arith.minimumf %add3A_192, %gather3A_1556 : vector<16xf32>
        %max3A_1636 = arith.maximumf %get3A_73, %gather3A_1554 : vector<16xf32>
        %sub3A_1637 = arith.subf %min3A_1635, %max3A_1636 : vector<16xf32>
        %min3A_1638 = arith.minimumf %add3A_207, %gather3A_1557 : vector<16xf32>
        %max3A_1639 = arith.maximumf %get3A_93, %gather3A_1555 : vector<16xf32>
        %sub3A_1640 = arith.subf %min3A_1638, %max3A_1639 : vector<16xf32>
        %max3A_1641 = arith.constant 0.000000e+00 : f32
        %max3A_1642 = vector.broadcast %max3A_1641 : f32 to vector<16xf32>
        %max3A_1643 = arith.maximumf %sub3A_1637, %max3A_1642 : vector<16xf32>
        %max3A_1644 = arith.constant 0.000000e+00 : f32
        %max3A_1645 = vector.broadcast %max3A_1644 : f32 to vector<16xf32>
        %max3A_1646 = arith.maximumf %sub3A_1640, %max3A_1645 : vector<16xf32>
        %mul3A_1647 = arith.mulf %max3A_1643, %max3A_1646 : vector<16xf32>
        %add3A_1648 = arith.addf %mul3A_177, %gather3A_1558 : vector<16xf32>
        %sub3A_1649 = arith.subf %add3A_1648, %mul3A_1647 : vector<16xf32>
        %div3A_1650 = arith.divf %mul3A_1647, %sub3A_1649 : vector<16xf32>
        %gt3A_1651 = arith.cmpf ogt, %div3A_1650, %select_n3A_1549 : vector<16xf32>
        %select_n3A_1652 = arith.select %gt3A_1651, %div3A_1650, %select_n3A_1549 : vector<16xi1>, vector<16xf32>
        %select_n3A_1653 = arith.select %gt3A_1651, %add3A_1553, %select_n3A_1550 : vector<16xi1>, vector<16xi32>
        %add3A_1654 = arith.constant 5 : i32
        %add3A_1655 = vector.broadcast %add3A_1654 : i32 to vector<16xi32>
        %add3A_1656 = arith.addi %broadcast_in_dim3A_1139, %add3A_1655 : vector<16xi32>
        %gather3A_1657 = tpu.vector_load_idx %arg20[%add3A_1656] : memref<128xf32, #tpu.memory_space<vmem>>[vector<16xi32>], vector<16xf32>,
        %gather3A_1658 = tpu.vector_load_idx %arg21[%add3A_1656] : memref<128xf32, #tpu.memory_space<vmem>>[vector<16xi32>], vector<16xf32>,
        %gather3A_1659 = tpu.vector_load_idx %arg26[%add3A_1656] : memref<128xf32, #tpu.memory_space<vmem>>[vector<16xi32>], vector<16xf32>,
        %gather3A_1660 = tpu.vector_load_idx %arg27[%add3A_1656] : memref<128xf32, #tpu.memory_space<vmem>>[vector<16xi32>], vector<16xf32>,
        %gather3A_1661 = tpu.vector_load_idx %arg25[%add3A_1656] : memref<128xf32, #tpu.memory_space<vmem>>[vector<16xi32>], vector<16xf32>,
        %min3A_1662 = arith.minimumf %add3A_180, %gather3A_1659 : vector<16xf32>
        %max3A_1663 = arith.maximumf %get3A_57, %gather3A_1657 : vector<16xf32>
        %sub3A_1664 = arith.subf %min3A_1662, %max3A_1663 : vector<16xf32>
        %min3A_1665 = arith.minimumf %add3A_195, %gather3A_1660 : vector<16xf32>
        %max3A_1666 = arith.maximumf %get3A_77, %gather3A_1658 : vector<16xf32>
        %sub3A_1667 = arith.subf %min3A_1665, %max3A_1666 : vector<16xf32>
        %max3A_1668 = arith.constant 0.000000e+00 : f32
        %max3A_1669 = vector.broadcast %max3A_1668 : f32 to vector<16xf32>
        %max3A_1670 = arith.maximumf %sub3A_1664, %max3A_1669 : vector<16xf32>
        %max3A_1671 = arith.constant 0.000000e+00 : f32
        %max3A_1672 = vector.broadcast %max3A_1671 : f32 to vector<16xf32>
        %max3A_1673 = arith.maximumf %sub3A_1667, %max3A_1672 : vector<16xf32>
        %mul3A_1674 = arith.mulf %max3A_1670, %max3A_1673 : vector<16xf32>
        %add3A_1675 = arith.addf %mul3A_141, %gather3A_1661 : vector<16xf32>
        %sub3A_1676 = arith.subf %add3A_1675, %mul3A_1674 : vector<16xf32>
        %div3A_1677 = arith.divf %mul3A_1674, %sub3A_1676 : vector<16xf32>
        %gt3A_1678 = arith.cmpf ogt, %div3A_1677, %select_n3A_1576 : vector<16xf32>
        %select_n3A_1679 = arith.select %gt3A_1678, %div3A_1677, %select_n3A_1576 : vector<16xi1>, vector<16xf32>
        %select_n3A_1680 = arith.select %gt3A_1678, %add3A_1656, %select_n3A_1577 : vector<16xi1>, vector<16xi32>
        %min3A_1681 = arith.minimumf %add3A_183, %gather3A_1659 : vector<16xf32>
        %max3A_1682 = arith.maximumf %get3A_61, %gather3A_1657 : vector<16xf32>
        %sub3A_1683 = arith.subf %min3A_1681, %max3A_1682 : vector<16xf32>
        %min3A_1684 = arith.minimumf %add3A_198, %gather3A_1660 : vector<16xf32>
        %max3A_1685 = arith.maximumf %get3A_81, %gather3A_1658 : vector<16xf32>
        %sub3A_1686 = arith.subf %min3A_1684, %max3A_1685 : vector<16xf32>
        %max3A_1687 = arith.constant 0.000000e+00 : f32
        %max3A_1688 = vector.broadcast %max3A_1687 : f32 to vector<16xf32>
        %max3A_1689 = arith.maximumf %sub3A_1683, %max3A_1688 : vector<16xf32>
        %max3A_1690 = arith.constant 0.000000e+00 : f32
        %max3A_1691 = vector.broadcast %max3A_1690 : f32 to vector<16xf32>
        %max3A_1692 = arith.maximumf %sub3A_1686, %max3A_1691 : vector<16xf32>
        %mul3A_1693 = arith.mulf %max3A_1689, %max3A_1692 : vector<16xf32>
        %add3A_1694 = arith.addf %mul3A_150, %gather3A_1661 : vector<16xf32>
        %sub3A_1695 = arith.subf %add3A_1694, %mul3A_1693 : vector<16xf32>
        %div3A_1696 = arith.divf %mul3A_1693, %sub3A_1695 : vector<16xf32>
        %gt3A_1697 = arith.cmpf ogt, %div3A_1696, %select_n3A_1595 : vector<16xf32>
        %select_n3A_1698 = arith.select %gt3A_1697, %div3A_1696, %select_n3A_1595 : vector<16xi1>, vector<16xf32>
        %select_n3A_1699 = arith.select %gt3A_1697, %add3A_1656, %select_n3A_1596 : vector<16xi1>, vector<16xi32>
        %min3A_1700 = arith.minimumf %add3A_186, %gather3A_1659 : vector<16xf32>
        %max3A_1701 = arith.maximumf %get3A_65, %gather3A_1657 : vector<16xf32>
        %sub3A_1702 = arith.subf %min3A_1700, %max3A_1701 : vector<16xf32>
        %min3A_1703 = arith.minimumf %add3A_201, %gather3A_1660 : vector<16xf32>
        %max3A_1704 = arith.maximumf %get3A_85, %gather3A_1658 : vector<16xf32>
        %sub3A_1705 = arith.subf %min3A_1703, %max3A_1704 : vector<16xf32>
        %max3A_1706 = arith.constant 0.000000e+00 : f32
        %max3A_1707 = vector.broadcast %max3A_1706 : f32 to vector<16xf32>
        %max3A_1708 = arith.maximumf %sub3A_1702, %max3A_1707 : vector<16xf32>
        %max3A_1709 = arith.constant 0.000000e+00 : f32
        %max3A_1710 = vector.broadcast %max3A_1709 : f32 to vector<16xf32>
        %max3A_1711 = arith.maximumf %sub3A_1705, %max3A_1710 : vector<16xf32>
        %mul3A_1712 = arith.mulf %max3A_1708, %max3A_1711 : vector<16xf32>
        %add3A_1713 = arith.addf %mul3A_159, %gather3A_1661 : vector<16xf32>
        %sub3A_1714 = arith.subf %add3A_1713, %mul3A_1712 : vector<16xf32>
        %div3A_1715 = arith.divf %mul3A_1712, %sub3A_1714 : vector<16xf32>
        %gt3A_1716 = arith.cmpf ogt, %div3A_1715, %select_n3A_1614 : vector<16xf32>
        %select_n3A_1717 = arith.select %gt3A_1716, %div3A_1715, %select_n3A_1614 : vector<16xi1>, vector<16xf32>
        %select_n3A_1718 = arith.select %gt3A_1716, %add3A_1656, %select_n3A_1615 : vector<16xi1>, vector<16xi32>
        %min3A_1719 = arith.minimumf %add3A_189, %gather3A_1659 : vector<16xf32>
        %max3A_1720 = arith.maximumf %get3A_69, %gather3A_1657 : vector<16xf32>
        %sub3A_1721 = arith.subf %min3A_1719, %max3A_1720 : vector<16xf32>
        %min3A_1722 = arith.minimumf %add3A_204, %gather3A_1660 : vector<16xf32>
        %max3A_1723 = arith.maximumf %get3A_89, %gather3A_1658 : vector<16xf32>
        %sub3A_1724 = arith.subf %min3A_1722, %max3A_1723 : vector<16xf32>
        %max3A_1725 = arith.constant 0.000000e+00 : f32
        %max3A_1726 = vector.broadcast %max3A_1725 : f32 to vector<16xf32>
        %max3A_1727 = arith.maximumf %sub3A_1721, %max3A_1726 : vector<16xf32>
        %max3A_1728 = arith.constant 0.000000e+00 : f32
        %max3A_1729 = vector.broadcast %max3A_1728 : f32 to vector<16xf32>
        %max3A_1730 = arith.maximumf %sub3A_1724, %max3A_1729 : vector<16xf32>
        %mul3A_1731 = arith.mulf %max3A_1727, %max3A_1730 : vector<16xf32>
        %add3A_1732 = arith.addf %mul3A_168, %gather3A_1661 : vector<16xf32>
        %sub3A_1733 = arith.subf %add3A_1732, %mul3A_1731 : vector<16xf32>
        %div3A_1734 = arith.divf %mul3A_1731, %sub3A_1733 : vector<16xf32>
        %gt3A_1735 = arith.cmpf ogt, %div3A_1734, %select_n3A_1633 : vector<16xf32>
        %select_n3A_1736 = arith.select %gt3A_1735, %div3A_1734, %select_n3A_1633 : vector<16xi1>, vector<16xf32>
        %select_n3A_1737 = arith.select %gt3A_1735, %add3A_1656, %select_n3A_1634 : vector<16xi1>, vector<16xi32>
        %min3A_1738 = arith.minimumf %add3A_192, %gather3A_1659 : vector<16xf32>
        %max3A_1739 = arith.maximumf %get3A_73, %gather3A_1657 : vector<16xf32>
        %sub3A_1740 = arith.subf %min3A_1738, %max3A_1739 : vector<16xf32>
        %min3A_1741 = arith.minimumf %add3A_207, %gather3A_1660 : vector<16xf32>
        %max3A_1742 = arith.maximumf %get3A_93, %gather3A_1658 : vector<16xf32>
        %sub3A_1743 = arith.subf %min3A_1741, %max3A_1742 : vector<16xf32>
        %max3A_1744 = arith.constant 0.000000e+00 : f32
        %max3A_1745 = vector.broadcast %max3A_1744 : f32 to vector<16xf32>
        %max3A_1746 = arith.maximumf %sub3A_1740, %max3A_1745 : vector<16xf32>
        %max3A_1747 = arith.constant 0.000000e+00 : f32
        %max3A_1748 = vector.broadcast %max3A_1747 : f32 to vector<16xf32>
        %max3A_1749 = arith.maximumf %sub3A_1743, %max3A_1748 : vector<16xf32>
        %mul3A_1750 = arith.mulf %max3A_1746, %max3A_1749 : vector<16xf32>
        %add3A_1751 = arith.addf %mul3A_177, %gather3A_1661 : vector<16xf32>
        %sub3A_1752 = arith.subf %add3A_1751, %mul3A_1750 : vector<16xf32>
        %div3A_1753 = arith.divf %mul3A_1750, %sub3A_1752 : vector<16xf32>
        %gt3A_1754 = arith.cmpf ogt, %div3A_1753, %select_n3A_1652 : vector<16xf32>
        %select_n3A_1755 = arith.select %gt3A_1754, %div3A_1753, %select_n3A_1652 : vector<16xi1>, vector<16xf32>
        %select_n3A_1756 = arith.select %gt3A_1754, %add3A_1656, %select_n3A_1653 : vector<16xi1>, vector<16xi32>
        %add3A_1757 = arith.constant 6 : i32
        %add3A_1758 = vector.broadcast %add3A_1757 : i32 to vector<16xi32>
        %add3A_1759 = arith.addi %broadcast_in_dim3A_1139, %add3A_1758 : vector<16xi32>
        %gather3A_1760 = tpu.vector_load_idx %arg20[%add3A_1759] : memref<128xf32, #tpu.memory_space<vmem>>[vector<16xi32>], vector<16xf32>,
        %gather3A_1761 = tpu.vector_load_idx %arg21[%add3A_1759] : memref<128xf32, #tpu.memory_space<vmem>>[vector<16xi32>], vector<16xf32>,
        %gather3A_1762 = tpu.vector_load_idx %arg26[%add3A_1759] : memref<128xf32, #tpu.memory_space<vmem>>[vector<16xi32>], vector<16xf32>,
        %gather3A_1763 = tpu.vector_load_idx %arg27[%add3A_1759] : memref<128xf32, #tpu.memory_space<vmem>>[vector<16xi32>], vector<16xf32>,
        %gather3A_1764 = tpu.vector_load_idx %arg25[%add3A_1759] : memref<128xf32, #tpu.memory_space<vmem>>[vector<16xi32>], vector<16xf32>,
        %min3A_1765 = arith.minimumf %add3A_180, %gather3A_1762 : vector<16xf32>
        %max3A_1766 = arith.maximumf %get3A_57, %gather3A_1760 : vector<16xf32>
        %sub3A_1767 = arith.subf %min3A_1765, %max3A_1766 : vector<16xf32>
        %min3A_1768 = arith.minimumf %add3A_195, %gather3A_1763 : vector<16xf32>
        %max3A_1769 = arith.maximumf %get3A_77, %gather3A_1761 : vector<16xf32>
        %sub3A_1770 = arith.subf %min3A_1768, %max3A_1769 : vector<16xf32>
        %max3A_1771 = arith.constant 0.000000e+00 : f32
        %max3A_1772 = vector.broadcast %max3A_1771 : f32 to vector<16xf32>
        %max3A_1773 = arith.maximumf %sub3A_1767, %max3A_1772 : vector<16xf32>
        %max3A_1774 = arith.constant 0.000000e+00 : f32
        %max3A_1775 = vector.broadcast %max3A_1774 : f32 to vector<16xf32>
        %max3A_1776 = arith.maximumf %sub3A_1770, %max3A_1775 : vector<16xf32>
        %mul3A_1777 = arith.mulf %max3A_1773, %max3A_1776 : vector<16xf32>
        %add3A_1778 = arith.addf %mul3A_141, %gather3A_1764 : vector<16xf32>
        %sub3A_1779 = arith.subf %add3A_1778, %mul3A_1777 : vector<16xf32>
        %div3A_1780 = arith.divf %mul3A_1777, %sub3A_1779 : vector<16xf32>
        %gt3A_1781 = arith.cmpf ogt, %div3A_1780, %select_n3A_1679 : vector<16xf32>
        %select_n3A_1782 = arith.select %gt3A_1781, %div3A_1780, %select_n3A_1679 : vector<16xi1>, vector<16xf32>
        %select_n3A_1783 = arith.select %gt3A_1781, %add3A_1759, %select_n3A_1680 : vector<16xi1>, vector<16xi32>
        %min3A_1784 = arith.minimumf %add3A_183, %gather3A_1762 : vector<16xf32>
        %max3A_1785 = arith.maximumf %get3A_61, %gather3A_1760 : vector<16xf32>
        %sub3A_1786 = arith.subf %min3A_1784, %max3A_1785 : vector<16xf32>
        %min3A_1787 = arith.minimumf %add3A_198, %gather3A_1763 : vector<16xf32>
        %max3A_1788 = arith.maximumf %get3A_81, %gather3A_1761 : vector<16xf32>
        %sub3A_1789 = arith.subf %min3A_1787, %max3A_1788 : vector<16xf32>
        %max3A_1790 = arith.constant 0.000000e+00 : f32
        %max3A_1791 = vector.broadcast %max3A_1790 : f32 to vector<16xf32>
        %max3A_1792 = arith.maximumf %sub3A_1786, %max3A_1791 : vector<16xf32>
        %max3A_1793 = arith.constant 0.000000e+00 : f32
        %max3A_1794 = vector.broadcast %max3A_1793 : f32 to vector<16xf32>
        %max3A_1795 = arith.maximumf %sub3A_1789, %max3A_1794 : vector<16xf32>
        %mul3A_1796 = arith.mulf %max3A_1792, %max3A_1795 : vector<16xf32>
        %add3A_1797 = arith.addf %mul3A_150, %gather3A_1764 : vector<16xf32>
        %sub3A_1798 = arith.subf %add3A_1797, %mul3A_1796 : vector<16xf32>
        %div3A_1799 = arith.divf %mul3A_1796, %sub3A_1798 : vector<16xf32>
        %gt3A_1800 = arith.cmpf ogt, %div3A_1799, %select_n3A_1698 : vector<16xf32>
        %select_n3A_1801 = arith.select %gt3A_1800, %div3A_1799, %select_n3A_1698 : vector<16xi1>, vector<16xf32>
        %select_n3A_1802 = arith.select %gt3A_1800, %add3A_1759, %select_n3A_1699 : vector<16xi1>, vector<16xi32>
        %min3A_1803 = arith.minimumf %add3A_186, %gather3A_1762 : vector<16xf32>
        %max3A_1804 = arith.maximumf %get3A_65, %gather3A_1760 : vector<16xf32>
        %sub3A_1805 = arith.subf %min3A_1803, %max3A_1804 : vector<16xf32>
        %min3A_1806 = arith.minimumf %add3A_201, %gather3A_1763 : vector<16xf32>
        %max3A_1807 = arith.maximumf %get3A_85, %gather3A_1761 : vector<16xf32>
        %sub3A_1808 = arith.subf %min3A_1806, %max3A_1807 : vector<16xf32>
        %max3A_1809 = arith.constant 0.000000e+00 : f32
        %max3A_1810 = vector.broadcast %max3A_1809 : f32 to vector<16xf32>
        %max3A_1811 = arith.maximumf %sub3A_1805, %max3A_1810 : vector<16xf32>
        %max3A_1812 = arith.constant 0.000000e+00 : f32
        %max3A_1813 = vector.broadcast %max3A_1812 : f32 to vector<16xf32>
        %max3A_1814 = arith.maximumf %sub3A_1808, %max3A_1813 : vector<16xf32>
        %mul3A_1815 = arith.mulf %max3A_1811, %max3A_1814 : vector<16xf32>
        %add3A_1816 = arith.addf %mul3A_159, %gather3A_1764 : vector<16xf32>
        %sub3A_1817 = arith.subf %add3A_1816, %mul3A_1815 : vector<16xf32>
        %div3A_1818 = arith.divf %mul3A_1815, %sub3A_1817 : vector<16xf32>
        %gt3A_1819 = arith.cmpf ogt, %div3A_1818, %select_n3A_1717 : vector<16xf32>
        %select_n3A_1820 = arith.select %gt3A_1819, %div3A_1818, %select_n3A_1717 : vector<16xi1>, vector<16xf32>
        %select_n3A_1821 = arith.select %gt3A_1819, %add3A_1759, %select_n3A_1718 : vector<16xi1>, vector<16xi32>
        %min3A_1822 = arith.minimumf %add3A_189, %gather3A_1762 : vector<16xf32>
        %max3A_1823 = arith.maximumf %get3A_69, %gather3A_1760 : vector<16xf32>
        %sub3A_1824 = arith.subf %min3A_1822, %max3A_1823 : vector<16xf32>
        %min3A_1825 = arith.minimumf %add3A_204, %gather3A_1763 : vector<16xf32>
        %max3A_1826 = arith.maximumf %get3A_89, %gather3A_1761 : vector<16xf32>
        %sub3A_1827 = arith.subf %min3A_1825, %max3A_1826 : vector<16xf32>
        %max3A_1828 = arith.constant 0.000000e+00 : f32
        %max3A_1829 = vector.broadcast %max3A_1828 : f32 to vector<16xf32>
        %max3A_1830 = arith.maximumf %sub3A_1824, %max3A_1829 : vector<16xf32>
        %max3A_1831 = arith.constant 0.000000e+00 : f32
        %max3A_1832 = vector.broadcast %max3A_1831 : f32 to vector<16xf32>
        %max3A_1833 = arith.maximumf %sub3A_1827, %max3A_1832 : vector<16xf32>
        %mul3A_1834 = arith.mulf %max3A_1830, %max3A_1833 : vector<16xf32>
        %add3A_1835 = arith.addf %mul3A_168, %gather3A_1764 : vector<16xf32>
        %sub3A_1836 = arith.subf %add3A_1835, %mul3A_1834 : vector<16xf32>
        %div3A_1837 = arith.divf %mul3A_1834, %sub3A_1836 : vector<16xf32>
        %gt3A_1838 = arith.cmpf ogt, %div3A_1837, %select_n3A_1736 : vector<16xf32>
        %select_n3A_1839 = arith.select %gt3A_1838, %div3A_1837, %select_n3A_1736 : vector<16xi1>, vector<16xf32>
        %select_n3A_1840 = arith.select %gt3A_1838, %add3A_1759, %select_n3A_1737 : vector<16xi1>, vector<16xi32>
        %min3A_1841 = arith.minimumf %add3A_192, %gather3A_1762 : vector<16xf32>
        %max3A_1842 = arith.maximumf %get3A_73, %gather3A_1760 : vector<16xf32>
        %sub3A_1843 = arith.subf %min3A_1841, %max3A_1842 : vector<16xf32>
        %min3A_1844 = arith.minimumf %add3A_207, %gather3A_1763 : vector<16xf32>
        %max3A_1845 = arith.maximumf %get3A_93, %gather3A_1761 : vector<16xf32>
        %sub3A_1846 = arith.subf %min3A_1844, %max3A_1845 : vector<16xf32>
        %max3A_1847 = arith.constant 0.000000e+00 : f32
        %max3A_1848 = vector.broadcast %max3A_1847 : f32 to vector<16xf32>
        %max3A_1849 = arith.maximumf %sub3A_1843, %max3A_1848 : vector<16xf32>
        %max3A_1850 = arith.constant 0.000000e+00 : f32
        %max3A_1851 = vector.broadcast %max3A_1850 : f32 to vector<16xf32>
        %max3A_1852 = arith.maximumf %sub3A_1846, %max3A_1851 : vector<16xf32>
        %mul3A_1853 = arith.mulf %max3A_1849, %max3A_1852 : vector<16xf32>
        %add3A_1854 = arith.addf %mul3A_177, %gather3A_1764 : vector<16xf32>
        %sub3A_1855 = arith.subf %add3A_1854, %mul3A_1853 : vector<16xf32>
        %div3A_1856 = arith.divf %mul3A_1853, %sub3A_1855 : vector<16xf32>
        %gt3A_1857 = arith.cmpf ogt, %div3A_1856, %select_n3A_1755 : vector<16xf32>
        %select_n3A_1858 = arith.select %gt3A_1857, %div3A_1856, %select_n3A_1755 : vector<16xi1>, vector<16xf32>
        %select_n3A_1859 = arith.select %gt3A_1857, %add3A_1759, %select_n3A_1756 : vector<16xi1>, vector<16xi32>
        %add3A_1860 = arith.constant 7 : i32
        %add3A_1861 = vector.broadcast %add3A_1860 : i32 to vector<16xi32>
        %add3A_1862 = arith.addi %broadcast_in_dim3A_1139, %add3A_1861 : vector<16xi32>
        %gather3A_1863 = tpu.vector_load_idx %arg20[%add3A_1862] : memref<128xf32, #tpu.memory_space<vmem>>[vector<16xi32>], vector<16xf32>,
        %gather3A_1864 = tpu.vector_load_idx %arg21[%add3A_1862] : memref<128xf32, #tpu.memory_space<vmem>>[vector<16xi32>], vector<16xf32>,
        %gather3A_1865 = tpu.vector_load_idx %arg26[%add3A_1862] : memref<128xf32, #tpu.memory_space<vmem>>[vector<16xi32>], vector<16xf32>,
        %gather3A_1866 = tpu.vector_load_idx %arg27[%add3A_1862] : memref<128xf32, #tpu.memory_space<vmem>>[vector<16xi32>], vector<16xf32>,
        %gather3A_1867 = tpu.vector_load_idx %arg25[%add3A_1862] : memref<128xf32, #tpu.memory_space<vmem>>[vector<16xi32>], vector<16xf32>,
        %min3A_1868 = arith.minimumf %add3A_180, %gather3A_1865 : vector<16xf32>
        %max3A_1869 = arith.maximumf %get3A_57, %gather3A_1863 : vector<16xf32>
        %sub3A_1870 = arith.subf %min3A_1868, %max3A_1869 : vector<16xf32>
        %min3A_1871 = arith.minimumf %add3A_195, %gather3A_1866 : vector<16xf32>
        %max3A_1872 = arith.maximumf %get3A_77, %gather3A_1864 : vector<16xf32>
        %sub3A_1873 = arith.subf %min3A_1871, %max3A_1872 : vector<16xf32>
        %max3A_1874 = arith.constant 0.000000e+00 : f32
        %max3A_1875 = vector.broadcast %max3A_1874 : f32 to vector<16xf32>
        %max3A_1876 = arith.maximumf %sub3A_1870, %max3A_1875 : vector<16xf32>
        %max3A_1877 = arith.constant 0.000000e+00 : f32
        %max3A_1878 = vector.broadcast %max3A_1877 : f32 to vector<16xf32>
        %max3A_1879 = arith.maximumf %sub3A_1873, %max3A_1878 : vector<16xf32>
        %mul3A_1880 = arith.mulf %max3A_1876, %max3A_1879 : vector<16xf32>
        %add3A_1881 = arith.addf %mul3A_141, %gather3A_1867 : vector<16xf32>
        %sub3A_1882 = arith.subf %add3A_1881, %mul3A_1880 : vector<16xf32>
        %div3A_1883 = arith.divf %mul3A_1880, %sub3A_1882 : vector<16xf32>
        %gt3A_1884 = arith.cmpf ogt, %div3A_1883, %select_n3A_1782 : vector<16xf32>
        %select_n3A_1885 = arith.select %gt3A_1884, %div3A_1883, %select_n3A_1782 : vector<16xi1>, vector<16xf32>
        %select_n3A_1886 = arith.select %gt3A_1884, %add3A_1862, %select_n3A_1783 : vector<16xi1>, vector<16xi32>
        %min3A_1887 = arith.minimumf %add3A_183, %gather3A_1865 : vector<16xf32>
        %max3A_1888 = arith.maximumf %get3A_61, %gather3A_1863 : vector<16xf32>
        %sub3A_1889 = arith.subf %min3A_1887, %max3A_1888 : vector<16xf32>
        %min3A_1890 = arith.minimumf %add3A_198, %gather3A_1866 : vector<16xf32>
        %max3A_1891 = arith.maximumf %get3A_81, %gather3A_1864 : vector<16xf32>
        %sub3A_1892 = arith.subf %min3A_1890, %max3A_1891 : vector<16xf32>
        %max3A_1893 = arith.constant 0.000000e+00 : f32
        %max3A_1894 = vector.broadcast %max3A_1893 : f32 to vector<16xf32>
        %max3A_1895 = arith.maximumf %sub3A_1889, %max3A_1894 : vector<16xf32>
        %max3A_1896 = arith.constant 0.000000e+00 : f32
        %max3A_1897 = vector.broadcast %max3A_1896 : f32 to vector<16xf32>
        %max3A_1898 = arith.maximumf %sub3A_1892, %max3A_1897 : vector<16xf32>
        %mul3A_1899 = arith.mulf %max3A_1895, %max3A_1898 : vector<16xf32>
        %add3A_1900 = arith.addf %mul3A_150, %gather3A_1867 : vector<16xf32>
        %sub3A_1901 = arith.subf %add3A_1900, %mul3A_1899 : vector<16xf32>
        %div3A_1902 = arith.divf %mul3A_1899, %sub3A_1901 : vector<16xf32>
        %gt3A_1903 = arith.cmpf ogt, %div3A_1902, %select_n3A_1801 : vector<16xf32>
        %select_n3A_1904 = arith.select %gt3A_1903, %div3A_1902, %select_n3A_1801 : vector<16xi1>, vector<16xf32>
        %select_n3A_1905 = arith.select %gt3A_1903, %add3A_1862, %select_n3A_1802 : vector<16xi1>, vector<16xi32>
        %min3A_1906 = arith.minimumf %add3A_186, %gather3A_1865 : vector<16xf32>
        %max3A_1907 = arith.maximumf %get3A_65, %gather3A_1863 : vector<16xf32>
        %sub3A_1908 = arith.subf %min3A_1906, %max3A_1907 : vector<16xf32>
        %min3A_1909 = arith.minimumf %add3A_201, %gather3A_1866 : vector<16xf32>
        %max3A_1910 = arith.maximumf %get3A_85, %gather3A_1864 : vector<16xf32>
        %sub3A_1911 = arith.subf %min3A_1909, %max3A_1910 : vector<16xf32>
        %max3A_1912 = arith.constant 0.000000e+00 : f32
        %max3A_1913 = vector.broadcast %max3A_1912 : f32 to vector<16xf32>
        %max3A_1914 = arith.maximumf %sub3A_1908, %max3A_1913 : vector<16xf32>
        %max3A_1915 = arith.constant 0.000000e+00 : f32
        %max3A_1916 = vector.broadcast %max3A_1915 : f32 to vector<16xf32>
        %max3A_1917 = arith.maximumf %sub3A_1911, %max3A_1916 : vector<16xf32>
        %mul3A_1918 = arith.mulf %max3A_1914, %max3A_1917 : vector<16xf32>
        %add3A_1919 = arith.addf %mul3A_159, %gather3A_1867 : vector<16xf32>
        %sub3A_1920 = arith.subf %add3A_1919, %mul3A_1918 : vector<16xf32>
        %div3A_1921 = arith.divf %mul3A_1918, %sub3A_1920 : vector<16xf32>
        %gt3A_1922 = arith.cmpf ogt, %div3A_1921, %select_n3A_1820 : vector<16xf32>
        %select_n3A_1923 = arith.select %gt3A_1922, %div3A_1921, %select_n3A_1820 : vector<16xi1>, vector<16xf32>
        %select_n3A_1924 = arith.select %gt3A_1922, %add3A_1862, %select_n3A_1821 : vector<16xi1>, vector<16xi32>
        %min3A_1925 = arith.minimumf %add3A_189, %gather3A_1865 : vector<16xf32>
        %max3A_1926 = arith.maximumf %get3A_69, %gather3A_1863 : vector<16xf32>
        %sub3A_1927 = arith.subf %min3A_1925, %max3A_1926 : vector<16xf32>
        %min3A_1928 = arith.minimumf %add3A_204, %gather3A_1866 : vector<16xf32>
        %max3A_1929 = arith.maximumf %get3A_89, %gather3A_1864 : vector<16xf32>
        %sub3A_1930 = arith.subf %min3A_1928, %max3A_1929 : vector<16xf32>
        %max3A_1931 = arith.constant 0.000000e+00 : f32
        %max3A_1932 = vector.broadcast %max3A_1931 : f32 to vector<16xf32>
        %max3A_1933 = arith.maximumf %sub3A_1927, %max3A_1932 : vector<16xf32>
        %max3A_1934 = arith.constant 0.000000e+00 : f32
        %max3A_1935 = vector.broadcast %max3A_1934 : f32 to vector<16xf32>
        %max3A_1936 = arith.maximumf %sub3A_1930, %max3A_1935 : vector<16xf32>
        %mul3A_1937 = arith.mulf %max3A_1933, %max3A_1936 : vector<16xf32>
        %add3A_1938 = arith.addf %mul3A_168, %gather3A_1867 : vector<16xf32>
        %sub3A_1939 = arith.subf %add3A_1938, %mul3A_1937 : vector<16xf32>
        %div3A_1940 = arith.divf %mul3A_1937, %sub3A_1939 : vector<16xf32>
        %gt3A_1941 = arith.cmpf ogt, %div3A_1940, %select_n3A_1839 : vector<16xf32>
        %select_n3A_1942 = arith.select %gt3A_1941, %div3A_1940, %select_n3A_1839 : vector<16xi1>, vector<16xf32>
        %select_n3A_1943 = arith.select %gt3A_1941, %add3A_1862, %select_n3A_1840 : vector<16xi1>, vector<16xi32>
        %min3A_1944 = arith.minimumf %add3A_192, %gather3A_1865 : vector<16xf32>
        %max3A_1945 = arith.maximumf %get3A_73, %gather3A_1863 : vector<16xf32>
        %sub3A_1946 = arith.subf %min3A_1944, %max3A_1945 : vector<16xf32>
        %min3A_1947 = arith.minimumf %add3A_207, %gather3A_1866 : vector<16xf32>
        %max3A_1948 = arith.maximumf %get3A_93, %gather3A_1864 : vector<16xf32>
        %sub3A_1949 = arith.subf %min3A_1947, %max3A_1948 : vector<16xf32>
        %max3A_1950 = arith.constant 0.000000e+00 : f32
        %max3A_1951 = vector.broadcast %max3A_1950 : f32 to vector<16xf32>
        %max3A_1952 = arith.maximumf %sub3A_1946, %max3A_1951 : vector<16xf32>
        %max3A_1953 = arith.constant 0.000000e+00 : f32
        %max3A_1954 = vector.broadcast %max3A_1953 : f32 to vector<16xf32>
        %max3A_1955 = arith.maximumf %sub3A_1949, %max3A_1954 : vector<16xf32>
        %mul3A_1956 = arith.mulf %max3A_1952, %max3A_1955 : vector<16xf32>
        %add3A_1957 = arith.addf %mul3A_177, %gather3A_1867 : vector<16xf32>
        %sub3A_1958 = arith.subf %add3A_1957, %mul3A_1956 : vector<16xf32>
        %div3A_1959 = arith.divf %mul3A_1956, %sub3A_1958 : vector<16xf32>
        %gt3A_1960 = arith.cmpf ogt, %div3A_1959, %select_n3A_1858 : vector<16xf32>
        %select_n3A_1961 = arith.select %gt3A_1960, %div3A_1959, %select_n3A_1858 : vector<16xi1>, vector<16xf32>
        %select_n3A_1962 = arith.select %gt3A_1960, %add3A_1862, %select_n3A_1859 : vector<16xi1>, vector<16xi32>
        %add3A_1963 = arith.constant 8 : i32
        %add3A_1964 = vector.broadcast %add3A_1963 : i32 to vector<16xi32>
        %add3A_1965 = arith.addi %broadcast_in_dim3A_1139, %add3A_1964 : vector<16xi32>
        %gather3A_1966 = tpu.vector_load_idx %arg20[%add3A_1965] : memref<128xf32, #tpu.memory_space<vmem>>[vector<16xi32>], vector<16xf32>,
        %gather3A_1967 = tpu.vector_load_idx %arg21[%add3A_1965] : memref<128xf32, #tpu.memory_space<vmem>>[vector<16xi32>], vector<16xf32>,
        %gather3A_1968 = tpu.vector_load_idx %arg26[%add3A_1965] : memref<128xf32, #tpu.memory_space<vmem>>[vector<16xi32>], vector<16xf32>,
        %gather3A_1969 = tpu.vector_load_idx %arg27[%add3A_1965] : memref<128xf32, #tpu.memory_space<vmem>>[vector<16xi32>], vector<16xf32>,
        %gather3A_1970 = tpu.vector_load_idx %arg25[%add3A_1965] : memref<128xf32, #tpu.memory_space<vmem>>[vector<16xi32>], vector<16xf32>,
        %min3A_1971 = arith.minimumf %add3A_180, %gather3A_1968 : vector<16xf32>
        %max3A_1972 = arith.maximumf %get3A_57, %gather3A_1966 : vector<16xf32>
        %sub3A_1973 = arith.subf %min3A_1971, %max3A_1972 : vector<16xf32>
        %min3A_1974 = arith.minimumf %add3A_195, %gather3A_1969 : vector<16xf32>
        %max3A_1975 = arith.maximumf %get3A_77, %gather3A_1967 : vector<16xf32>
        %sub3A_1976 = arith.subf %min3A_1974, %max3A_1975 : vector<16xf32>
        %max3A_1977 = arith.constant 0.000000e+00 : f32
        %max3A_1978 = vector.broadcast %max3A_1977 : f32 to vector<16xf32>
        %max3A_1979 = arith.maximumf %sub3A_1973, %max3A_1978 : vector<16xf32>
        %max3A_1980 = arith.constant 0.000000e+00 : f32
        %max3A_1981 = vector.broadcast %max3A_1980 : f32 to vector<16xf32>
        %max3A_1982 = arith.maximumf %sub3A_1976, %max3A_1981 : vector<16xf32>
        %mul3A_1983 = arith.mulf %max3A_1979, %max3A_1982 : vector<16xf32>
        %add3A_1984 = arith.addf %mul3A_141, %gather3A_1970 : vector<16xf32>
        %sub3A_1985 = arith.subf %add3A_1984, %mul3A_1983 : vector<16xf32>
        %div3A_1986 = arith.divf %mul3A_1983, %sub3A_1985 : vector<16xf32>
        %gt3A_1987 = arith.cmpf ogt, %div3A_1986, %select_n3A_1885 : vector<16xf32>
        %select_n3A_1988 = arith.select %gt3A_1987, %div3A_1986, %select_n3A_1885 : vector<16xi1>, vector<16xf32>
        %select_n3A_1989 = arith.select %gt3A_1987, %add3A_1965, %select_n3A_1886 : vector<16xi1>, vector<16xi32>
        %min3A_1990 = arith.minimumf %add3A_183, %gather3A_1968 : vector<16xf32>
        %max3A_1991 = arith.maximumf %get3A_61, %gather3A_1966 : vector<16xf32>
        %sub3A_1992 = arith.subf %min3A_1990, %max3A_1991 : vector<16xf32>
        %min3A_1993 = arith.minimumf %add3A_198, %gather3A_1969 : vector<16xf32>
        %max3A_1994 = arith.maximumf %get3A_81, %gather3A_1967 : vector<16xf32>
        %sub3A_1995 = arith.subf %min3A_1993, %max3A_1994 : vector<16xf32>
        %max3A_1996 = arith.constant 0.000000e+00 : f32
        %max3A_1997 = vector.broadcast %max3A_1996 : f32 to vector<16xf32>
        %max3A_1998 = arith.maximumf %sub3A_1992, %max3A_1997 : vector<16xf32>
        %max3A_1999 = arith.constant 0.000000e+00 : f32
        %max3A_2000 = vector.broadcast %max3A_1999 : f32 to vector<16xf32>
        %max3A_2001 = arith.maximumf %sub3A_1995, %max3A_2000 : vector<16xf32>
        %mul3A_2002 = arith.mulf %max3A_1998, %max3A_2001 : vector<16xf32>
        %add3A_2003 = arith.addf %mul3A_150, %gather3A_1970 : vector<16xf32>
        %sub3A_2004 = arith.subf %add3A_2003, %mul3A_2002 : vector<16xf32>
        %div3A_2005 = arith.divf %mul3A_2002, %sub3A_2004 : vector<16xf32>
        %gt3A_2006 = arith.cmpf ogt, %div3A_2005, %select_n3A_1904 : vector<16xf32>
        %select_n3A_2007 = arith.select %gt3A_2006, %div3A_2005, %select_n3A_1904 : vector<16xi1>, vector<16xf32>
        %select_n3A_2008 = arith.select %gt3A_2006, %add3A_1965, %select_n3A_1905 : vector<16xi1>, vector<16xi32>
        %min3A_2009 = arith.minimumf %add3A_186, %gather3A_1968 : vector<16xf32>
        %max3A_2010 = arith.maximumf %get3A_65, %gather3A_1966 : vector<16xf32>
        %sub3A_2011 = arith.subf %min3A_2009, %max3A_2010 : vector<16xf32>
        %min3A_2012 = arith.minimumf %add3A_201, %gather3A_1969 : vector<16xf32>
        %max3A_2013 = arith.maximumf %get3A_85, %gather3A_1967 : vector<16xf32>
        %sub3A_2014 = arith.subf %min3A_2012, %max3A_2013 : vector<16xf32>
        %max3A_2015 = arith.constant 0.000000e+00 : f32
        %max3A_2016 = vector.broadcast %max3A_2015 : f32 to vector<16xf32>
        %max3A_2017 = arith.maximumf %sub3A_2011, %max3A_2016 : vector<16xf32>
        %max3A_2018 = arith.constant 0.000000e+00 : f32
        %max3A_2019 = vector.broadcast %max3A_2018 : f32 to vector<16xf32>
        %max3A_2020 = arith.maximumf %sub3A_2014, %max3A_2019 : vector<16xf32>
        %mul3A_2021 = arith.mulf %max3A_2017, %max3A_2020 : vector<16xf32>
        %add3A_2022 = arith.addf %mul3A_159, %gather3A_1970 : vector<16xf32>
        %sub3A_2023 = arith.subf %add3A_2022, %mul3A_2021 : vector<16xf32>
        %div3A_2024 = arith.divf %mul3A_2021, %sub3A_2023 : vector<16xf32>
        %gt3A_2025 = arith.cmpf ogt, %div3A_2024, %select_n3A_1923 : vector<16xf32>
        %select_n3A_2026 = arith.select %gt3A_2025, %div3A_2024, %select_n3A_1923 : vector<16xi1>, vector<16xf32>
        %select_n3A_2027 = arith.select %gt3A_2025, %add3A_1965, %select_n3A_1924 : vector<16xi1>, vector<16xi32>
        %min3A_2028 = arith.minimumf %add3A_189, %gather3A_1968 : vector<16xf32>
        %max3A_2029 = arith.maximumf %get3A_69, %gather3A_1966 : vector<16xf32>
        %sub3A_2030 = arith.subf %min3A_2028, %max3A_2029 : vector<16xf32>
        %min3A_2031 = arith.minimumf %add3A_204, %gather3A_1969 : vector<16xf32>
        %max3A_2032 = arith.maximumf %get3A_89, %gather3A_1967 : vector<16xf32>
        %sub3A_2033 = arith.subf %min3A_2031, %max3A_2032 : vector<16xf32>
        %max3A_2034 = arith.constant 0.000000e+00 : f32
        %max3A_2035 = vector.broadcast %max3A_2034 : f32 to vector<16xf32>
        %max3A_2036 = arith.maximumf %sub3A_2030, %max3A_2035 : vector<16xf32>
        %max3A_2037 = arith.constant 0.000000e+00 : f32
        %max3A_2038 = vector.broadcast %max3A_2037 : f32 to vector<16xf32>
        %max3A_2039 = arith.maximumf %sub3A_2033, %max3A_2038 : vector<16xf32>
        %mul3A_2040 = arith.mulf %max3A_2036, %max3A_2039 : vector<16xf32>
        %add3A_2041 = arith.addf %mul3A_168, %gather3A_1970 : vector<16xf32>
        %sub3A_2042 = arith.subf %add3A_2041, %mul3A_2040 : vector<16xf32>
        %div3A_2043 = arith.divf %mul3A_2040, %sub3A_2042 : vector<16xf32>
        %gt3A_2044 = arith.cmpf ogt, %div3A_2043, %select_n3A_1942 : vector<16xf32>
        %select_n3A_2045 = arith.select %gt3A_2044, %div3A_2043, %select_n3A_1942 : vector<16xi1>, vector<16xf32>
        %select_n3A_2046 = arith.select %gt3A_2044, %add3A_1965, %select_n3A_1943 : vector<16xi1>, vector<16xi32>
        %min3A_2047 = arith.minimumf %add3A_192, %gather3A_1968 : vector<16xf32>
        %max3A_2048 = arith.maximumf %get3A_73, %gather3A_1966 : vector<16xf32>
        %sub3A_2049 = arith.subf %min3A_2047, %max3A_2048 : vector<16xf32>
        %min3A_2050 = arith.minimumf %add3A_207, %gather3A_1969 : vector<16xf32>
        %max3A_2051 = arith.maximumf %get3A_93, %gather3A_1967 : vector<16xf32>
        %sub3A_2052 = arith.subf %min3A_2050, %max3A_2051 : vector<16xf32>
        %max3A_2053 = arith.constant 0.000000e+00 : f32
        %max3A_2054 = vector.broadcast %max3A_2053 : f32 to vector<16xf32>
        %max3A_2055 = arith.maximumf %sub3A_2049, %max3A_2054 : vector<16xf32>
        %max3A_2056 = arith.constant 0.000000e+00 : f32
        %max3A_2057 = vector.broadcast %max3A_2056 : f32 to vector<16xf32>
        %max3A_2058 = arith.maximumf %sub3A_2052, %max3A_2057 : vector<16xf32>
        %mul3A_2059 = arith.mulf %max3A_2055, %max3A_2058 : vector<16xf32>
        %add3A_2060 = arith.addf %mul3A_177, %gather3A_1970 : vector<16xf32>
        %sub3A_2061 = arith.subf %add3A_2060, %mul3A_2059 : vector<16xf32>
        %div3A_2062 = arith.divf %mul3A_2059, %sub3A_2061 : vector<16xf32>
        %gt3A_2063 = arith.cmpf ogt, %div3A_2062, %select_n3A_1961 : vector<16xf32>
        %select_n3A_2064 = arith.select %gt3A_2063, %div3A_2062, %select_n3A_1961 : vector<16xi1>, vector<16xf32>
        %select_n3A_2065 = arith.select %gt3A_2063, %add3A_1965, %select_n3A_1962 : vector<16xi1>, vector<16xi32>
        %add3A_2066 = arith.constant 9 : i32
        %add3A_2067 = vector.broadcast %add3A_2066 : i32 to vector<16xi32>
        %add3A_2068 = arith.addi %broadcast_in_dim3A_1139, %add3A_2067 : vector<16xi32>
        %gather3A_2069 = tpu.vector_load_idx %arg20[%add3A_2068] : memref<128xf32, #tpu.memory_space<vmem>>[vector<16xi32>], vector<16xf32>,
        %gather3A_2070 = tpu.vector_load_idx %arg21[%add3A_2068] : memref<128xf32, #tpu.memory_space<vmem>>[vector<16xi32>], vector<16xf32>,
        %gather3A_2071 = tpu.vector_load_idx %arg26[%add3A_2068] : memref<128xf32, #tpu.memory_space<vmem>>[vector<16xi32>], vector<16xf32>,
        %gather3A_2072 = tpu.vector_load_idx %arg27[%add3A_2068] : memref<128xf32, #tpu.memory_space<vmem>>[vector<16xi32>], vector<16xf32>,
        %gather3A_2073 = tpu.vector_load_idx %arg25[%add3A_2068] : memref<128xf32, #tpu.memory_space<vmem>>[vector<16xi32>], vector<16xf32>,
        %min3A_2074 = arith.minimumf %add3A_180, %gather3A_2071 : vector<16xf32>
        %max3A_2075 = arith.maximumf %get3A_57, %gather3A_2069 : vector<16xf32>
        %sub3A_2076 = arith.subf %min3A_2074, %max3A_2075 : vector<16xf32>
        %min3A_2077 = arith.minimumf %add3A_195, %gather3A_2072 : vector<16xf32>
        %max3A_2078 = arith.maximumf %get3A_77, %gather3A_2070 : vector<16xf32>
        %sub3A_2079 = arith.subf %min3A_2077, %max3A_2078 : vector<16xf32>
        %max3A_2080 = arith.constant 0.000000e+00 : f32
        %max3A_2081 = vector.broadcast %max3A_2080 : f32 to vector<16xf32>
        %max3A_2082 = arith.maximumf %sub3A_2076, %max3A_2081 : vector<16xf32>
        %max3A_2083 = arith.constant 0.000000e+00 : f32
        %max3A_2084 = vector.broadcast %max3A_2083 : f32 to vector<16xf32>
        %max3A_2085 = arith.maximumf %sub3A_2079, %max3A_2084 : vector<16xf32>
        %mul3A_2086 = arith.mulf %max3A_2082, %max3A_2085 : vector<16xf32>
        %add3A_2087 = arith.addf %mul3A_141, %gather3A_2073 : vector<16xf32>
        %sub3A_2088 = arith.subf %add3A_2087, %mul3A_2086 : vector<16xf32>
        %div3A_2089 = arith.divf %mul3A_2086, %sub3A_2088 : vector<16xf32>
        %gt3A_2090 = arith.cmpf ogt, %div3A_2089, %select_n3A_1988 : vector<16xf32>
        %select_n3A_2091 = arith.select %gt3A_2090, %div3A_2089, %select_n3A_1988 : vector<16xi1>, vector<16xf32>
        %select_n3A_2092 = arith.select %gt3A_2090, %add3A_2068, %select_n3A_1989 : vector<16xi1>, vector<16xi32>
        %min3A_2093 = arith.minimumf %add3A_183, %gather3A_2071 : vector<16xf32>
        %max3A_2094 = arith.maximumf %get3A_61, %gather3A_2069 : vector<16xf32>
        %sub3A_2095 = arith.subf %min3A_2093, %max3A_2094 : vector<16xf32>
        %min3A_2096 = arith.minimumf %add3A_198, %gather3A_2072 : vector<16xf32>
        %max3A_2097 = arith.maximumf %get3A_81, %gather3A_2070 : vector<16xf32>
        %sub3A_2098 = arith.subf %min3A_2096, %max3A_2097 : vector<16xf32>
        %max3A_2099 = arith.constant 0.000000e+00 : f32
        %max3A_2100 = vector.broadcast %max3A_2099 : f32 to vector<16xf32>
        %max3A_2101 = arith.maximumf %sub3A_2095, %max3A_2100 : vector<16xf32>
        %max3A_2102 = arith.constant 0.000000e+00 : f32
        %max3A_2103 = vector.broadcast %max3A_2102 : f32 to vector<16xf32>
        %max3A_2104 = arith.maximumf %sub3A_2098, %max3A_2103 : vector<16xf32>
        %mul3A_2105 = arith.mulf %max3A_2101, %max3A_2104 : vector<16xf32>
        %add3A_2106 = arith.addf %mul3A_150, %gather3A_2073 : vector<16xf32>
        %sub3A_2107 = arith.subf %add3A_2106, %mul3A_2105 : vector<16xf32>
        %div3A_2108 = arith.divf %mul3A_2105, %sub3A_2107 : vector<16xf32>
        %gt3A_2109 = arith.cmpf ogt, %div3A_2108, %select_n3A_2007 : vector<16xf32>
        %select_n3A_2110 = arith.select %gt3A_2109, %div3A_2108, %select_n3A_2007 : vector<16xi1>, vector<16xf32>
        %select_n3A_2111 = arith.select %gt3A_2109, %add3A_2068, %select_n3A_2008 : vector<16xi1>, vector<16xi32>
        %min3A_2112 = arith.minimumf %add3A_186, %gather3A_2071 : vector<16xf32>
        %max3A_2113 = arith.maximumf %get3A_65, %gather3A_2069 : vector<16xf32>
        %sub3A_2114 = arith.subf %min3A_2112, %max3A_2113 : vector<16xf32>
        %min3A_2115 = arith.minimumf %add3A_201, %gather3A_2072 : vector<16xf32>
        %max3A_2116 = arith.maximumf %get3A_85, %gather3A_2070 : vector<16xf32>
        %sub3A_2117 = arith.subf %min3A_2115, %max3A_2116 : vector<16xf32>
        %max3A_2118 = arith.constant 0.000000e+00 : f32
        %max3A_2119 = vector.broadcast %max3A_2118 : f32 to vector<16xf32>
        %max3A_2120 = arith.maximumf %sub3A_2114, %max3A_2119 : vector<16xf32>
        %max3A_2121 = arith.constant 0.000000e+00 : f32
        %max3A_2122 = vector.broadcast %max3A_2121 : f32 to vector<16xf32>
        %max3A_2123 = arith.maximumf %sub3A_2117, %max3A_2122 : vector<16xf32>
        %mul3A_2124 = arith.mulf %max3A_2120, %max3A_2123 : vector<16xf32>
        %add3A_2125 = arith.addf %mul3A_159, %gather3A_2073 : vector<16xf32>
        %sub3A_2126 = arith.subf %add3A_2125, %mul3A_2124 : vector<16xf32>
        %div3A_2127 = arith.divf %mul3A_2124, %sub3A_2126 : vector<16xf32>
        %gt3A_2128 = arith.cmpf ogt, %div3A_2127, %select_n3A_2026 : vector<16xf32>
        %select_n3A_2129 = arith.select %gt3A_2128, %div3A_2127, %select_n3A_2026 : vector<16xi1>, vector<16xf32>
        %select_n3A_2130 = arith.select %gt3A_2128, %add3A_2068, %select_n3A_2027 : vector<16xi1>, vector<16xi32>
        %min3A_2131 = arith.minimumf %add3A_189, %gather3A_2071 : vector<16xf32>
        %max3A_2132 = arith.maximumf %get3A_69, %gather3A_2069 : vector<16xf32>
        %sub3A_2133 = arith.subf %min3A_2131, %max3A_2132 : vector<16xf32>
        %min3A_2134 = arith.minimumf %add3A_204, %gather3A_2072 : vector<16xf32>
        %max3A_2135 = arith.maximumf %get3A_89, %gather3A_2070 : vector<16xf32>
        %sub3A_2136 = arith.subf %min3A_2134, %max3A_2135 : vector<16xf32>
        %max3A_2137 = arith.constant 0.000000e+00 : f32
        %max3A_2138 = vector.broadcast %max3A_2137 : f32 to vector<16xf32>
        %max3A_2139 = arith.maximumf %sub3A_2133, %max3A_2138 : vector<16xf32>
        %max3A_2140 = arith.constant 0.000000e+00 : f32
        %max3A_2141 = vector.broadcast %max3A_2140 : f32 to vector<16xf32>
        %max3A_2142 = arith.maximumf %sub3A_2136, %max3A_2141 : vector<16xf32>
        %mul3A_2143 = arith.mulf %max3A_2139, %max3A_2142 : vector<16xf32>
        %add3A_2144 = arith.addf %mul3A_168, %gather3A_2073 : vector<16xf32>
        %sub3A_2145 = arith.subf %add3A_2144, %mul3A_2143 : vector<16xf32>
        %div3A_2146 = arith.divf %mul3A_2143, %sub3A_2145 : vector<16xf32>
        %gt3A_2147 = arith.cmpf ogt, %div3A_2146, %select_n3A_2045 : vector<16xf32>
        %select_n3A_2148 = arith.select %gt3A_2147, %div3A_2146, %select_n3A_2045 : vector<16xi1>, vector<16xf32>
        %select_n3A_2149 = arith.select %gt3A_2147, %add3A_2068, %select_n3A_2046 : vector<16xi1>, vector<16xi32>
        %min3A_2150 = arith.minimumf %add3A_192, %gather3A_2071 : vector<16xf32>
        %max3A_2151 = arith.maximumf %get3A_73, %gather3A_2069 : vector<16xf32>
        %sub3A_2152 = arith.subf %min3A_2150, %max3A_2151 : vector<16xf32>
        %min3A_2153 = arith.minimumf %add3A_207, %gather3A_2072 : vector<16xf32>
        %max3A_2154 = arith.maximumf %get3A_93, %gather3A_2070 : vector<16xf32>
        %sub3A_2155 = arith.subf %min3A_2153, %max3A_2154 : vector<16xf32>
        %max3A_2156 = arith.constant 0.000000e+00 : f32
        %max3A_2157 = vector.broadcast %max3A_2156 : f32 to vector<16xf32>
        %max3A_2158 = arith.maximumf %sub3A_2152, %max3A_2157 : vector<16xf32>
        %max3A_2159 = arith.constant 0.000000e+00 : f32
        %max3A_2160 = vector.broadcast %max3A_2159 : f32 to vector<16xf32>
        %max3A_2161 = arith.maximumf %sub3A_2155, %max3A_2160 : vector<16xf32>
        %mul3A_2162 = arith.mulf %max3A_2158, %max3A_2161 : vector<16xf32>
        %add3A_2163 = arith.addf %mul3A_177, %gather3A_2073 : vector<16xf32>
        %sub3A_2164 = arith.subf %add3A_2163, %mul3A_2162 : vector<16xf32>
        %div3A_2165 = arith.divf %mul3A_2162, %sub3A_2164 : vector<16xf32>
        %gt3A_2166 = arith.cmpf ogt, %div3A_2165, %select_n3A_2064 : vector<16xf32>
        %select_n3A_2167 = arith.select %gt3A_2166, %div3A_2165, %select_n3A_2064 : vector<16xi1>, vector<16xf32>
        %select_n3A_2168 = arith.select %gt3A_2166, %add3A_2068, %select_n3A_2065 : vector<16xi1>, vector<16xi32>
        %add3A_2169 = arith.constant 10 : i32
        %add3A_2170 = vector.broadcast %add3A_2169 : i32 to vector<16xi32>
        %add3A_2171 = arith.addi %broadcast_in_dim3A_1139, %add3A_2170 : vector<16xi32>
        %gather3A_2172 = tpu.vector_load_idx %arg20[%add3A_2171] : memref<128xf32, #tpu.memory_space<vmem>>[vector<16xi32>], vector<16xf32>,
        %gather3A_2173 = tpu.vector_load_idx %arg21[%add3A_2171] : memref<128xf32, #tpu.memory_space<vmem>>[vector<16xi32>], vector<16xf32>,
        %gather3A_2174 = tpu.vector_load_idx %arg26[%add3A_2171] : memref<128xf32, #tpu.memory_space<vmem>>[vector<16xi32>], vector<16xf32>,
        %gather3A_2175 = tpu.vector_load_idx %arg27[%add3A_2171] : memref<128xf32, #tpu.memory_space<vmem>>[vector<16xi32>], vector<16xf32>,
        %gather3A_2176 = tpu.vector_load_idx %arg25[%add3A_2171] : memref<128xf32, #tpu.memory_space<vmem>>[vector<16xi32>], vector<16xf32>,
        %min3A_2177 = arith.minimumf %add3A_180, %gather3A_2174 : vector<16xf32>
        %max3A_2178 = arith.maximumf %get3A_57, %gather3A_2172 : vector<16xf32>
        %sub3A_2179 = arith.subf %min3A_2177, %max3A_2178 : vector<16xf32>
        %min3A_2180 = arith.minimumf %add3A_195, %gather3A_2175 : vector<16xf32>
        %max3A_2181 = arith.maximumf %get3A_77, %gather3A_2173 : vector<16xf32>
        %sub3A_2182 = arith.subf %min3A_2180, %max3A_2181 : vector<16xf32>
        %max3A_2183 = arith.constant 0.000000e+00 : f32
        %max3A_2184 = vector.broadcast %max3A_2183 : f32 to vector<16xf32>
        %max3A_2185 = arith.maximumf %sub3A_2179, %max3A_2184 : vector<16xf32>
        %max3A_2186 = arith.constant 0.000000e+00 : f32
        %max3A_2187 = vector.broadcast %max3A_2186 : f32 to vector<16xf32>
        %max3A_2188 = arith.maximumf %sub3A_2182, %max3A_2187 : vector<16xf32>
        %mul3A_2189 = arith.mulf %max3A_2185, %max3A_2188 : vector<16xf32>
        %add3A_2190 = arith.addf %mul3A_141, %gather3A_2176 : vector<16xf32>
        %sub3A_2191 = arith.subf %add3A_2190, %mul3A_2189 : vector<16xf32>
        %div3A_2192 = arith.divf %mul3A_2189, %sub3A_2191 : vector<16xf32>
        %gt3A_2193 = arith.cmpf ogt, %div3A_2192, %select_n3A_2091 : vector<16xf32>
        %select_n3A_2194 = arith.select %gt3A_2193, %div3A_2192, %select_n3A_2091 : vector<16xi1>, vector<16xf32>
        %select_n3A_2195 = arith.select %gt3A_2193, %add3A_2171, %select_n3A_2092 : vector<16xi1>, vector<16xi32>
        %min3A_2196 = arith.minimumf %add3A_183, %gather3A_2174 : vector<16xf32>
        %max3A_2197 = arith.maximumf %get3A_61, %gather3A_2172 : vector<16xf32>
        %sub3A_2198 = arith.subf %min3A_2196, %max3A_2197 : vector<16xf32>
        %min3A_2199 = arith.minimumf %add3A_198, %gather3A_2175 : vector<16xf32>
        %max3A_2200 = arith.maximumf %get3A_81, %gather3A_2173 : vector<16xf32>
        %sub3A_2201 = arith.subf %min3A_2199, %max3A_2200 : vector<16xf32>
        %max3A_2202 = arith.constant 0.000000e+00 : f32
        %max3A_2203 = vector.broadcast %max3A_2202 : f32 to vector<16xf32>
        %max3A_2204 = arith.maximumf %sub3A_2198, %max3A_2203 : vector<16xf32>
        %max3A_2205 = arith.constant 0.000000e+00 : f32
        %max3A_2206 = vector.broadcast %max3A_2205 : f32 to vector<16xf32>
        %max3A_2207 = arith.maximumf %sub3A_2201, %max3A_2206 : vector<16xf32>
        %mul3A_2208 = arith.mulf %max3A_2204, %max3A_2207 : vector<16xf32>
        %add3A_2209 = arith.addf %mul3A_150, %gather3A_2176 : vector<16xf32>
        %sub3A_2210 = arith.subf %add3A_2209, %mul3A_2208 : vector<16xf32>
        %div3A_2211 = arith.divf %mul3A_2208, %sub3A_2210 : vector<16xf32>
        %gt3A_2212 = arith.cmpf ogt, %div3A_2211, %select_n3A_2110 : vector<16xf32>
        %select_n3A_2213 = arith.select %gt3A_2212, %div3A_2211, %select_n3A_2110 : vector<16xi1>, vector<16xf32>
        %select_n3A_2214 = arith.select %gt3A_2212, %add3A_2171, %select_n3A_2111 : vector<16xi1>, vector<16xi32>
        %min3A_2215 = arith.minimumf %add3A_186, %gather3A_2174 : vector<16xf32>
        %max3A_2216 = arith.maximumf %get3A_65, %gather3A_2172 : vector<16xf32>
        %sub3A_2217 = arith.subf %min3A_2215, %max3A_2216 : vector<16xf32>
        %min3A_2218 = arith.minimumf %add3A_201, %gather3A_2175 : vector<16xf32>
        %max3A_2219 = arith.maximumf %get3A_85, %gather3A_2173 : vector<16xf32>
        %sub3A_2220 = arith.subf %min3A_2218, %max3A_2219 : vector<16xf32>
        %max3A_2221 = arith.constant 0.000000e+00 : f32
        %max3A_2222 = vector.broadcast %max3A_2221 : f32 to vector<16xf32>
        %max3A_2223 = arith.maximumf %sub3A_2217, %max3A_2222 : vector<16xf32>
        %max3A_2224 = arith.constant 0.000000e+00 : f32
        %max3A_2225 = vector.broadcast %max3A_2224 : f32 to vector<16xf32>
        %max3A_2226 = arith.maximumf %sub3A_2220, %max3A_2225 : vector<16xf32>
        %mul3A_2227 = arith.mulf %max3A_2223, %max3A_2226 : vector<16xf32>
        %add3A_2228 = arith.addf %mul3A_159, %gather3A_2176 : vector<16xf32>
        %sub3A_2229 = arith.subf %add3A_2228, %mul3A_2227 : vector<16xf32>
        %div3A_2230 = arith.divf %mul3A_2227, %sub3A_2229 : vector<16xf32>
        %gt3A_2231 = arith.cmpf ogt, %div3A_2230, %select_n3A_2129 : vector<16xf32>
        %select_n3A_2232 = arith.select %gt3A_2231, %div3A_2230, %select_n3A_2129 : vector<16xi1>, vector<16xf32>
        %select_n3A_2233 = arith.select %gt3A_2231, %add3A_2171, %select_n3A_2130 : vector<16xi1>, vector<16xi32>
        %min3A_2234 = arith.minimumf %add3A_189, %gather3A_2174 : vector<16xf32>
        %max3A_2235 = arith.maximumf %get3A_69, %gather3A_2172 : vector<16xf32>
        %sub3A_2236 = arith.subf %min3A_2234, %max3A_2235 : vector<16xf32>
        %min3A_2237 = arith.minimumf %add3A_204, %gather3A_2175 : vector<16xf32>
        %max3A_2238 = arith.maximumf %get3A_89, %gather3A_2173 : vector<16xf32>
        %sub3A_2239 = arith.subf %min3A_2237, %max3A_2238 : vector<16xf32>
        %max3A_2240 = arith.constant 0.000000e+00 : f32
        %max3A_2241 = vector.broadcast %max3A_2240 : f32 to vector<16xf32>
        %max3A_2242 = arith.maximumf %sub3A_2236, %max3A_2241 : vector<16xf32>
        %max3A_2243 = arith.constant 0.000000e+00 : f32
        %max3A_2244 = vector.broadcast %max3A_2243 : f32 to vector<16xf32>
        %max3A_2245 = arith.maximumf %sub3A_2239, %max3A_2244 : vector<16xf32>
        %mul3A_2246 = arith.mulf %max3A_2242, %max3A_2245 : vector<16xf32>
        %add3A_2247 = arith.addf %mul3A_168, %gather3A_2176 : vector<16xf32>
        %sub3A_2248 = arith.subf %add3A_2247, %mul3A_2246 : vector<16xf32>
        %div3A_2249 = arith.divf %mul3A_2246, %sub3A_2248 : vector<16xf32>
        %gt3A_2250 = arith.cmpf ogt, %div3A_2249, %select_n3A_2148 : vector<16xf32>
        %select_n3A_2251 = arith.select %gt3A_2250, %div3A_2249, %select_n3A_2148 : vector<16xi1>, vector<16xf32>
        %select_n3A_2252 = arith.select %gt3A_2250, %add3A_2171, %select_n3A_2149 : vector<16xi1>, vector<16xi32>
        %min3A_2253 = arith.minimumf %add3A_192, %gather3A_2174 : vector<16xf32>
        %max3A_2254 = arith.maximumf %get3A_73, %gather3A_2172 : vector<16xf32>
        %sub3A_2255 = arith.subf %min3A_2253, %max3A_2254 : vector<16xf32>
        %min3A_2256 = arith.minimumf %add3A_207, %gather3A_2175 : vector<16xf32>
        %max3A_2257 = arith.maximumf %get3A_93, %gather3A_2173 : vector<16xf32>
        %sub3A_2258 = arith.subf %min3A_2256, %max3A_2257 : vector<16xf32>
        %max3A_2259 = arith.constant 0.000000e+00 : f32
        %max3A_2260 = vector.broadcast %max3A_2259 : f32 to vector<16xf32>
        %max3A_2261 = arith.maximumf %sub3A_2255, %max3A_2260 : vector<16xf32>
        %max3A_2262 = arith.constant 0.000000e+00 : f32
        %max3A_2263 = vector.broadcast %max3A_2262 : f32 to vector<16xf32>
        %max3A_2264 = arith.maximumf %sub3A_2258, %max3A_2263 : vector<16xf32>
        %mul3A_2265 = arith.mulf %max3A_2261, %max3A_2264 : vector<16xf32>
        %add3A_2266 = arith.addf %mul3A_177, %gather3A_2176 : vector<16xf32>
        %sub3A_2267 = arith.subf %add3A_2266, %mul3A_2265 : vector<16xf32>
        %div3A_2268 = arith.divf %mul3A_2265, %sub3A_2267 : vector<16xf32>
        %gt3A_2269 = arith.cmpf ogt, %div3A_2268, %select_n3A_2167 : vector<16xf32>
        %select_n3A_2270 = arith.select %gt3A_2269, %div3A_2268, %select_n3A_2167 : vector<16xi1>, vector<16xf32>
        %select_n3A_2271 = arith.select %gt3A_2269, %add3A_2171, %select_n3A_2168 : vector<16xi1>, vector<16xi32>
        %add3A_2272 = arith.constant 11 : i32
        %add3A_2273 = vector.broadcast %add3A_2272 : i32 to vector<16xi32>
        %add3A_2274 = arith.addi %broadcast_in_dim3A_1139, %add3A_2273 : vector<16xi32>
        %gather3A_2275 = tpu.vector_load_idx %arg20[%add3A_2274] : memref<128xf32, #tpu.memory_space<vmem>>[vector<16xi32>], vector<16xf32>,
        %gather3A_2276 = tpu.vector_load_idx %arg21[%add3A_2274] : memref<128xf32, #tpu.memory_space<vmem>>[vector<16xi32>], vector<16xf32>,
        %gather3A_2277 = tpu.vector_load_idx %arg26[%add3A_2274] : memref<128xf32, #tpu.memory_space<vmem>>[vector<16xi32>], vector<16xf32>,
        %gather3A_2278 = tpu.vector_load_idx %arg27[%add3A_2274] : memref<128xf32, #tpu.memory_space<vmem>>[vector<16xi32>], vector<16xf32>,
        %gather3A_2279 = tpu.vector_load_idx %arg25[%add3A_2274] : memref<128xf32, #tpu.memory_space<vmem>>[vector<16xi32>], vector<16xf32>,
        %min3A_2280 = arith.minimumf %add3A_180, %gather3A_2277 : vector<16xf32>
        %max3A_2281 = arith.maximumf %get3A_57, %gather3A_2275 : vector<16xf32>
        %sub3A_2282 = arith.subf %min3A_2280, %max3A_2281 : vector<16xf32>
        %min3A_2283 = arith.minimumf %add3A_195, %gather3A_2278 : vector<16xf32>
        %max3A_2284 = arith.maximumf %get3A_77, %gather3A_2276 : vector<16xf32>
        %sub3A_2285 = arith.subf %min3A_2283, %max3A_2284 : vector<16xf32>
        %max3A_2286 = arith.constant 0.000000e+00 : f32
        %max3A_2287 = vector.broadcast %max3A_2286 : f32 to vector<16xf32>
        %max3A_2288 = arith.maximumf %sub3A_2282, %max3A_2287 : vector<16xf32>
        %max3A_2289 = arith.constant 0.000000e+00 : f32
        %max3A_2290 = vector.broadcast %max3A_2289 : f32 to vector<16xf32>
        %max3A_2291 = arith.maximumf %sub3A_2285, %max3A_2290 : vector<16xf32>
        %mul3A_2292 = arith.mulf %max3A_2288, %max3A_2291 : vector<16xf32>
        %add3A_2293 = arith.addf %mul3A_141, %gather3A_2279 : vector<16xf32>
        %sub3A_2294 = arith.subf %add3A_2293, %mul3A_2292 : vector<16xf32>
        %div3A_2295 = arith.divf %mul3A_2292, %sub3A_2294 : vector<16xf32>
        %gt3A_2296 = arith.cmpf ogt, %div3A_2295, %select_n3A_2194 : vector<16xf32>
        %select_n3A_2297 = arith.select %gt3A_2296, %div3A_2295, %select_n3A_2194 : vector<16xi1>, vector<16xf32>
        %select_n3A_2298 = arith.select %gt3A_2296, %add3A_2274, %select_n3A_2195 : vector<16xi1>, vector<16xi32>
        %min3A_2299 = arith.minimumf %add3A_183, %gather3A_2277 : vector<16xf32>
        %max3A_2300 = arith.maximumf %get3A_61, %gather3A_2275 : vector<16xf32>
        %sub3A_2301 = arith.subf %min3A_2299, %max3A_2300 : vector<16xf32>
        %min3A_2302 = arith.minimumf %add3A_198, %gather3A_2278 : vector<16xf32>
        %max3A_2303 = arith.maximumf %get3A_81, %gather3A_2276 : vector<16xf32>
        %sub3A_2304 = arith.subf %min3A_2302, %max3A_2303 : vector<16xf32>
        %max3A_2305 = arith.constant 0.000000e+00 : f32
        %max3A_2306 = vector.broadcast %max3A_2305 : f32 to vector<16xf32>
        %max3A_2307 = arith.maximumf %sub3A_2301, %max3A_2306 : vector<16xf32>
        %max3A_2308 = arith.constant 0.000000e+00 : f32
        %max3A_2309 = vector.broadcast %max3A_2308 : f32 to vector<16xf32>
        %max3A_2310 = arith.maximumf %sub3A_2304, %max3A_2309 : vector<16xf32>
        %mul3A_2311 = arith.mulf %max3A_2307, %max3A_2310 : vector<16xf32>
        %add3A_2312 = arith.addf %mul3A_150, %gather3A_2279 : vector<16xf32>
        %sub3A_2313 = arith.subf %add3A_2312, %mul3A_2311 : vector<16xf32>
        %div3A_2314 = arith.divf %mul3A_2311, %sub3A_2313 : vector<16xf32>
        %gt3A_2315 = arith.cmpf ogt, %div3A_2314, %select_n3A_2213 : vector<16xf32>
        %select_n3A_2316 = arith.select %gt3A_2315, %div3A_2314, %select_n3A_2213 : vector<16xi1>, vector<16xf32>
        %select_n3A_2317 = arith.select %gt3A_2315, %add3A_2274, %select_n3A_2214 : vector<16xi1>, vector<16xi32>
        %min3A_2318 = arith.minimumf %add3A_186, %gather3A_2277 : vector<16xf32>
        %max3A_2319 = arith.maximumf %get3A_65, %gather3A_2275 : vector<16xf32>
        %sub3A_2320 = arith.subf %min3A_2318, %max3A_2319 : vector<16xf32>
        %min3A_2321 = arith.minimumf %add3A_201, %gather3A_2278 : vector<16xf32>
        %max3A_2322 = arith.maximumf %get3A_85, %gather3A_2276 : vector<16xf32>
        %sub3A_2323 = arith.subf %min3A_2321, %max3A_2322 : vector<16xf32>
        %max3A_2324 = arith.constant 0.000000e+00 : f32
        %max3A_2325 = vector.broadcast %max3A_2324 : f32 to vector<16xf32>
        %max3A_2326 = arith.maximumf %sub3A_2320, %max3A_2325 : vector<16xf32>
        %max3A_2327 = arith.constant 0.000000e+00 : f32
        %max3A_2328 = vector.broadcast %max3A_2327 : f32 to vector<16xf32>
        %max3A_2329 = arith.maximumf %sub3A_2323, %max3A_2328 : vector<16xf32>
        %mul3A_2330 = arith.mulf %max3A_2326, %max3A_2329 : vector<16xf32>
        %add3A_2331 = arith.addf %mul3A_159, %gather3A_2279 : vector<16xf32>
        %sub3A_2332 = arith.subf %add3A_2331, %mul3A_2330 : vector<16xf32>
        %div3A_2333 = arith.divf %mul3A_2330, %sub3A_2332 : vector<16xf32>
        %gt3A_2334 = arith.cmpf ogt, %div3A_2333, %select_n3A_2232 : vector<16xf32>
        %select_n3A_2335 = arith.select %gt3A_2334, %div3A_2333, %select_n3A_2232 : vector<16xi1>, vector<16xf32>
        %select_n3A_2336 = arith.select %gt3A_2334, %add3A_2274, %select_n3A_2233 : vector<16xi1>, vector<16xi32>
        %min3A_2337 = arith.minimumf %add3A_189, %gather3A_2277 : vector<16xf32>
        %max3A_2338 = arith.maximumf %get3A_69, %gather3A_2275 : vector<16xf32>
        %sub3A_2339 = arith.subf %min3A_2337, %max3A_2338 : vector<16xf32>
        %min3A_2340 = arith.minimumf %add3A_204, %gather3A_2278 : vector<16xf32>
        %max3A_2341 = arith.maximumf %get3A_89, %gather3A_2276 : vector<16xf32>
        %sub3A_2342 = arith.subf %min3A_2340, %max3A_2341 : vector<16xf32>
        %max3A_2343 = arith.constant 0.000000e+00 : f32
        %max3A_2344 = vector.broadcast %max3A_2343 : f32 to vector<16xf32>
        %max3A_2345 = arith.maximumf %sub3A_2339, %max3A_2344 : vector<16xf32>
        %max3A_2346 = arith.constant 0.000000e+00 : f32
        %max3A_2347 = vector.broadcast %max3A_2346 : f32 to vector<16xf32>
        %max3A_2348 = arith.maximumf %sub3A_2342, %max3A_2347 : vector<16xf32>
        %mul3A_2349 = arith.mulf %max3A_2345, %max3A_2348 : vector<16xf32>
        %add3A_2350 = arith.addf %mul3A_168, %gather3A_2279 : vector<16xf32>
        %sub3A_2351 = arith.subf %add3A_2350, %mul3A_2349 : vector<16xf32>
        %div3A_2352 = arith.divf %mul3A_2349, %sub3A_2351 : vector<16xf32>
        %gt3A_2353 = arith.cmpf ogt, %div3A_2352, %select_n3A_2251 : vector<16xf32>
        %select_n3A_2354 = arith.select %gt3A_2353, %div3A_2352, %select_n3A_2251 : vector<16xi1>, vector<16xf32>
        %select_n3A_2355 = arith.select %gt3A_2353, %add3A_2274, %select_n3A_2252 : vector<16xi1>, vector<16xi32>
        %min3A_2356 = arith.minimumf %add3A_192, %gather3A_2277 : vector<16xf32>
        %max3A_2357 = arith.maximumf %get3A_73, %gather3A_2275 : vector<16xf32>
        %sub3A_2358 = arith.subf %min3A_2356, %max3A_2357 : vector<16xf32>
        %min3A_2359 = arith.minimumf %add3A_207, %gather3A_2278 : vector<16xf32>
        %max3A_2360 = arith.maximumf %get3A_93, %gather3A_2276 : vector<16xf32>
        %sub3A_2361 = arith.subf %min3A_2359, %max3A_2360 : vector<16xf32>
        %max3A_2362 = arith.constant 0.000000e+00 : f32
        %max3A_2363 = vector.broadcast %max3A_2362 : f32 to vector<16xf32>
        %max3A_2364 = arith.maximumf %sub3A_2358, %max3A_2363 : vector<16xf32>
        %max3A_2365 = arith.constant 0.000000e+00 : f32
        %max3A_2366 = vector.broadcast %max3A_2365 : f32 to vector<16xf32>
        %max3A_2367 = arith.maximumf %sub3A_2361, %max3A_2366 : vector<16xf32>
        %mul3A_2368 = arith.mulf %max3A_2364, %max3A_2367 : vector<16xf32>
        %add3A_2369 = arith.addf %mul3A_177, %gather3A_2279 : vector<16xf32>
        %sub3A_2370 = arith.subf %add3A_2369, %mul3A_2368 : vector<16xf32>
        %div3A_2371 = arith.divf %mul3A_2368, %sub3A_2370 : vector<16xf32>
        %gt3A_2372 = arith.cmpf ogt, %div3A_2371, %select_n3A_2270 : vector<16xf32>
        %select_n3A_2373 = arith.select %gt3A_2372, %div3A_2371, %select_n3A_2270 : vector<16xi1>, vector<16xf32>
        %select_n3A_2374 = arith.select %gt3A_2372, %add3A_2274, %select_n3A_2271 : vector<16xi1>, vector<16xi32>
        %add3A_2375 = arith.constant 12 : i32
        %add3A_2376 = vector.broadcast %add3A_2375 : i32 to vector<16xi32>
        %add3A_2377 = arith.addi %broadcast_in_dim3A_1139, %add3A_2376 : vector<16xi32>
        %gather3A_2378 = tpu.vector_load_idx %arg20[%add3A_2377] : memref<128xf32, #tpu.memory_space<vmem>>[vector<16xi32>], vector<16xf32>,
        %gather3A_2379 = tpu.vector_load_idx %arg21[%add3A_2377] : memref<128xf32, #tpu.memory_space<vmem>>[vector<16xi32>], vector<16xf32>,
        %gather3A_2380 = tpu.vector_load_idx %arg26[%add3A_2377] : memref<128xf32, #tpu.memory_space<vmem>>[vector<16xi32>], vector<16xf32>,
        %gather3A_2381 = tpu.vector_load_idx %arg27[%add3A_2377] : memref<128xf32, #tpu.memory_space<vmem>>[vector<16xi32>], vector<16xf32>,
        %gather3A_2382 = tpu.vector_load_idx %arg25[%add3A_2377] : memref<128xf32, #tpu.memory_space<vmem>>[vector<16xi32>], vector<16xf32>,
        %min3A_2383 = arith.minimumf %add3A_180, %gather3A_2380 : vector<16xf32>
        %max3A_2384 = arith.maximumf %get3A_57, %gather3A_2378 : vector<16xf32>
        %sub3A_2385 = arith.subf %min3A_2383, %max3A_2384 : vector<16xf32>
        %min3A_2386 = arith.minimumf %add3A_195, %gather3A_2381 : vector<16xf32>
        %max3A_2387 = arith.maximumf %get3A_77, %gather3A_2379 : vector<16xf32>
        %sub3A_2388 = arith.subf %min3A_2386, %max3A_2387 : vector<16xf32>
        %max3A_2389 = arith.constant 0.000000e+00 : f32
        %max3A_2390 = vector.broadcast %max3A_2389 : f32 to vector<16xf32>
        %max3A_2391 = arith.maximumf %sub3A_2385, %max3A_2390 : vector<16xf32>
        %max3A_2392 = arith.constant 0.000000e+00 : f32
        %max3A_2393 = vector.broadcast %max3A_2392 : f32 to vector<16xf32>
        %max3A_2394 = arith.maximumf %sub3A_2388, %max3A_2393 : vector<16xf32>
        %mul3A_2395 = arith.mulf %max3A_2391, %max3A_2394 : vector<16xf32>
        %add3A_2396 = arith.addf %mul3A_141, %gather3A_2382 : vector<16xf32>
        %sub3A_2397 = arith.subf %add3A_2396, %mul3A_2395 : vector<16xf32>
        %div3A_2398 = arith.divf %mul3A_2395, %sub3A_2397 : vector<16xf32>
        %gt3A_2399 = arith.cmpf ogt, %div3A_2398, %select_n3A_2297 : vector<16xf32>
        %select_n3A_2400 = arith.select %gt3A_2399, %div3A_2398, %select_n3A_2297 : vector<16xi1>, vector<16xf32>
        %select_n3A_2401 = arith.select %gt3A_2399, %add3A_2377, %select_n3A_2298 : vector<16xi1>, vector<16xi32>
        %min3A_2402 = arith.minimumf %add3A_183, %gather3A_2380 : vector<16xf32>
        %max3A_2403 = arith.maximumf %get3A_61, %gather3A_2378 : vector<16xf32>
        %sub3A_2404 = arith.subf %min3A_2402, %max3A_2403 : vector<16xf32>
        %min3A_2405 = arith.minimumf %add3A_198, %gather3A_2381 : vector<16xf32>
        %max3A_2406 = arith.maximumf %get3A_81, %gather3A_2379 : vector<16xf32>
        %sub3A_2407 = arith.subf %min3A_2405, %max3A_2406 : vector<16xf32>
        %max3A_2408 = arith.constant 0.000000e+00 : f32
        %max3A_2409 = vector.broadcast %max3A_2408 : f32 to vector<16xf32>
        %max3A_2410 = arith.maximumf %sub3A_2404, %max3A_2409 : vector<16xf32>
        %max3A_2411 = arith.constant 0.000000e+00 : f32
        %max3A_2412 = vector.broadcast %max3A_2411 : f32 to vector<16xf32>
        %max3A_2413 = arith.maximumf %sub3A_2407, %max3A_2412 : vector<16xf32>
        %mul3A_2414 = arith.mulf %max3A_2410, %max3A_2413 : vector<16xf32>
        %add3A_2415 = arith.addf %mul3A_150, %gather3A_2382 : vector<16xf32>
        %sub3A_2416 = arith.subf %add3A_2415, %mul3A_2414 : vector<16xf32>
        %div3A_2417 = arith.divf %mul3A_2414, %sub3A_2416 : vector<16xf32>
        %gt3A_2418 = arith.cmpf ogt, %div3A_2417, %select_n3A_2316 : vector<16xf32>
        %select_n3A_2419 = arith.select %gt3A_2418, %div3A_2417, %select_n3A_2316 : vector<16xi1>, vector<16xf32>
        %select_n3A_2420 = arith.select %gt3A_2418, %add3A_2377, %select_n3A_2317 : vector<16xi1>, vector<16xi32>
        %min3A_2421 = arith.minimumf %add3A_186, %gather3A_2380 : vector<16xf32>
        %max3A_2422 = arith.maximumf %get3A_65, %gather3A_2378 : vector<16xf32>
        %sub3A_2423 = arith.subf %min3A_2421, %max3A_2422 : vector<16xf32>
        %min3A_2424 = arith.minimumf %add3A_201, %gather3A_2381 : vector<16xf32>
        %max3A_2425 = arith.maximumf %get3A_85, %gather3A_2379 : vector<16xf32>
        %sub3A_2426 = arith.subf %min3A_2424, %max3A_2425 : vector<16xf32>
        %max3A_2427 = arith.constant 0.000000e+00 : f32
        %max3A_2428 = vector.broadcast %max3A_2427 : f32 to vector<16xf32>
        %max3A_2429 = arith.maximumf %sub3A_2423, %max3A_2428 : vector<16xf32>
        %max3A_2430 = arith.constant 0.000000e+00 : f32
        %max3A_2431 = vector.broadcast %max3A_2430 : f32 to vector<16xf32>
        %max3A_2432 = arith.maximumf %sub3A_2426, %max3A_2431 : vector<16xf32>
        %mul3A_2433 = arith.mulf %max3A_2429, %max3A_2432 : vector<16xf32>
        %add3A_2434 = arith.addf %mul3A_159, %gather3A_2382 : vector<16xf32>
        %sub3A_2435 = arith.subf %add3A_2434, %mul3A_2433 : vector<16xf32>
        %div3A_2436 = arith.divf %mul3A_2433, %sub3A_2435 : vector<16xf32>
        %gt3A_2437 = arith.cmpf ogt, %div3A_2436, %select_n3A_2335 : vector<16xf32>
        %select_n3A_2438 = arith.select %gt3A_2437, %div3A_2436, %select_n3A_2335 : vector<16xi1>, vector<16xf32>
        %select_n3A_2439 = arith.select %gt3A_2437, %add3A_2377, %select_n3A_2336 : vector<16xi1>, vector<16xi32>
        %min3A_2440 = arith.minimumf %add3A_189, %gather3A_2380 : vector<16xf32>
        %max3A_2441 = arith.maximumf %get3A_69, %gather3A_2378 : vector<16xf32>
        %sub3A_2442 = arith.subf %min3A_2440, %max3A_2441 : vector<16xf32>
        %min3A_2443 = arith.minimumf %add3A_204, %gather3A_2381 : vector<16xf32>
        %max3A_2444 = arith.maximumf %get3A_89, %gather3A_2379 : vector<16xf32>
        %sub3A_2445 = arith.subf %min3A_2443, %max3A_2444 : vector<16xf32>
        %max3A_2446 = arith.constant 0.000000e+00 : f32
        %max3A_2447 = vector.broadcast %max3A_2446 : f32 to vector<16xf32>
        %max3A_2448 = arith.maximumf %sub3A_2442, %max3A_2447 : vector<16xf32>
        %max3A_2449 = arith.constant 0.000000e+00 : f32
        %max3A_2450 = vector.broadcast %max3A_2449 : f32 to vector<16xf32>
        %max3A_2451 = arith.maximumf %sub3A_2445, %max3A_2450 : vector<16xf32>
        %mul3A_2452 = arith.mulf %max3A_2448, %max3A_2451 : vector<16xf32>
        %add3A_2453 = arith.addf %mul3A_168, %gather3A_2382 : vector<16xf32>
        %sub3A_2454 = arith.subf %add3A_2453, %mul3A_2452 : vector<16xf32>
        %div3A_2455 = arith.divf %mul3A_2452, %sub3A_2454 : vector<16xf32>
        %gt3A_2456 = arith.cmpf ogt, %div3A_2455, %select_n3A_2354 : vector<16xf32>
        %select_n3A_2457 = arith.select %gt3A_2456, %div3A_2455, %select_n3A_2354 : vector<16xi1>, vector<16xf32>
        %select_n3A_2458 = arith.select %gt3A_2456, %add3A_2377, %select_n3A_2355 : vector<16xi1>, vector<16xi32>
        %min3A_2459 = arith.minimumf %add3A_192, %gather3A_2380 : vector<16xf32>
        %max3A_2460 = arith.maximumf %get3A_73, %gather3A_2378 : vector<16xf32>
        %sub3A_2461 = arith.subf %min3A_2459, %max3A_2460 : vector<16xf32>
        %min3A_2462 = arith.minimumf %add3A_207, %gather3A_2381 : vector<16xf32>
        %max3A_2463 = arith.maximumf %get3A_93, %gather3A_2379 : vector<16xf32>
        %sub3A_2464 = arith.subf %min3A_2462, %max3A_2463 : vector<16xf32>
        %max3A_2465 = arith.constant 0.000000e+00 : f32
        %max3A_2466 = vector.broadcast %max3A_2465 : f32 to vector<16xf32>
        %max3A_2467 = arith.maximumf %sub3A_2461, %max3A_2466 : vector<16xf32>
        %max3A_2468 = arith.constant 0.000000e+00 : f32
        %max3A_2469 = vector.broadcast %max3A_2468 : f32 to vector<16xf32>
        %max3A_2470 = arith.maximumf %sub3A_2464, %max3A_2469 : vector<16xf32>
        %mul3A_2471 = arith.mulf %max3A_2467, %max3A_2470 : vector<16xf32>
        %add3A_2472 = arith.addf %mul3A_177, %gather3A_2382 : vector<16xf32>
        %sub3A_2473 = arith.subf %add3A_2472, %mul3A_2471 : vector<16xf32>
        %div3A_2474 = arith.divf %mul3A_2471, %sub3A_2473 : vector<16xf32>
        %gt3A_2475 = arith.cmpf ogt, %div3A_2474, %select_n3A_2373 : vector<16xf32>
        %select_n3A_2476 = arith.select %gt3A_2475, %div3A_2474, %select_n3A_2373 : vector<16xi1>, vector<16xf32>
        %select_n3A_2477 = arith.select %gt3A_2475, %add3A_2377, %select_n3A_2374 : vector<16xi1>, vector<16xi32>
        %add3A_2478 = arith.constant 13 : i32
        %add3A_2479 = vector.broadcast %add3A_2478 : i32 to vector<16xi32>
        %add3A_2480 = arith.addi %broadcast_in_dim3A_1139, %add3A_2479 : vector<16xi32>
        %gather3A_2481 = tpu.vector_load_idx %arg20[%add3A_2480] : memref<128xf32, #tpu.memory_space<vmem>>[vector<16xi32>], vector<16xf32>,
        %gather3A_2482 = tpu.vector_load_idx %arg21[%add3A_2480] : memref<128xf32, #tpu.memory_space<vmem>>[vector<16xi32>], vector<16xf32>,
        %gather3A_2483 = tpu.vector_load_idx %arg26[%add3A_2480] : memref<128xf32, #tpu.memory_space<vmem>>[vector<16xi32>], vector<16xf32>,
        %gather3A_2484 = tpu.vector_load_idx %arg27[%add3A_2480] : memref<128xf32, #tpu.memory_space<vmem>>[vector<16xi32>], vector<16xf32>,
        %gather3A_2485 = tpu.vector_load_idx %arg25[%add3A_2480] : memref<128xf32, #tpu.memory_space<vmem>>[vector<16xi32>], vector<16xf32>,
        %min3A_2486 = arith.minimumf %add3A_180, %gather3A_2483 : vector<16xf32>
        %max3A_2487 = arith.maximumf %get3A_57, %gather3A_2481 : vector<16xf32>
        %sub3A_2488 = arith.subf %min3A_2486, %max3A_2487 : vector<16xf32>
        %min3A_2489 = arith.minimumf %add3A_195, %gather3A_2484 : vector<16xf32>
        %max3A_2490 = arith.maximumf %get3A_77, %gather3A_2482 : vector<16xf32>
        %sub3A_2491 = arith.subf %min3A_2489, %max3A_2490 : vector<16xf32>
        %max3A_2492 = arith.constant 0.000000e+00 : f32
        %max3A_2493 = vector.broadcast %max3A_2492 : f32 to vector<16xf32>
        %max3A_2494 = arith.maximumf %sub3A_2488, %max3A_2493 : vector<16xf32>
        %max3A_2495 = arith.constant 0.000000e+00 : f32
        %max3A_2496 = vector.broadcast %max3A_2495 : f32 to vector<16xf32>
        %max3A_2497 = arith.maximumf %sub3A_2491, %max3A_2496 : vector<16xf32>
        %mul3A_2498 = arith.mulf %max3A_2494, %max3A_2497 : vector<16xf32>
        %add3A_2499 = arith.addf %mul3A_141, %gather3A_2485 : vector<16xf32>
        %sub3A_2500 = arith.subf %add3A_2499, %mul3A_2498 : vector<16xf32>
        %div3A_2501 = arith.divf %mul3A_2498, %sub3A_2500 : vector<16xf32>
        %gt3A_2502 = arith.cmpf ogt, %div3A_2501, %select_n3A_2400 : vector<16xf32>
        %select_n3A_2503 = arith.select %gt3A_2502, %div3A_2501, %select_n3A_2400 : vector<16xi1>, vector<16xf32>
        %select_n3A_2504 = arith.select %gt3A_2502, %add3A_2480, %select_n3A_2401 : vector<16xi1>, vector<16xi32>
        %min3A_2505 = arith.minimumf %add3A_183, %gather3A_2483 : vector<16xf32>
        %max3A_2506 = arith.maximumf %get3A_61, %gather3A_2481 : vector<16xf32>
        %sub3A_2507 = arith.subf %min3A_2505, %max3A_2506 : vector<16xf32>
        %min3A_2508 = arith.minimumf %add3A_198, %gather3A_2484 : vector<16xf32>
        %max3A_2509 = arith.maximumf %get3A_81, %gather3A_2482 : vector<16xf32>
        %sub3A_2510 = arith.subf %min3A_2508, %max3A_2509 : vector<16xf32>
        %max3A_2511 = arith.constant 0.000000e+00 : f32
        %max3A_2512 = vector.broadcast %max3A_2511 : f32 to vector<16xf32>
        %max3A_2513 = arith.maximumf %sub3A_2507, %max3A_2512 : vector<16xf32>
        %max3A_2514 = arith.constant 0.000000e+00 : f32
        %max3A_2515 = vector.broadcast %max3A_2514 : f32 to vector<16xf32>
        %max3A_2516 = arith.maximumf %sub3A_2510, %max3A_2515 : vector<16xf32>
        %mul3A_2517 = arith.mulf %max3A_2513, %max3A_2516 : vector<16xf32>
        %add3A_2518 = arith.addf %mul3A_150, %gather3A_2485 : vector<16xf32>
        %sub3A_2519 = arith.subf %add3A_2518, %mul3A_2517 : vector<16xf32>
        %div3A_2520 = arith.divf %mul3A_2517, %sub3A_2519 : vector<16xf32>
        %gt3A_2521 = arith.cmpf ogt, %div3A_2520, %select_n3A_2419 : vector<16xf32>
        %select_n3A_2522 = arith.select %gt3A_2521, %div3A_2520, %select_n3A_2419 : vector<16xi1>, vector<16xf32>
        %select_n3A_2523 = arith.select %gt3A_2521, %add3A_2480, %select_n3A_2420 : vector<16xi1>, vector<16xi32>
        %min3A_2524 = arith.minimumf %add3A_186, %gather3A_2483 : vector<16xf32>
        %max3A_2525 = arith.maximumf %get3A_65, %gather3A_2481 : vector<16xf32>
        %sub3A_2526 = arith.subf %min3A_2524, %max3A_2525 : vector<16xf32>
        %min3A_2527 = arith.minimumf %add3A_201, %gather3A_2484 : vector<16xf32>
        %max3A_2528 = arith.maximumf %get3A_85, %gather3A_2482 : vector<16xf32>
        %sub3A_2529 = arith.subf %min3A_2527, %max3A_2528 : vector<16xf32>
        %max3A_2530 = arith.constant 0.000000e+00 : f32
        %max3A_2531 = vector.broadcast %max3A_2530 : f32 to vector<16xf32>
        %max3A_2532 = arith.maximumf %sub3A_2526, %max3A_2531 : vector<16xf32>
        %max3A_2533 = arith.constant 0.000000e+00 : f32
        %max3A_2534 = vector.broadcast %max3A_2533 : f32 to vector<16xf32>
        %max3A_2535 = arith.maximumf %sub3A_2529, %max3A_2534 : vector<16xf32>
        %mul3A_2536 = arith.mulf %max3A_2532, %max3A_2535 : vector<16xf32>
        %add3A_2537 = arith.addf %mul3A_159, %gather3A_2485 : vector<16xf32>
        %sub3A_2538 = arith.subf %add3A_2537, %mul3A_2536 : vector<16xf32>
        %div3A_2539 = arith.divf %mul3A_2536, %sub3A_2538 : vector<16xf32>
        %gt3A_2540 = arith.cmpf ogt, %div3A_2539, %select_n3A_2438 : vector<16xf32>
        %select_n3A_2541 = arith.select %gt3A_2540, %div3A_2539, %select_n3A_2438 : vector<16xi1>, vector<16xf32>
        %select_n3A_2542 = arith.select %gt3A_2540, %add3A_2480, %select_n3A_2439 : vector<16xi1>, vector<16xi32>
        %min3A_2543 = arith.minimumf %add3A_189, %gather3A_2483 : vector<16xf32>
        %max3A_2544 = arith.maximumf %get3A_69, %gather3A_2481 : vector<16xf32>
        %sub3A_2545 = arith.subf %min3A_2543, %max3A_2544 : vector<16xf32>
        %min3A_2546 = arith.minimumf %add3A_204, %gather3A_2484 : vector<16xf32>
        %max3A_2547 = arith.maximumf %get3A_89, %gather3A_2482 : vector<16xf32>
        %sub3A_2548 = arith.subf %min3A_2546, %max3A_2547 : vector<16xf32>
        %max3A_2549 = arith.constant 0.000000e+00 : f32
        %max3A_2550 = vector.broadcast %max3A_2549 : f32 to vector<16xf32>
        %max3A_2551 = arith.maximumf %sub3A_2545, %max3A_2550 : vector<16xf32>
        %max3A_2552 = arith.constant 0.000000e+00 : f32
        %max3A_2553 = vector.broadcast %max3A_2552 : f32 to vector<16xf32>
        %max3A_2554 = arith.maximumf %sub3A_2548, %max3A_2553 : vector<16xf32>
        %mul3A_2555 = arith.mulf %max3A_2551, %max3A_2554 : vector<16xf32>
        %add3A_2556 = arith.addf %mul3A_168, %gather3A_2485 : vector<16xf32>
        %sub3A_2557 = arith.subf %add3A_2556, %mul3A_2555 : vector<16xf32>
        %div3A_2558 = arith.divf %mul3A_2555, %sub3A_2557 : vector<16xf32>
        %gt3A_2559 = arith.cmpf ogt, %div3A_2558, %select_n3A_2457 : vector<16xf32>
        %select_n3A_2560 = arith.select %gt3A_2559, %div3A_2558, %select_n3A_2457 : vector<16xi1>, vector<16xf32>
        %select_n3A_2561 = arith.select %gt3A_2559, %add3A_2480, %select_n3A_2458 : vector<16xi1>, vector<16xi32>
        %min3A_2562 = arith.minimumf %add3A_192, %gather3A_2483 : vector<16xf32>
        %max3A_2563 = arith.maximumf %get3A_73, %gather3A_2481 : vector<16xf32>
        %sub3A_2564 = arith.subf %min3A_2562, %max3A_2563 : vector<16xf32>
        %min3A_2565 = arith.minimumf %add3A_207, %gather3A_2484 : vector<16xf32>
        %max3A_2566 = arith.maximumf %get3A_93, %gather3A_2482 : vector<16xf32>
        %sub3A_2567 = arith.subf %min3A_2565, %max3A_2566 : vector<16xf32>
        %max3A_2568 = arith.constant 0.000000e+00 : f32
        %max3A_2569 = vector.broadcast %max3A_2568 : f32 to vector<16xf32>
        %max3A_2570 = arith.maximumf %sub3A_2564, %max3A_2569 : vector<16xf32>
        %max3A_2571 = arith.constant 0.000000e+00 : f32
        %max3A_2572 = vector.broadcast %max3A_2571 : f32 to vector<16xf32>
        %max3A_2573 = arith.maximumf %sub3A_2567, %max3A_2572 : vector<16xf32>
        %mul3A_2574 = arith.mulf %max3A_2570, %max3A_2573 : vector<16xf32>
        %add3A_2575 = arith.addf %mul3A_177, %gather3A_2485 : vector<16xf32>
        %sub3A_2576 = arith.subf %add3A_2575, %mul3A_2574 : vector<16xf32>
        %div3A_2577 = arith.divf %mul3A_2574, %sub3A_2576 : vector<16xf32>
        %gt3A_2578 = arith.cmpf ogt, %div3A_2577, %select_n3A_2476 : vector<16xf32>
        %select_n3A_2579 = arith.select %gt3A_2578, %div3A_2577, %select_n3A_2476 : vector<16xi1>, vector<16xf32>
        %select_n3A_2580 = arith.select %gt3A_2578, %add3A_2480, %select_n3A_2477 : vector<16xi1>, vector<16xi32>
        %add3A_2581 = arith.constant 14 : i32
        %add3A_2582 = vector.broadcast %add3A_2581 : i32 to vector<16xi32>
        %add3A_2583 = arith.addi %broadcast_in_dim3A_1139, %add3A_2582 : vector<16xi32>
        %gather3A_2584 = tpu.vector_load_idx %arg20[%add3A_2583] : memref<128xf32, #tpu.memory_space<vmem>>[vector<16xi32>], vector<16xf32>,
        %gather3A_2585 = tpu.vector_load_idx %arg21[%add3A_2583] : memref<128xf32, #tpu.memory_space<vmem>>[vector<16xi32>], vector<16xf32>,
        %gather3A_2586 = tpu.vector_load_idx %arg26[%add3A_2583] : memref<128xf32, #tpu.memory_space<vmem>>[vector<16xi32>], vector<16xf32>,
        %gather3A_2587 = tpu.vector_load_idx %arg27[%add3A_2583] : memref<128xf32, #tpu.memory_space<vmem>>[vector<16xi32>], vector<16xf32>,
        %gather3A_2588 = tpu.vector_load_idx %arg25[%add3A_2583] : memref<128xf32, #tpu.memory_space<vmem>>[vector<16xi32>], vector<16xf32>,
        %min3A_2589 = arith.minimumf %add3A_180, %gather3A_2586 : vector<16xf32>
        %max3A_2590 = arith.maximumf %get3A_57, %gather3A_2584 : vector<16xf32>
        %sub3A_2591 = arith.subf %min3A_2589, %max3A_2590 : vector<16xf32>
        %min3A_2592 = arith.minimumf %add3A_195, %gather3A_2587 : vector<16xf32>
        %max3A_2593 = arith.maximumf %get3A_77, %gather3A_2585 : vector<16xf32>
        %sub3A_2594 = arith.subf %min3A_2592, %max3A_2593 : vector<16xf32>
        %max3A_2595 = arith.constant 0.000000e+00 : f32
        %max3A_2596 = vector.broadcast %max3A_2595 : f32 to vector<16xf32>
        %max3A_2597 = arith.maximumf %sub3A_2591, %max3A_2596 : vector<16xf32>
        %max3A_2598 = arith.constant 0.000000e+00 : f32
        %max3A_2599 = vector.broadcast %max3A_2598 : f32 to vector<16xf32>
        %max3A_2600 = arith.maximumf %sub3A_2594, %max3A_2599 : vector<16xf32>
        %mul3A_2601 = arith.mulf %max3A_2597, %max3A_2600 : vector<16xf32>
        %add3A_2602 = arith.addf %mul3A_141, %gather3A_2588 : vector<16xf32>
        %sub3A_2603 = arith.subf %add3A_2602, %mul3A_2601 : vector<16xf32>
        %div3A_2604 = arith.divf %mul3A_2601, %sub3A_2603 : vector<16xf32>
        %gt3A_2605 = arith.cmpf ogt, %div3A_2604, %select_n3A_2503 : vector<16xf32>
        %select_n3A_2606 = arith.select %gt3A_2605, %div3A_2604, %select_n3A_2503 : vector<16xi1>, vector<16xf32>
        %select_n3A_2607 = arith.select %gt3A_2605, %add3A_2583, %select_n3A_2504 : vector<16xi1>, vector<16xi32>
        %min3A_2608 = arith.minimumf %add3A_183, %gather3A_2586 : vector<16xf32>
        %max3A_2609 = arith.maximumf %get3A_61, %gather3A_2584 : vector<16xf32>
        %sub3A_2610 = arith.subf %min3A_2608, %max3A_2609 : vector<16xf32>
        %min3A_2611 = arith.minimumf %add3A_198, %gather3A_2587 : vector<16xf32>
        %max3A_2612 = arith.maximumf %get3A_81, %gather3A_2585 : vector<16xf32>
        %sub3A_2613 = arith.subf %min3A_2611, %max3A_2612 : vector<16xf32>
        %max3A_2614 = arith.constant 0.000000e+00 : f32
        %max3A_2615 = vector.broadcast %max3A_2614 : f32 to vector<16xf32>
        %max3A_2616 = arith.maximumf %sub3A_2610, %max3A_2615 : vector<16xf32>
        %max3A_2617 = arith.constant 0.000000e+00 : f32
        %max3A_2618 = vector.broadcast %max3A_2617 : f32 to vector<16xf32>
        %max3A_2619 = arith.maximumf %sub3A_2613, %max3A_2618 : vector<16xf32>
        %mul3A_2620 = arith.mulf %max3A_2616, %max3A_2619 : vector<16xf32>
        %add3A_2621 = arith.addf %mul3A_150, %gather3A_2588 : vector<16xf32>
        %sub3A_2622 = arith.subf %add3A_2621, %mul3A_2620 : vector<16xf32>
        %div3A_2623 = arith.divf %mul3A_2620, %sub3A_2622 : vector<16xf32>
        %gt3A_2624 = arith.cmpf ogt, %div3A_2623, %select_n3A_2522 : vector<16xf32>
        %select_n3A_2625 = arith.select %gt3A_2624, %div3A_2623, %select_n3A_2522 : vector<16xi1>, vector<16xf32>
        %select_n3A_2626 = arith.select %gt3A_2624, %add3A_2583, %select_n3A_2523 : vector<16xi1>, vector<16xi32>
        %min3A_2627 = arith.minimumf %add3A_186, %gather3A_2586 : vector<16xf32>
        %max3A_2628 = arith.maximumf %get3A_65, %gather3A_2584 : vector<16xf32>
        %sub3A_2629 = arith.subf %min3A_2627, %max3A_2628 : vector<16xf32>
        %min3A_2630 = arith.minimumf %add3A_201, %gather3A_2587 : vector<16xf32>
        %max3A_2631 = arith.maximumf %get3A_85, %gather3A_2585 : vector<16xf32>
        %sub3A_2632 = arith.subf %min3A_2630, %max3A_2631 : vector<16xf32>
        %max3A_2633 = arith.constant 0.000000e+00 : f32
        %max3A_2634 = vector.broadcast %max3A_2633 : f32 to vector<16xf32>
        %max3A_2635 = arith.maximumf %sub3A_2629, %max3A_2634 : vector<16xf32>
        %max3A_2636 = arith.constant 0.000000e+00 : f32
        %max3A_2637 = vector.broadcast %max3A_2636 : f32 to vector<16xf32>
        %max3A_2638 = arith.maximumf %sub3A_2632, %max3A_2637 : vector<16xf32>
        %mul3A_2639 = arith.mulf %max3A_2635, %max3A_2638 : vector<16xf32>
        %add3A_2640 = arith.addf %mul3A_159, %gather3A_2588 : vector<16xf32>
        %sub3A_2641 = arith.subf %add3A_2640, %mul3A_2639 : vector<16xf32>
        %div3A_2642 = arith.divf %mul3A_2639, %sub3A_2641 : vector<16xf32>
        %gt3A_2643 = arith.cmpf ogt, %div3A_2642, %select_n3A_2541 : vector<16xf32>
        %select_n3A_2644 = arith.select %gt3A_2643, %div3A_2642, %select_n3A_2541 : vector<16xi1>, vector<16xf32>
        %select_n3A_2645 = arith.select %gt3A_2643, %add3A_2583, %select_n3A_2542 : vector<16xi1>, vector<16xi32>
        %min3A_2646 = arith.minimumf %add3A_189, %gather3A_2586 : vector<16xf32>
        %max3A_2647 = arith.maximumf %get3A_69, %gather3A_2584 : vector<16xf32>
        %sub3A_2648 = arith.subf %min3A_2646, %max3A_2647 : vector<16xf32>
        %min3A_2649 = arith.minimumf %add3A_204, %gather3A_2587 : vector<16xf32>
        %max3A_2650 = arith.maximumf %get3A_89, %gather3A_2585 : vector<16xf32>
        %sub3A_2651 = arith.subf %min3A_2649, %max3A_2650 : vector<16xf32>
        %max3A_2652 = arith.constant 0.000000e+00 : f32
        %max3A_2653 = vector.broadcast %max3A_2652 : f32 to vector<16xf32>
        %max3A_2654 = arith.maximumf %sub3A_2648, %max3A_2653 : vector<16xf32>
        %max3A_2655 = arith.constant 0.000000e+00 : f32
        %max3A_2656 = vector.broadcast %max3A_2655 : f32 to vector<16xf32>
        %max3A_2657 = arith.maximumf %sub3A_2651, %max3A_2656 : vector<16xf32>
        %mul3A_2658 = arith.mulf %max3A_2654, %max3A_2657 : vector<16xf32>
        %add3A_2659 = arith.addf %mul3A_168, %gather3A_2588 : vector<16xf32>
        %sub3A_2660 = arith.subf %add3A_2659, %mul3A_2658 : vector<16xf32>
        %div3A_2661 = arith.divf %mul3A_2658, %sub3A_2660 : vector<16xf32>
        %gt3A_2662 = arith.cmpf ogt, %div3A_2661, %select_n3A_2560 : vector<16xf32>
        %select_n3A_2663 = arith.select %gt3A_2662, %div3A_2661, %select_n3A_2560 : vector<16xi1>, vector<16xf32>
        %select_n3A_2664 = arith.select %gt3A_2662, %add3A_2583, %select_n3A_2561 : vector<16xi1>, vector<16xi32>
        %min3A_2665 = arith.minimumf %add3A_192, %gather3A_2586 : vector<16xf32>
        %max3A_2666 = arith.maximumf %get3A_73, %gather3A_2584 : vector<16xf32>
        %sub3A_2667 = arith.subf %min3A_2665, %max3A_2666 : vector<16xf32>
        %min3A_2668 = arith.minimumf %add3A_207, %gather3A_2587 : vector<16xf32>
        %max3A_2669 = arith.maximumf %get3A_93, %gather3A_2585 : vector<16xf32>
        %sub3A_2670 = arith.subf %min3A_2668, %max3A_2669 : vector<16xf32>
        %max3A_2671 = arith.constant 0.000000e+00 : f32
        %max3A_2672 = vector.broadcast %max3A_2671 : f32 to vector<16xf32>
        %max3A_2673 = arith.maximumf %sub3A_2667, %max3A_2672 : vector<16xf32>
        %max3A_2674 = arith.constant 0.000000e+00 : f32
        %max3A_2675 = vector.broadcast %max3A_2674 : f32 to vector<16xf32>
        %max3A_2676 = arith.maximumf %sub3A_2670, %max3A_2675 : vector<16xf32>
        %mul3A_2677 = arith.mulf %max3A_2673, %max3A_2676 : vector<16xf32>
        %add3A_2678 = arith.addf %mul3A_177, %gather3A_2588 : vector<16xf32>
        %sub3A_2679 = arith.subf %add3A_2678, %mul3A_2677 : vector<16xf32>
        %div3A_2680 = arith.divf %mul3A_2677, %sub3A_2679 : vector<16xf32>
        %gt3A_2681 = arith.cmpf ogt, %div3A_2680, %select_n3A_2579 : vector<16xf32>
        %select_n3A_2682 = arith.select %gt3A_2681, %div3A_2680, %select_n3A_2579 : vector<16xi1>, vector<16xf32>
        %select_n3A_2683 = arith.select %gt3A_2681, %add3A_2583, %select_n3A_2580 : vector<16xi1>, vector<16xi32>
        %add3A_2684 = arith.constant 15 : i32
        %add3A_2685 = vector.broadcast %add3A_2684 : i32 to vector<16xi32>
        %add3A_2686 = arith.addi %broadcast_in_dim3A_1139, %add3A_2685 : vector<16xi32>
        %gather3A_2687 = tpu.vector_load_idx %arg20[%add3A_2686] : memref<128xf32, #tpu.memory_space<vmem>>[vector<16xi32>], vector<16xf32>,
        %gather3A_2688 = tpu.vector_load_idx %arg21[%add3A_2686] : memref<128xf32, #tpu.memory_space<vmem>>[vector<16xi32>], vector<16xf32>,
        %gather3A_2689 = tpu.vector_load_idx %arg26[%add3A_2686] : memref<128xf32, #tpu.memory_space<vmem>>[vector<16xi32>], vector<16xf32>,
        %gather3A_2690 = tpu.vector_load_idx %arg27[%add3A_2686] : memref<128xf32, #tpu.memory_space<vmem>>[vector<16xi32>], vector<16xf32>,
        %gather3A_2691 = tpu.vector_load_idx %arg25[%add3A_2686] : memref<128xf32, #tpu.memory_space<vmem>>[vector<16xi32>], vector<16xf32>,
        %min3A_2692 = arith.minimumf %add3A_180, %gather3A_2689 : vector<16xf32>
        %max3A_2693 = arith.maximumf %get3A_57, %gather3A_2687 : vector<16xf32>
        %sub3A_2694 = arith.subf %min3A_2692, %max3A_2693 : vector<16xf32>
        %min3A_2695 = arith.minimumf %add3A_195, %gather3A_2690 : vector<16xf32>
        %max3A_2696 = arith.maximumf %get3A_77, %gather3A_2688 : vector<16xf32>
        %sub3A_2697 = arith.subf %min3A_2695, %max3A_2696 : vector<16xf32>
        %max3A_2698 = arith.constant 0.000000e+00 : f32
        %max3A_2699 = vector.broadcast %max3A_2698 : f32 to vector<16xf32>
        %max3A_2700 = arith.maximumf %sub3A_2694, %max3A_2699 : vector<16xf32>
        %max3A_2701 = arith.constant 0.000000e+00 : f32
        %max3A_2702 = vector.broadcast %max3A_2701 : f32 to vector<16xf32>
        %max3A_2703 = arith.maximumf %sub3A_2697, %max3A_2702 : vector<16xf32>
        %mul3A_2704 = arith.mulf %max3A_2700, %max3A_2703 : vector<16xf32>
        %add3A_2705 = arith.addf %mul3A_141, %gather3A_2691 : vector<16xf32>
        %sub3A_2706 = arith.subf %add3A_2705, %mul3A_2704 : vector<16xf32>
        %div3A_2707 = arith.divf %mul3A_2704, %sub3A_2706 : vector<16xf32>
        %gt3A_2708 = arith.cmpf ogt, %div3A_2707, %select_n3A_2606 : vector<16xf32>
        %select_n3A_2709 = arith.select %gt3A_2708, %div3A_2707, %select_n3A_2606 : vector<16xi1>, vector<16xf32>
        %select_n3A_2710 = arith.select %gt3A_2708, %add3A_2686, %select_n3A_2607 : vector<16xi1>, vector<16xi32>
        %min3A_2711 = arith.minimumf %add3A_183, %gather3A_2689 : vector<16xf32>
        %max3A_2712 = arith.maximumf %get3A_61, %gather3A_2687 : vector<16xf32>
        %sub3A_2713 = arith.subf %min3A_2711, %max3A_2712 : vector<16xf32>
        %min3A_2714 = arith.minimumf %add3A_198, %gather3A_2690 : vector<16xf32>
        %max3A_2715 = arith.maximumf %get3A_81, %gather3A_2688 : vector<16xf32>
        %sub3A_2716 = arith.subf %min3A_2714, %max3A_2715 : vector<16xf32>
        %max3A_2717 = arith.constant 0.000000e+00 : f32
        %max3A_2718 = vector.broadcast %max3A_2717 : f32 to vector<16xf32>
        %max3A_2719 = arith.maximumf %sub3A_2713, %max3A_2718 : vector<16xf32>
        %max3A_2720 = arith.constant 0.000000e+00 : f32
        %max3A_2721 = vector.broadcast %max3A_2720 : f32 to vector<16xf32>
        %max3A_2722 = arith.maximumf %sub3A_2716, %max3A_2721 : vector<16xf32>
        %mul3A_2723 = arith.mulf %max3A_2719, %max3A_2722 : vector<16xf32>
        %add3A_2724 = arith.addf %mul3A_150, %gather3A_2691 : vector<16xf32>
        %sub3A_2725 = arith.subf %add3A_2724, %mul3A_2723 : vector<16xf32>
        %div3A_2726 = arith.divf %mul3A_2723, %sub3A_2725 : vector<16xf32>
        %gt3A_2727 = arith.cmpf ogt, %div3A_2726, %select_n3A_2625 : vector<16xf32>
        %select_n3A_2728 = arith.select %gt3A_2727, %div3A_2726, %select_n3A_2625 : vector<16xi1>, vector<16xf32>
        %select_n3A_2729 = arith.select %gt3A_2727, %add3A_2686, %select_n3A_2626 : vector<16xi1>, vector<16xi32>
        %min3A_2730 = arith.minimumf %add3A_186, %gather3A_2689 : vector<16xf32>
        %max3A_2731 = arith.maximumf %get3A_65, %gather3A_2687 : vector<16xf32>
        %sub3A_2732 = arith.subf %min3A_2730, %max3A_2731 : vector<16xf32>
        %min3A_2733 = arith.minimumf %add3A_201, %gather3A_2690 : vector<16xf32>
        %max3A_2734 = arith.maximumf %get3A_85, %gather3A_2688 : vector<16xf32>
        %sub3A_2735 = arith.subf %min3A_2733, %max3A_2734 : vector<16xf32>
        %max3A_2736 = arith.constant 0.000000e+00 : f32
        %max3A_2737 = vector.broadcast %max3A_2736 : f32 to vector<16xf32>
        %max3A_2738 = arith.maximumf %sub3A_2732, %max3A_2737 : vector<16xf32>
        %max3A_2739 = arith.constant 0.000000e+00 : f32
        %max3A_2740 = vector.broadcast %max3A_2739 : f32 to vector<16xf32>
        %max3A_2741 = arith.maximumf %sub3A_2735, %max3A_2740 : vector<16xf32>
        %mul3A_2742 = arith.mulf %max3A_2738, %max3A_2741 : vector<16xf32>
        %add3A_2743 = arith.addf %mul3A_159, %gather3A_2691 : vector<16xf32>
        %sub3A_2744 = arith.subf %add3A_2743, %mul3A_2742 : vector<16xf32>
        %div3A_2745 = arith.divf %mul3A_2742, %sub3A_2744 : vector<16xf32>
        %gt3A_2746 = arith.cmpf ogt, %div3A_2745, %select_n3A_2644 : vector<16xf32>
        %select_n3A_2747 = arith.select %gt3A_2746, %div3A_2745, %select_n3A_2644 : vector<16xi1>, vector<16xf32>
        %select_n3A_2748 = arith.select %gt3A_2746, %add3A_2686, %select_n3A_2645 : vector<16xi1>, vector<16xi32>
        %min3A_2749 = arith.minimumf %add3A_189, %gather3A_2689 : vector<16xf32>
        %max3A_2750 = arith.maximumf %get3A_69, %gather3A_2687 : vector<16xf32>
        %sub3A_2751 = arith.subf %min3A_2749, %max3A_2750 : vector<16xf32>
        %min3A_2752 = arith.minimumf %add3A_204, %gather3A_2690 : vector<16xf32>
        %max3A_2753 = arith.maximumf %get3A_89, %gather3A_2688 : vector<16xf32>
        %sub3A_2754 = arith.subf %min3A_2752, %max3A_2753 : vector<16xf32>
        %max3A_2755 = arith.constant 0.000000e+00 : f32
        %max3A_2756 = vector.broadcast %max3A_2755 : f32 to vector<16xf32>
        %max3A_2757 = arith.maximumf %sub3A_2751, %max3A_2756 : vector<16xf32>
        %max3A_2758 = arith.constant 0.000000e+00 : f32
        %max3A_2759 = vector.broadcast %max3A_2758 : f32 to vector<16xf32>
        %max3A_2760 = arith.maximumf %sub3A_2754, %max3A_2759 : vector<16xf32>
        %mul3A_2761 = arith.mulf %max3A_2757, %max3A_2760 : vector<16xf32>
        %add3A_2762 = arith.addf %mul3A_168, %gather3A_2691 : vector<16xf32>
        %sub3A_2763 = arith.subf %add3A_2762, %mul3A_2761 : vector<16xf32>
        %div3A_2764 = arith.divf %mul3A_2761, %sub3A_2763 : vector<16xf32>
        %gt3A_2765 = arith.cmpf ogt, %div3A_2764, %select_n3A_2663 : vector<16xf32>
        %select_n3A_2766 = arith.select %gt3A_2765, %div3A_2764, %select_n3A_2663 : vector<16xi1>, vector<16xf32>
        %select_n3A_2767 = arith.select %gt3A_2765, %add3A_2686, %select_n3A_2664 : vector<16xi1>, vector<16xi32>
        %min3A_2768 = arith.minimumf %add3A_192, %gather3A_2689 : vector<16xf32>
        %max3A_2769 = arith.maximumf %get3A_73, %gather3A_2687 : vector<16xf32>
        %sub3A_2770 = arith.subf %min3A_2768, %max3A_2769 : vector<16xf32>
        %min3A_2771 = arith.minimumf %add3A_207, %gather3A_2690 : vector<16xf32>
        %max3A_2772 = arith.maximumf %get3A_93, %gather3A_2688 : vector<16xf32>
        %sub3A_2773 = arith.subf %min3A_2771, %max3A_2772 : vector<16xf32>
        %max3A_2774 = arith.constant 0.000000e+00 : f32
        %max3A_2775 = vector.broadcast %max3A_2774 : f32 to vector<16xf32>
        %max3A_2776 = arith.maximumf %sub3A_2770, %max3A_2775 : vector<16xf32>
        %max3A_2777 = arith.constant 0.000000e+00 : f32
        %max3A_2778 = vector.broadcast %max3A_2777 : f32 to vector<16xf32>
        %max3A_2779 = arith.maximumf %sub3A_2773, %max3A_2778 : vector<16xf32>
        %mul3A_2780 = arith.mulf %max3A_2776, %max3A_2779 : vector<16xf32>
        %add3A_2781 = arith.addf %mul3A_177, %gather3A_2691 : vector<16xf32>
        %sub3A_2782 = arith.subf %add3A_2781, %mul3A_2780 : vector<16xf32>
        %div3A_2783 = arith.divf %mul3A_2780, %sub3A_2782 : vector<16xf32>
        %gt3A_2784 = arith.cmpf ogt, %div3A_2783, %select_n3A_2682 : vector<16xf32>
        %select_n3A_2785 = arith.select %gt3A_2784, %div3A_2783, %select_n3A_2682 : vector<16xi1>, vector<16xf32>
        %select_n3A_2786 = arith.select %gt3A_2784, %add3A_2686, %select_n3A_2683 : vector<16xi1>, vector<16xi32>
        scf.yield %select_n3A_2709, %select_n3A_2728, %select_n3A_2747, %select_n3A_2766, %select_n3A_2785, %select_n3A_2710, %select_n3A_2729, %select_n3A_2748, %select_n3A_2767, %select_n3A_2786 : vector<16xf32>, vector<16xf32>, vector<16xf32>, vector<16xf32>, vector<16xf32>, vector<16xi32>, vector<16xi32>, vector<16xi32>, vector<16xi32>, vector<16xi32>
      }
      %scan3A_232 = arith.constant 8 : i32
      %gather3A = tpu.vector_load_idx %arg20[%scan3A_231#5] : memref<128xf32, #tpu.memory_space<vmem>>[vector<16xi32>], vector<16xf32>,
      %gather3A_233 = tpu.vector_load_idx %arg21[%scan3A_231#5] : memref<128xf32, #tpu.memory_space<vmem>>[vector<16xi32>], vector<16xf32>,
      %gather3A_234 = tpu.vector_load_idx %arg22[%scan3A_231#5] : memref<128xf32, #tpu.memory_space<vmem>>[vector<16xi32>], vector<16xf32>,
      %gather3A_235 = tpu.vector_load_idx %arg23[%scan3A_231#5] : memref<128xf32, #tpu.memory_space<vmem>>[vector<16xi32>], vector<16xf32>,
      %gather3A_236 = tpu.vector_load_idx %arg24[%scan3A_231#5] : memref<128xf32, #tpu.memory_space<vmem>>[vector<16xi32>], vector<16xf32>,
      %sub3A_237 = arith.subf %gather3A_234, %gather3A : vector<16xf32>
      %add3A_238 = arith.constant 1.000000e+00 : f32
      %add3A_239 = vector.broadcast %add3A_238 : f32 to vector<16xf32>
      %add3A_240 = arith.addf %sub3A_237, %add3A_239 : vector<16xf32>
      %sub3A_241 = arith.subf %gather3A_235, %gather3A_233 : vector<16xf32>
      %add3A_242 = arith.constant 1.000000e+00 : f32
      %add3A_243 = vector.broadcast %add3A_242 : f32 to vector<16xf32>
      %add3A_244 = arith.addf %sub3A_241, %add3A_243 : vector<16xf32>
      %mul3A_245 = arith.constant 5.000000e-01 : f32
      %mul3A_246 = vector.broadcast %mul3A_245 : f32 to vector<16xf32>
      %mul3A_247 = arith.mulf %mul3A_246, %add3A_240 : vector<16xf32>
      %add3A_248 = arith.addf %gather3A, %mul3A_247 : vector<16xf32>
      %mul3A_249 = arith.constant 5.000000e-01 : f32
      %mul3A_250 = vector.broadcast %mul3A_249 : f32 to vector<16xf32>
      %mul3A_251 = arith.mulf %mul3A_250, %add3A_244 : vector<16xf32>
      %add3A_252 = arith.addf %gather3A_233, %mul3A_251 : vector<16xf32>
      %sub3A_253 = arith.subf %get3A_97, %get3A_57 : vector<16xf32>
      %add3A_254 = arith.constant 1.000000e+00 : f32
      %add3A_255 = vector.broadcast %add3A_254 : f32 to vector<16xf32>
      %add3A_256 = arith.addf %sub3A_253, %add3A_255 : vector<16xf32>
      %sub3A_257 = arith.subf %get3A_117, %get3A_77 : vector<16xf32>
      %add3A_258 = arith.constant 1.000000e+00 : f32
      %add3A_259 = vector.broadcast %add3A_258 : f32 to vector<16xf32>
      %add3A_260 = arith.addf %sub3A_257, %add3A_259 : vector<16xf32>
      %mul3A_261 = arith.constant 5.000000e-01 : f32
      %mul3A_262 = vector.broadcast %mul3A_261 : f32 to vector<16xf32>
      %mul3A_263 = arith.mulf %mul3A_262, %add3A_256 : vector<16xf32>
      %add3A_264 = arith.addf %get3A_57, %mul3A_263 : vector<16xf32>
      %mul3A_265 = arith.constant 5.000000e-01 : f32
      %mul3A_266 = vector.broadcast %mul3A_265 : f32 to vector<16xf32>
      %mul3A_267 = arith.mulf %mul3A_266, %add3A_260 : vector<16xf32>
      %add3A_268 = arith.addf %get3A_77, %mul3A_267 : vector<16xf32>
      %ge3A = arith.constant 5.000000e-01 : f32
      %ge3A_269 = vector.broadcast %ge3A : f32 to vector<16xf32>
      %ge3A_270 = arith.cmpf oge, %scan3A_231#0, %ge3A_269 : vector<16xf32>
      %lt3A = arith.constant 4.000000e-01 : f32
      %lt3A_271 = vector.broadcast %lt3A : f32 to vector<16xf32>
      %lt3A_272 = arith.cmpf olt, %scan3A_231#0, %lt3A_271 : vector<16xf32>
      %jit3A = arith.constant 0.000000e+00 : f32
      %jit3A_273 = arith.constant -1.000000e+00 : f32
      %broadcast_in_dim3A_274 = vector.broadcast %jit3A : f32 to vector<16xf32>
      %broadcast_in_dim3A_275 = vector.broadcast %jit3A_273 : f32 to vector<16xf32>
      %select_n3A = arith.select %lt3A_272, %broadcast_in_dim3A_274, %broadcast_in_dim3A_275 : vector<16xi1>, vector<16xf32>
      %select_n3A_276 = arith.select %ge3A_270, %gather3A_236, %select_n3A : vector<16xi1>, vector<16xf32>
      %add3A_277 = arith.constant 0 : i32
      %add3A_278 = arith.addi %mul3A_54, %add3A_277 : i32
      %swap3A = arith.index_cast %add3A_278 : i32 to index
      %swap3A_279 = tpu.vector_load %arg28[%swap3A] {strides = array<i32>} : memref<640xf32, #tpu.memory_space<vmem>>, vector<16xf32>,
      tpu.vector_store %arg28[%swap3A], %select_n3A_276 {strides = array<i32>} : memref<640xf32, #tpu.memory_space<vmem>>, vector<16xf32>,
      %sub3A_280 = arith.subf %add3A_248, %add3A_264 : vector<16xf32>
      %div3A = arith.divf %sub3A_280, %add3A_256 : vector<16xf32>
      %swap3A_281 = arith.index_cast %add3A_278 : i32 to index
      %swap3A_282 = tpu.vector_load %arg29[%swap3A_281] {strides = array<i32>} : memref<640xf32, #tpu.memory_space<vmem>>, vector<16xf32>,
      tpu.vector_store %arg29[%swap3A_281], %div3A {strides = array<i32>} : memref<640xf32, #tpu.memory_space<vmem>>, vector<16xf32>,
      %sub3A_283 = arith.subf %add3A_252, %add3A_268 : vector<16xf32>
      %div3A_284 = arith.divf %sub3A_283, %add3A_260 : vector<16xf32>
      %swap3A_285 = arith.index_cast %add3A_278 : i32 to index
      %swap3A_286 = tpu.vector_load %arg30[%swap3A_285] {strides = array<i32>} : memref<640xf32, #tpu.memory_space<vmem>>, vector<16xf32>,
      tpu.vector_store %arg30[%swap3A_285], %div3A_284 {strides = array<i32>} : memref<640xf32, #tpu.memory_space<vmem>>, vector<16xf32>,
      %div3A_287 = arith.divf %add3A_240, %add3A_256 : vector<16xf32>
      %bitcast3A = vector.bitcast %div3A_287 : vector<16xf32> to vector<16xi32>
      %shift_right_arithmetic3A = arith.constant 23 : i32
      %shift_right_arithmetic3A_288 = vector.broadcast %shift_right_arithmetic3A : i32 to vector<16xi32>
      %shift_right_arithmetic3A_289 = arith.shrsi %bitcast3A, %shift_right_arithmetic3A_288 : vector<16xi32>
      %sub3A_290 = arith.constant 127 : i32
      %sub3A_291 = vector.broadcast %sub3A_290 : i32 to vector<16xi32>
      %sub3A_292 = arith.subi %shift_right_arithmetic3A_289, %sub3A_291 : vector<16xi32>
      %and3A = arith.constant 8388607 : i32
      %and3A_293 = vector.broadcast %and3A : i32 to vector<16xi32>
      %and3A_294 = arith.andi %bitcast3A, %and3A_293 : vector<16xi32>
      %or3A = arith.constant 1065353216 : i32
      %or3A_295 = vector.broadcast %or3A : i32 to vector<16xi32>
      %or3A_296 = arith.ori %and3A_294, %or3A_295 : vector<16xi32>
      %bitcast3A_297 = vector.bitcast %or3A_296 : vector<16xi32> to vector<16xf32>
      %gt3A = arith.constant 1.41421354 : f32
      %gt3A_298 = vector.broadcast %gt3A : f32 to vector<16xf32>
      %gt3A_299 = arith.cmpf ogt, %bitcast3A_297, %gt3A_298 : vector<16xf32>
      %mul3A_300 = arith.constant 5.000000e-01 : f32
      %mul3A_301 = vector.broadcast %mul3A_300 : f32 to vector<16xf32>
      %mul3A_302 = arith.mulf %bitcast3A_297, %mul3A_301 : vector<16xf32>
      %select_n3A_303 = arith.select %gt3A_299, %mul3A_302, %bitcast3A_297 : vector<16xi1>, vector<16xf32>
      %add3A_304 = arith.constant 1 : i32
      %add3A_305 = vector.broadcast %add3A_304 : i32 to vector<16xi32>
      %add3A_306 = arith.addi %sub3A_292, %add3A_305 : vector<16xi32>
      %select_n3A_307 = arith.select %gt3A_299, %add3A_306, %sub3A_292 : vector<16xi1>, vector<16xi32>
      %sub3A_308 = arith.constant 1.000000e+00 : f32
      %sub3A_309 = vector.broadcast %sub3A_308 : f32 to vector<16xf32>
      %sub3A_310 = arith.subf %select_n3A_303, %sub3A_309 : vector<16xf32>
      %add3A_311 = arith.constant 1.000000e+00 : f32
      %add3A_312 = vector.broadcast %add3A_311 : f32 to vector<16xf32>
      %add3A_313 = arith.addf %select_n3A_303, %add3A_312 : vector<16xf32>
      %div3A_314 = arith.divf %sub3A_310, %add3A_313 : vector<16xf32>
      %mul3A_315 = arith.mulf %div3A_314, %div3A_314 : vector<16xf32>
      %mul3A_316 = arith.constant 0.222222224 : f32
      %mul3A_317 = vector.broadcast %mul3A_316 : f32 to vector<16xf32>
      %mul3A_318 = arith.mulf %mul3A_315, %mul3A_317 : vector<16xf32>
      %add3A_319 = arith.constant 0.285714298 : f32
      %add3A_320 = vector.broadcast %add3A_319 : f32 to vector<16xf32>
      %add3A_321 = arith.addf %add3A_320, %mul3A_318 : vector<16xf32>
      %mul3A_322 = arith.mulf %mul3A_315, %add3A_321 : vector<16xf32>
      %add3A_323 = arith.constant 4.000000e-01 : f32
      %add3A_324 = vector.broadcast %add3A_323 : f32 to vector<16xf32>
      %add3A_325 = arith.addf %add3A_324, %mul3A_322 : vector<16xf32>
      %mul3A_326 = arith.mulf %mul3A_315, %add3A_325 : vector<16xf32>
      %add3A_327 = arith.constant 0.666666686 : f32
      %add3A_328 = vector.broadcast %add3A_327 : f32 to vector<16xf32>
      %add3A_329 = arith.addf %add3A_328, %mul3A_326 : vector<16xf32>
      %mul3A_330 = arith.mulf %mul3A_315, %add3A_329 : vector<16xf32>
      %add3A_331 = arith.constant 2.000000e+00 : f32
      %add3A_332 = vector.broadcast %add3A_331 : f32 to vector<16xf32>
      %add3A_333 = arith.addf %add3A_332, %mul3A_330 : vector<16xf32>
      %mul3A_334 = arith.mulf %div3A_314, %add3A_333 : vector<16xf32>
      %convert_element_type3A = arith.sitofp %select_n3A_307 : vector<16xi32> to vector<16xf32>
      %mul3A_335 = arith.constant 0.693147182 : f32
      %mul3A_336 = vector.broadcast %mul3A_335 : f32 to vector<16xf32>
      %mul3A_337 = arith.mulf %convert_element_type3A, %mul3A_336 : vector<16xf32>
      %add3A_338 = arith.addf %mul3A_337, %mul3A_334 : vector<16xf32>
      %swap3A_339 = arith.index_cast %add3A_278 : i32 to index
      %swap3A_340 = tpu.vector_load %arg31[%swap3A_339] {strides = array<i32>} : memref<640xf32, #tpu.memory_space<vmem>>, vector<16xf32>,
      tpu.vector_store %arg31[%swap3A_339], %add3A_338 {strides = array<i32>} : memref<640xf32, #tpu.memory_space<vmem>>, vector<16xf32>,
      %div3A_341 = arith.divf %add3A_244, %add3A_260 : vector<16xf32>
      %bitcast3A_342 = vector.bitcast %div3A_341 : vector<16xf32> to vector<16xi32>
      %shift_right_arithmetic3A_343 = arith.constant 23 : i32
      %shift_right_arithmetic3A_344 = vector.broadcast %shift_right_arithmetic3A_343 : i32 to vector<16xi32>
      %shift_right_arithmetic3A_345 = arith.shrsi %bitcast3A_342, %shift_right_arithmetic3A_344 : vector<16xi32>
      %sub3A_346 = arith.constant 127 : i32
      %sub3A_347 = vector.broadcast %sub3A_346 : i32 to vector<16xi32>
      %sub3A_348 = arith.subi %shift_right_arithmetic3A_345, %sub3A_347 : vector<16xi32>
      %and3A_349 = arith.constant 8388607 : i32
      %and3A_350 = vector.broadcast %and3A_349 : i32 to vector<16xi32>
      %and3A_351 = arith.andi %bitcast3A_342, %and3A_350 : vector<16xi32>
      %or3A_352 = arith.constant 1065353216 : i32
      %or3A_353 = vector.broadcast %or3A_352 : i32 to vector<16xi32>
      %or3A_354 = arith.ori %and3A_351, %or3A_353 : vector<16xi32>
      %bitcast3A_355 = vector.bitcast %or3A_354 : vector<16xi32> to vector<16xf32>
      %gt3A_356 = arith.constant 1.41421354 : f32
      %gt3A_357 = vector.broadcast %gt3A_356 : f32 to vector<16xf32>
      %gt3A_358 = arith.cmpf ogt, %bitcast3A_355, %gt3A_357 : vector<16xf32>
      %mul3A_359 = arith.constant 5.000000e-01 : f32
      %mul3A_360 = vector.broadcast %mul3A_359 : f32 to vector<16xf32>
      %mul3A_361 = arith.mulf %bitcast3A_355, %mul3A_360 : vector<16xf32>
      %select_n3A_362 = arith.select %gt3A_358, %mul3A_361, %bitcast3A_355 : vector<16xi1>, vector<16xf32>
      %add3A_363 = arith.constant 1 : i32
      %add3A_364 = vector.broadcast %add3A_363 : i32 to vector<16xi32>
      %add3A_365 = arith.addi %sub3A_348, %add3A_364 : vector<16xi32>
      %select_n3A_366 = arith.select %gt3A_358, %add3A_365, %sub3A_348 : vector<16xi1>, vector<16xi32>
      %sub3A_367 = arith.constant 1.000000e+00 : f32
      %sub3A_368 = vector.broadcast %sub3A_367 : f32 to vector<16xf32>
      %sub3A_369 = arith.subf %select_n3A_362, %sub3A_368 : vector<16xf32>
      %add3A_370 = arith.constant 1.000000e+00 : f32
      %add3A_371 = vector.broadcast %add3A_370 : f32 to vector<16xf32>
      %add3A_372 = arith.addf %select_n3A_362, %add3A_371 : vector<16xf32>
      %div3A_373 = arith.divf %sub3A_369, %add3A_372 : vector<16xf32>
      %mul3A_374 = arith.mulf %div3A_373, %div3A_373 : vector<16xf32>
      %mul3A_375 = arith.constant 0.222222224 : f32
      %mul3A_376 = vector.broadcast %mul3A_375 : f32 to vector<16xf32>
      %mul3A_377 = arith.mulf %mul3A_374, %mul3A_376 : vector<16xf32>
      %add3A_378 = arith.constant 0.285714298 : f32
      %add3A_379 = vector.broadcast %add3A_378 : f32 to vector<16xf32>
      %add3A_380 = arith.addf %add3A_379, %mul3A_377 : vector<16xf32>
      %mul3A_381 = arith.mulf %mul3A_374, %add3A_380 : vector<16xf32>
      %add3A_382 = arith.constant 4.000000e-01 : f32
      %add3A_383 = vector.broadcast %add3A_382 : f32 to vector<16xf32>
      %add3A_384 = arith.addf %add3A_383, %mul3A_381 : vector<16xf32>
      %mul3A_385 = arith.mulf %mul3A_374, %add3A_384 : vector<16xf32>
      %add3A_386 = arith.constant 0.666666686 : f32
      %add3A_387 = vector.broadcast %add3A_386 : f32 to vector<16xf32>
      %add3A_388 = arith.addf %add3A_387, %mul3A_385 : vector<16xf32>
      %mul3A_389 = arith.mulf %mul3A_374, %add3A_388 : vector<16xf32>
      %add3A_390 = arith.constant 2.000000e+00 : f32
      %add3A_391 = vector.broadcast %add3A_390 : f32 to vector<16xf32>
      %add3A_392 = arith.addf %add3A_391, %mul3A_389 : vector<16xf32>
      %mul3A_393 = arith.mulf %div3A_373, %add3A_392 : vector<16xf32>
      %convert_element_type3A_394 = arith.sitofp %select_n3A_366 : vector<16xi32> to vector<16xf32>
      %mul3A_395 = arith.constant 0.693147182 : f32
      %mul3A_396 = vector.broadcast %mul3A_395 : f32 to vector<16xf32>
      %mul3A_397 = arith.mulf %convert_element_type3A_394, %mul3A_396 : vector<16xf32>
      %add3A_398 = arith.addf %mul3A_397, %mul3A_393 : vector<16xf32>
      %swap3A_399 = arith.index_cast %add3A_278 : i32 to index
      %swap3A_400 = tpu.vector_load %arg32[%swap3A_399] {strides = array<i32>} : memref<640xf32, #tpu.memory_space<vmem>>, vector<16xf32>,
      tpu.vector_store %arg32[%swap3A_399], %add3A_398 {strides = array<i32>} : memref<640xf32, #tpu.memory_space<vmem>>, vector<16xf32>,
      %gather3A_401 = tpu.vector_load_idx %arg20[%scan3A_231#6] : memref<128xf32, #tpu.memory_space<vmem>>[vector<16xi32>], vector<16xf32>,
      %gather3A_402 = tpu.vector_load_idx %arg21[%scan3A_231#6] : memref<128xf32, #tpu.memory_space<vmem>>[vector<16xi32>], vector<16xf32>,
      %gather3A_403 = tpu.vector_load_idx %arg22[%scan3A_231#6] : memref<128xf32, #tpu.memory_space<vmem>>[vector<16xi32>], vector<16xf32>,
      %gather3A_404 = tpu.vector_load_idx %arg23[%scan3A_231#6] : memref<128xf32, #tpu.memory_space<vmem>>[vector<16xi32>], vector<16xf32>,
      %gather3A_405 = tpu.vector_load_idx %arg24[%scan3A_231#6] : memref<128xf32, #tpu.memory_space<vmem>>[vector<16xi32>], vector<16xf32>,
      %sub3A_406 = arith.subf %gather3A_403, %gather3A_401 : vector<16xf32>
      %add3A_407 = arith.constant 1.000000e+00 : f32
      %add3A_408 = vector.broadcast %add3A_407 : f32 to vector<16xf32>
      %add3A_409 = arith.addf %sub3A_406, %add3A_408 : vector<16xf32>
      %sub3A_410 = arith.subf %gather3A_404, %gather3A_402 : vector<16xf32>
      %add3A_411 = arith.constant 1.000000e+00 : f32
      %add3A_412 = vector.broadcast %add3A_411 : f32 to vector<16xf32>
      %add3A_413 = arith.addf %sub3A_410, %add3A_412 : vector<16xf32>
      %mul3A_414 = arith.constant 5.000000e-01 : f32
      %mul3A_415 = vector.broadcast %mul3A_414 : f32 to vector<16xf32>
      %mul3A_416 = arith.mulf %mul3A_415, %add3A_409 : vector<16xf32>
      %add3A_417 = arith.addf %gather3A_401, %mul3A_416 : vector<16xf32>
      %mul3A_418 = arith.constant 5.000000e-01 : f32
      %mul3A_419 = vector.broadcast %mul3A_418 : f32 to vector<16xf32>
      %mul3A_420 = arith.mulf %mul3A_419, %add3A_413 : vector<16xf32>
      %add3A_421 = arith.addf %gather3A_402, %mul3A_420 : vector<16xf32>
      %sub3A_422 = arith.subf %get3A_101, %get3A_61 : vector<16xf32>
      %add3A_423 = arith.constant 1.000000e+00 : f32
      %add3A_424 = vector.broadcast %add3A_423 : f32 to vector<16xf32>
      %add3A_425 = arith.addf %sub3A_422, %add3A_424 : vector<16xf32>
      %sub3A_426 = arith.subf %get3A_121, %get3A_81 : vector<16xf32>
      %add3A_427 = arith.constant 1.000000e+00 : f32
      %add3A_428 = vector.broadcast %add3A_427 : f32 to vector<16xf32>
      %add3A_429 = arith.addf %sub3A_426, %add3A_428 : vector<16xf32>
      %mul3A_430 = arith.constant 5.000000e-01 : f32
      %mul3A_431 = vector.broadcast %mul3A_430 : f32 to vector<16xf32>
      %mul3A_432 = arith.mulf %mul3A_431, %add3A_425 : vector<16xf32>
      %add3A_433 = arith.addf %get3A_61, %mul3A_432 : vector<16xf32>
      %mul3A_434 = arith.constant 5.000000e-01 : f32
      %mul3A_435 = vector.broadcast %mul3A_434 : f32 to vector<16xf32>
      %mul3A_436 = arith.mulf %mul3A_435, %add3A_429 : vector<16xf32>
      %add3A_437 = arith.addf %get3A_81, %mul3A_436 : vector<16xf32>
      %ge3A_438 = arith.constant 5.000000e-01 : f32
      %ge3A_439 = vector.broadcast %ge3A_438 : f32 to vector<16xf32>
      %ge3A_440 = arith.cmpf oge, %scan3A_231#1, %ge3A_439 : vector<16xf32>
      %lt3A_441 = arith.constant 4.000000e-01 : f32
      %lt3A_442 = vector.broadcast %lt3A_441 : f32 to vector<16xf32>
      %lt3A_443 = arith.cmpf olt, %scan3A_231#1, %lt3A_442 : vector<16xf32>
      %jit3A_444 = arith.constant 0.000000e+00 : f32
      %jit3A_445 = arith.constant -1.000000e+00 : f32
      %broadcast_in_dim3A_446 = vector.broadcast %jit3A_444 : f32 to vector<16xf32>
      %broadcast_in_dim3A_447 = vector.broadcast %jit3A_445 : f32 to vector<16xf32>
      %select_n3A_448 = arith.select %lt3A_443, %broadcast_in_dim3A_446, %broadcast_in_dim3A_447 : vector<16xi1>, vector<16xf32>
      %select_n3A_449 = arith.select %ge3A_440, %gather3A_405, %select_n3A_448 : vector<16xi1>, vector<16xf32>
      %add3A_450 = arith.constant 16 : i32
      %add3A_451 = arith.addi %mul3A_54, %add3A_450 : i32
      %swap3A_452 = arith.index_cast %add3A_451 : i32 to index
      %swap3A_453 = tpu.vector_load %arg28[%swap3A_452] {strides = array<i32>} : memref<640xf32, #tpu.memory_space<vmem>>, vector<16xf32>,
      tpu.vector_store %arg28[%swap3A_452], %select_n3A_449 {strides = array<i32>} : memref<640xf32, #tpu.memory_space<vmem>>, vector<16xf32>,
      %sub3A_454 = arith.subf %add3A_417, %add3A_433 : vector<16xf32>
      %div3A_455 = arith.divf %sub3A_454, %add3A_425 : vector<16xf32>
      %swap3A_456 = arith.index_cast %add3A_451 : i32 to index
      %swap3A_457 = tpu.vector_load %arg29[%swap3A_456] {strides = array<i32>} : memref<640xf32, #tpu.memory_space<vmem>>, vector<16xf32>,
      tpu.vector_store %arg29[%swap3A_456], %div3A_455 {strides = array<i32>} : memref<640xf32, #tpu.memory_space<vmem>>, vector<16xf32>,
      %sub3A_458 = arith.subf %add3A_421, %add3A_437 : vector<16xf32>
      %div3A_459 = arith.divf %sub3A_458, %add3A_429 : vector<16xf32>
      %swap3A_460 = arith.index_cast %add3A_451 : i32 to index
      %swap3A_461 = tpu.vector_load %arg30[%swap3A_460] {strides = array<i32>} : memref<640xf32, #tpu.memory_space<vmem>>, vector<16xf32>,
      tpu.vector_store %arg30[%swap3A_460], %div3A_459 {strides = array<i32>} : memref<640xf32, #tpu.memory_space<vmem>>, vector<16xf32>,
      %div3A_462 = arith.divf %add3A_409, %add3A_425 : vector<16xf32>
      %bitcast3A_463 = vector.bitcast %div3A_462 : vector<16xf32> to vector<16xi32>
      %shift_right_arithmetic3A_464 = arith.constant 23 : i32
      %shift_right_arithmetic3A_465 = vector.broadcast %shift_right_arithmetic3A_464 : i32 to vector<16xi32>
      %shift_right_arithmetic3A_466 = arith.shrsi %bitcast3A_463, %shift_right_arithmetic3A_465 : vector<16xi32>
      %sub3A_467 = arith.constant 127 : i32
      %sub3A_468 = vector.broadcast %sub3A_467 : i32 to vector<16xi32>
      %sub3A_469 = arith.subi %shift_right_arithmetic3A_466, %sub3A_468 : vector<16xi32>
      %and3A_470 = arith.constant 8388607 : i32
      %and3A_471 = vector.broadcast %and3A_470 : i32 to vector<16xi32>
      %and3A_472 = arith.andi %bitcast3A_463, %and3A_471 : vector<16xi32>
      %or3A_473 = arith.constant 1065353216 : i32
      %or3A_474 = vector.broadcast %or3A_473 : i32 to vector<16xi32>
      %or3A_475 = arith.ori %and3A_472, %or3A_474 : vector<16xi32>
      %bitcast3A_476 = vector.bitcast %or3A_475 : vector<16xi32> to vector<16xf32>
      %gt3A_477 = arith.constant 1.41421354 : f32
      %gt3A_478 = vector.broadcast %gt3A_477 : f32 to vector<16xf32>
      %gt3A_479 = arith.cmpf ogt, %bitcast3A_476, %gt3A_478 : vector<16xf32>
      %mul3A_480 = arith.constant 5.000000e-01 : f32
      %mul3A_481 = vector.broadcast %mul3A_480 : f32 to vector<16xf32>
      %mul3A_482 = arith.mulf %bitcast3A_476, %mul3A_481 : vector<16xf32>
      %select_n3A_483 = arith.select %gt3A_479, %mul3A_482, %bitcast3A_476 : vector<16xi1>, vector<16xf32>
      %add3A_484 = arith.constant 1 : i32
      %add3A_485 = vector.broadcast %add3A_484 : i32 to vector<16xi32>
      %add3A_486 = arith.addi %sub3A_469, %add3A_485 : vector<16xi32>
      %select_n3A_487 = arith.select %gt3A_479, %add3A_486, %sub3A_469 : vector<16xi1>, vector<16xi32>
      %sub3A_488 = arith.constant 1.000000e+00 : f32
      %sub3A_489 = vector.broadcast %sub3A_488 : f32 to vector<16xf32>
      %sub3A_490 = arith.subf %select_n3A_483, %sub3A_489 : vector<16xf32>
      %add3A_491 = arith.constant 1.000000e+00 : f32
      %add3A_492 = vector.broadcast %add3A_491 : f32 to vector<16xf32>
      %add3A_493 = arith.addf %select_n3A_483, %add3A_492 : vector<16xf32>
      %div3A_494 = arith.divf %sub3A_490, %add3A_493 : vector<16xf32>
      %mul3A_495 = arith.mulf %div3A_494, %div3A_494 : vector<16xf32>
      %mul3A_496 = arith.constant 0.222222224 : f32
      %mul3A_497 = vector.broadcast %mul3A_496 : f32 to vector<16xf32>
      %mul3A_498 = arith.mulf %mul3A_495, %mul3A_497 : vector<16xf32>
      %add3A_499 = arith.constant 0.285714298 : f32
      %add3A_500 = vector.broadcast %add3A_499 : f32 to vector<16xf32>
      %add3A_501 = arith.addf %add3A_500, %mul3A_498 : vector<16xf32>
      %mul3A_502 = arith.mulf %mul3A_495, %add3A_501 : vector<16xf32>
      %add3A_503 = arith.constant 4.000000e-01 : f32
      %add3A_504 = vector.broadcast %add3A_503 : f32 to vector<16xf32>
      %add3A_505 = arith.addf %add3A_504, %mul3A_502 : vector<16xf32>
      %mul3A_506 = arith.mulf %mul3A_495, %add3A_505 : vector<16xf32>
      %add3A_507 = arith.constant 0.666666686 : f32
      %add3A_508 = vector.broadcast %add3A_507 : f32 to vector<16xf32>
      %add3A_509 = arith.addf %add3A_508, %mul3A_506 : vector<16xf32>
      %mul3A_510 = arith.mulf %mul3A_495, %add3A_509 : vector<16xf32>
      %add3A_511 = arith.constant 2.000000e+00 : f32
      %add3A_512 = vector.broadcast %add3A_511 : f32 to vector<16xf32>
      %add3A_513 = arith.addf %add3A_512, %mul3A_510 : vector<16xf32>
      %mul3A_514 = arith.mulf %div3A_494, %add3A_513 : vector<16xf32>
      %convert_element_type3A_515 = arith.sitofp %select_n3A_487 : vector<16xi32> to vector<16xf32>
      %mul3A_516 = arith.constant 0.693147182 : f32
      %mul3A_517 = vector.broadcast %mul3A_516 : f32 to vector<16xf32>
      %mul3A_518 = arith.mulf %convert_element_type3A_515, %mul3A_517 : vector<16xf32>
      %add3A_519 = arith.addf %mul3A_518, %mul3A_514 : vector<16xf32>
      %swap3A_520 = arith.index_cast %add3A_451 : i32 to index
      %swap3A_521 = tpu.vector_load %arg31[%swap3A_520] {strides = array<i32>} : memref<640xf32, #tpu.memory_space<vmem>>, vector<16xf32>,
      tpu.vector_store %arg31[%swap3A_520], %add3A_519 {strides = array<i32>} : memref<640xf32, #tpu.memory_space<vmem>>, vector<16xf32>,
      %div3A_522 = arith.divf %add3A_413, %add3A_429 : vector<16xf32>
      %bitcast3A_523 = vector.bitcast %div3A_522 : vector<16xf32> to vector<16xi32>
      %shift_right_arithmetic3A_524 = arith.constant 23 : i32
      %shift_right_arithmetic3A_525 = vector.broadcast %shift_right_arithmetic3A_524 : i32 to vector<16xi32>
      %shift_right_arithmetic3A_526 = arith.shrsi %bitcast3A_523, %shift_right_arithmetic3A_525 : vector<16xi32>
      %sub3A_527 = arith.constant 127 : i32
      %sub3A_528 = vector.broadcast %sub3A_527 : i32 to vector<16xi32>
      %sub3A_529 = arith.subi %shift_right_arithmetic3A_526, %sub3A_528 : vector<16xi32>
      %and3A_530 = arith.constant 8388607 : i32
      %and3A_531 = vector.broadcast %and3A_530 : i32 to vector<16xi32>
      %and3A_532 = arith.andi %bitcast3A_523, %and3A_531 : vector<16xi32>
      %or3A_533 = arith.constant 1065353216 : i32
      %or3A_534 = vector.broadcast %or3A_533 : i32 to vector<16xi32>
      %or3A_535 = arith.ori %and3A_532, %or3A_534 : vector<16xi32>
      %bitcast3A_536 = vector.bitcast %or3A_535 : vector<16xi32> to vector<16xf32>
      %gt3A_537 = arith.constant 1.41421354 : f32
      %gt3A_538 = vector.broadcast %gt3A_537 : f32 to vector<16xf32>
      %gt3A_539 = arith.cmpf ogt, %bitcast3A_536, %gt3A_538 : vector<16xf32>
      %mul3A_540 = arith.constant 5.000000e-01 : f32
      %mul3A_541 = vector.broadcast %mul3A_540 : f32 to vector<16xf32>
      %mul3A_542 = arith.mulf %bitcast3A_536, %mul3A_541 : vector<16xf32>
      %select_n3A_543 = arith.select %gt3A_539, %mul3A_542, %bitcast3A_536 : vector<16xi1>, vector<16xf32>
      %add3A_544 = arith.constant 1 : i32
      %add3A_545 = vector.broadcast %add3A_544 : i32 to vector<16xi32>
      %add3A_546 = arith.addi %sub3A_529, %add3A_545 : vector<16xi32>
      %select_n3A_547 = arith.select %gt3A_539, %add3A_546, %sub3A_529 : vector<16xi1>, vector<16xi32>
      %sub3A_548 = arith.constant 1.000000e+00 : f32
      %sub3A_549 = vector.broadcast %sub3A_548 : f32 to vector<16xf32>
      %sub3A_550 = arith.subf %select_n3A_543, %sub3A_549 : vector<16xf32>
      %add3A_551 = arith.constant 1.000000e+00 : f32
      %add3A_552 = vector.broadcast %add3A_551 : f32 to vector<16xf32>
      %add3A_553 = arith.addf %select_n3A_543, %add3A_552 : vector<16xf32>
      %div3A_554 = arith.divf %sub3A_550, %add3A_553 : vector<16xf32>
      %mul3A_555 = arith.mulf %div3A_554, %div3A_554 : vector<16xf32>
      %mul3A_556 = arith.constant 0.222222224 : f32
      %mul3A_557 = vector.broadcast %mul3A_556 : f32 to vector<16xf32>
      %mul3A_558 = arith.mulf %mul3A_555, %mul3A_557 : vector<16xf32>
      %add3A_559 = arith.constant 0.285714298 : f32
      %add3A_560 = vector.broadcast %add3A_559 : f32 to vector<16xf32>
      %add3A_561 = arith.addf %add3A_560, %mul3A_558 : vector<16xf32>
      %mul3A_562 = arith.mulf %mul3A_555, %add3A_561 : vector<16xf32>
      %add3A_563 = arith.constant 4.000000e-01 : f32
      %add3A_564 = vector.broadcast %add3A_563 : f32 to vector<16xf32>
      %add3A_565 = arith.addf %add3A_564, %mul3A_562 : vector<16xf32>
      %mul3A_566 = arith.mulf %mul3A_555, %add3A_565 : vector<16xf32>
      %add3A_567 = arith.constant 0.666666686 : f32
      %add3A_568 = vector.broadcast %add3A_567 : f32 to vector<16xf32>
      %add3A_569 = arith.addf %add3A_568, %mul3A_566 : vector<16xf32>
      %mul3A_570 = arith.mulf %mul3A_555, %add3A_569 : vector<16xf32>
      %add3A_571 = arith.constant 2.000000e+00 : f32
      %add3A_572 = vector.broadcast %add3A_571 : f32 to vector<16xf32>
      %add3A_573 = arith.addf %add3A_572, %mul3A_570 : vector<16xf32>
      %mul3A_574 = arith.mulf %div3A_554, %add3A_573 : vector<16xf32>
      %convert_element_type3A_575 = arith.sitofp %select_n3A_547 : vector<16xi32> to vector<16xf32>
      %mul3A_576 = arith.constant 0.693147182 : f32
      %mul3A_577 = vector.broadcast %mul3A_576 : f32 to vector<16xf32>
      %mul3A_578 = arith.mulf %convert_element_type3A_575, %mul3A_577 : vector<16xf32>
      %add3A_579 = arith.addf %mul3A_578, %mul3A_574 : vector<16xf32>
      %swap3A_580 = arith.index_cast %add3A_451 : i32 to index
      %swap3A_581 = tpu.vector_load %arg32[%swap3A_580] {strides = array<i32>} : memref<640xf32, #tpu.memory_space<vmem>>, vector<16xf32>,
      tpu.vector_store %arg32[%swap3A_580], %add3A_579 {strides = array<i32>} : memref<640xf32, #tpu.memory_space<vmem>>, vector<16xf32>,
      %gather3A_582 = tpu.vector_load_idx %arg20[%scan3A_231#7] : memref<128xf32, #tpu.memory_space<vmem>>[vector<16xi32>], vector<16xf32>,
      %gather3A_583 = tpu.vector_load_idx %arg21[%scan3A_231#7] : memref<128xf32, #tpu.memory_space<vmem>>[vector<16xi32>], vector<16xf32>,
      %gather3A_584 = tpu.vector_load_idx %arg22[%scan3A_231#7] : memref<128xf32, #tpu.memory_space<vmem>>[vector<16xi32>], vector<16xf32>,
      %gather3A_585 = tpu.vector_load_idx %arg23[%scan3A_231#7] : memref<128xf32, #tpu.memory_space<vmem>>[vector<16xi32>], vector<16xf32>,
      %gather3A_586 = tpu.vector_load_idx %arg24[%scan3A_231#7] : memref<128xf32, #tpu.memory_space<vmem>>[vector<16xi32>], vector<16xf32>,
      %sub3A_587 = arith.subf %gather3A_584, %gather3A_582 : vector<16xf32>
      %add3A_588 = arith.constant 1.000000e+00 : f32
      %add3A_589 = vector.broadcast %add3A_588 : f32 to vector<16xf32>
      %add3A_590 = arith.addf %sub3A_587, %add3A_589 : vector<16xf32>
      %sub3A_591 = arith.subf %gather3A_585, %gather3A_583 : vector<16xf32>
      %add3A_592 = arith.constant 1.000000e+00 : f32
      %add3A_593 = vector.broadcast %add3A_592 : f32 to vector<16xf32>
      %add3A_594 = arith.addf %sub3A_591, %add3A_593 : vector<16xf32>
      %mul3A_595 = arith.constant 5.000000e-01 : f32
      %mul3A_596 = vector.broadcast %mul3A_595 : f32 to vector<16xf32>
      %mul3A_597 = arith.mulf %mul3A_596, %add3A_590 : vector<16xf32>
      %add3A_598 = arith.addf %gather3A_582, %mul3A_597 : vector<16xf32>
      %mul3A_599 = arith.constant 5.000000e-01 : f32
      %mul3A_600 = vector.broadcast %mul3A_599 : f32 to vector<16xf32>
      %mul3A_601 = arith.mulf %mul3A_600, %add3A_594 : vector<16xf32>
      %add3A_602 = arith.addf %gather3A_583, %mul3A_601 : vector<16xf32>
      %sub3A_603 = arith.subf %get3A_105, %get3A_65 : vector<16xf32>
      %add3A_604 = arith.constant 1.000000e+00 : f32
      %add3A_605 = vector.broadcast %add3A_604 : f32 to vector<16xf32>
      %add3A_606 = arith.addf %sub3A_603, %add3A_605 : vector<16xf32>
      %sub3A_607 = arith.subf %get3A_125, %get3A_85 : vector<16xf32>
      %add3A_608 = arith.constant 1.000000e+00 : f32
      %add3A_609 = vector.broadcast %add3A_608 : f32 to vector<16xf32>
      %add3A_610 = arith.addf %sub3A_607, %add3A_609 : vector<16xf32>
      %mul3A_611 = arith.constant 5.000000e-01 : f32
      %mul3A_612 = vector.broadcast %mul3A_611 : f32 to vector<16xf32>
      %mul3A_613 = arith.mulf %mul3A_612, %add3A_606 : vector<16xf32>
      %add3A_614 = arith.addf %get3A_65, %mul3A_613 : vector<16xf32>
      %mul3A_615 = arith.constant 5.000000e-01 : f32
      %mul3A_616 = vector.broadcast %mul3A_615 : f32 to vector<16xf32>
      %mul3A_617 = arith.mulf %mul3A_616, %add3A_610 : vector<16xf32>
      %add3A_618 = arith.addf %get3A_85, %mul3A_617 : vector<16xf32>
      %ge3A_619 = arith.constant 5.000000e-01 : f32
      %ge3A_620 = vector.broadcast %ge3A_619 : f32 to vector<16xf32>
      %ge3A_621 = arith.cmpf oge, %scan3A_231#2, %ge3A_620 : vector<16xf32>
      %lt3A_622 = arith.constant 4.000000e-01 : f32
      %lt3A_623 = vector.broadcast %lt3A_622 : f32 to vector<16xf32>
      %lt3A_624 = arith.cmpf olt, %scan3A_231#2, %lt3A_623 : vector<16xf32>
      %jit3A_625 = arith.constant 0.000000e+00 : f32
      %jit3A_626 = arith.constant -1.000000e+00 : f32
      %broadcast_in_dim3A_627 = vector.broadcast %jit3A_625 : f32 to vector<16xf32>
      %broadcast_in_dim3A_628 = vector.broadcast %jit3A_626 : f32 to vector<16xf32>
      %select_n3A_629 = arith.select %lt3A_624, %broadcast_in_dim3A_627, %broadcast_in_dim3A_628 : vector<16xi1>, vector<16xf32>
      %select_n3A_630 = arith.select %ge3A_621, %gather3A_586, %select_n3A_629 : vector<16xi1>, vector<16xf32>
      %add3A_631 = arith.constant 32 : i32
      %add3A_632 = arith.addi %mul3A_54, %add3A_631 : i32
      %swap3A_633 = arith.index_cast %add3A_632 : i32 to index
      %swap3A_634 = tpu.vector_load %arg28[%swap3A_633] {strides = array<i32>} : memref<640xf32, #tpu.memory_space<vmem>>, vector<16xf32>,
      tpu.vector_store %arg28[%swap3A_633], %select_n3A_630 {strides = array<i32>} : memref<640xf32, #tpu.memory_space<vmem>>, vector<16xf32>,
      %sub3A_635 = arith.subf %add3A_598, %add3A_614 : vector<16xf32>
      %div3A_636 = arith.divf %sub3A_635, %add3A_606 : vector<16xf32>
      %swap3A_637 = arith.index_cast %add3A_632 : i32 to index
      %swap3A_638 = tpu.vector_load %arg29[%swap3A_637] {strides = array<i32>} : memref<640xf32, #tpu.memory_space<vmem>>, vector<16xf32>,
      tpu.vector_store %arg29[%swap3A_637], %div3A_636 {strides = array<i32>} : memref<640xf32, #tpu.memory_space<vmem>>, vector<16xf32>,
      %sub3A_639 = arith.subf %add3A_602, %add3A_618 : vector<16xf32>
      %div3A_640 = arith.divf %sub3A_639, %add3A_610 : vector<16xf32>
      %swap3A_641 = arith.index_cast %add3A_632 : i32 to index
      %swap3A_642 = tpu.vector_load %arg30[%swap3A_641] {strides = array<i32>} : memref<640xf32, #tpu.memory_space<vmem>>, vector<16xf32>,
      tpu.vector_store %arg30[%swap3A_641], %div3A_640 {strides = array<i32>} : memref<640xf32, #tpu.memory_space<vmem>>, vector<16xf32>,
      %div3A_643 = arith.divf %add3A_590, %add3A_606 : vector<16xf32>
      %bitcast3A_644 = vector.bitcast %div3A_643 : vector<16xf32> to vector<16xi32>
      %shift_right_arithmetic3A_645 = arith.constant 23 : i32
      %shift_right_arithmetic3A_646 = vector.broadcast %shift_right_arithmetic3A_645 : i32 to vector<16xi32>
      %shift_right_arithmetic3A_647 = arith.shrsi %bitcast3A_644, %shift_right_arithmetic3A_646 : vector<16xi32>
      %sub3A_648 = arith.constant 127 : i32
      %sub3A_649 = vector.broadcast %sub3A_648 : i32 to vector<16xi32>
      %sub3A_650 = arith.subi %shift_right_arithmetic3A_647, %sub3A_649 : vector<16xi32>
      %and3A_651 = arith.constant 8388607 : i32
      %and3A_652 = vector.broadcast %and3A_651 : i32 to vector<16xi32>
      %and3A_653 = arith.andi %bitcast3A_644, %and3A_652 : vector<16xi32>
      %or3A_654 = arith.constant 1065353216 : i32
      %or3A_655 = vector.broadcast %or3A_654 : i32 to vector<16xi32>
      %or3A_656 = arith.ori %and3A_653, %or3A_655 : vector<16xi32>
      %bitcast3A_657 = vector.bitcast %or3A_656 : vector<16xi32> to vector<16xf32>
      %gt3A_658 = arith.constant 1.41421354 : f32
      %gt3A_659 = vector.broadcast %gt3A_658 : f32 to vector<16xf32>
      %gt3A_660 = arith.cmpf ogt, %bitcast3A_657, %gt3A_659 : vector<16xf32>
      %mul3A_661 = arith.constant 5.000000e-01 : f32
      %mul3A_662 = vector.broadcast %mul3A_661 : f32 to vector<16xf32>
      %mul3A_663 = arith.mulf %bitcast3A_657, %mul3A_662 : vector<16xf32>
      %select_n3A_664 = arith.select %gt3A_660, %mul3A_663, %bitcast3A_657 : vector<16xi1>, vector<16xf32>
      %add3A_665 = arith.constant 1 : i32
      %add3A_666 = vector.broadcast %add3A_665 : i32 to vector<16xi32>
      %add3A_667 = arith.addi %sub3A_650, %add3A_666 : vector<16xi32>
      %select_n3A_668 = arith.select %gt3A_660, %add3A_667, %sub3A_650 : vector<16xi1>, vector<16xi32>
      %sub3A_669 = arith.constant 1.000000e+00 : f32
      %sub3A_670 = vector.broadcast %sub3A_669 : f32 to vector<16xf32>
      %sub3A_671 = arith.subf %select_n3A_664, %sub3A_670 : vector<16xf32>
      %add3A_672 = arith.constant 1.000000e+00 : f32
      %add3A_673 = vector.broadcast %add3A_672 : f32 to vector<16xf32>
      %add3A_674 = arith.addf %select_n3A_664, %add3A_673 : vector<16xf32>
      %div3A_675 = arith.divf %sub3A_671, %add3A_674 : vector<16xf32>
      %mul3A_676 = arith.mulf %div3A_675, %div3A_675 : vector<16xf32>
      %mul3A_677 = arith.constant 0.222222224 : f32
      %mul3A_678 = vector.broadcast %mul3A_677 : f32 to vector<16xf32>
      %mul3A_679 = arith.mulf %mul3A_676, %mul3A_678 : vector<16xf32>
      %add3A_680 = arith.constant 0.285714298 : f32
      %add3A_681 = vector.broadcast %add3A_680 : f32 to vector<16xf32>
      %add3A_682 = arith.addf %add3A_681, %mul3A_679 : vector<16xf32>
      %mul3A_683 = arith.mulf %mul3A_676, %add3A_682 : vector<16xf32>
      %add3A_684 = arith.constant 4.000000e-01 : f32
      %add3A_685 = vector.broadcast %add3A_684 : f32 to vector<16xf32>
      %add3A_686 = arith.addf %add3A_685, %mul3A_683 : vector<16xf32>
      %mul3A_687 = arith.mulf %mul3A_676, %add3A_686 : vector<16xf32>
      %add3A_688 = arith.constant 0.666666686 : f32
      %add3A_689 = vector.broadcast %add3A_688 : f32 to vector<16xf32>
      %add3A_690 = arith.addf %add3A_689, %mul3A_687 : vector<16xf32>
      %mul3A_691 = arith.mulf %mul3A_676, %add3A_690 : vector<16xf32>
      %add3A_692 = arith.constant 2.000000e+00 : f32
      %add3A_693 = vector.broadcast %add3A_692 : f32 to vector<16xf32>
      %add3A_694 = arith.addf %add3A_693, %mul3A_691 : vector<16xf32>
      %mul3A_695 = arith.mulf %div3A_675, %add3A_694 : vector<16xf32>
      %convert_element_type3A_696 = arith.sitofp %select_n3A_668 : vector<16xi32> to vector<16xf32>
      %mul3A_697 = arith.constant 0.693147182 : f32
      %mul3A_698 = vector.broadcast %mul3A_697 : f32 to vector<16xf32>
      %mul3A_699 = arith.mulf %convert_element_type3A_696, %mul3A_698 : vector<16xf32>
      %add3A_700 = arith.addf %mul3A_699, %mul3A_695 : vector<16xf32>
      %swap3A_701 = arith.index_cast %add3A_632 : i32 to index
      %swap3A_702 = tpu.vector_load %arg31[%swap3A_701] {strides = array<i32>} : memref<640xf32, #tpu.memory_space<vmem>>, vector<16xf32>,
      tpu.vector_store %arg31[%swap3A_701], %add3A_700 {strides = array<i32>} : memref<640xf32, #tpu.memory_space<vmem>>, vector<16xf32>,
      %div3A_703 = arith.divf %add3A_594, %add3A_610 : vector<16xf32>
      %bitcast3A_704 = vector.bitcast %div3A_703 : vector<16xf32> to vector<16xi32>
      %shift_right_arithmetic3A_705 = arith.constant 23 : i32
      %shift_right_arithmetic3A_706 = vector.broadcast %shift_right_arithmetic3A_705 : i32 to vector<16xi32>
      %shift_right_arithmetic3A_707 = arith.shrsi %bitcast3A_704, %shift_right_arithmetic3A_706 : vector<16xi32>
      %sub3A_708 = arith.constant 127 : i32
      %sub3A_709 = vector.broadcast %sub3A_708 : i32 to vector<16xi32>
      %sub3A_710 = arith.subi %shift_right_arithmetic3A_707, %sub3A_709 : vector<16xi32>
      %and3A_711 = arith.constant 8388607 : i32
      %and3A_712 = vector.broadcast %and3A_711 : i32 to vector<16xi32>
      %and3A_713 = arith.andi %bitcast3A_704, %and3A_712 : vector<16xi32>
      %or3A_714 = arith.constant 1065353216 : i32
      %or3A_715 = vector.broadcast %or3A_714 : i32 to vector<16xi32>
      %or3A_716 = arith.ori %and3A_713, %or3A_715 : vector<16xi32>
      %bitcast3A_717 = vector.bitcast %or3A_716 : vector<16xi32> to vector<16xf32>
      %gt3A_718 = arith.constant 1.41421354 : f32
      %gt3A_719 = vector.broadcast %gt3A_718 : f32 to vector<16xf32>
      %gt3A_720 = arith.cmpf ogt, %bitcast3A_717, %gt3A_719 : vector<16xf32>
      %mul3A_721 = arith.constant 5.000000e-01 : f32
      %mul3A_722 = vector.broadcast %mul3A_721 : f32 to vector<16xf32>
      %mul3A_723 = arith.mulf %bitcast3A_717, %mul3A_722 : vector<16xf32>
      %select_n3A_724 = arith.select %gt3A_720, %mul3A_723, %bitcast3A_717 : vector<16xi1>, vector<16xf32>
      %add3A_725 = arith.constant 1 : i32
      %add3A_726 = vector.broadcast %add3A_725 : i32 to vector<16xi32>
      %add3A_727 = arith.addi %sub3A_710, %add3A_726 : vector<16xi32>
      %select_n3A_728 = arith.select %gt3A_720, %add3A_727, %sub3A_710 : vector<16xi1>, vector<16xi32>
      %sub3A_729 = arith.constant 1.000000e+00 : f32
      %sub3A_730 = vector.broadcast %sub3A_729 : f32 to vector<16xf32>
      %sub3A_731 = arith.subf %select_n3A_724, %sub3A_730 : vector<16xf32>
      %add3A_732 = arith.constant 1.000000e+00 : f32
      %add3A_733 = vector.broadcast %add3A_732 : f32 to vector<16xf32>
      %add3A_734 = arith.addf %select_n3A_724, %add3A_733 : vector<16xf32>
      %div3A_735 = arith.divf %sub3A_731, %add3A_734 : vector<16xf32>
      %mul3A_736 = arith.mulf %div3A_735, %div3A_735 : vector<16xf32>
      %mul3A_737 = arith.constant 0.222222224 : f32
      %mul3A_738 = vector.broadcast %mul3A_737 : f32 to vector<16xf32>
      %mul3A_739 = arith.mulf %mul3A_736, %mul3A_738 : vector<16xf32>
      %add3A_740 = arith.constant 0.285714298 : f32
      %add3A_741 = vector.broadcast %add3A_740 : f32 to vector<16xf32>
      %add3A_742 = arith.addf %add3A_741, %mul3A_739 : vector<16xf32>
      %mul3A_743 = arith.mulf %mul3A_736, %add3A_742 : vector<16xf32>
      %add3A_744 = arith.constant 4.000000e-01 : f32
      %add3A_745 = vector.broadcast %add3A_744 : f32 to vector<16xf32>
      %add3A_746 = arith.addf %add3A_745, %mul3A_743 : vector<16xf32>
      %mul3A_747 = arith.mulf %mul3A_736, %add3A_746 : vector<16xf32>
      %add3A_748 = arith.constant 0.666666686 : f32
      %add3A_749 = vector.broadcast %add3A_748 : f32 to vector<16xf32>
      %add3A_750 = arith.addf %add3A_749, %mul3A_747 : vector<16xf32>
      %mul3A_751 = arith.mulf %mul3A_736, %add3A_750 : vector<16xf32>
      %add3A_752 = arith.constant 2.000000e+00 : f32
      %add3A_753 = vector.broadcast %add3A_752 : f32 to vector<16xf32>
      %add3A_754 = arith.addf %add3A_753, %mul3A_751 : vector<16xf32>
      %mul3A_755 = arith.mulf %div3A_735, %add3A_754 : vector<16xf32>
      %convert_element_type3A_756 = arith.sitofp %select_n3A_728 : vector<16xi32> to vector<16xf32>
      %mul3A_757 = arith.constant 0.693147182 : f32
      %mul3A_758 = vector.broadcast %mul3A_757 : f32 to vector<16xf32>
      %mul3A_759 = arith.mulf %convert_element_type3A_756, %mul3A_758 : vector<16xf32>
      %add3A_760 = arith.addf %mul3A_759, %mul3A_755 : vector<16xf32>
      %swap3A_761 = arith.index_cast %add3A_632 : i32 to index
      %swap3A_762 = tpu.vector_load %arg32[%swap3A_761] {strides = array<i32>} : memref<640xf32, #tpu.memory_space<vmem>>, vector<16xf32>,
      tpu.vector_store %arg32[%swap3A_761], %add3A_760 {strides = array<i32>} : memref<640xf32, #tpu.memory_space<vmem>>, vector<16xf32>,
      %gather3A_763 = tpu.vector_load_idx %arg20[%scan3A_231#8] : memref<128xf32, #tpu.memory_space<vmem>>[vector<16xi32>], vector<16xf32>,
      %gather3A_764 = tpu.vector_load_idx %arg21[%scan3A_231#8] : memref<128xf32, #tpu.memory_space<vmem>>[vector<16xi32>], vector<16xf32>,
      %gather3A_765 = tpu.vector_load_idx %arg22[%scan3A_231#8] : memref<128xf32, #tpu.memory_space<vmem>>[vector<16xi32>], vector<16xf32>,
      %gather3A_766 = tpu.vector_load_idx %arg23[%scan3A_231#8] : memref<128xf32, #tpu.memory_space<vmem>>[vector<16xi32>], vector<16xf32>,
      %gather3A_767 = tpu.vector_load_idx %arg24[%scan3A_231#8] : memref<128xf32, #tpu.memory_space<vmem>>[vector<16xi32>], vector<16xf32>,
      %sub3A_768 = arith.subf %gather3A_765, %gather3A_763 : vector<16xf32>
      %add3A_769 = arith.constant 1.000000e+00 : f32
      %add3A_770 = vector.broadcast %add3A_769 : f32 to vector<16xf32>
      %add3A_771 = arith.addf %sub3A_768, %add3A_770 : vector<16xf32>
      %sub3A_772 = arith.subf %gather3A_766, %gather3A_764 : vector<16xf32>
      %add3A_773 = arith.constant 1.000000e+00 : f32
      %add3A_774 = vector.broadcast %add3A_773 : f32 to vector<16xf32>
      %add3A_775 = arith.addf %sub3A_772, %add3A_774 : vector<16xf32>
      %mul3A_776 = arith.constant 5.000000e-01 : f32
      %mul3A_777 = vector.broadcast %mul3A_776 : f32 to vector<16xf32>
      %mul3A_778 = arith.mulf %mul3A_777, %add3A_771 : vector<16xf32>
      %add3A_779 = arith.addf %gather3A_763, %mul3A_778 : vector<16xf32>
      %mul3A_780 = arith.constant 5.000000e-01 : f32
      %mul3A_781 = vector.broadcast %mul3A_780 : f32 to vector<16xf32>
      %mul3A_782 = arith.mulf %mul3A_781, %add3A_775 : vector<16xf32>
      %add3A_783 = arith.addf %gather3A_764, %mul3A_782 : vector<16xf32>
      %sub3A_784 = arith.subf %get3A_109, %get3A_69 : vector<16xf32>
      %add3A_785 = arith.constant 1.000000e+00 : f32
      %add3A_786 = vector.broadcast %add3A_785 : f32 to vector<16xf32>
      %add3A_787 = arith.addf %sub3A_784, %add3A_786 : vector<16xf32>
      %sub3A_788 = arith.subf %get3A_129, %get3A_89 : vector<16xf32>
      %add3A_789 = arith.constant 1.000000e+00 : f32
      %add3A_790 = vector.broadcast %add3A_789 : f32 to vector<16xf32>
      %add3A_791 = arith.addf %sub3A_788, %add3A_790 : vector<16xf32>
      %mul3A_792 = arith.constant 5.000000e-01 : f32
      %mul3A_793 = vector.broadcast %mul3A_792 : f32 to vector<16xf32>
      %mul3A_794 = arith.mulf %mul3A_793, %add3A_787 : vector<16xf32>
      %add3A_795 = arith.addf %get3A_69, %mul3A_794 : vector<16xf32>
      %mul3A_796 = arith.constant 5.000000e-01 : f32
      %mul3A_797 = vector.broadcast %mul3A_796 : f32 to vector<16xf32>
      %mul3A_798 = arith.mulf %mul3A_797, %add3A_791 : vector<16xf32>
      %add3A_799 = arith.addf %get3A_89, %mul3A_798 : vector<16xf32>
      %ge3A_800 = arith.constant 5.000000e-01 : f32
      %ge3A_801 = vector.broadcast %ge3A_800 : f32 to vector<16xf32>
      %ge3A_802 = arith.cmpf oge, %scan3A_231#3, %ge3A_801 : vector<16xf32>
      %lt3A_803 = arith.constant 4.000000e-01 : f32
      %lt3A_804 = vector.broadcast %lt3A_803 : f32 to vector<16xf32>
      %lt3A_805 = arith.cmpf olt, %scan3A_231#3, %lt3A_804 : vector<16xf32>
      %jit3A_806 = arith.constant 0.000000e+00 : f32
      %jit3A_807 = arith.constant -1.000000e+00 : f32
      %broadcast_in_dim3A_808 = vector.broadcast %jit3A_806 : f32 to vector<16xf32>
      %broadcast_in_dim3A_809 = vector.broadcast %jit3A_807 : f32 to vector<16xf32>
      %select_n3A_810 = arith.select %lt3A_805, %broadcast_in_dim3A_808, %broadcast_in_dim3A_809 : vector<16xi1>, vector<16xf32>
      %select_n3A_811 = arith.select %ge3A_802, %gather3A_767, %select_n3A_810 : vector<16xi1>, vector<16xf32>
      %add3A_812 = arith.constant 48 : i32
      %add3A_813 = arith.addi %mul3A_54, %add3A_812 : i32
      %swap3A_814 = arith.index_cast %add3A_813 : i32 to index
      %swap3A_815 = tpu.vector_load %arg28[%swap3A_814] {strides = array<i32>} : memref<640xf32, #tpu.memory_space<vmem>>, vector<16xf32>,
      tpu.vector_store %arg28[%swap3A_814], %select_n3A_811 {strides = array<i32>} : memref<640xf32, #tpu.memory_space<vmem>>, vector<16xf32>,
      %sub3A_816 = arith.subf %add3A_779, %add3A_795 : vector<16xf32>
      %div3A_817 = arith.divf %sub3A_816, %add3A_787 : vector<16xf32>
      %swap3A_818 = arith.index_cast %add3A_813 : i32 to index
      %swap3A_819 = tpu.vector_load %arg29[%swap3A_818] {strides = array<i32>} : memref<640xf32, #tpu.memory_space<vmem>>, vector<16xf32>,
      tpu.vector_store %arg29[%swap3A_818], %div3A_817 {strides = array<i32>} : memref<640xf32, #tpu.memory_space<vmem>>, vector<16xf32>,
      %sub3A_820 = arith.subf %add3A_783, %add3A_799 : vector<16xf32>
      %div3A_821 = arith.divf %sub3A_820, %add3A_791 : vector<16xf32>
      %swap3A_822 = arith.index_cast %add3A_813 : i32 to index
      %swap3A_823 = tpu.vector_load %arg30[%swap3A_822] {strides = array<i32>} : memref<640xf32, #tpu.memory_space<vmem>>, vector<16xf32>,
      tpu.vector_store %arg30[%swap3A_822], %div3A_821 {strides = array<i32>} : memref<640xf32, #tpu.memory_space<vmem>>, vector<16xf32>,
      %div3A_824 = arith.divf %add3A_771, %add3A_787 : vector<16xf32>
      %bitcast3A_825 = vector.bitcast %div3A_824 : vector<16xf32> to vector<16xi32>
      %shift_right_arithmetic3A_826 = arith.constant 23 : i32
      %shift_right_arithmetic3A_827 = vector.broadcast %shift_right_arithmetic3A_826 : i32 to vector<16xi32>
      %shift_right_arithmetic3A_828 = arith.shrsi %bitcast3A_825, %shift_right_arithmetic3A_827 : vector<16xi32>
      %sub3A_829 = arith.constant 127 : i32
      %sub3A_830 = vector.broadcast %sub3A_829 : i32 to vector<16xi32>
      %sub3A_831 = arith.subi %shift_right_arithmetic3A_828, %sub3A_830 : vector<16xi32>
      %and3A_832 = arith.constant 8388607 : i32
      %and3A_833 = vector.broadcast %and3A_832 : i32 to vector<16xi32>
      %and3A_834 = arith.andi %bitcast3A_825, %and3A_833 : vector<16xi32>
      %or3A_835 = arith.constant 1065353216 : i32
      %or3A_836 = vector.broadcast %or3A_835 : i32 to vector<16xi32>
      %or3A_837 = arith.ori %and3A_834, %or3A_836 : vector<16xi32>
      %bitcast3A_838 = vector.bitcast %or3A_837 : vector<16xi32> to vector<16xf32>
      %gt3A_839 = arith.constant 1.41421354 : f32
      %gt3A_840 = vector.broadcast %gt3A_839 : f32 to vector<16xf32>
      %gt3A_841 = arith.cmpf ogt, %bitcast3A_838, %gt3A_840 : vector<16xf32>
      %mul3A_842 = arith.constant 5.000000e-01 : f32
      %mul3A_843 = vector.broadcast %mul3A_842 : f32 to vector<16xf32>
      %mul3A_844 = arith.mulf %bitcast3A_838, %mul3A_843 : vector<16xf32>
      %select_n3A_845 = arith.select %gt3A_841, %mul3A_844, %bitcast3A_838 : vector<16xi1>, vector<16xf32>
      %add3A_846 = arith.constant 1 : i32
      %add3A_847 = vector.broadcast %add3A_846 : i32 to vector<16xi32>
      %add3A_848 = arith.addi %sub3A_831, %add3A_847 : vector<16xi32>
      %select_n3A_849 = arith.select %gt3A_841, %add3A_848, %sub3A_831 : vector<16xi1>, vector<16xi32>
      %sub3A_850 = arith.constant 1.000000e+00 : f32
      %sub3A_851 = vector.broadcast %sub3A_850 : f32 to vector<16xf32>
      %sub3A_852 = arith.subf %select_n3A_845, %sub3A_851 : vector<16xf32>
      %add3A_853 = arith.constant 1.000000e+00 : f32
      %add3A_854 = vector.broadcast %add3A_853 : f32 to vector<16xf32>
      %add3A_855 = arith.addf %select_n3A_845, %add3A_854 : vector<16xf32>
      %div3A_856 = arith.divf %sub3A_852, %add3A_855 : vector<16xf32>
      %mul3A_857 = arith.mulf %div3A_856, %div3A_856 : vector<16xf32>
      %mul3A_858 = arith.constant 0.222222224 : f32
      %mul3A_859 = vector.broadcast %mul3A_858 : f32 to vector<16xf32>
      %mul3A_860 = arith.mulf %mul3A_857, %mul3A_859 : vector<16xf32>
      %add3A_861 = arith.constant 0.285714298 : f32
      %add3A_862 = vector.broadcast %add3A_861 : f32 to vector<16xf32>
      %add3A_863 = arith.addf %add3A_862, %mul3A_860 : vector<16xf32>
      %mul3A_864 = arith.mulf %mul3A_857, %add3A_863 : vector<16xf32>
      %add3A_865 = arith.constant 4.000000e-01 : f32
      %add3A_866 = vector.broadcast %add3A_865 : f32 to vector<16xf32>
      %add3A_867 = arith.addf %add3A_866, %mul3A_864 : vector<16xf32>
      %mul3A_868 = arith.mulf %mul3A_857, %add3A_867 : vector<16xf32>
      %add3A_869 = arith.constant 0.666666686 : f32
      %add3A_870 = vector.broadcast %add3A_869 : f32 to vector<16xf32>
      %add3A_871 = arith.addf %add3A_870, %mul3A_868 : vector<16xf32>
      %mul3A_872 = arith.mulf %mul3A_857, %add3A_871 : vector<16xf32>
      %add3A_873 = arith.constant 2.000000e+00 : f32
      %add3A_874 = vector.broadcast %add3A_873 : f32 to vector<16xf32>
      %add3A_875 = arith.addf %add3A_874, %mul3A_872 : vector<16xf32>
      %mul3A_876 = arith.mulf %div3A_856, %add3A_875 : vector<16xf32>
      %convert_element_type3A_877 = arith.sitofp %select_n3A_849 : vector<16xi32> to vector<16xf32>
      %mul3A_878 = arith.constant 0.693147182 : f32
      %mul3A_879 = vector.broadcast %mul3A_878 : f32 to vector<16xf32>
      %mul3A_880 = arith.mulf %convert_element_type3A_877, %mul3A_879 : vector<16xf32>
      %add3A_881 = arith.addf %mul3A_880, %mul3A_876 : vector<16xf32>
      %swap3A_882 = arith.index_cast %add3A_813 : i32 to index
      %swap3A_883 = tpu.vector_load %arg31[%swap3A_882] {strides = array<i32>} : memref<640xf32, #tpu.memory_space<vmem>>, vector<16xf32>,
      tpu.vector_store %arg31[%swap3A_882], %add3A_881 {strides = array<i32>} : memref<640xf32, #tpu.memory_space<vmem>>, vector<16xf32>,
      %div3A_884 = arith.divf %add3A_775, %add3A_791 : vector<16xf32>
      %bitcast3A_885 = vector.bitcast %div3A_884 : vector<16xf32> to vector<16xi32>
      %shift_right_arithmetic3A_886 = arith.constant 23 : i32
      %shift_right_arithmetic3A_887 = vector.broadcast %shift_right_arithmetic3A_886 : i32 to vector<16xi32>
      %shift_right_arithmetic3A_888 = arith.shrsi %bitcast3A_885, %shift_right_arithmetic3A_887 : vector<16xi32>
      %sub3A_889 = arith.constant 127 : i32
      %sub3A_890 = vector.broadcast %sub3A_889 : i32 to vector<16xi32>
      %sub3A_891 = arith.subi %shift_right_arithmetic3A_888, %sub3A_890 : vector<16xi32>
      %and3A_892 = arith.constant 8388607 : i32
      %and3A_893 = vector.broadcast %and3A_892 : i32 to vector<16xi32>
      %and3A_894 = arith.andi %bitcast3A_885, %and3A_893 : vector<16xi32>
      %or3A_895 = arith.constant 1065353216 : i32
      %or3A_896 = vector.broadcast %or3A_895 : i32 to vector<16xi32>
      %or3A_897 = arith.ori %and3A_894, %or3A_896 : vector<16xi32>
      %bitcast3A_898 = vector.bitcast %or3A_897 : vector<16xi32> to vector<16xf32>
      %gt3A_899 = arith.constant 1.41421354 : f32
      %gt3A_900 = vector.broadcast %gt3A_899 : f32 to vector<16xf32>
      %gt3A_901 = arith.cmpf ogt, %bitcast3A_898, %gt3A_900 : vector<16xf32>
      %mul3A_902 = arith.constant 5.000000e-01 : f32
      %mul3A_903 = vector.broadcast %mul3A_902 : f32 to vector<16xf32>
      %mul3A_904 = arith.mulf %bitcast3A_898, %mul3A_903 : vector<16xf32>
      %select_n3A_905 = arith.select %gt3A_901, %mul3A_904, %bitcast3A_898 : vector<16xi1>, vector<16xf32>
      %add3A_906 = arith.constant 1 : i32
      %add3A_907 = vector.broadcast %add3A_906 : i32 to vector<16xi32>
      %add3A_908 = arith.addi %sub3A_891, %add3A_907 : vector<16xi32>
      %select_n3A_909 = arith.select %gt3A_901, %add3A_908, %sub3A_891 : vector<16xi1>, vector<16xi32>
      %sub3A_910 = arith.constant 1.000000e+00 : f32
      %sub3A_911 = vector.broadcast %sub3A_910 : f32 to vector<16xf32>
      %sub3A_912 = arith.subf %select_n3A_905, %sub3A_911 : vector<16xf32>
      %add3A_913 = arith.constant 1.000000e+00 : f32
      %add3A_914 = vector.broadcast %add3A_913 : f32 to vector<16xf32>
      %add3A_915 = arith.addf %select_n3A_905, %add3A_914 : vector<16xf32>
      %div3A_916 = arith.divf %sub3A_912, %add3A_915 : vector<16xf32>
      %mul3A_917 = arith.mulf %div3A_916, %div3A_916 : vector<16xf32>
      %mul3A_918 = arith.constant 0.222222224 : f32
      %mul3A_919 = vector.broadcast %mul3A_918 : f32 to vector<16xf32>
      %mul3A_920 = arith.mulf %mul3A_917, %mul3A_919 : vector<16xf32>
      %add3A_921 = arith.constant 0.285714298 : f32
      %add3A_922 = vector.broadcast %add3A_921 : f32 to vector<16xf32>
      %add3A_923 = arith.addf %add3A_922, %mul3A_920 : vector<16xf32>
      %mul3A_924 = arith.mulf %mul3A_917, %add3A_923 : vector<16xf32>
      %add3A_925 = arith.constant 4.000000e-01 : f32
      %add3A_926 = vector.broadcast %add3A_925 : f32 to vector<16xf32>
      %add3A_927 = arith.addf %add3A_926, %mul3A_924 : vector<16xf32>
      %mul3A_928 = arith.mulf %mul3A_917, %add3A_927 : vector<16xf32>
      %add3A_929 = arith.constant 0.666666686 : f32
      %add3A_930 = vector.broadcast %add3A_929 : f32 to vector<16xf32>
      %add3A_931 = arith.addf %add3A_930, %mul3A_928 : vector<16xf32>
      %mul3A_932 = arith.mulf %mul3A_917, %add3A_931 : vector<16xf32>
      %add3A_933 = arith.constant 2.000000e+00 : f32
      %add3A_934 = vector.broadcast %add3A_933 : f32 to vector<16xf32>
      %add3A_935 = arith.addf %add3A_934, %mul3A_932 : vector<16xf32>
      %mul3A_936 = arith.mulf %div3A_916, %add3A_935 : vector<16xf32>
      %convert_element_type3A_937 = arith.sitofp %select_n3A_909 : vector<16xi32> to vector<16xf32>
      %mul3A_938 = arith.constant 0.693147182 : f32
      %mul3A_939 = vector.broadcast %mul3A_938 : f32 to vector<16xf32>
      %mul3A_940 = arith.mulf %convert_element_type3A_937, %mul3A_939 : vector<16xf32>
      %add3A_941 = arith.addf %mul3A_940, %mul3A_936 : vector<16xf32>
      %swap3A_942 = arith.index_cast %add3A_813 : i32 to index
      %swap3A_943 = tpu.vector_load %arg32[%swap3A_942] {strides = array<i32>} : memref<640xf32, #tpu.memory_space<vmem>>, vector<16xf32>,
      tpu.vector_store %arg32[%swap3A_942], %add3A_941 {strides = array<i32>} : memref<640xf32, #tpu.memory_space<vmem>>, vector<16xf32>,
      %gather3A_944 = tpu.vector_load_idx %arg20[%scan3A_231#9] : memref<128xf32, #tpu.memory_space<vmem>>[vector<16xi32>], vector<16xf32>,
      %gather3A_945 = tpu.vector_load_idx %arg21[%scan3A_231#9] : memref<128xf32, #tpu.memory_space<vmem>>[vector<16xi32>], vector<16xf32>,
      %gather3A_946 = tpu.vector_load_idx %arg22[%scan3A_231#9] : memref<128xf32, #tpu.memory_space<vmem>>[vector<16xi32>], vector<16xf32>,
      %gather3A_947 = tpu.vector_load_idx %arg23[%scan3A_231#9] : memref<128xf32, #tpu.memory_space<vmem>>[vector<16xi32>], vector<16xf32>,
      %gather3A_948 = tpu.vector_load_idx %arg24[%scan3A_231#9] : memref<128xf32, #tpu.memory_space<vmem>>[vector<16xi32>], vector<16xf32>,
      %sub3A_949 = arith.subf %gather3A_946, %gather3A_944 : vector<16xf32>
      %add3A_950 = arith.constant 1.000000e+00 : f32
      %add3A_951 = vector.broadcast %add3A_950 : f32 to vector<16xf32>
      %add3A_952 = arith.addf %sub3A_949, %add3A_951 : vector<16xf32>
      %sub3A_953 = arith.subf %gather3A_947, %gather3A_945 : vector<16xf32>
      %add3A_954 = arith.constant 1.000000e+00 : f32
      %add3A_955 = vector.broadcast %add3A_954 : f32 to vector<16xf32>
      %add3A_956 = arith.addf %sub3A_953, %add3A_955 : vector<16xf32>
      %mul3A_957 = arith.constant 5.000000e-01 : f32
      %mul3A_958 = vector.broadcast %mul3A_957 : f32 to vector<16xf32>
      %mul3A_959 = arith.mulf %mul3A_958, %add3A_952 : vector<16xf32>
      %add3A_960 = arith.addf %gather3A_944, %mul3A_959 : vector<16xf32>
      %mul3A_961 = arith.constant 5.000000e-01 : f32
      %mul3A_962 = vector.broadcast %mul3A_961 : f32 to vector<16xf32>
      %mul3A_963 = arith.mulf %mul3A_962, %add3A_956 : vector<16xf32>
      %add3A_964 = arith.addf %gather3A_945, %mul3A_963 : vector<16xf32>
      %sub3A_965 = arith.subf %get3A_113, %get3A_73 : vector<16xf32>
      %add3A_966 = arith.constant 1.000000e+00 : f32
      %add3A_967 = vector.broadcast %add3A_966 : f32 to vector<16xf32>
      %add3A_968 = arith.addf %sub3A_965, %add3A_967 : vector<16xf32>
      %sub3A_969 = arith.subf %get3A_133, %get3A_93 : vector<16xf32>
      %add3A_970 = arith.constant 1.000000e+00 : f32
      %add3A_971 = vector.broadcast %add3A_970 : f32 to vector<16xf32>
      %add3A_972 = arith.addf %sub3A_969, %add3A_971 : vector<16xf32>
      %mul3A_973 = arith.constant 5.000000e-01 : f32
      %mul3A_974 = vector.broadcast %mul3A_973 : f32 to vector<16xf32>
      %mul3A_975 = arith.mulf %mul3A_974, %add3A_968 : vector<16xf32>
      %add3A_976 = arith.addf %get3A_73, %mul3A_975 : vector<16xf32>
      %mul3A_977 = arith.constant 5.000000e-01 : f32
      %mul3A_978 = vector.broadcast %mul3A_977 : f32 to vector<16xf32>
      %mul3A_979 = arith.mulf %mul3A_978, %add3A_972 : vector<16xf32>
      %add3A_980 = arith.addf %get3A_93, %mul3A_979 : vector<16xf32>
      %ge3A_981 = arith.constant 5.000000e-01 : f32
      %ge3A_982 = vector.broadcast %ge3A_981 : f32 to vector<16xf32>
      %ge3A_983 = arith.cmpf oge, %scan3A_231#4, %ge3A_982 : vector<16xf32>
      %lt3A_984 = arith.constant 4.000000e-01 : f32
      %lt3A_985 = vector.broadcast %lt3A_984 : f32 to vector<16xf32>
      %lt3A_986 = arith.cmpf olt, %scan3A_231#4, %lt3A_985 : vector<16xf32>
      %jit3A_987 = arith.constant 0.000000e+00 : f32
      %jit3A_988 = arith.constant -1.000000e+00 : f32
      %broadcast_in_dim3A_989 = vector.broadcast %jit3A_987 : f32 to vector<16xf32>
      %broadcast_in_dim3A_990 = vector.broadcast %jit3A_988 : f32 to vector<16xf32>
      %select_n3A_991 = arith.select %lt3A_986, %broadcast_in_dim3A_989, %broadcast_in_dim3A_990 : vector<16xi1>, vector<16xf32>
      %select_n3A_992 = arith.select %ge3A_983, %gather3A_948, %select_n3A_991 : vector<16xi1>, vector<16xf32>
      %add3A_993 = arith.constant 64 : i32
      %add3A_994 = arith.addi %mul3A_54, %add3A_993 : i32
      %swap3A_995 = arith.index_cast %add3A_994 : i32 to index
      %swap3A_996 = tpu.vector_load %arg28[%swap3A_995] {strides = array<i32>} : memref<640xf32, #tpu.memory_space<vmem>>, vector<16xf32>,
      tpu.vector_store %arg28[%swap3A_995], %select_n3A_992 {strides = array<i32>} : memref<640xf32, #tpu.memory_space<vmem>>, vector<16xf32>,
      %sub3A_997 = arith.subf %add3A_960, %add3A_976 : vector<16xf32>
      %div3A_998 = arith.divf %sub3A_997, %add3A_968 : vector<16xf32>
      %swap3A_999 = arith.index_cast %add3A_994 : i32 to index
      %swap3A_1000 = tpu.vector_load %arg29[%swap3A_999] {strides = array<i32>} : memref<640xf32, #tpu.memory_space<vmem>>, vector<16xf32>,
      tpu.vector_store %arg29[%swap3A_999], %div3A_998 {strides = array<i32>} : memref<640xf32, #tpu.memory_space<vmem>>, vector<16xf32>,
      %sub3A_1001 = arith.subf %add3A_964, %add3A_980 : vector<16xf32>
      %div3A_1002 = arith.divf %sub3A_1001, %add3A_972 : vector<16xf32>
      %swap3A_1003 = arith.index_cast %add3A_994 : i32 to index
      %swap3A_1004 = tpu.vector_load %arg30[%swap3A_1003] {strides = array<i32>} : memref<640xf32, #tpu.memory_space<vmem>>, vector<16xf32>,
      tpu.vector_store %arg30[%swap3A_1003], %div3A_1002 {strides = array<i32>} : memref<640xf32, #tpu.memory_space<vmem>>, vector<16xf32>,
      %div3A_1005 = arith.divf %add3A_952, %add3A_968 : vector<16xf32>
      %bitcast3A_1006 = vector.bitcast %div3A_1005 : vector<16xf32> to vector<16xi32>
      %shift_right_arithmetic3A_1007 = arith.constant 23 : i32
      %shift_right_arithmetic3A_1008 = vector.broadcast %shift_right_arithmetic3A_1007 : i32 to vector<16xi32>
      %shift_right_arithmetic3A_1009 = arith.shrsi %bitcast3A_1006, %shift_right_arithmetic3A_1008 : vector<16xi32>
      %sub3A_1010 = arith.constant 127 : i32
      %sub3A_1011 = vector.broadcast %sub3A_1010 : i32 to vector<16xi32>
      %sub3A_1012 = arith.subi %shift_right_arithmetic3A_1009, %sub3A_1011 : vector<16xi32>
      %and3A_1013 = arith.constant 8388607 : i32
      %and3A_1014 = vector.broadcast %and3A_1013 : i32 to vector<16xi32>
      %and3A_1015 = arith.andi %bitcast3A_1006, %and3A_1014 : vector<16xi32>
      %or3A_1016 = arith.constant 1065353216 : i32
      %or3A_1017 = vector.broadcast %or3A_1016 : i32 to vector<16xi32>
      %or3A_1018 = arith.ori %and3A_1015, %or3A_1017 : vector<16xi32>
      %bitcast3A_1019 = vector.bitcast %or3A_1018 : vector<16xi32> to vector<16xf32>
      %gt3A_1020 = arith.constant 1.41421354 : f32
      %gt3A_1021 = vector.broadcast %gt3A_1020 : f32 to vector<16xf32>
      %gt3A_1022 = arith.cmpf ogt, %bitcast3A_1019, %gt3A_1021 : vector<16xf32>
      %mul3A_1023 = arith.constant 5.000000e-01 : f32
      %mul3A_1024 = vector.broadcast %mul3A_1023 : f32 to vector<16xf32>
      %mul3A_1025 = arith.mulf %bitcast3A_1019, %mul3A_1024 : vector<16xf32>
      %select_n3A_1026 = arith.select %gt3A_1022, %mul3A_1025, %bitcast3A_1019 : vector<16xi1>, vector<16xf32>
      %add3A_1027 = arith.constant 1 : i32
      %add3A_1028 = vector.broadcast %add3A_1027 : i32 to vector<16xi32>
      %add3A_1029 = arith.addi %sub3A_1012, %add3A_1028 : vector<16xi32>
      %select_n3A_1030 = arith.select %gt3A_1022, %add3A_1029, %sub3A_1012 : vector<16xi1>, vector<16xi32>
      %sub3A_1031 = arith.constant 1.000000e+00 : f32
      %sub3A_1032 = vector.broadcast %sub3A_1031 : f32 to vector<16xf32>
      %sub3A_1033 = arith.subf %select_n3A_1026, %sub3A_1032 : vector<16xf32>
      %add3A_1034 = arith.constant 1.000000e+00 : f32
      %add3A_1035 = vector.broadcast %add3A_1034 : f32 to vector<16xf32>
      %add3A_1036 = arith.addf %select_n3A_1026, %add3A_1035 : vector<16xf32>
      %div3A_1037 = arith.divf %sub3A_1033, %add3A_1036 : vector<16xf32>
      %mul3A_1038 = arith.mulf %div3A_1037, %div3A_1037 : vector<16xf32>
      %mul3A_1039 = arith.constant 0.222222224 : f32
      %mul3A_1040 = vector.broadcast %mul3A_1039 : f32 to vector<16xf32>
      %mul3A_1041 = arith.mulf %mul3A_1038, %mul3A_1040 : vector<16xf32>
      %add3A_1042 = arith.constant 0.285714298 : f32
      %add3A_1043 = vector.broadcast %add3A_1042 : f32 to vector<16xf32>
      %add3A_1044 = arith.addf %add3A_1043, %mul3A_1041 : vector<16xf32>
      %mul3A_1045 = arith.mulf %mul3A_1038, %add3A_1044 : vector<16xf32>
      %add3A_1046 = arith.constant 4.000000e-01 : f32
      %add3A_1047 = vector.broadcast %add3A_1046 : f32 to vector<16xf32>
      %add3A_1048 = arith.addf %add3A_1047, %mul3A_1045 : vector<16xf32>
      %mul3A_1049 = arith.mulf %mul3A_1038, %add3A_1048 : vector<16xf32>
      %add3A_1050 = arith.constant 0.666666686 : f32
      %add3A_1051 = vector.broadcast %add3A_1050 : f32 to vector<16xf32>
      %add3A_1052 = arith.addf %add3A_1051, %mul3A_1049 : vector<16xf32>
      %mul3A_1053 = arith.mulf %mul3A_1038, %add3A_1052 : vector<16xf32>
      %add3A_1054 = arith.constant 2.000000e+00 : f32
      %add3A_1055 = vector.broadcast %add3A_1054 : f32 to vector<16xf32>
      %add3A_1056 = arith.addf %add3A_1055, %mul3A_1053 : vector<16xf32>
      %mul3A_1057 = arith.mulf %div3A_1037, %add3A_1056 : vector<16xf32>
      %convert_element_type3A_1058 = arith.sitofp %select_n3A_1030 : vector<16xi32> to vector<16xf32>
      %mul3A_1059 = arith.constant 0.693147182 : f32
      %mul3A_1060 = vector.broadcast %mul3A_1059 : f32 to vector<16xf32>
      %mul3A_1061 = arith.mulf %convert_element_type3A_1058, %mul3A_1060 : vector<16xf32>
      %add3A_1062 = arith.addf %mul3A_1061, %mul3A_1057 : vector<16xf32>
      %swap3A_1063 = arith.index_cast %add3A_994 : i32 to index
      %swap3A_1064 = tpu.vector_load %arg31[%swap3A_1063] {strides = array<i32>} : memref<640xf32, #tpu.memory_space<vmem>>, vector<16xf32>,
      tpu.vector_store %arg31[%swap3A_1063], %add3A_1062 {strides = array<i32>} : memref<640xf32, #tpu.memory_space<vmem>>, vector<16xf32>,
      %div3A_1065 = arith.divf %add3A_956, %add3A_972 : vector<16xf32>
      %bitcast3A_1066 = vector.bitcast %div3A_1065 : vector<16xf32> to vector<16xi32>
      %shift_right_arithmetic3A_1067 = arith.constant 23 : i32
      %shift_right_arithmetic3A_1068 = vector.broadcast %shift_right_arithmetic3A_1067 : i32 to vector<16xi32>
      %shift_right_arithmetic3A_1069 = arith.shrsi %bitcast3A_1066, %shift_right_arithmetic3A_1068 : vector<16xi32>
      %sub3A_1070 = arith.constant 127 : i32
      %sub3A_1071 = vector.broadcast %sub3A_1070 : i32 to vector<16xi32>
      %sub3A_1072 = arith.subi %shift_right_arithmetic3A_1069, %sub3A_1071 : vector<16xi32>
      %and3A_1073 = arith.constant 8388607 : i32
      %and3A_1074 = vector.broadcast %and3A_1073 : i32 to vector<16xi32>
      %and3A_1075 = arith.andi %bitcast3A_1066, %and3A_1074 : vector<16xi32>
      %or3A_1076 = arith.constant 1065353216 : i32
      %or3A_1077 = vector.broadcast %or3A_1076 : i32 to vector<16xi32>
      %or3A_1078 = arith.ori %and3A_1075, %or3A_1077 : vector<16xi32>
      %bitcast3A_1079 = vector.bitcast %or3A_1078 : vector<16xi32> to vector<16xf32>
      %gt3A_1080 = arith.constant 1.41421354 : f32
      %gt3A_1081 = vector.broadcast %gt3A_1080 : f32 to vector<16xf32>
      %gt3A_1082 = arith.cmpf ogt, %bitcast3A_1079, %gt3A_1081 : vector<16xf32>
      %mul3A_1083 = arith.constant 5.000000e-01 : f32
      %mul3A_1084 = vector.broadcast %mul3A_1083 : f32 to vector<16xf32>
      %mul3A_1085 = arith.mulf %bitcast3A_1079, %mul3A_1084 : vector<16xf32>
      %select_n3A_1086 = arith.select %gt3A_1082, %mul3A_1085, %bitcast3A_1079 : vector<16xi1>, vector<16xf32>
      %add3A_1087 = arith.constant 1 : i32
      %add3A_1088 = vector.broadcast %add3A_1087 : i32 to vector<16xi32>
      %add3A_1089 = arith.addi %sub3A_1072, %add3A_1088 : vector<16xi32>
      %select_n3A_1090 = arith.select %gt3A_1082, %add3A_1089, %sub3A_1072 : vector<16xi1>, vector<16xi32>
      %sub3A_1091 = arith.constant 1.000000e+00 : f32
      %sub3A_1092 = vector.broadcast %sub3A_1091 : f32 to vector<16xf32>
      %sub3A_1093 = arith.subf %select_n3A_1086, %sub3A_1092 : vector<16xf32>
      %add3A_1094 = arith.constant 1.000000e+00 : f32
      %add3A_1095 = vector.broadcast %add3A_1094 : f32 to vector<16xf32>
      %add3A_1096 = arith.addf %select_n3A_1086, %add3A_1095 : vector<16xf32>
      %div3A_1097 = arith.divf %sub3A_1093, %add3A_1096 : vector<16xf32>
      %mul3A_1098 = arith.mulf %div3A_1097, %div3A_1097 : vector<16xf32>
      %mul3A_1099 = arith.constant 0.222222224 : f32
      %mul3A_1100 = vector.broadcast %mul3A_1099 : f32 to vector<16xf32>
      %mul3A_1101 = arith.mulf %mul3A_1098, %mul3A_1100 : vector<16xf32>
      %add3A_1102 = arith.constant 0.285714298 : f32
      %add3A_1103 = vector.broadcast %add3A_1102 : f32 to vector<16xf32>
      %add3A_1104 = arith.addf %add3A_1103, %mul3A_1101 : vector<16xf32>
      %mul3A_1105 = arith.mulf %mul3A_1098, %add3A_1104 : vector<16xf32>
      %add3A_1106 = arith.constant 4.000000e-01 : f32
      %add3A_1107 = vector.broadcast %add3A_1106 : f32 to vector<16xf32>
      %add3A_1108 = arith.addf %add3A_1107, %mul3A_1105 : vector<16xf32>
      %mul3A_1109 = arith.mulf %mul3A_1098, %add3A_1108 : vector<16xf32>
      %add3A_1110 = arith.constant 0.666666686 : f32
      %add3A_1111 = vector.broadcast %add3A_1110 : f32 to vector<16xf32>
      %add3A_1112 = arith.addf %add3A_1111, %mul3A_1109 : vector<16xf32>
      %mul3A_1113 = arith.mulf %mul3A_1098, %add3A_1112 : vector<16xf32>
      %add3A_1114 = arith.constant 2.000000e+00 : f32
      %add3A_1115 = vector.broadcast %add3A_1114 : f32 to vector<16xf32>
      %add3A_1116 = arith.addf %add3A_1115, %mul3A_1113 : vector<16xf32>
      %mul3A_1117 = arith.mulf %div3A_1097, %add3A_1116 : vector<16xf32>
      %convert_element_type3A_1118 = arith.sitofp %select_n3A_1090 : vector<16xi32> to vector<16xf32>
      %mul3A_1119 = arith.constant 0.693147182 : f32
      %mul3A_1120 = vector.broadcast %mul3A_1119 : f32 to vector<16xf32>
      %mul3A_1121 = arith.mulf %convert_element_type3A_1118, %mul3A_1120 : vector<16xf32>
      %add3A_1122 = arith.addf %mul3A_1121, %mul3A_1117 : vector<16xf32>
      %swap3A_1123 = arith.index_cast %add3A_994 : i32 to index
      %swap3A_1124 = tpu.vector_load %arg32[%swap3A_1123] {strides = array<i32>} : memref<640xf32, #tpu.memory_space<vmem>>, vector<16xf32>,
      tpu.vector_store %arg32[%swap3A_1123], %add3A_1122 {strides = array<i32>} : memref<640xf32, #tpu.memory_space<vmem>>, vector<16xf32>,
      %scan3A_1125 = arith.constant 0 : i32
      scf.yield %scan3A_1125 : i32
    }
    %scan3A_30 = arith.constant 8 : i32
    %dma_start3A_31 = tpu.memref_slice %arg11[%min3A_3] : memref<20000xf32, #tpu.memory_space<hbm>> -> memref<640xf32, #tpu.memory_space<hbm>>
    %dma_start3A_32 = tpu.memref_slice %arg11[%min3A_3] : memref<20000xf32, #tpu.memory_space<hbm>> -> memref<640xf32, #tpu.memory_space<hbm>>
    tpu.enqueue_dma source(%arg28 : memref<640xf32, #tpu.memory_space<vmem>>) target(%dma_start3A_32 : memref<640xf32, #tpu.memory_space<hbm>>) target_semaphore(%arg33 : memref<!tpu.dma_semaphore, #tpu.memory_space<semaphore_mem>>)
    %dma_start3A_33 = tpu.memref_slice %arg12[%min3A_3] : memref<20000xf32, #tpu.memory_space<hbm>> -> memref<640xf32, #tpu.memory_space<hbm>>
    %dma_start3A_34 = tpu.memref_slice %arg12[%min3A_3] : memref<20000xf32, #tpu.memory_space<hbm>> -> memref<640xf32, #tpu.memory_space<hbm>>
    tpu.enqueue_dma source(%arg29 : memref<640xf32, #tpu.memory_space<vmem>>) target(%dma_start3A_34 : memref<640xf32, #tpu.memory_space<hbm>>) target_semaphore(%arg33 : memref<!tpu.dma_semaphore, #tpu.memory_space<semaphore_mem>>)
    %dma_start3A_35 = tpu.memref_slice %arg13[%min3A_3] : memref<20000xf32, #tpu.memory_space<hbm>> -> memref<640xf32, #tpu.memory_space<hbm>>
    %dma_start3A_36 = tpu.memref_slice %arg13[%min3A_3] : memref<20000xf32, #tpu.memory_space<hbm>> -> memref<640xf32, #tpu.memory_space<hbm>>
    tpu.enqueue_dma source(%arg30 : memref<640xf32, #tpu.memory_space<vmem>>) target(%dma_start3A_36 : memref<640xf32, #tpu.memory_space<hbm>>) target_semaphore(%arg33 : memref<!tpu.dma_semaphore, #tpu.memory_space<semaphore_mem>>)
    %dma_start3A_37 = tpu.memref_slice %arg14[%min3A_3] : memref<20000xf32, #tpu.memory_space<hbm>> -> memref<640xf32, #tpu.memory_space<hbm>>
    %dma_start3A_38 = tpu.memref_slice %arg14[%min3A_3] : memref<20000xf32, #tpu.memory_space<hbm>> -> memref<640xf32, #tpu.memory_space<hbm>>
    tpu.enqueue_dma source(%arg31 : memref<640xf32, #tpu.memory_space<vmem>>) target(%dma_start3A_38 : memref<640xf32, #tpu.memory_space<hbm>>) target_semaphore(%arg33 : memref<!tpu.dma_semaphore, #tpu.memory_space<semaphore_mem>>)
    %dma_start3A_39 = tpu.memref_slice %arg15[%min3A_3] : memref<20000xf32, #tpu.memory_space<hbm>> -> memref<640xf32, #tpu.memory_space<hbm>>
    %dma_start3A_40 = tpu.memref_slice %arg15[%min3A_3] : memref<20000xf32, #tpu.memory_space<hbm>> -> memref<640xf32, #tpu.memory_space<hbm>>
    tpu.enqueue_dma source(%arg32 : memref<640xf32, #tpu.memory_space<vmem>>) target(%dma_start3A_40 : memref<640xf32, #tpu.memory_space<hbm>>) target_semaphore(%arg33 : memref<!tpu.dma_semaphore, #tpu.memory_space<semaphore_mem>>)
    %dma_wait3A_41 = tpu.memref_slice %arg11[%min3A_3] : memref<20000xf32, #tpu.memory_space<hbm>> -> memref<640xf32, #tpu.memory_space<hbm>>
    %dma_wait3A_42 = tpu.memref_slice %arg11[%min3A_3] : memref<20000xf32, #tpu.memory_space<hbm>> -> memref<640xf32, #tpu.memory_space<hbm>>
    tpu.wait_dma2 semaphore(%arg33 : memref<!tpu.dma_semaphore, #tpu.memory_space<semaphore_mem>>) src(%arg28 : memref<640xf32, #tpu.memory_space<vmem>>) dst(%dma_wait3A_42 : memref<640xf32, #tpu.memory_space<hbm>>)
    %dma_wait3A_43 = tpu.memref_slice %arg12[%min3A_3] : memref<20000xf32, #tpu.memory_space<hbm>> -> memref<640xf32, #tpu.memory_space<hbm>>
    %dma_wait3A_44 = tpu.memref_slice %arg12[%min3A_3] : memref<20000xf32, #tpu.memory_space<hbm>> -> memref<640xf32, #tpu.memory_space<hbm>>
    tpu.wait_dma2 semaphore(%arg33 : memref<!tpu.dma_semaphore, #tpu.memory_space<semaphore_mem>>) src(%arg29 : memref<640xf32, #tpu.memory_space<vmem>>) dst(%dma_wait3A_44 : memref<640xf32, #tpu.memory_space<hbm>>)
    %dma_wait3A_45 = tpu.memref_slice %arg13[%min3A_3] : memref<20000xf32, #tpu.memory_space<hbm>> -> memref<640xf32, #tpu.memory_space<hbm>>
    %dma_wait3A_46 = tpu.memref_slice %arg13[%min3A_3] : memref<20000xf32, #tpu.memory_space<hbm>> -> memref<640xf32, #tpu.memory_space<hbm>>
    tpu.wait_dma2 semaphore(%arg33 : memref<!tpu.dma_semaphore, #tpu.memory_space<semaphore_mem>>) src(%arg30 : memref<640xf32, #tpu.memory_space<vmem>>) dst(%dma_wait3A_46 : memref<640xf32, #tpu.memory_space<hbm>>)
    %dma_wait3A_47 = tpu.memref_slice %arg14[%min3A_3] : memref<20000xf32, #tpu.memory_space<hbm>> -> memref<640xf32, #tpu.memory_space<hbm>>
    %dma_wait3A_48 = tpu.memref_slice %arg14[%min3A_3] : memref<20000xf32, #tpu.memory_space<hbm>> -> memref<640xf32, #tpu.memory_space<hbm>>
    tpu.wait_dma2 semaphore(%arg33 : memref<!tpu.dma_semaphore, #tpu.memory_space<semaphore_mem>>) src(%arg31 : memref<640xf32, #tpu.memory_space<vmem>>) dst(%dma_wait3A_48 : memref<640xf32, #tpu.memory_space<hbm>>)
    %dma_wait3A_49 = tpu.memref_slice %arg15[%min3A_3] : memref<20000xf32, #tpu.memory_space<hbm>> -> memref<640xf32, #tpu.memory_space<hbm>>
    %dma_wait3A_50 = tpu.memref_slice %arg15[%min3A_3] : memref<20000xf32, #tpu.memory_space<hbm>> -> memref<640xf32, #tpu.memory_space<hbm>>
    tpu.wait_dma2 semaphore(%arg33 : memref<!tpu.dma_semaphore, #tpu.memory_space<semaphore_mem>>) src(%arg32 : memref<640xf32, #tpu.memory_space<vmem>>) dst(%dma_wait3A_50 : memref<640xf32, #tpu.memory_space<hbm>>)
    return
  }
}

</mosaic_0001>

<sc_bundles>
// kernel: kernel.3.cloned.1.call-start
scs
__scs_entry_jumppad:
0x0: {  	(pc) =	sbr.rel $0x88, $3  }
0x1: {  	(tag) =	ssettag $0x0;
	lr =	simm.s32 $0x1  }
0x2: {  	[smem:$0x3F9F] =	sst lr;
	_ =	strace $0xD0000000  }
0x3: {  	_ = 	snop  }
0x4: {  	_ = 	snop  }
0x5: {  	_ = 	snop  }
0x6: {  	_ = 	snop  }
0x7: {  	_ = 	snop  }
__scs_overlays_trampoline_lowered:
0x8: {  	[smem:$0x3FAE] =	sst s0  }
0x9: {  	[smem:$0x3FAF] =	sst s1  }
0xa: {  	[smem:$0x3FB0] =	sst s2  }
0xb: {  	[smem:$0x3FB1] =	sst s3  }
0xc: {  	[smem:$0x3FB2] =	sst s4  }
0xd: {  	[smem:$0x3FB3] =	sst s5  }
0xe: {  	[smem:$0x3FB4] =	sst s6  }
0xf: {  	[smem:$0x3FB5] =	sst s7  }
0x10: {  	[smem:$0x3FB6] =	sst s8  }
0x11: {  	[smem:$0x3FB7] =	sst s9;
	s0 =	simm.s32 @!p0 $0x0  }
0x12: {  	s1 =	sld [smem:$0x3F9D];
	s0 =	simm.s32 @p0 $0x1  }
0x13: {  	[smem:$0x3FB8] =	sst s0;
	s0 =	simm.s32 @!p1 $0x0  }
0x14: {  	s2 =	sld [smem:$0x3F9C];
	s0 =	simm.s32 @p1 $0x1  }
0x15: {  	[smem:$0x3FB9] =	sst s0;
	s0 =	simm.s32 @!p2 $0x0  }
0x16: {  	s3 =	sld [smem:$0x3FDB];
	s0 =	simm.s32 @p2 $0x1  }
0x17: {  	s4 =	simm.s32 $0x1BF5;
	[smem:$0x3FBB] =	sst s0  }
0x18: {  	s0 =	sld [smem:$0x3F9E];
	_ =	swait.ge [sflag:s4], $0x0  }
0x19: {  	s7 =	sld [smem:$0x3F9F]  }
0x1a: {  	s8 =	sadd.s32 $0xFFFFE003, lr  }
0x1b: {  	s9 =	sadd.s32 $0xFFFFFEF7, lr;
	s5 =	simm.s32 $0xFFFFFFFF;
	p2 =	slt.u32 s8, $0xFFFFF086  }
0x1c: {  	p1 =	slt.u32 s9, $0xF7A;
	s5 =	simm.s32 @!p2 $0x0  }
0x1d: {  	s5 =	simm.s32 @p1 $0x1;
	p0 =	seq.s32 s7, s2  }
0x1e: {  	s7 =	smul.u32 @!p0 $0xF7A, s2;
	p2 =	seq.s32 @!p0 s5, $0x0  }
0x1f: {  	s9 =	smul.u32 $0xF7A, s1;
	s8 =	simm.s32 @!p0 $0x1BF5;
	p2 =	por !p2, p0  }
0x20: {  	[sflag:s8] =	ssyncset.s32 @!p0 $0xFFFFF086;
	s6 =	sadd.s32 @!p0 s3, s7;
	s7 =	simm.s32 @!p0 $0x108  }
0x21: {  	s3 =	sadd.s32 s3, s9;
	s6 =	sadd.s32 @!p0 $0x88, s6;
	s7 =	simm.s32 @p2 $0x1082  }
0x22: {  	[simem:s7], [sflag:s8] =	dma.local @!p0 [hbm:s6], $0xF7A  }
0x23: {  	s9 =	sor.u32 $0xD0000000, s2;
	s6 =	simm.s32 $0x108;
	_ =	swait.ge @!p0 [sflag:s8], $0x0  }
0x24: {  	s3 =	sadd.s32 $0x88, s3;
	s6 =	simm.s32 @!p1 $0x1082;
	[sflag:s4] =	ssyncset.s32 $0xFFFFF086  }
0x25: {  	[simem:s6], [sflag:s4] =	dma.local [hbm:s3], $0xF7A  }
0x26: {  	[smem:$0x3F9F] =	sst s1;
	(tag) =	ssettag s2;
	_ =	strace s9  }
0x27: {  	s1 =	sld [smem:$0x3FAF]  }
0x28: {  	s2 =	sld [smem:$0x3FB0]  }
0x29: {  	s4 =	sld [smem:$0x3FB2]  }
0x2a: {  	p0 =	seq.s32 s5, $0x0;
	s5 =	sld [smem:$0x3FB3]  }
0x2b: {  	s6 =	sld [smem:$0x3FB4]  }
0x2c: {  	s7 =	sld [smem:$0x3FB5]  }
0x2d: {  	s3 =	simm.s32 $0x108;
	s8 =	sld [smem:$0x3FB6]  }
0x2e: {  	s3 =	simm.s32 @!p0 $0x1082;
	s9 =	sld [smem:$0x3FB7]  }
0x2f: {  	lr =	sadd.s32 s0, s3;
	s0 =	sld [smem:$0x3FAE]  }
0x30: {  	s3 =	sld [smem:$0x3FB1]  }
0x31: {  	[smem:$0x3FBA] =	sst s10  }
0x32: {  	s10 =	sld [smem:$0x3FB8];
	_ =	sdelay $0x3  }
0x33: {  	p0 =	seq.s32 s10, $0x1;
	s10 =	sld [smem:$0x3FBA];
	_ =	sdelay $0x3  }
0x34: {  	[smem:$0x3FBA] =	sst s10  }
0x35: {  	s10 =	sld [smem:$0x3FB9];
	_ =	sdelay $0x3  }
0x36: {  	p1 =	seq.s32 s10, $0x1;
	s10 =	sld [smem:$0x3FBA];
	_ =	sdelay $0x3  }
0x37: {  	[smem:$0x3FBA] =	sst s10  }
0x38: {  	s10 =	sld [smem:$0x3FBB]  }
0x39: {  	_ = 	snop;
	(pc) =	sbr.ind lr, $3  }
0x3a: {  	_ = 	snop  }
0x3b: {  	_ = 	snop  }
0x3c: {  	p2 =	seq.s32 s10, $0x1;
	s10 =	sld [smem:$0x3FBA]  }
0x3d: {  	_ =	shalt  }
0x3e: {  	_ =	shalt  }
0x3f: {  	_ =	shalt  }
0x40: {  	_ =	shalt  }
0x41: {  	_ =	shalt  }
0x42: {  	_ =	shalt  }
0x43: {  	_ =	shalt  }
0x44: {  	_ =	shalt  }
0x45: {  	_ =	shalt  }
0x46: {  	_ =	shalt  }
0x47: {  	_ =	shalt  }
0x48: {  	_ =	shalt  }
0x49: {  	_ =	shalt  }
0x4a: {  	_ =	shalt  }
0x4b: {  	_ =	shalt  }
0x4c: {  	_ =	shalt  }
0x4d: {  	_ =	shalt  }
0x4e: {  	_ =	shalt  }
0x4f: {  	_ =	shalt  }
0x50: {  	_ =	shalt  }
0x51: {  	_ =	shalt  }
0x52: {  	_ =	shalt  }
0x53: {  	_ =	shalt  }
0x54: {  	_ =	shalt  }
0x55: {  	_ =	shalt  }
0x56: {  	_ =	shalt  }
0x57: {  	_ =	shalt  }
0x58: {  	_ =	shalt  }
0x59: {  	_ =	shalt  }
0x5a: {  	_ =	shalt  }
0x5b: {  	_ =	shalt  }
0x5c: {  	_ =	shalt  }
0x5d: {  	_ =	shalt  }
0x5e: {  	_ =	shalt  }
0x5f: {  	_ =	shalt  }
0x60: {  	_ =	shalt  }
0x61: {  	_ =	shalt  }
0x62: {  	_ =	shalt  }
0x63: {  	_ =	shalt  }
0x64: {  	_ =	shalt  }
0x65: {  	_ =	shalt  }
0x66: {  	_ =	shalt  }
0x67: {  	_ =	shalt  }
0x68: {  	_ =	shalt  }
0x69: {  	_ =	shalt  }
0x6a: {  	_ =	shalt  }
0x6b: {  	_ =	shalt  }
0x6c: {  	_ =	shalt  }
0x6d: {  	_ =	shalt  }
0x6e: {  	_ =	shalt  }
0x6f: {  	_ =	shalt  }
0x70: {  	_ =	shalt  }
0x71: {  	_ =	shalt  }
0x72: {  	_ =	shalt  }
0x73: {  	_ =	shalt  }
0x74: {  	_ =	shalt  }
0x75: {  	_ =	shalt  }
0x76: {  	_ =	shalt  }
0x77: {  	_ =	shalt  }
0x78: {  	_ =	shalt  }
0x79: {  	_ =	shalt  }
0x7a: {  	_ =	shalt  }
0x7b: {  	_ =	shalt  }
0x7c: {  	_ =	shalt  }
0x7d: {  	_ =	shalt  }
0x7e: {  	_ =	shalt  }
0x7f: {  	_ =	shalt  }
0x80: {  	_ =	shalt  }
0x81: {  	_ =	shalt  }
0x82: {  	_ =	shalt  }
0x83: {  	_ =	shalt  }
0x84: {  	_ =	shalt  }
0x85: {  	_ =	shalt  }
0x86: {  	_ =	shalt  }
0x87: {  	_ =	shalt  }
.Lfunc_end0:
.L_simem_size_0:
called_computation_lowered:
.L_overlay_start_0:
0x88: {  	s2 =	sld [smem:$0x3FD9]  }
0x89: {  	s3 =	sld [smem:$0x3FFE];
	_ =	sdelay $0x1  }
0x8a: {  	s1 =	srdreg.scid  }
0x8b: {  	s0 =	sand.u32 $0x1, s1  }
0x8c: {  	s14 =	sshll.u32 s0, $0xA;
	s2 =	sadd.s32 s3, s2  }
0x8d: {  	s2 =	sadd.s32 s2, s14  }
0x8e: {  	[smem:$0x3FC6] =	sst s2  }
0x8f: {  	_ = 	snop  }
0x90: {  	s2 =	sld [smem:$0x3FD0];
	_ =	sdelay $0x2  }
0x91: {  	s15 =	simm.s32 $0xA;
	s4 =	simm.s32 $0x10  }
0x92: {  	[smem:s4], [sflag:s15] =	dma.local [hbm:s2], $0x1  }
0x93: {  	_ =	swait.eq [sflag:s15], $0x1  }
0x94: {  	[sflag:s15] =	ssyncset.done $0x0  }
0x95: {  	s16 =	sld [smem:$0x10];
	[sflag:s15] =	ssyncadd.s32 $0xFFFFFFFF  }
0x96: {  	s17 =	sld [smem:$0x11];
	(tm) =	ssettm $0x1  }
0x97: {  	s18 =	sld [smem:$0x3FFB];
	_ =	sdelay $0x3  }
0x98: {  	_ =	strace s18  }
0x99: {  	s4 =	sld [smem:$0x3FFC];
	_ =	sdelay $0x3  }
0x9a: {  	_ =	strace s4  }
0x9b: {  	s4 =	sld [smem:$0x3FFD];
	_ =	sdelay $0x3  }
0x9c: {  	_ =	strace s4  }
0x9d: {  	_ =	strace $0x8FFFFFFF  }
0x9e: {  	s19 =	sld [smem:$0x3FDB];
	_ =	sdelay $0x1  }
0x9f: {  	s5 =	simm.s32 $_scs_section_size  }
0xa0: {  	s6 =	simm.s32 $_size__tile_overlayer_lowered;
	s7 =	simm.s32 $_tile_overlayer_lowered  }
0xa1: {  	s22 =	simm.s32 $0x1BFF;
	s21 =	sshll.u32 s7, $0x1;
	s4 =	sadd.s32 s5, s19  }
0xa2: {  	s8 =	simm.s32 $0x0;
	s20 =	sshll.u32 s6, $0x1;
	s6 =	sadd.s32 s21, s4  }
0xa3: {  	[timem:s8], [sflag:s22] =	dma.local [hbm:s6], s20  }
0xa4: {  	_ =	swait.ge [sflag:s22], s20  }
0xa5: {  	s5 =	ssub.s32 $0x0, s20;
	[sflag:s22] =	ssyncset.done $0x0  }
0xa6: {  	[sflag:s22] =	ssyncadd.s32 s5;
	_ =	sdelay $0x1  }
0xa7: {  	s23 =	simm.s32 $0x1B8B  }
0xa8: {  	_ =	swait.ge [sflag:s23], $0x1  }
0xa9: {  	[sflag:s23] =	ssyncset.done $0x0  }
0xaa: {  	s25 =	simm.s32 $0x1B8E;
	s24 =	sld [smem:$0x3FFE];
	[sflag:s23] =	ssyncadd.s32 $0xFFFFFFFF  }
0xab: {  	s26 =	simm.s32 $execute0_lowered;
	[smem:$0x3FD2] =	sst s25  }
0xac: {  	s6 =	sshll.u32 s26, $0x1;
	_ =	strace $0x80000046;
	[dreg:$0x1] =	wrdreg $0xFFFFFFFF  }
0xad: {  	s28 =	simm.s32 $_size_execute0_lowered;
	s4 =	sadd.s32 s4, s6;
	[dreg:$0x0] =	wrdreg $0x0  }
0xae: {  	s6 =	sshll.u32 s28, $0x1;
	[dreg:$0x2] =	wrdreg s4  }
0xaf: {  	[dreg:$0x3] =	wrdreg s6  }
0xb0: {  	[dreg:$0x4] =	wrdreg $0xC0  }
0xb1: {  	_ =	task [dreg:s8], $0x5FFFF  }
0xb2: {  	[dreg:$0x1] =	wrdreg $0xFFFFFFFF  }
0xb3: {  	[dreg:$0x0] =	wrdreg $0x60  }
0xb4: {  	[dreg:$0x2] =	wrdreg s24  }
0xb5: {  	[dreg:$0x3] =	wrdreg s17  }
0xb6: {  	[dreg:$0x4] =	wrdreg s16  }
0xb7: {  	[dreg:$0x5] =	wrdreg $0x9  }
0xb8: {  	_ =	task.clear_ibuf [dreg:s8], $0x6FFFF;
	_ =	strace $0x90000046  }
0xb9: {  	s29 =	simm.s32 $0x9;
	_ =	strace $0x80000048  }
0xba: {  	_ =	swait.ge [sflag:s29], $0x1  }
0xbb: {  	[sflag:s29] =	ssyncadd.s32 $0xFFFFFFFF  }
0xbc: {  	_ =	strace $0x90000048  }
0xbd: {  	_ =	sfence  }
0xbe: {  	s30 =	sld [smem:$0x0];
	_ =	sdelay $0x2  }
0xbf: {  	s31 =	sshll.u32 s1, $0xD;
	s1 =	sshrl.u32 s1, $0x2  }
0xc0: {  	s3 =	sand.u32 $0x4000, s31;
	s1 =	sadd.s32 s1, s30  }
0xc1: {  	s0 =	sor.u32 s3, s0;
	s1 =	sshll.u32 s1, $0x11  }
0xc2: {  	s0 =	sor.u32 s1, s0  }
0xc3: {  	s0 =	sadd.s32 $0x8F2B, s0  }
0xc4: {  	[sflag:s0] =	ssyncadd.remote.s32 $0x1  }
0xc5: {  	_ =	sfence.sel $0xFFFF  }
0xc6: {  	[dreg:$0x0] =	wrdreg $0xFFFFFFFF;
	(pc) =	sbr.abs _section_cstart, $3  }
0xc7: {  	[dreg:$0x1] =	wrdreg $0xFFFFFFFF  }
0xc8: {  	_ =	task.clear_ibuf [dreg:s8], $0x2FFFF;
	_ =	strace $0x9FFFFFFF  }
0xc9: {  	(tm) =	ssettm $0x7FFFFFFF  }
tec
execute0_lowered:
.L_overlay_start_1:
0x0: {  	(tag) =	ssettag $0x1  }
0x1: {  	s7 =	rddreg [dreg:$0x0];
	s0 =	srdreg.scid  }
0x2: {  	s2 =	stileid.u32;
	s1 =	rddreg [dreg:$0x1]  }
0x3: {  	s4 =	simm.s32 $0x0;
	s21 =	simm.s32 $0xA00;
	s22 =	simm.s32 $0xA80  }
0x4: {  	s23 =	simm.s32 $0xB00;
	s24 =	simm.s32 $0xB80;
	s25 =	simm.s32 $0xC00  }
0x5: {  	s26 =	simm.s32 $0x1;
	s0 =	sand.u32 $0x1, s0;
	s2 =	sshll.u32 s2, $0x1  }
0x6: {  	s28 =	simm.s32 $0xD00;
	s29 =	simm.s32 $0xD80;
	s2 =	sor.u32 s0, s2  }
0x7: {  	s30 =	simm.s32 $0xC80;
	s19 =	simm.s32 $0x0;
	s2 =	smul.u32 $0x280, s2  }
0x8: {  	[smem:$0x7FF] =	sst s4;
	s5 =	sadd.s32 $0x600, s7;
	s0 =	ssub.s32 $0x2, s0  }
0x9: {  	s6 =	sadd.s32 $0x400, s7;
	s8 =	sshrl.u32 s0, $0x1;
	s2 =	smin.u32 s2, $0x4BA0  }
0xa: {  	_ =	strace $0x80000047;
	s0 =	ssub.s32 s0, s8;
	s2 =	sshrl.u32 s2, $0x3  }
0xb: {  	s17 =	smax.u32 s0, $0x1;
	s3 =	sadd.s32 s2, s7;
	s7 =	sadd.s32 $0x200, s7  }
0xc: {  	s11 =	sadd.s32 s1, s2;
	s8 =	sadd.s32 $0x1C00, s3;
	s9 =	sadd.s32 $0x1200, s3  }
0xd: {  	s10 =	sadd.s32 $0x800, s3;
	s12 =	sadd.s32 $0x2600, s3;
	s13 =	sadd.s32 $0x3000, s3  }
0xe: {  	s14 =	sadd.s32 $0x3A00, s3;
	s15 =	sadd.s32 $0x4400, s3;
	s16 =	sadd.s32 $0x4E00, s3  }
.LBB2_1:
0xf: {  	[tilespmem:s4], [sflag:$0x1] =	stream.linear.gather [hbm4b:s8+s4], $0x280, $0x38;
	[tilespmem:$0x1A80] =	vst v63  }
0x10: {  	s0 =	simm.s32 $0x280  }
0x11: {  	[tilespmem:s0], [sflag:$0x1] =	stream.linear.gather [hbm4b:s9+s4], $0x280, $0x38;
	[tilespmem:$0x1A80] =	vst v63  }
0x12: {  	s3 =	simm.s32 $0x500  }
0x13: {  	[tilespmem:s3], [sflag:$0x1] =	stream.linear.gather [hbm4b:s10+s4], $0x280, $0x38;
	[tilespmem:$0x1A80] =	vst v63  }
0x14: {  	s18 =	simm.s32 $0x780  }
0x15: {  	[tilespmem:s18], [sflag:$0x1] =	stream.linear.gather [hbm4b:s11+s4], $0x280, $0x38;
	[tilespmem:$0x1A80] =	vst v63  }
0x16: {  	_ = 	snop  }
0x17: {  	[tilespmem:s21], [sflag:$0x1] =	stream.linear.gather [hbm4b:s5+s4], $0x80, $0x38;
	[tilespmem:$0x1A80] =	vst v63  }
0x18: {  	_ = 	snop  }
0x19: {  	[tilespmem:s22], [sflag:$0x1] =	stream.linear.gather [hbm4b:s6+s4], $0x80, $0x38;
	[tilespmem:$0x1A80] =	vst v63  }
0x1a: {  	_ = 	snop  }
0x1b: {  	[tilespmem:s23], [sflag:$0x1] =	stream.linear.gather [hbm4b:s7+s4], $0x80, $0x38;
	[tilespmem:$0x1A80] =	vst v63  }
0x1c: {  	s20 =	rddreg [dreg:$0x0]  }
0x1d: {  	[tilespmem:s24], [sflag:$0x1] =	stream.linear.gather [hbm4b:s20+s4], $0x80, $0x38;
	[tilespmem:$0x1A80] =	vst v63  }
0x1e: {  	s31 =	rddreg [dreg:$0x2]  }
0x1f: {  	[tilespmem:s25], [sflag:$0x1] =	stream.linear.gather [hbm4b:s31+s4], $0x80, $0x38;
	[tilespmem:$0x1A80] =	vst v63  }
0x20: {  	_ =	swait.ge [sflag:s26], $0x280  }
0x21: {  	[sflag:s26] =	ssyncset.done $0x0  }
0x22: {  	[sflag:s26] =	ssyncadd.s32 $0xFFFFFD80  }
0x23: {  	_ =	swait.ge [sflag:s26], $0x280  }
0x24: {  	[sflag:s26] =	ssyncset.done $0x0  }
0x25: {  	[sflag:s26] =	ssyncadd.s32 $0xFFFFFD80  }
0x26: {  	_ =	swait.ge [sflag:s26], $0x280  }
0x27: {  	[sflag:s26] =	ssyncset.done $0x0  }
0x28: {  	[sflag:s26] =	ssyncadd.s32 $0xFFFFFD80  }
0x29: {  	_ =	swait.ge [sflag:s26], $0x280  }
0x2a: {  	[sflag:s26] =	ssyncset.done $0x0  }
0x2b: {  	[sflag:s26] =	ssyncadd.s32 $0xFFFFFD80  }
0x2c: {  	_ =	swait.ge [sflag:s26], $0x80  }
0x2d: {  	[sflag:s26] =	ssyncset.done $0x0  }
0x2e: {  	[sflag:s26] =	ssyncadd.s32 $0xFFFFFF80  }
0x2f: {  	_ =	swait.ge [sflag:s26], $0x80  }
0x30: {  	[sflag:s26] =	ssyncset.done $0x0  }
0x31: {  	[sflag:s26] =	ssyncadd.s32 $0xFFFFFF80  }
0x32: {  	_ =	swait.ge [sflag:s26], $0x80  }
0x33: {  	[sflag:s26] =	ssyncset.done $0x0  }
0x34: {  	[sflag:s26] =	ssyncadd.s32 $0xFFFFFF80  }
0x35: {  	_ =	swait.ge [sflag:s26], $0x80  }
0x36: {  	[sflag:s26] =	ssyncset.done $0x0  }
0x37: {  	[sflag:s26] =	ssyncadd.s32 $0xFFFFFF80  }
0x38: {  	_ =	swait.ge [sflag:s26], $0x80  }
0x39: {  	[sflag:s26] =	ssyncset.done $0x0  }
0x3a: {  	[sflag:s26] =	ssyncadd.s32 $0xFFFFFF80  }
0x3b: {  	v2 =	vld [tilespmem:$0xA00]  }
0x3c: {  	v3 =	vld [tilespmem:$0xA80]  }
0x3d: {  	v4 =	vld [tilespmem:$0xB00]  }
0x3e: {  	v5 =	vld [tilespmem:$0xB80]  }
0x3f: {  	v6 =	vld [tilespmem:$0xA10]  }
0x40: {  	v7 =	vld [tilespmem:$0xA90]  }
0x41: {  	v8 =	vld [tilespmem:$0xB10]  }
0x42: {  	v9 =	vld [tilespmem:$0xB90]  }
0x43: {  	v10 =	vld [tilespmem:$0xA20]  }
0x44: {  	v11 =	vld [tilespmem:$0xAA0]  }
0x45: {  	v12 =	vld [tilespmem:$0xB20]  }
0x46: {  	v13 =	vld [tilespmem:$0xBA0]  }
0x47: {  	v14 =	vld [tilespmem:$0xA30]  }
0x48: {  	v15 =	vld [tilespmem:$0xAB0]  }
0x49: {  	v16 =	vld [tilespmem:$0xB30]  }
0x4a: {  	v17 =	vld [tilespmem:$0xBB0]  }
0x4b: {  	v18 =	vld [tilespmem:$0xA40]  }
0x4c: {  	v19 =	vld [tilespmem:$0xAC0]  }
0x4d: {  	v20 =	vld [tilespmem:$0xB40]  }
0x4e: {  	v63 =	vld [tilespmem:$0xBC0];
	v2 =	vsub.f32 v4, v2;
	v3 =	vsub.f32 v5, v3  }
0x4f: {  	v21 =	vld [tilespmem:$0xA50];
	v6 =	vsub.f32 v8, v6;
	v7 =	vsub.f32 v9, v7  }
0x50: {  	v24 =	vld [tilespmem:$0xAD0];
	v61 =	vadd.f32 $1.000000000e+00, v4;
	v62 =	vadd.f32 $1.000000000e+00, v5  }
0x51: {  	v28 =	vld [tilespmem:$0xB50];
	v22 =	vsub.f32 v12, v10;
	v23 =	vsub.f32 v13, v11  }
0x52: {  	v30 =	vld [tilespmem:$0xBD0];
	v26 =	vadd.f32 $1.000000000e+00, v8;
	v27 =	vadd.f32 $1.000000000e+00, v9;
	[tilespmem:$0xD00] =	vst v61  }
0x53: {  	v31 =	vsub.f32 v16, v14;
	v32 =	vsub.f32 v17, v15;
	[tilespmem:$0xD80] =	vst v62  }
0x54: {  	v33 =	vld [tilespmem:$0xA60];
	v34 =	vadd.f32 $1.000000000e+00, v12;
	v35 =	vadd.f32 $1.000000000e+00, v13;
	[tilespmem:$0xD10] =	vst v26  }
0x55: {  	v38 =	vld [tilespmem:$0xB60];
	v39 =	vsub.f32 v20, v18;
	v40 =	vsub.f32 v63, v19;
	[tilespmem:$0xD90] =	vst v27  }
0x56: {  	v36 =	vld [tilespmem:$0xAE0];
	v42 =	vadd.f32 $1.000000000e+00, v16;
	v43 =	vadd.f32 $1.000000000e+00, v17;
	[tilespmem:$0xD20] =	vst v34  }
0x57: {  	v41 =	vld [tilespmem:$0xBE0];
	v47 =	vsub.f32 v28, v21;
	v11 =	vsub.f32 v30, v24;
	[tilespmem:$0xDA0] =	vst v35  }
0x58: {  	v46 =	vld [tilespmem:$0xAF0];
	v49 =	vadd.f32 $1.000000000e+00, v20;
	v5 =	vadd.f32 $1.000000000e+00, v63;
	[tilespmem:$0xD30] =	vst v42  }
0x59: {  	v50 =	vld [tilespmem:$0xBF0];
	v2 =	vadd.f32 $1.000000000e+00, v2;
	v3 =	vadd.f32 $1.000000000e+00, v3;
	[tilespmem:$0xDB0] =	vst v43  }
0x5a: {  	v52 =	vsub.f32 v38, v33;
	v54 =	vadd.f32 $1.000000000e+00, v28;
	[tilespmem:$0xD40] =	vst v49  }
0x5b: {  	v55 =	vadd.f32 $1.000000000e+00, v30;
	v59 =	vadd.f32 $1.000000000e+00, v38;
	[tilespmem:$0xDC0] =	vst v5;
	v2 =	vmul.f32 v3, v2  }
0x5c: {  	v44 =	vld [tilespmem:$0xA70];
	v37 =	vadd.f32 $1.000000000e+00, v32;
	[tilespmem:$0xD50] =	vst v54;
	v3 =	vadd.f32 $1.000000000e+00, v31  }
0x5d: {  	v48 =	vld [tilespmem:$0xB70];
	v29 =	vadd.f32 $1.000000000e+00, v23;
	[tilespmem:$0xC80] =	vst v2;
	v2 =	vadd.f32 $1.000000000e+00, v22  }
0x5e: {  	v53 =	vsub.f32 v41, v36;
	v58 =	vsub.f32 v50, v46;
	[tilespmem:$0xDD0] =	vst v55;
	v3 =	vmul.f32 v37, v3  }
0x5f: {  	v63 =	vadd.f32 $1.000000000e+00, v50;
	v45 =	vadd.f32 $1.000000000e+00, v40;
	[tilespmem:$0xD60] =	vst v59;
	v2 =	vmul.f32 v29, v2  }
0x60: {  	v51 =	vadd.f32 $1.000000000e+00, v11;
	[tilespmem:$0xCB0] =	vst v3;
	v3 =	vadd.f32 $1.000000000e+00, v47  }
0x61: {  	v61 =	vadd.f32 $1.000000000e+00, v41;
	[tilespmem:$0xCA0] =	vst v2;
	v2 =	vadd.f32 $1.000000000e+00, v39  }
0x62: {  	v57 =	vsub.f32 v48, v44;
	v6 =	vadd.f32 $1.000000000e+00, v6;
	[tilespmem:$0xDF0] =	vst v63;
	v3 =	vmul.f32 v51, v3  }
0x63: {  	v7 =	vadd.f32 $1.000000000e+00, v7;
	v60 =	vadd.f32 $1.000000000e+00, v58;
	[tilespmem:$0xDE0] =	vst v61;
	v2 =	vmul.f32 v45, v2  }
0x64: {  	v62 =	vadd.f32 $1.000000000e+00, v48;
	[tilespmem:$0xCD0] =	vst v3;
	v3 =	vadd.f32 $1.000000000e+00, v57  }
0x65: {  	v56 =	vadd.f32 $1.000000000e+00, v53;
	v25 =	vmul.f32 v7, v6;
	[tilespmem:$0xCC0] =	vst v2;
	v2 =	vadd.f32 $1.000000000e+00, v52  }
0x66: {  	[tilespmem:$0xD70] =	vst v62;
	v3 =	vmul.f32 v60, v3  }
0x67: {  	[tilespmem:$0xC90] =	vst v25;
	v2 =	vmul.f32 v56, v2  }
0x68: {  	[tilespmem:$0xCF0] =	vst v3  }
0x69: {  	s20 =	simm.s32 $0x0;
	[tilespmem:$0xCE0] =	vst v2  }
.LBB2_2:
0x6a: {  	s18 =	smul.u32 $0x50, s20;
	_ =	sdelay $0x1  }
0x6b: {  	v18 =	vld [tilespmem:s18+$0x0]  }
0x6c: {  	v11 =	vld [tilespmem:s18+$0x20]  }
0x6d: {  	v3 =	vld [tilespmem:s18+$0x40]  }
0x6e: {  	v19 =	vld [tilespmem:s18+$0x280]  }
0x6f: {  	v10 =	vld [tilespmem:s18+$0x2A0]  }
0x70: {  	v2 =	vld [tilespmem:s18+$0x2C0]  }
0x71: {  	v24 =	vld [tilespmem:s18+$0x500]  }
0x72: {  	v31 =	vld [tilespmem:s18+$0x780]  }
0x73: {  	v27 =	vld [tilespmem:s18+$0x520]  }
0x74: {  	v34 =	vld [tilespmem:s18+$0x7A0]  }
0x75: {  	v30 =	vld [tilespmem:s18+$0x540]  }
0x76: {  	v36 =	vld [tilespmem:s18+$0x7C0]  }
0x77: {  	v15 =	vld [tilespmem:s18+$0x10]  }
0x78: {  	v7 =	vld [tilespmem:s18+$0x30]  }
0x79: {  	v14 =	vld [tilespmem:s18+$0x290];
	v4 =	vsub.f32 v24, v18;
	v5 =	vsub.f32 v31, v19  }
0x7a: {  	v25 =	vld [tilespmem:s18+$0x510];
	v8 =	vsub.f32 v27, v11;
	v9 =	vsub.f32 v34, v10  }
0x7b: {  	v33 =	vld [tilespmem:s18+$0x790];
	v23 =	vsub.f32 v30, v3;
	v26 =	vsub.f32 v36, v2  }
0x7c: {  	v39 =	vimm.f32 $-1.000000000e+00;
	v6 =	vld [tilespmem:s18+$0x2B0];
	v24 =	vadd.f32 $1.000000000e+00, v24;
	v27 =	vadd.f32 $1.000000000e+00, v27  }
0x7d: {  	v38 =	vimm.s32 $0x0;
	v28 =	vld [tilespmem:s18+$0x530];
	v30 =	vadd.f32 $1.000000000e+00, v30;
	v31 =	vadd.f32 $1.000000000e+00, v31  }
0x7e: {  	v40 =	vimm.s32 $0x0;
	v35 =	vld [tilespmem:s18+$0x7B0];
	v34 =	vadd.f32 $1.000000000e+00, v34;
	v21 =	vadd.f32 $1.000000000e+00, v4  }
0x7f: {  	v42 =	vimm.s32 $0x0;
	v20 =	vadd.f32 $1.000000000e+00, v5;
	v4 =	vsub.f32 v25, v15  }
0x80: {  	v44 =	vimm.s32 $0x0;
	v5 =	vsub.f32 v33, v14;
	v12 =	vadd.f32 $1.000000000e+00, v8  }
0x81: {  	v47 =	vimm.s32 $0x0;
	v9 =	vadd.f32 $1.000000000e+00, v9;
	v0 =	vadd.f32 $1.000000000e+00, v26  }
0x82: {  	v41 =	vimm.f32 $-1.000000000e+00;
	v17 =	vadd.f32 $1.000000000e+00, v4;
	v16 =	vadd.f32 $1.000000000e+00, v5  }
0x83: {  	v43 =	vimm.f32 $-1.000000000e+00;
	v4 =	vsub.f32 v28, v7;
	v5 =	vsub.f32 v35, v6;
	[tilespmem:$0x1FFA0] =	vst v9  }
0x84: {  	v45 =	vimm.f32 $-1.000000000e+00;
	v36 =	vadd.f32 $1.000000000e+00, v36;
	v1 =	vadd.f32 $1.000000000e+00, v23;
	[tilespmem:$0x1FFB0] =	vst v12  }
0x85: {  	v48 =	vimm.f32 $-1.000000000e+00;
	[tilespmem:$0x1FFE0] =	vst v0;
	v8 =	vadd.f32 $1.000000000e+00, v4;
	v4 =	vadd.f32 $1.000000000e+00, v5  }
0x86: {  	v25 =	vadd.f32 $1.000000000e+00, v25;
	v33 =	vadd.f32 $1.000000000e+00, v33;
	v22 =	vmul.f32 v20, v21;
	[tilespmem:$0x1FFF0] =	vst v1  }
0x87: {  	s1 =	simm.s32 $0x0;
	s3 =	sadd.s32 $0x10, s18;
	v26 =	vmul.f32 v9, v12;
	v28 =	vadd.f32 $1.000000000e+00, v28;
	v32 =	vmul.f32 v0, v1;
	[tilespmem:$0x1FFC0] =	vst v4  }
0x88: {  	s0 =	sadd.s32 $0x20, s18;
	s2 =	sadd.s32 $0x30, s18;
	s31 =	sadd.s32 $0x40, s18;
	v35 =	vadd.f32 $1.000000000e+00, v35;
	v23 =	vmul.f32 v16, v17;
	[tilespmem:$0x1FFD0] =	vst v8;
	v29 =	vmul.f32 v4, v8  }
.LBB2_3:
0x89: {  	v37 =	vmov s1;
	_ =	sdelay $0x4  }
0x8a: {  	v49 =	vld.idx.msk [tilespmem:v37+s21+$0x0], $0xffff  }
0x8b: {  	v50 =	vld.idx.msk [tilespmem:v37+s22+$0x0], $0xffff  }
0x8c: {  	v51 =	vld.idx.msk [tilespmem:v37+s28+$0x0], $0xffff  }
0x8d: {  	v52 =	vld.idx.msk [tilespmem:v37+s29+$0x0], $0xffff  }
0x8e: {  	v53 =	vld.idx.msk [tilespmem:v37+s30+$0x0], $0xffff;
	_ =	sdelay $0x3  }
0x8f: {  	v46 =	vmin.f32 v24, v51;
	v54 =	vmax.f32 v18, v49;
	v55 =	vmin.f32 v31, v52  }
0x90: {  	v56 =	vmax.f32 v19, v50;
	v63 =	vadd.f32 v53, v22;
	v60 =	vmin.f32 v25, v51  }
0x91: {  	v61 =	vmax.f32 v15, v49;
	v46 =	vsub.f32 v46, v54;
	v62 =	vsub.f32 v55, v56  }
0x92: {  	v57 =	vmin.f32 v33, v52;
	v58 =	vmax.f32 v14, v50;
	v55 =	vsub.f32 v60, v61  }
0x93: {  	v46 =	vmax.f32 v46, $0.0e+00;
	v54 =	vmax.f32 v62, $0.0e+00;
	v62 =	vsub.f32 v57, v58  }
0x94: {  	v60 =	vadd.f32 v53, v23;
	v61 =	vmin.f32 v27, v51;
	v54 =	vmul.f32 v54, v46  }
0x95: {  	v55 =	vmax.f32 v55, $0.0e+00;
	v46 =	vor.u32 $0x1, v37;
	v56 =	vmax.f32 v62, $0.0e+00  }
0x96: {  	v62 =	vmax.f32 v11, v49;
	v63 =	vsub.f32 v63, v54;
	v55 =	vmul.f32 v56, v55  }
0x97: {  	v59 =	vmax.f32 v10, v50;
	v57 =	vsub.f32 v61, v62;
	v62 =	vmax.f32 v6, v50  }
0x98: {  	v50 =	vmax.f32 v2, v50;
	(erf) = vrcp.f32 v63;
	v56 =	vsub.f32 v60, v55  }
0x99: {  	v63 =	vmin.f32 v34, v52;
	v60 =	vmax.f32 v7, v49;
	v57 =	vmax.f32 v57, $0.0e+00  }
0x9a: {  	v49 =	vmax.f32 v3, v49;
	v58 =	vsub.f32 v63, v59;
	v59 =	vmin.f32 v28, v51;
	v61 =	vld.idx.msk [tilespmem:v46+s21+$0x0], $0xffff  }
0x9b: {  	v63 =	vld.idx.msk [tilespmem:v46+s22+$0x0], $0xffff;
	v51 =	vmin.f32 v30, v51;
	v59 =	vsub.f32 v59, v60;
	v60 =	vmin.f32 v35, v52  }
0x9c: {  	(erf) = vrcp.f32 v56;
	v58 =	vmax.f32 v58, $0.0e+00;
	v60 =	vsub.f32 v60, v62;
	v62 =	vld.idx.msk [tilespmem:v46+s28+$0x0], $0xffff  }
0x9d: {  	v49 =	vsub.f32 v51, v49;
	v52 =	vmin.f32 v36, v52;
	v56 =	vmul.f32 v58, v57;
	v58 =	vld.idx.msk [tilespmem:v46+s29+$0x0], $0xffff  }
0x9e: {  	v51 =	vadd.f32 v53, v29;
	v50 =	vsub.f32 v52, v50;
	v57 =	vmax.f32 v59, $0.0e+00  }
0x9f: {  	v49 =	vmax.f32 v49, $0.0e+00;
	v59 =	vmax.f32 v60, $0.0e+00;
	v60 =	vadd.f32 v53, v26  }
0xa0: {  	v50 =	vmax.f32 v50, $0.0e+00;
	v53 =	vadd.f32 v53, v32;
	v57 =	vmul.f32 v59, v57  }
0xa1: {  	v0 =	vmax.f32 v18, v61;
	v5 =	vmax.f32 v19, v63;
	v59 =	vmin.f32 v24, v62  }
0xa2: {  	v52 =	vld.idx.msk [tilespmem:v46+s30+$0x0], $0xffff;
	v49 =	vmul.f32 v50, v49;
	v4 =	vmin.f32 v31, v58;
	v0 =	vsub.f32 v59, v0  }
0xa3: {  	v51 =	vsub.f32 v51, v57;
	v59 =	vmin.f32 v25, v62;
	v4 =	vsub.f32 v4, v5  }
0xa4: {  	v5 =	vsub.f32 v60, v56;
	v60 =	vmax.f32 v15, v61;
	v0 =	vmax.f32 v0, $0.0e+00  }
0xa5: {  	v50 =	vsub.f32 v59, v60;
	v59 =	vmin.f32 v33, v58;
	v60 =	vmax.f32 v14, v63  }
0xa6: {  	v4 =	vmax.f32 v4, $0.0e+00;
	(erf) = vrcp.f32 v5;
	v5 =	vsub.f32 v53, v49  }
0xa7: {  	v0 =	vmul.f32 v4, v0;
	v4 =	vadd.f32 v52, v22;
	(erf) = vrcp.f32 v51  }
0xa8: {  	(erf) = vrcp.f32 v5;
	v5 =	vsub.f32 v59, v60  }
0xa9: {  	v59 =	vmin.f32 v34, v58;
	v60 =	vmax.f32 v10, v63;
	v4 =	vsub.f32 v4, v0  }
0xaa: {  	v53 =	vmax.f32 v11, v61;
	v51 =	vmin.f32 v27, v62;
	v59 =	vsub.f32 v59, v60  }
0xab: {  	v5 =	vmax.f32 v5, $0.0e+00;
	(erf) = vrcp.f32 v4;
	v4 =	vmax.f32 v50, $0.0e+00  }
0xac: {  	v50 =	vadd.f32 v52, v23;
	v60 =	vpop (erf);
	v4 =	vmul.f32 v5, v4;
	v5 =	vsub.f32 v51, v53  }
0xad: {  	v53 =	vmul.f32 v60, v54  }
0xae: {  	v51 =	vmax.f32 v59, $0.0e+00;
	v50 =	vsub.f32 v50, v4;
	v5 =	vmax.f32 v5, $0.0e+00  }
0xaf: {  	v59 =	vpop (erf);
	vm0 =	vgt.f32 v53, v48;
	v5 =	vmul.f32 v51, v5;
	v51 =	vadd.f32 v52, v26  }
0xb0: {  	v60 =	vpop (erf);
	v48 =	vsel vm0, v53, v48;
	v47 =	vsel vm0, s1, v47;
	(erf) = vrcp.f32 v50  }
0xb1: {  	v50 =	vmul.f32 v59, v55;
	v53 =	vmul.f32 v60, v56;
	v59 =	vpop (erf);
	v51 =	vsub.f32 v51, v5  }
0xb2: {  	v55 =	vmin.f32 v35, v58;
	v58 =	vmin.f32 v36, v58;
	v60 =	vmul.f32 v59, v57  }
0xb3: {  	v57 =	vpop (erf);
	vm11 =	vgt.f32 v50, v45;
	vm1 =	vgt.f32 v53, v43;
	(erf) = vrcp.f32 v51  }
0xb4: {  	v53 =	vsel vm1, v53, v43;
	vm12 =	vgt.f32 v60, v41;
	v43 =	vmul.f32 v57, v49  }
0xb5: {  	v49 =	vsel vm12, v60, v41;
	v41 =	vsel vm12, s1, v40;
	v40 =	vor.u32 $0x2, v37  }
0xb6: {  	v45 =	vsel vm11, v50, v45;
	v44 =	vsel vm11, s1, v44;
	v54 =	vsel vm1, s1, v42  }
0xb7: {  	v42 =	vmin.f32 v28, v62;
	v51 =	vmax.f32 v7, v61;
	v59 =	vpop (erf);
	v60 =	vmax.f32 v6, v63  }
0xb8: {  	v0 =	vmul.f32 v59, v0;
	vm13 =	vgt.f32 v43, v39;
	v59 =	vsub.f32 v42, v51  }
0xb9: {  	v60 =	vsub.f32 v55, v60;
	v51 =	vmin.f32 v30, v62;
	v62 =	vmax.f32 v3, v61  }
0xba: {  	v55 =	vsel vm13, v43, v39;
	v42 =	vsel vm13, s1, v38;
	vm14 =	vgt.f32 v0, v48;
	v50 =	vpop (erf);
	v56 =	vld.idx.msk [tilespmem:v40+s29+$0x0], $0xffff  }
0xbb: {  	v57 =	vmax.f32 v59, $0.0e+00;
	v39 =	vsel vm14, v0, v48;
	v48 =	vld.idx.msk [tilespmem:v40+s21+$0x0], $0xffff;
	v4 =	vmul.f32 v50, v4  }
0xbc: {  	v59 =	vmax.f32 v60, $0.0e+00;
	v60 =	vadd.f32 v52, v29;
	v52 =	vadd.f32 v52, v32;
	v50 =	vld.idx.msk [tilespmem:v40+s28+$0x0], $0xffff;
	v0 =	vpop (erf)  }
0xbd: {  	vm15 =	vgt.f32 v4, v45;
	v0 =	vmul.f32 v0, v5;
	v5 =	vmul.f32 v59, v57  }
0xbe: {  	v47 =	vsel vm14, v46, v47;
	v43 =	vsel vm15, v4, v45;
	v44 =	vsel vm15, v46, v44  }
0xbf: {  	v4 =	vld.idx.msk [tilespmem:v40+s22+$0x0], $0xffff;
	v59 =	vmin.f32 v31, v56;
	vm4 =	vgt.f32 v0, v53;
	v38 =	vsub.f32 v60, v5  }
0xc0: {  	v57 =	vld.idx.msk [tilespmem:v40+s30+$0x0], $0xffff;
	v60 =	vmax.f32 v2, v63;
	v63 =	vmax.f32 v18, v48;
	v45 =	vsel vm4, v0, v53  }
0xc1: {  	v0 =	vsub.f32 v51, v62;
	v61 =	vsub.f32 v58, v60;
	v62 =	vmin.f32 v24, v50  }
0xc2: {  	v53 =	vmin.f32 v25, v50;
	v58 =	vmax.f32 v15, v48;
	v54 =	vsel vm4, v46, v54  }
0xc3: {  	(erf) = vrcp.f32 v38;
	v38 =	vsub.f32 v62, v63;
	v53 =	vsub.f32 v53, v58  }
0xc4: {  	v0 =	vmax.f32 v0, $0.0e+00;
	v51 =	vmax.f32 v61, $0.0e+00;
	v60 =	vmax.f32 v19, v4  }
0xc5: {  	v62 =	vadd.f32 v57, v22;
	v63 =	vmax.f32 v10, v4;
	v0 =	vmul.f32 v51, v0  }
0xc6: {  	v51 =	vsub.f32 v59, v60;
	v59 =	vmin.f32 v33, v56;
	v60 =	vmax.f32 v14, v4  }
0xc7: {  	v38 =	vmax.f32 v38, $0.0e+00;
	v53 =	vmax.f32 v53, $0.0e+00;
	v61 =	vsub.f32 v59, v60  }
0xc8: {  	v60 =	vmin.f32 v27, v50;
	v51 =	vmax.f32 v51, $0.0e+00;
	v52 =	vsub.f32 v52, v0  }
0xc9: {  	v51 =	vmul.f32 v51, v38;
	v58 =	vmax.f32 v61, $0.0e+00;
	v61 =	vmax.f32 v11, v48  }
0xca: {  	v38 =	vor.u32 $0x3, v37;
	v53 =	vmul.f32 v58, v53;
	v58 =	vadd.f32 v57, v23  }
0xcb: {  	(erf) = vrcp.f32 v52;
	v52 =	vsub.f32 v60, v61;
	v61 =	vmin.f32 v35, v56  }
0xcc: {  	v59 =	vsub.f32 v62, v51;
	v62 =	vmin.f32 v34, v56;
	v56 =	vmin.f32 v36, v56  }
0xcd: {  	v60 =	vsub.f32 v62, v63;
	v52 =	vmax.f32 v52, $0.0e+00;
	v62 =	vmax.f32 v6, v4  }
0xce: {  	v4 =	vmax.f32 v2, v4;
	v8 =	vpop (erf);
	(erf) = vrcp.f32 v59;
	v59 =	vmin.f32 v28, v50  }
0xcf: {  	v50 =	vmin.f32 v30, v50;
	v4 =	vsub.f32 v56, v4;
	v5 =	vmul.f32 v8, v5  }
0xd0: {  	v8 =	vsub.f32 v58, v53;
	v58 =	vmax.f32 v60, $0.0e+00;
	v60 =	vmax.f32 v7, v48  }
0xd1: {  	v56 =	vadd.f32 v57, v26;
	v48 =	vmax.f32 v3, v48;
	v59 =	vsub.f32 v59, v60  }
0xd2: {  	v60 =	vsub.f32 v61, v62;
	v61 =	vld.idx.msk [tilespmem:v38+s21+$0x0], $0xffff;
	v52 =	vmul.f32 v58, v52;
	v48 =	vsub.f32 v50, v48  }
0xd3: {  	v50 =	vld.idx.msk [tilespmem:v38+s28+$0x0], $0xffff;
	v4 =	vmax.f32 v4, $0.0e+00;
	vm5 =	vgt.f32 v5, v49;
	(erf) = vrcp.f32 v8  }
0xd4: {  	v62 =	vld.idx.msk [tilespmem:v38+s22+$0x0], $0xffff;
	v58 =	vmax.f32 v59, $0.0e+00;
	v59 =	vmax.f32 v60, $0.0e+00;
	v48 =	vmax.f32 v48, $0.0e+00  }
0xd5: {  	v60 =	vld.idx.msk [tilespmem:v38+s29+$0x0], $0xffff;
	v8 =	vsub.f32 v56, v52;
	v58 =	vmul.f32 v59, v58;
	v59 =	vadd.f32 v57, v29  }
0xd6: {  	v63 =	vadd.f32 v57, v32;
	v5 =	vsel vm5, v5, v49;
	v4 =	vmul.f32 v4, v48  }
0xd7: {  	v41 =	vsel vm5, v46, v41;
	(erf) = vrcp.f32 v8;
	v56 =	vsub.f32 v59, v58  }
0xd8: {  	v1 =	vpop (erf);
	v48 =	vsub.f32 v63, v4;
	v59 =	vmin.f32 v24, v50;
	v63 =	vmax.f32 v18, v61  }
0xd9: {  	v57 =	vld.idx.msk [tilespmem:v38+s30+$0x0], $0xffff;
	v12 =	vmax.f32 v19, v62;
	v0 =	vmul.f32 v1, v0;
	v8 =	vsub.f32 v59, v63  }
0xda: {  	v63 =	vmax.f32 v14, v62;
	v9 =	vmin.f32 v31, v60;
	(erf) = vrcp.f32 v56  }
0xdb: {  	v59 =	vmin.f32 v33, v60;
	vm6 =	vgt.f32 v0, v55;
	v9 =	vsub.f32 v9, v12  }
0xdc: {  	(erf) = vrcp.f32 v48;
	v1 =	vmax.f32 v8, $0.0e+00;
	v0 =	vsel vm6, v0, v55;
	v55 =	vpop (erf)  }
0xdd: {  	v12 =	vmax.f32 v15, v61;
	v48 =	vmul.f32 v55, v51;
	v8 =	vmax.f32 v9, $0.0e+00  }
0xde: {  	v9 =	vmin.f32 v25, v50;
	v1 =	vmul.f32 v8, v1;
	v8 =	vadd.f32 v57, v22  }
0xdf: {  	v55 =	vmax.f32 v10, v62;
	v56 =	vpop (erf);
	v9 =	vsub.f32 v9, v12;
	v12 =	vsub.f32 v59, v63  }
0xe0: {  	vm7 =	vgt.f32 v48, v39;
	v59 =	vmul.f32 v56, v53;
	v53 =	vmax.f32 v11, v61  }
0xe1: {  	v48 =	vsel vm7, v48, v39;
	v47 =	vsel vm7, v40, v47;
	v8 =	vsub.f32 v8, v1  }
0xe2: {  	v9 =	vmax.f32 v9, $0.0e+00;
	v12 =	vmax.f32 v12, $0.0e+00;
	vm8 =	vgt.f32 v59, v43  }
0xe3: {  	v63 =	vpop (erf);
	(erf) = vrcp.f32 v8;
	v8 =	vmul.f32 v12, v9;
	v9 =	vadd.f32 v57, v23  }
0xe4: {  	v43 =	vsel vm8, v59, v43;
	v12 =	vsel vm6, v46, v42;
	v46 =	vmul.f32 v63, v52  }
0xe5: {  	v44 =	vsel vm8, v40, v44;
	v59 =	vmax.f32 v6, v62;
	v51 =	vpop (erf);
	v9 =	vsub.f32 v9, v8  }
0xe6: {  	v39 =	vmul.f32 v51, v58;
	v52 =	vpop (erf);
	vm9 =	vgt.f32 v46, v45;
	v51 =	vmax.f32 v7, v61  }
0xe7: {  	v58 =	vmin.f32 v35, v60;
	v61 =	vmax.f32 v3, v61;
	v4 =	vmul.f32 v52, v4  }
0xe8: {  	v58 =	vsub.f32 v58, v59;
	(erf) = vrcp.f32 v9;
	vm10 =	vgt.f32 v39, v5  }
0xe9: {  	v9 =	vsel vm9, v46, v45;
	v42 =	vsel vm10, v39, v5;
	v39 =	vor.u32 $0x4, v37  }
0xea: {  	v45 =	vsel vm9, v40, v54;
	v54 =	vmin.f32 v34, v60;
	v5 =	vmin.f32 v27, v50  }
0xeb: {  	vm11 =	vgt.f32 v4, v0;
	v56 =	vsub.f32 v54, v55;
	v5 =	vsub.f32 v5, v53  }
0xec: {  	v46 =	vmin.f32 v28, v50;
	v49 =	vsel vm10, v40, v41;
	v0 =	vsel vm11, v4, v0;
	v4 =	vpop (erf)  }
0xed: {  	v1 =	vmul.f32 v4, v1;
	v4 =	vmax.f32 v5, $0.0e+00;
	v5 =	vmax.f32 v56, $0.0e+00  }
0xee: {  	v41 =	vadd.f32 v57, v26;
	v59 =	vmax.f32 v58, $0.0e+00;
	v55 =	vld.idx.msk [tilespmem:v39+s28+$0x0], $0xffff;
	v4 =	vmul.f32 v5, v4  }
0xef: {  	v50 =	vmin.f32 v30, v50;
	v58 =	vmax.f32 v2, v62;
	v52 =	vld.idx.msk [tilespmem:v39+s29+$0x0], $0xffff;
	v5 =	vsub.f32 v46, v51  }
0xf0: {  	v12 =	vsel vm11, v40, v12;
	v46 =	vld.idx.msk [tilespmem:v39+s21+$0x0], $0xffff;
	vm12 =	vgt.f32 v1, v48;
	v40 =	vsub.f32 v41, v4  }
0xf1: {  	v51 =	vld.idx.msk [tilespmem:v39+s22+$0x0], $0xffff;
	v63 =	vpop (erf);
	v5 =	vmax.f32 v5, $0.0e+00;
	v41 =	vadd.f32 v57, v29;
	v1 =	vsel vm12, v1, v48  }
0xf2: {  	v47 =	vsel vm12, v38, v47;
	v8 =	vmul.f32 v63, v8;
	v63 =	vmin.f32 v36, v60  }
0xf3: {  	v5 =	vmul.f32 v59, v5;
	v59 =	vsub.f32 v50, v61;
	v60 =	vsub.f32 v63, v58  }
0xf4: {  	(erf) = vrcp.f32 v40;
	v63 =	vadd.f32 v57, v32;
	v54 =	vmin.f32 v24, v55  }
0xf5: {  	v57 =	vmin.f32 v31, v52;
	vm13 =	vgt.f32 v8, v43;
	v41 =	vsub.f32 v41, v5  }
0xf6: {  	v61 =	vmax.f32 v59, $0.0e+00;
	v56 =	vmax.f32 v18, v46;
	v58 =	vmax.f32 v19, v51  }
0xf7: {  	v59 =	vmin.f32 v25, v55;
	v62 =	vmax.f32 v60, $0.0e+00;
	v8 =	vsel vm13, v8, v43  }
0xf8: {  	v43 =	vsub.f32 v54, v56;
	v48 =	vsub.f32 v57, v58;
	v60 =	vmax.f32 v15, v46  }
0xf9: {  	v44 =	vsel vm13, v38, v44;
	(erf) = vrcp.f32 v41;
	v40 =	vmul.f32 v62, v61  }
0xfa: {  	v50 =	vsub.f32 v59, v60;
	v61 =	vmin.f32 v33, v52;
	v62 =	vmax.f32 v14, v51  }
0xfb: {  	v54 =	vld.idx.msk [tilespmem:v39+s30+$0x0], $0xffff;
	v60 =	vmax.f32 v11, v46;
	v59 =	vmin.f32 v28, v55;
	v43 =	vmax.f32 v43, $0.0e+00  }
0xfc: {  	v48 =	vmax.f32 v48, $0.0e+00;
	v53 =	vsub.f32 v61, v62;
	v61 =	vmin.f32 v34, v52  }
0xfd: {  	v62 =	vmax.f32 v10, v51;
	v41 =	vsub.f32 v63, v40;
	v50 =	vmax.f32 v50, $0.0e+00  }
0xfe: {  	v63 =	vmin.f32 v27, v55;
	v43 =	vmul.f32 v48, v43;
	v55 =	vmin.f32 v30, v55  }
0xff: {  	v53 =	vmax.f32 v53, $0.0e+00;
	v56 =	vsub.f32 v63, v60;
	v63 =	vsub.f32 v61, v62  }
0x100: {  	v60 =	vadd.f32 v54, v22;
	v50 =	vmul.f32 v53, v50;
	v61 =	vadd.f32 v54, v23  }
0x101: {  	v62 =	vadd.f32 v54, v26;
	v56 =	vmax.f32 v56, $0.0e+00;
	v57 =	vmax.f32 v63, $0.0e+00  }
0x102: {  	(erf) = vrcp.f32 v41;
	v48 =	vsub.f32 v60, v43;
	v56 =	vmul.f32 v57, v56  }
0x103: {  	v53 =	vsub.f32 v61, v50;
	v60 =	vmax.f32 v7, v46;
	v46 =	vmax.f32 v3, v46  }
0x104: {  	v41 =	vor.u32 $0x5, v37;
	v63 =	vpop (erf);
	v61 =	vsub.f32 v59, v60;
	v46 =	vsub.f32 v55, v46  }
0x105: {  	v4 =	vmul.f32 v63, v4;
	(erf) = vrcp.f32 v48;
	v58 =	vsub.f32 v62, v56  }
0x106: {  	v62 =	vmin.f32 v35, v52;
	v63 =	vmax.f32 v6, v51;
	v52 =	vmin.f32 v36, v52  }
0x107: {  	v51 =	vmax.f32 v2, v51;
	(erf) = vrcp.f32 v53;
	v53 =	vsub.f32 v62, v63  }
0x108: {  	v48 =	vmax.f32 v61, $0.0e+00;
	v51 =	vsub.f32 v52, v51;
	(erf) = vrcp.f32 v58  }
0x109: {  	v60 =	vpop (erf);
	v61 =	vadd.f32 v54, v29;
	v46 =	vmax.f32 v46, $0.0e+00;
	v63 =	vadd.f32 v54, v32;
	v55 =	vld.idx.msk [tilespmem:v41+s28+$0x0], $0xffff  }
0x10a: {  	v52 =	vld.idx.msk [tilespmem:v41+s21+$0x0], $0xffff;
	vm14 =	vgt.f32 v4, v9;
	v5 =	vmul.f32 v60, v5;
	v53 =	vmax.f32 v53, $0.0e+00  }
0x10b: {  	v4 =	vsel vm14, v4, v9;
	v51 =	vmax.f32 v51, $0.0e+00;
	v9 =	vmul.f32 v53, v48  }
0x10c: {  	v54 =	vld.idx.msk [tilespmem:v41+s22+$0x0], $0xffff;
	v45 =	vsel vm14, v38, v45;
	v46 =	vmul.f32 v51, v46;
	vm15 =	vgt.f32 v5, v42;
	v62 =	vpop (erf)  }
0x10d: {  	v51 =	vld.idx.msk [tilespmem:v41+s29+$0x0], $0xffff;
	v5 =	vsel vm15, v5, v42;
	v40 =	vmul.f32 v62, v40;
	v48 =	vsub.f32 v61, v9  }
0x10e: {  	v49 =	vsel vm15, v38, v49;
	v59 =	vsub.f32 v63, v46;
	v62 =	vmin.f32 v24, v55  }
0x10f: {  	v63 =	vmax.f32 v18, v52;
	vm4 =	vgt.f32 v40, v0;
	v57 =	vpop (erf);
	(erf) = vrcp.f32 v48  }
0x110: {  	v0 =	vsel vm4, v40, v0;
	v12 =	vsel vm4, v38, v12;
	v58 =	vmul.f32 v57, v43;
	v60 =	vpop (erf)  }
0x111: {  	(erf) = vrcp.f32 v59;
	v57 =	vmax.f32 v19, v54;
	v61 =	vpop (erf);
	v40 =	vmul.f32 v60, v50  }
0x112: {  	vm5 =	vgt.f32 v58, v1;
	v42 =	vmul.f32 v61, v56;
	v56 =	vmin.f32 v31, v51  }
0x113: {  	v43 =	vld.idx.msk [tilespmem:v41+s30+$0x0], $0xffff;
	v61 =	vmax.f32 v15, v52;
	v1 =	vsel vm5, v58, v1;
	v38 =	vsel vm5, v39, v47  }
0x114: {  	vm6 =	vgt.f32 v40, v8;
	v47 =	vsub.f32 v62, v63;
	v58 =	vsub.f32 v56, v57  }
0x115: {  	v62 =	vmin.f32 v33, v51;
	v63 =	vmax.f32 v14, v54;
	v57 =	vmin.f32 v28, v55  }
0x116: {  	v8 =	vsel vm6, v40, v8;
	v44 =	vsel vm6, v39, v44;
	vm7 =	vgt.f32 v42, v4  }
0x117: {  	v4 =	vsel vm7, v42, v4;
	v59 =	vmax.f32 v47, $0.0e+00;
	v60 =	vmax.f32 v58, $0.0e+00  }
0x118: {  	v40 =	vadd.f32 v43, v22;
	v47 =	vmin.f32 v25, v55;
	v45 =	vsel vm7, v39, v45  }
0x119: {  	v58 =	vmax.f32 v7, v52;
	v42 =	vmul.f32 v60, v59;
	v47 =	vsub.f32 v47, v61  }
0x11a: {  	v61 =	vsub.f32 v62, v63;
	v62 =	vmin.f32 v27, v55;
	v63 =	vmax.f32 v11, v52  }
0x11b: {  	v55 =	vmin.f32 v30, v55;
	v52 =	vmax.f32 v3, v52;
	v53 =	vsub.f32 v62, v63  }
0x11c: {  	v59 =	vmin.f32 v35, v51;
	v62 =	vsub.f32 v57, v58;
	v52 =	vsub.f32 v55, v52  }
0x11d: {  	v48 =	vpop (erf);
	v47 =	vmax.f32 v47, $0.0e+00;
	v50 =	vmax.f32 v61, $0.0e+00;
	v61 =	vmax.f32 v10, v54  }
0x11e: {  	v9 =	vmul.f32 v48, v9;
	v48 =	vsub.f32 v40, v42;
	v40 =	vor.u32 $0x6, v37  }
0x11f: {  	v60 =	vpop (erf);
	v47 =	vmul.f32 v50, v47;
	v50 =	vadd.f32 v43, v23;
	v53 =	vmax.f32 v53, $0.0e+00  }
0x120: {  	v52 =	vmax.f32 v52, $0.0e+00;
	v46 =	vmul.f32 v60, v46;
	v60 =	vmin.f32 v34, v51  }
0x121: {  	v51 =	vmin.f32 v36, v51;
	v56 =	vsub.f32 v60, v61;
	v60 =	vmax.f32 v6, v54  }
0x122: {  	(erf) = vrcp.f32 v48;
	v50 =	vsub.f32 v50, v47;
	v48 =	vmax.f32 v62, $0.0e+00  }
0x123: {  	vm8 =	vgt.f32 v9, v5;
	v54 =	vmax.f32 v2, v54;
	v63 =	vsub.f32 v59, v60;
	v58 =	vld.idx.msk [tilespmem:v40+s21+$0x0], $0xffff  }
0x124: {  	v60 =	vadd.f32 v43, v26;
	v51 =	vsub.f32 v51, v54;
	v56 =	vmax.f32 v56, $0.0e+00;
	v57 =	vld.idx.msk [tilespmem:v40+s28+$0x0], $0xffff  }
0x125: {  	(erf) = vrcp.f32 v50;
	v53 =	vmul.f32 v56, v53;
	v56 =	vmax.f32 v63, $0.0e+00;
	v61 =	vld.idx.msk [tilespmem:v40+s29+$0x0], $0xffff  }
0x126: {  	v59 =	vld.idx.msk [tilespmem:v40+s22+$0x0], $0xffff;
	v51 =	vmax.f32 v51, $0.0e+00;
	v48 =	vmul.f32 v56, v48;
	v56 =	vadd.f32 v43, v29  }
0x127: {  	v51 =	vmul.f32 v51, v52;
	v43 =	vadd.f32 v43, v32;
	v50 =	vsub.f32 v60, v53  }
0x128: {  	vm9 =	vgt.f32 v46, v0;
	v5 =	vsel vm8, v9, v5;
	v9 =	vsel vm8, v39, v49;
	v54 =	vld.idx.msk [tilespmem:v40+s30+$0x0], $0xffff  }
0x129: {  	v56 =	vsub.f32 v56, v48;
	v43 =	vsub.f32 v43, v51;
	(erf) = vrcp.f32 v50  }
0x12a: {  	v55 =	vmin.f32 v24, v57;
	v60 =	vmax.f32 v18, v58;
	v62 =	vmin.f32 v31, v61  }
0x12b: {  	v63 =	vmax.f32 v19, v59;
	(erf) = vrcp.f32 v56;
	v49 =	vmin.f32 v25, v57  }
0x12c: {  	v52 =	vmax.f32 v15, v58;
	v56 =	vmax.f32 v14, v59;
	v50 =	vsub.f32 v55, v60  }
0x12d: {  	v60 =	vsub.f32 v62, v63;
	v63 =	vadd.f32 v54, v22;
	v55 =	vmin.f32 v33, v61  }
0x12e: {  	v0 =	vsel vm9, v46, v0;
	v52 =	vsub.f32 v49, v52;
	v55 =	vsub.f32 v55, v56  }
0x12f: {  	(erf) = vrcp.f32 v43;
	v50 =	vmax.f32 v50, $0.0e+00;
	v62 =	vmax.f32 v60, $0.0e+00  }
0x130: {  	v43 =	vmax.f32 v52, $0.0e+00;
	v50 =	vmul.f32 v62, v50;
	v62 =	vmax.f32 v55, $0.0e+00  }
0x131: {  	v12 =	vsel vm9, v39, v12;
	v49 =	vadd.f32 v54, v23;
	v60 =	vpop (erf);
	v43 =	vmul.f32 v62, v43  }
0x132: {  	v39 =	vmin.f32 v27, v57;
	v46 =	vsub.f32 v63, v50;
	v56 =	vmul.f32 v60, v42;
	v60 =	vpop (erf)  }
0x133: {  	v62 =	vmax.f32 v10, v59;
	v42 =	vmul.f32 v60, v47;
	v55 =	vsub.f32 v49, v43  }
0x134: {  	v60 =	vmin.f32 v34, v61;
	(erf) = vrcp.f32 v46;
	vm10 =	vgt.f32 v56, v1;
	v63 =	vpop (erf)  }
0x135: {  	v1 =	vsel vm10, v56, v1;
	vm11 =	vgt.f32 v42, v8;
	v52 =	vmul.f32 v63, v53  }
0x136: {  	v47 =	vsel vm10, v41, v38;
	(erf) = vrcp.f32 v55;
	v38 =	vor.u32 $0x7, v37  }
0x137: {  	v55 =	vsub.f32 v60, v62;
	v60 =	vmax.f32 v7, v58;
	v62 =	vmin.f32 v35, v61  }
0x138: {  	v53 =	vpop (erf);
	v61 =	vmin.f32 v36, v61;
	v8 =	vsel vm11, v42, v8;
	v44 =	vsel vm11, v41, v44  }
0x139: {  	v46 =	vmul.f32 v53, v48;
	v42 =	vmax.f32 v11, v58;
	v56 =	vpop (erf);
	v58 =	vmax.f32 v3, v58  }
0x13a: {  	vm12 =	vgt.f32 v52, v4;
	v48 =	vmul.f32 v56, v51;
	v39 =	vsub.f32 v39, v42  }
0x13b: {  	v42 =	vmax.f32 v55, $0.0e+00;
	v56 =	vmin.f32 v28, v57;
	v57 =	vmin.f32 v30, v57  }
0x13c: {  	v4 =	vsel vm12, v52, v4;
	v45 =	vsel vm12, v41, v45;
	vm14 =	vgt.f32 v48, v0  }
0x13d: {  	vm13 =	vgt.f32 v46, v5;
	v39 =	vmax.f32 v39, $0.0e+00;
	v0 =	vsel vm14, v48, v0  }
0x13e: {  	v39 =	vmul.f32 v42, v39;
	v42 =	vadd.f32 v54, v26;
	v48 =	vsub.f32 v56, v60;
	v49 =	vld.idx.msk [tilespmem:v38+s28+$0x0], $0xffff  }
0x13f: {  	v5 =	vsel vm13, v46, v5;
	v9 =	vsel vm13, v41, v9;
	v52 =	vld.idx.msk [tilespmem:v38+s22+$0x0], $0xffff;
	v12 =	vsel vm14, v41, v12  }
0x140: {  	v60 =	vsub.f32 v57, v58;
	v42 =	vsub.f32 v42, v39;
	v56 =	vmax.f32 v48, $0.0e+00;
	v48 =	vld.idx.msk [tilespmem:v38+s29+$0x0], $0xffff;
	v63 =	vpop (erf)  }
0x141: {  	v58 =	vadd.f32 v54, v32;
	v46 =	vmul.f32 v63, v50;
	v63 =	vmax.f32 v6, v59;
	v53 =	vpop (erf)  }
0x142: {  	(erf) = vrcp.f32 v42;
	v55 =	vsub.f32 v62, v63;
	v41 =	vmul.f32 v53, v43  }
0x143: {  	v50 =	vld.idx.msk [tilespmem:v38+s21+$0x0], $0xffff;
	v62 =	vmax.f32 v2, v59;
	v43 =	vmax.f32 v60, $0.0e+00;
	v63 =	vmin.f32 v24, v49  }
0x144: {  	vm15 =	vgt.f32 v46, v1;
	v51 =	vsub.f32 v61, v62;
	v62 =	vmax.f32 v19, v52  }
0x145: {  	v1 =	vsel vm15, v46, v1;
	v46 =	vmax.f32 v55, $0.0e+00;
	v61 =	vmin.f32 v31, v48  }
0x146: {  	vm4 =	vgt.f32 v41, v8;
	v47 =	vsel vm15, v40, v47;
	v42 =	vmul.f32 v46, v56  }
0x147: {  	v46 =	vadd.f32 v54, v29;
	v51 =	vmax.f32 v51, $0.0e+00;
	v8 =	vsel vm4, v41, v8  }
0x148: {  	v56 =	vmin.f32 v27, v49;
	v44 =	vsel vm4, v40, v44;
	v60 =	vmax.f32 v18, v50  }
0x149: {  	v55 =	vld.idx.msk [tilespmem:v38+s30+$0x0], $0xffff;
	v43 =	vmul.f32 v51, v43;
	v57 =	vmax.f32 v11, v50;
	v53 =	vsub.f32 v63, v60  }
0x14a: {  	v63 =	vsub.f32 v61, v62;
	v60 =	vmin.f32 v25, v49;
	v61 =	vmax.f32 v15, v50  }
0x14b: {  	v46 =	vsub.f32 v46, v42;
	v62 =	vmin.f32 v33, v48;
	v54 =	vsub.f32 v60, v61  }
0x14c: {  	v53 =	vmax.f32 v53, $0.0e+00;
	v59 =	vmax.f32 v63, $0.0e+00;
	v63 =	vmax.f32 v14, v52  }
0x14d: {  	(erf) = vrcp.f32 v46;
	v46 =	vsub.f32 v58, v43;
	v60 =	vsub.f32 v62, v63  }
0x14e: {  	v61 =	vsub.f32 v56, v57;
	v51 =	vmul.f32 v59, v53;
	v53 =	vadd.f32 v55, v22  }
0x14f: {  	v58 =	vmin.f32 v34, v48;
	v59 =	vmax.f32 v10, v52;
	(erf) = vrcp.f32 v46  }
0x150: {  	v46 =	vsub.f32 v53, v51;
	v53 =	vmax.f32 v54, $0.0e+00;
	v41 =	vmax.f32 v60, $0.0e+00  }
0x151: {  	v62 =	vsub.f32 v58, v59;
	v54 =	vadd.f32 v55, v23;
	v41 =	vmul.f32 v41, v53;
	v60 =	vpop (erf)  }
0x152: {  	v53 =	vmax.f32 v61, $0.0e+00;
	(erf) = vrcp.f32 v46;
	v39 =	vmul.f32 v60, v39  }
0x153: {  	v63 =	vsub.f32 v54, v41;
	v60 =	vmax.f32 v62, $0.0e+00;
	v62 =	vadd.f32 v55, v26  }
0x154: {  	v54 =	vmin.f32 v28, v49;
	v49 =	vmin.f32 v30, v49;
	v53 =	vmul.f32 v60, v53  }
0x155: {  	v60 =	vmin.f32 v35, v48;
	v48 =	vmin.f32 v36, v48;
	vm5 =	vgt.f32 v39, v4  }
0x156: {  	(erf) = vrcp.f32 v63;
	v63 =	vmax.f32 v7, v50;
	v50 =	vmax.f32 v3, v50  }
0x157: {  	v4 =	vsel vm5, v39, v4;
	v46 =	vsub.f32 v62, v53;
	v39 =	vor.u32 $0x8, v37  }
0x158: {  	v61 =	vpop (erf);
	v63 =	vsub.f32 v54, v63;
	v45 =	vsel vm5, v40, v45;
	v49 =	vsub.f32 v49, v50  }
0x159: {  	v42 =	vmul.f32 v61, v42;
	v61 =	vmax.f32 v6, v52;
	v52 =	vmax.f32 v2, v52  }
0x15a: {  	v62 =	vpop (erf);
	(erf) = vrcp.f32 v46;
	v57 =	vsub.f32 v60, v61;
	v58 =	vmax.f32 v63, $0.0e+00  }
0x15b: {  	v60 =	vadd.f32 v55, v29;
	vm6 =	vgt.f32 v42, v5;
	v43 =	vmul.f32 v62, v43  }
0x15c: {  	v48 =	vsub.f32 v48, v52;
	v5 =	vsel vm6, v42, v5;
	v59 =	vmax.f32 v57, $0.0e+00;
	v54 =	vld.idx.msk [tilespmem:v39+s28+$0x0], $0xffff  }
0x15d: {  	v9 =	vsel vm6, v40, v9;
	vm7 =	vgt.f32 v43, v0;
	v42 =	vmul.f32 v59, v58;
	v61 =	vpop (erf);
	v50 =	vld.idx.msk [tilespmem:v39+s29+$0x0], $0xffff  }
0x15e: {  	v0 =	vsel vm7, v43, v0;
	v12 =	vsel vm7, v40, v12;
	v43 =	vld.idx.msk [tilespmem:v39+s21+$0x0], $0xffff;
	v40 =	vmul.f32 v61, v51  }
0x15f: {  	v56 =	vmax.f32 v49, $0.0e+00;
	v51 =	vld.idx.msk [tilespmem:v39+s22+$0x0], $0xffff;
	v46 =	vsub.f32 v60, v42  }
0x160: {  	v48 =	vmax.f32 v48, $0.0e+00;
	v57 =	vadd.f32 v55, v32;
	vm8 =	vgt.f32 v40, v1;
	v62 =	vpop (erf)  }
0x161: {  	v1 =	vsel vm8, v40, v1;
	v63 =	vmul.f32 v62, v41;
	(erf) = vrcp.f32 v46  }
0x162: {  	v41 =	vsel vm8, v38, v47;
	v47 =	vmul.f32 v48, v56;
	v58 =	vmin.f32 v24, v54  }
0x163: {  	v60 =	vmin.f32 v31, v50;
	v55 =	vmin.f32 v25, v54;
	vm9 =	vgt.f32 v63, v8  }
0x164: {  	v52 =	vpop (erf);
	v59 =	vmax.f32 v18, v43;
	v61 =	vmax.f32 v19, v51;
	v49 =	vsub.f32 v57, v47  }
0x165: {  	v48 =	vld.idx.msk [tilespmem:v39+s30+$0x0], $0xffff;
	v46 =	vmul.f32 v52, v53;
	v52 =	vsub.f32 v58, v59;
	v8 =	vsel vm9, v63, v8  }
0x166: {  	v44 =	vsel vm9, v38, v44;
	v62 =	vsub.f32 v60, v61;
	v63 =	vmax.f32 v15, v43  }
0x167: {  	v60 =	vmin.f32 v33, v50;
	v61 =	vmax.f32 v14, v51;
	v63 =	vsub.f32 v55, v63  }
0x168: {  	v58 =	vsub.f32 v60, v61;
	(erf) = vrcp.f32 v49;
	v61 =	vmin.f32 v27, v54  }
0x169: {  	vm10 =	vgt.f32 v46, v4;
	v52 =	vmax.f32 v52, $0.0e+00;
	v40 =	vmax.f32 v62, $0.0e+00  }
0x16a: {  	v53 =	vadd.f32 v48, v22;
	v52 =	vmul.f32 v40, v52;
	v4 =	vsel vm10, v46, v4  }
0x16b: {  	v40 =	vmax.f32 v63, $0.0e+00;
	v60 =	vmax.f32 v58, $0.0e+00;
	v63 =	vmin.f32 v34, v50  }
0x16c: {  	v45 =	vsel vm10, v38, v45;
	v49 =	vmul.f32 v60, v40;
	v60 =	vmax.f32 v10, v51  }
0x16d: {  	v40 =	vor.u32 $0x9, v37;
	v46 =	vsub.f32 v53, v52;
	v53 =	vadd.f32 v48, v23  }
0x16e: {  	v56 =	vsub.f32 v63, v60;
	v63 =	vmin.f32 v28, v54;
	v60 =	vmax.f32 v7, v43;
	v62 =	vpop (erf)  }
0x16f: {  	v54 =	vmin.f32 v30, v54;
	v42 =	vmul.f32 v62, v42;
	v62 =	vmax.f32 v11, v43  }
0x170: {  	(erf) = vrcp.f32 v46;
	v46 =	vsub.f32 v53, v49;
	v55 =	vsub.f32 v61, v62  }
0x171: {  	v43 =	vmax.f32 v3, v43;
	v62 =	vmax.f32 v56, $0.0e+00;
	v56 =	vsub.f32 v63, v60  }
0x172: {  	v43 =	vsub.f32 v54, v43;
	vm11 =	vgt.f32 v42, v5;
	v61 =	vmax.f32 v55, $0.0e+00  }
0x173: {  	v58 =	vld.idx.msk [tilespmem:v40+s21+$0x0], $0xffff;
	v55 =	vadd.f32 v48, v26;
	v53 =	vmul.f32 v62, v61;
	v61 =	vmin.f32 v35, v50  }
0x174: {  	v59 =	vld.idx.msk [tilespmem:v40+s22+$0x0], $0xffff;
	v62 =	vmax.f32 v6, v51;
	v50 =	vmin.f32 v36, v50;
	v51 =	vmax.f32 v2, v51  }
0x175: {  	(erf) = vrcp.f32 v46;
	v63 =	vsub.f32 v61, v62;
	v60 =	vsub.f32 v50, v51;
	v50 =	vld.idx.msk [tilespmem:v40+s28+$0x0], $0xffff  }
0x176: {  	v43 =	vmax.f32 v43, $0.0e+00;
	v61 =	vmax.f32 v56, $0.0e+00;
	v56 =	vld.idx.msk [tilespmem:v40+s29+$0x0], $0xffff;
	v51 =	vsub.f32 v55, v53  }
0x177: {  	v62 =	vmax.f32 v63, $0.0e+00;
	v46 =	vmax.f32 v60, $0.0e+00;
	v60 =	vadd.f32 v48, v29  }
0x178: {  	v54 =	vmul.f32 v62, v61;
	v46 =	vmul.f32 v46, v43;
	v61 =	vadd.f32 v48, v32  }
0x179: {  	v5 =	vsel vm11, v42, v5;
	v55 =	vmax.f32 v18, v58;
	(erf) = vrcp.f32 v51;
	v48 =	vld.idx.msk [tilespmem:v40+s30+$0x0], $0xffff;
	v63 =	vpop (erf)  }
0x17a: {  	v42 =	vmul.f32 v63, v47;
	v47 =	vsub.f32 v60, v54;
	v43 =	vsub.f32 v61, v46  }
0x17b: {  	v51 =	vmin.f32 v24, v50;
	v57 =	vmin.f32 v31, v56;
	v60 =	vmax.f32 v19, v59  }
0x17c: {  	v62 =	vsub.f32 v51, v55;
	v63 =	vsub.f32 v57, v60;
	(erf) = vrcp.f32 v47  }
0x17d: {  	v9 =	vsel vm11, v38, v9;
	vm12 =	vgt.f32 v42, v0;
	(erf) = vrcp.f32 v43  }
0x17e: {  	v57 =	vpop (erf);
	v47 =	vmax.f32 v62, $0.0e+00;
	v51 =	vmax.f32 v63, $0.0e+00;
	v62 =	vadd.f32 v48, v22  }
0x17f: {  	v0 =	vsel vm12, v42, v0;
	v60 =	vmul.f32 v57, v52;
	v61 =	vpop (erf);
	v47 =	vmul.f32 v51, v47  }
0x180: {  	v12 =	vsel vm12, v38, v12;
	v57 =	vmin.f32 v25, v50;
	v49 =	vmul.f32 v61, v49  }
0x181: {  	v61 =	vmin.f32 v33, v56;
	vm13 =	vgt.f32 v60, v1;
	v63 =	vsub.f32 v62, v47  }
0x182: {  	v62 =	vmax.f32 v14, v59;
	v1 =	vsel vm13, v60, v1;
	vm14 =	vgt.f32 v49, v8  }
0x183: {  	v51 =	vsel vm13, v39, v41;
	v55 =	vpop (erf);
	v60 =	vmax.f32 v15, v58;
	v8 =	vsel vm14, v49, v8  }
0x184: {  	v42 =	vsel vm14, v39, v44;
	v41 =	vmul.f32 v55, v53;
	(erf) = vrcp.f32 v63  }
0x185: {  	v38 =	vsub.f32 v57, v60;
	v44 =	vsub.f32 v61, v62;
	v55 =	vmin.f32 v34, v56  }
0x186: {  	v57 =	vmax.f32 v10, v59;
	v60 =	vmin.f32 v28, v50;
	v61 =	vmax.f32 v7, v58  }
0x187: {  	v62 =	vmin.f32 v35, v56;
	vm15 =	vgt.f32 v41, v4;
	v38 =	vmax.f32 v38, $0.0e+00;
	v63 =	vpop (erf)  }
0x188: {  	v44 =	vmax.f32 v44, $0.0e+00;
	v43 =	vsel vm15, v41, v4;
	v4 =	vmul.f32 v63, v54  }
0x189: {  	v41 =	vsel vm15, v39, v45;
	v49 =	vmul.f32 v44, v38;
	v38 =	vor.u32 $0xA, v37;
	v53 =	vpop (erf)  }
0x18a: {  	v54 =	vadd.f32 v48, v23;
	v46 =	vmul.f32 v53, v46;
	vm4 =	vgt.f32 v4, v5  }
0x18b: {  	v63 =	vmax.f32 v6, v59;
	v59 =	vmax.f32 v2, v59;
	v4 =	vsel vm4, v4, v5  }
0x18c: {  	v45 =	vsel vm4, v39, v9;
	vm5 =	vgt.f32 v46, v0;
	v5 =	vmin.f32 v27, v50  }
0x18d: {  	v9 =	vmax.f32 v11, v58;
	v44 =	vsel vm5, v46, v0;
	v0 =	vsub.f32 v54, v49  }
0x18e: {  	v50 =	vmin.f32 v30, v50;
	v46 =	vsub.f32 v60, v61;
	v61 =	vadd.f32 v48, v29  }
0x18f: {  	(erf) = vrcp.f32 v0;
	v0 =	vsub.f32 v5, v9;
	v5 =	vsub.f32 v55, v57  }
0x190: {  	v53 =	vld.idx.msk [tilespmem:v38+s21+$0x0], $0xffff;
	v9 =	vpop (erf);
	v46 =	vmax.f32 v46, $0.0e+00;
	v57 =	vmax.f32 v3, v58;
	v58 =	vmin.f32 v36, v56  }
0x191: {  	v55 =	vld.idx.msk [tilespmem:v38+s28+$0x0], $0xffff;
	v9 =	vmul.f32 v9, v47;
	v47 =	vsub.f32 v62, v63;
	v50 =	vsub.f32 v50, v57  }
0x192: {  	v60 =	vsub.f32 v58, v59;
	v0 =	vmax.f32 v0, $0.0e+00;
	v5 =	vmax.f32 v5, $0.0e+00  }
0x193: {  	v47 =	vmax.f32 v47, $0.0e+00;
	v0 =	vmul.f32 v5, v0;
	v5 =	vadd.f32 v48, v26  }
0x194: {  	v50 =	vmax.f32 v50, $0.0e+00;
	v52 =	vmax.f32 v60, $0.0e+00;
	v46 =	vmul.f32 v47, v46;
	v47 =	vld.idx.msk [tilespmem:v38+s22+$0x0], $0xffff  }
0x195: {  	v48 =	vadd.f32 v48, v32;
	vm6 =	vgt.f32 v9, v1;
	v50 =	vmul.f32 v52, v50;
	v52 =	vld.idx.msk [tilespmem:v38+s29+$0x0], $0xffff  }
0x196: {  	v54 =	vmax.f32 v18, v53;
	v1 =	vsel vm6, v9, v1;
	v9 =	vmin.f32 v24, v55  }
0x197: {  	v12 =	vsel vm5, v39, v12;
	v5 =	vsub.f32 v5, v0;
	v9 =	vsub.f32 v9, v54  }
0x198: {  	v59 =	vmax.f32 v15, v53;
	v58 =	vmin.f32 v25, v55;
	v63 =	vsub.f32 v61, v46  }
0x199: {  	(erf) = vrcp.f32 v5;
	v5 =	vsub.f32 v48, v50;
	v9 =	vmax.f32 v9, $0.0e+00  }
0x19a: {  	v62 =	vpop (erf);
	(erf) = vrcp.f32 v63;
	v56 =	vmin.f32 v31, v52;
	v57 =	vmax.f32 v19, v47  }
0x19b: {  	v60 =	vmin.f32 v33, v52;
	v61 =	vmax.f32 v14, v47;
	v63 =	vmin.f32 v27, v55  }
0x19c: {  	v39 =	vmul.f32 v62, v49;
	(erf) = vrcp.f32 v5;
	v48 =	vsub.f32 v56, v57  }
0x19d: {  	v49 =	vsub.f32 v58, v59;
	v54 =	vsub.f32 v60, v61;
	v60 =	vmax.f32 v11, v53  }
0x19e: {  	v5 =	vld.idx.msk [tilespmem:v38+s30+$0x0], $0xffff;
	v58 =	vmin.f32 v28, v55;
	v59 =	vmax.f32 v7, v53;
	v53 =	vmax.f32 v3, v53  }
0x19f: {  	v61 =	vsub.f32 v63, v60;
	v63 =	vmax.f32 v10, v47;
	v60 =	vmin.f32 v35, v52  }
0x1a0: {  	v58 =	vsub.f32 v58, v59;
	vm7 =	vgt.f32 v39, v8;
	v48 =	vmax.f32 v48, $0.0e+00  }
0x1a1: {  	v49 =	vmax.f32 v49, $0.0e+00;
	v54 =	vmax.f32 v54, $0.0e+00;
	v9 =	vmul.f32 v48, v9  }
0x1a2: {  	v49 =	vmul.f32 v54, v49;
	v54 =	vmax.f32 v61, $0.0e+00;
	v61 =	vmax.f32 v6, v47  }
0x1a3: {  	v8 =	vsel vm7, v39, v8;
	v47 =	vmax.f32 v2, v47;
	v62 =	vadd.f32 v5, v22  }
0x1a4: {  	v39 =	vor.u32 $0xB, v37;
	v60 =	vsub.f32 v60, v61;
	v56 =	vadd.f32 v5, v23  }
0x1a5: {  	v61 =	vadd.f32 v5, v26;
	v48 =	vsub.f32 v62, v9;
	v62 =	vmin.f32 v34, v52  }
0x1a6: {  	v56 =	vsub.f32 v56, v49;
	v52 =	vmin.f32 v36, v52;
	v57 =	vsub.f32 v62, v63  }
0x1a7: {  	v62 =	vmax.f32 v58, $0.0e+00;
	v63 =	vmax.f32 v60, $0.0e+00;
	(erf) = vrcp.f32 v48  }
0x1a8: {  	v47 =	vsub.f32 v52, v47;
	v57 =	vmax.f32 v57, $0.0e+00;
	(erf) = vrcp.f32 v56  }
0x1a9: {  	v48 =	vmul.f32 v57, v54;
	v57 =	vmul.f32 v63, v62;
	v62 =	vmin.f32 v30, v55  }
0x1aa: {  	v51 =	vsel vm6, v40, v51;
	v60 =	vadd.f32 v5, v29;
	v63 =	vpop (erf);
	v53 =	vsub.f32 v62, v53  }
0x1ab: {  	v47 =	vmax.f32 v47, $0.0e+00;
	v0 =	vmul.f32 v63, v0;
	v58 =	vpop (erf);
	v54 =	vsub.f32 v61, v48  }
0x1ac: {  	v61 =	vsub.f32 v60, v57;
	v46 =	vmul.f32 v58, v46;
	v59 =	vmax.f32 v53, $0.0e+00  }
0x1ad: {  	v5 =	vadd.f32 v5, v32;
	(erf) = vrcp.f32 v54;
	v47 =	vmul.f32 v47, v59  }
0x1ae: {  	v42 =	vsel vm7, v40, v42;
	v60 =	vpop (erf);
	vm8 =	vgt.f32 v0, v43;
	v53 =	vld.idx.msk [tilespmem:v39+s28+$0x0], $0xffff;
	(erf) = vrcp.f32 v61  }
0x1af: {  	vm9 =	vgt.f32 v46, v4;
	v61 =	vmul.f32 v60, v50;
	v50 =	vld.idx.msk [tilespmem:v39+s21+$0x0], $0xffff;
	v5 =	vsub.f32 v5, v47  }
0x1b0: {  	v0 =	vsel vm8, v0, v43;
	v41 =	vsel vm8, v40, v41;
	v4 =	vsel vm9, v46, v4;
	v62 =	vpop (erf)  }
0x1b1: {  	vm10 =	vgt.f32 v61, v44;
	v9 =	vmul.f32 v62, v9;
	(erf) = vrcp.f32 v5;
	v5 =	vld.idx.msk [tilespmem:v39+s22+$0x0], $0xffff  }
0x1b2: {  	v52 =	vsel vm9, v40, v45;
	v63 =	vpop (erf);
	v46 =	vsel vm10, v61, v44;
	v12 =	vsel vm10, v40, v12  }
0x1b3: {  	v45 =	vmin.f32 v25, v53;
	v54 =	vmul.f32 v63, v49;
	v49 =	vld.idx.msk [tilespmem:v39+s29+$0x0], $0xffff;
	vm11 =	vgt.f32 v9, v1  }
0x1b4: {  	v60 =	vmax.f32 v15, v50;
	v1 =	vsel vm11, v9, v1;
	v43 =	vsel vm11, v38, v51  }
0x1b5: {  	vm12 =	vgt.f32 v54, v8;
	v9 =	vmin.f32 v24, v53;
	v51 =	vsub.f32 v45, v60  }
0x1b6: {  	v60 =	vmin.f32 v27, v53;
	v44 =	vsel vm12, v38, v42;
	v55 =	vpop (erf);
	v59 =	vmax.f32 v19, v5  }
0x1b7: {  	v62 =	vmax.f32 v14, v5;
	v56 =	vmul.f32 v55, v48;
	v48 =	vsel vm12, v54, v8;
	v8 =	vpop (erf)  }
0x1b8: {  	v58 =	vmin.f32 v31, v49;
	v61 =	vmin.f32 v33, v49;
	v8 =	vmul.f32 v8, v57  }
0x1b9: {  	v57 =	vmax.f32 v18, v50;
	v40 =	vsub.f32 v58, v59;
	vm13 =	vgt.f32 v56, v0  }
0x1ba: {  	v54 =	vsub.f32 v61, v62;
	v42 =	vsel vm13, v56, v0;
	v0 =	vsub.f32 v9, v57;
	v9 =	vld.idx.msk [tilespmem:v39+s30+$0x0], $0xffff  }
0x1bb: {  	v61 =	vmax.f32 v11, v50;
	v62 =	vmin.f32 v34, v49;
	v41 =	vsel vm13, v38, v41  }
0x1bc: {  	vm14 =	vgt.f32 v8, v4;
	v63 =	vpop (erf);
	v40 =	vmax.f32 v40, $0.0e+00;
	v57 =	vmax.f32 v51, $0.0e+00  }
0x1bd: {  	v58 =	vmax.f32 v54, $0.0e+00;
	v45 =	vsel vm14, v8, v4;
	v4 =	vmul.f32 v63, v47  }
0x1be: {  	v51 =	vmul.f32 v58, v57;
	v47 =	vsel vm14, v38, v52;
	v0 =	vmax.f32 v0, $0.0e+00  }
0x1bf: {  	v0 =	vmul.f32 v40, v0;
	v8 =	vadd.f32 v9, v22;
	v59 =	vadd.f32 v9, v23  }
0x1c0: {  	v63 =	vmax.f32 v10, v5;
	vm15 =	vgt.f32 v4, v46;
	v40 =	vor.u32 $0xC, v37  }
0x1c1: {  	v46 =	vsel vm15, v4, v46;
	v4 =	vsub.f32 v8, v0;
	v8 =	vsub.f32 v59, v51  }
0x1c2: {  	v59 =	vsub.f32 v62, v63;
	v62 =	vmax.f32 v6, v5;
	v5 =	vmax.f32 v2, v5  }
0x1c3: {  	v63 =	vadd.f32 v9, v26;
	(erf) = vrcp.f32 v4;
	v4 =	vsub.f32 v60, v61  }
0x1c4: {  	v60 =	vmax.f32 v7, v50;
	v52 =	vmax.f32 v59, $0.0e+00;
	v61 =	vmin.f32 v35, v49  }
0x1c5: {  	v56 =	vld.idx.msk [tilespmem:v40+s28+$0x0], $0xffff;
	v50 =	vmax.f32 v3, v50;
	v49 =	vmin.f32 v36, v49;
	v59 =	vadd.f32 v9, v29  }
0x1c6: {  	v55 =	vld.idx.msk [tilespmem:v40+s21+$0x0], $0xffff;
	v9 =	vadd.f32 v9, v32;
	(erf) = vrcp.f32 v8;
	v8 =	vmin.f32 v28, v53  }
0x1c7: {  	v53 =	vmin.f32 v30, v53;
	v5 =	vsub.f32 v49, v5;
	v49 =	vsel vm15, v38, v12  }
0x1c8: {  	v54 =	vld.idx.msk [tilespmem:v40+s22+$0x0], $0xffff;
	v4 =	vmax.f32 v4, $0.0e+00;
	v8 =	vsub.f32 v8, v60;
	v50 =	vsub.f32 v53, v50  }
0x1c9: {  	v53 =	vld.idx.msk [tilespmem:v40+s29+$0x0], $0xffff;
	v4 =	vmul.f32 v52, v4;
	v52 =	vsub.f32 v61, v62;
	v5 =	vmax.f32 v5, $0.0e+00  }
0x1ca: {  	v8 =	vmax.f32 v8, $0.0e+00;
	v12 =	vmax.f32 v50, $0.0e+00;
	v60 =	vmin.f32 v24, v56  }
0x1cb: {  	v61 =	vmax.f32 v18, v55;
	v57 =	vmin.f32 v25, v56;
	v52 =	vmax.f32 v52, $0.0e+00  }
0x1cc: {  	v58 =	vmax.f32 v15, v55;
	v38 =	vsub.f32 v63, v4;
	v8 =	vmul.f32 v52, v8  }
0x1cd: {  	v5 =	vmul.f32 v5, v12;
	v12 =	vld.idx.msk [tilespmem:v40+s30+$0x0], $0xffff;
	v52 =	vsub.f32 v60, v61;
	v60 =	vmax.f32 v19, v54  }
0x1ce: {  	v63 =	vmin.f32 v31, v53;
	(erf) = vrcp.f32 v38;
	v50 =	vsub.f32 v59, v8  }
0x1cf: {  	v61 =	vsub.f32 v63, v60;
	v59 =	vmin.f32 v33, v53;
	v60 =	vmax.f32 v14, v54  }
0x1d0: {  	v9 =	vsub.f32 v9, v5;
	v62 =	vpop (erf);
	v63 =	vsub.f32 v59, v60;
	v59 =	vmin.f32 v34, v53  }
0x1d1: {  	v0 =	vmul.f32 v62, v0;
	(erf) = vrcp.f32 v50;
	v50 =	vmax.f32 v52, $0.0e+00  }
0x1d2: {  	v38 =	vmax.f32 v61, $0.0e+00;
	v52 =	vadd.f32 v12, v22;
	v62 =	vsub.f32 v57, v58  }
0x1d3: {  	v57 =	vadd.f32 v12, v23;
	v58 =	vmax.f32 v11, v55;
	v50 =	vmul.f32 v38, v50  }
0x1d4: {  	(erf) = vrcp.f32 v9;
	v60 =	vmax.f32 v63, $0.0e+00;
	v61 =	vpop (erf);
	vm4 =	vgt.f32 v0, v1  }
0x1d5: {  	v38 =	vmax.f32 v62, $0.0e+00;
	v51 =	vmul.f32 v61, v51;
	v9 =	vsub.f32 v52, v50  }
0x1d6: {  	v52 =	vmul.f32 v60, v38;
	v38 =	vmin.f32 v27, v56;
	v60 =	vmax.f32 v10, v54  }
0x1d7: {  	v0 =	vsel vm4, v0, v1;
	v58 =	vsub.f32 v38, v58;
	v59 =	vsub.f32 v59, v60  }
0x1d8: {  	v38 =	vor.u32 $0xD, v37;
	v60 =	vmin.f32 v35, v53;
	v53 =	vmin.f32 v36, v53  }
0x1d9: {  	vm5 =	vgt.f32 v51, v48;
	(erf) = vrcp.f32 v9;
	v1 =	vsub.f32 v57, v52  }
0x1da: {  	v57 =	vadd.f32 v12, v26;
	v9 =	vmax.f32 v58, $0.0e+00;
	v61 =	vmax.f32 v59, $0.0e+00  }
0x1db: {  	v58 =	vmin.f32 v28, v56;
	v59 =	vmax.f32 v7, v55;
	v56 =	vmin.f32 v30, v56  }
0x1dc: {  	v55 =	vmax.f32 v3, v55;
	v9 =	vmul.f32 v61, v9;
	v61 =	vmax.f32 v6, v54  }
0x1dd: {  	v58 =	vsub.f32 v58, v59;
	v54 =	vmax.f32 v2, v54;
	v59 =	vsub.f32 v60, v61;
	v60 =	vld.idx.msk [tilespmem:v38+s21+$0x0], $0xffff  }
0x1de: {  	(erf) = vrcp.f32 v1;
	v1 =	vsub.f32 v56, v55;
	v53 =	vsub.f32 v53, v54;
	v54 =	vld.idx.msk [tilespmem:v38+s28+$0x0], $0xffff  }
0x1df: {  	v55 =	vsub.f32 v57, v9;
	v62 =	vmax.f32 v58, $0.0e+00;
	v58 =	vld.idx.msk [tilespmem:v38+s29+$0x0], $0xffff;
	v63 =	vmax.f32 v59, $0.0e+00  }
0x1e0: {  	v61 =	vld.idx.msk [tilespmem:v38+s22+$0x0], $0xffff;
	v1 =	vmax.f32 v1, $0.0e+00;
	v53 =	vmax.f32 v53, $0.0e+00;
	v56 =	vmul.f32 v63, v62  }
0x1e1: {  	v63 =	vadd.f32 v12, v29;
	v1 =	vmul.f32 v53, v1;
	v12 =	vadd.f32 v12, v32  }
0x1e2: {  	v43 =	vsel vm4, v39, v43;
	v48 =	vsel vm5, v51, v48;
	(erf) = vrcp.f32 v55;
	v62 =	vpop (erf)  }
0x1e3: {  	v4 =	vmul.f32 v62, v4;
	v51 =	vsub.f32 v63, v56;
	v12 =	vsub.f32 v12, v1  }
0x1e4: {  	v53 =	vmin.f32 v24, v54;
	v55 =	vmax.f32 v18, v60;
	v57 =	vmin.f32 v31, v58  }
0x1e5: {  	v59 =	vmax.f32 v19, v61;
	v63 =	vmin.f32 v33, v58;
	v13 =	vmax.f32 v14, v61  }
0x1e6: {  	v62 =	vld.idx.msk [tilespmem:v38+s30+$0x0], $0xffff;
	v53 =	vsub.f32 v53, v55;
	v55 =	vsub.f32 v57, v59;
	v57 =	vmin.f32 v25, v54  }
0x1e7: {  	v59 =	vmax.f32 v15, v60;
	(erf) = vrcp.f32 v51;
	v13 =	vsub.f32 v63, v13  }
0x1e8: {  	v63 =	vmax.f32 v11, v60;
	vm6 =	vgt.f32 v4, v42;
	v51 =	vsub.f32 v57, v59  }
0x1e9: {  	(erf) = vrcp.f32 v12;
	v12 =	vmax.f32 v53, $0.0e+00;
	v59 =	vmax.f32 v55, $0.0e+00  }
0x1ea: {  	v13 =	vmax.f32 v13, $0.0e+00;
	v55 =	vmin.f32 v27, v54;
	v51 =	vmax.f32 v51, $0.0e+00  }
0x1eb: {  	v57 =	vpop (erf);
	v12 =	vmul.f32 v59, v12;
	v53 =	vadd.f32 v62, v22;
	v55 =	vsub.f32 v55, v63  }
0x1ec: {  	v63 =	vmax.f32 v10, v61;
	v8 =	vmul.f32 v57, v8;
	v13 =	vmul.f32 v13, v51  }
0x1ed: {  	v51 =	vadd.f32 v62, v23;
	v57 =	vmin.f32 v34, v58;
	v53 =	vsub.f32 v53, v12  }
0x1ee: {  	v44 =	vsel vm5, v39, v44;
	v4 =	vsel vm6, v4, v42;
	v57 =	vsub.f32 v57, v63  }
0x1ef: {  	v59 =	vadd.f32 v62, v26;
	v51 =	vsub.f32 v51, v13;
	v63 =	vpop (erf);
	(erf) = vrcp.f32 v53  }
0x1f0: {  	v53 =	vmax.f32 v55, $0.0e+00;
	v55 =	vmax.f32 v57, $0.0e+00;
	v5 =	vmul.f32 v63, v5  }
0x1f1: {  	vm7 =	vgt.f32 v8, v45;
	v63 =	vpop (erf);
	(erf) = vrcp.f32 v51;
	v51 =	vmul.f32 v55, v53  }
0x1f2: {  	v41 =	vsel vm6, v39, v41;
	v8 =	vsel vm7, v8, v45;
	v42 =	vmul.f32 v63, v50  }
0x1f3: {  	v47 =	vsel vm7, v39, v47;
	vm8 =	vgt.f32 v5, v46;
	v53 =	vsub.f32 v59, v51  }
0x1f4: {  	v55 =	vpop (erf);
	v5 =	vsel vm8, v5, v46;
	v49 =	vsel vm8, v39, v49;
	vm9 =	vgt.f32 v42, v0  }
0x1f5: {  	v39 =	vor.u32 $0xE, v37;
	v37 =	vor.u32 $0xF, v37;
	v57 =	vmul.f32 v55, v52;
	v59 =	vpop (erf)  }
0x1f6: {  	v0 =	vsel vm9, v42, v0;
	v63 =	vsel vm9, v40, v43;
	v9 =	vmul.f32 v59, v9  }
0x1f7: {  	v55 =	vmax.f32 v2, v61;
	(erf) = vrcp.f32 v53;
	v43 =	vpop (erf);
	vm10 =	vgt.f32 v57, v48  }
0x1f8: {  	v52 =	vpop (erf);
	v46 =	vsel vm10, v57, v48;
	vm11 =	vgt.f32 v9, v4;
	v48 =	vmul.f32 v43, v56  }
0x1f9: {  	v45 =	vsel vm10, v40, v44;
	v1 =	vmul.f32 v52, v1;
	v52 =	vadd.f32 v62, v32  }
0x1fa: {  	v4 =	vsel vm11, v9, v4;
	v41 =	vsel vm11, v40, v41;
	v9 =	vpop (erf);
	vm12 =	vgt.f32 v48, v8  }
0x1fb: {  	vm13 =	vgt.f32 v1, v5;
	v9 =	vmul.f32 v9, v12;
	v48 =	vsel vm12, v48, v8  }
0x1fc: {  	v53 =	vpop (erf);
	v43 =	vsel vm12, v40, v47;
	v47 =	vsel vm13, v1, v5;
	v42 =	vsel vm13, v40, v49  }
0x1fd: {  	v1 =	vmin.f32 v28, v54;
	v5 =	vmax.f32 v7, v60;
	v8 =	vld.idx.msk [tilespmem:v39+s21+$0x0], $0xffff;
	v12 =	vmul.f32 v53, v13  }
0x1fe: {  	v49 =	vld.idx.msk [tilespmem:v39+s22+$0x0], $0xffff;
	v1 =	vsub.f32 v1, v5;
	v5 =	vmin.f32 v35, v58;
	vm14 =	vgt.f32 v9, v0  }
0x1ff: {  	v13 =	vmax.f32 v3, v60;
	vm15 =	vgt.f32 v12, v46;
	v44 =	vsel vm14, v9, v0  }
0x200: {  	v40 =	vsel vm14, v38, v63;
	v9 =	vmax.f32 v6, v61;
	v1 =	vmax.f32 v1, $0.0e+00  }
0x201: {  	v46 =	vsel vm15, v12, v46;
	v0 =	vpop (erf);
	v5 =	vsub.f32 v5, v9;
	v9 =	vmin.f32 v30, v54  }
0x202: {  	v12 =	vld.idx.msk [tilespmem:v39+s28+$0x0], $0xffff;
	v0 =	vmul.f32 v0, v51;
	v9 =	vsub.f32 v9, v13;
	v13 =	vmin.f32 v36, v58  }
0x203: {  	v51 =	vld.idx.msk [tilespmem:v39+s29+$0x0], $0xffff;
	v57 =	vmax.f32 v18, v8;
	v59 =	vmax.f32 v19, v49;
	v61 =	vmax.f32 v15, v8  }
0x204: {  	v63 =	vmax.f32 v14, v49;
	v5 =	vmax.f32 v5, $0.0e+00;
	v13 =	vsub.f32 v13, v55  }
0x205: {  	v1 =	vmul.f32 v5, v1;
	v5 =	vadd.f32 v62, v29;
	vm4 =	vgt.f32 v0, v4  }
0x206: {  	v9 =	vmax.f32 v9, $0.0e+00;
	v13 =	vmax.f32 v13, $0.0e+00;
	v0 =	vsel vm4, v0, v4  }
0x207: {  	v56 =	vmin.f32 v24, v12;
	v5 =	vsub.f32 v5, v1;
	v9 =	vmul.f32 v13, v9  }
0x208: {  	v60 =	vmin.f32 v25, v12;
	v50 =	vsub.f32 v56, v57;
	v58 =	vmin.f32 v31, v51  }
0x209: {  	v62 =	vmin.f32 v33, v51;
	v54 =	vsub.f32 v60, v61;
	v61 =	vmin.f32 v27, v12  }
0x20a: {  	v13 =	vld.idx.msk [tilespmem:v39+s30+$0x0], $0xffff;
	v56 =	vmin.f32 v28, v12;
	v12 =	vmin.f32 v30, v12;
	v53 =	vsub.f32 v58, v59  }
0x20b: {  	v57 =	vsub.f32 v62, v63;
	(erf) = vrcp.f32 v5;
	v52 =	vsub.f32 v52, v9  }
0x20c: {  	v62 =	vmax.f32 v11, v8;
	v63 =	vmin.f32 v34, v51;
	v50 =	vmax.f32 v50, $0.0e+00  }
0x20d: {  	v59 =	vmax.f32 v54, $0.0e+00;
	v55 =	vsub.f32 v61, v62;
	v53 =	vmax.f32 v53, $0.0e+00  }
0x20e: {  	v60 =	vmax.f32 v57, $0.0e+00;
	(erf) = vrcp.f32 v52;
	v5 =	vmul.f32 v53, v50  }
0x20f: {  	v4 =	vld.idx.msk [tilespmem:v37+s29+$0x0], $0xffff;
	v58 =	vadd.f32 v13, v22;
	v53 =	vmul.f32 v60, v59;
	v54 =	vadd.f32 v13, v23  }
0x210: {  	v60 =	vmax.f32 v10, v49;
	v59 =	vmin.f32 v35, v51;
	v51 =	vmin.f32 v36, v51  }
0x211: {  	v61 =	vsub.f32 v63, v60;
	v60 =	vmax.f32 v6, v49;
	v49 =	vmax.f32 v2, v49  }
0x212: {  	v50 =	vsub.f32 v58, v5;
	v58 =	vmax.f32 v7, v8;
	v63 =	vsub.f32 v59, v60  }
0x213: {  	v57 =	vld.idx.msk [tilespmem:v37+s21+$0x0], $0xffff;
	v8 =	vmax.f32 v3, v8;
	v52 =	vmax.f32 v61, $0.0e+00;
	v56 =	vsub.f32 v56, v58  }
0x214: {  	v59 =	vld.idx.msk [tilespmem:v37+s28+$0x0], $0xffff;
	v8 =	vsub.f32 v12, v8;
	v12 =	vsub.f32 v51, v49;
	v58 =	vmin.f32 v31, v4  }
0x215: {  	v61 =	vld.idx.msk [tilespmem:v37+s22+$0x0], $0xffff;
	(erf) = vrcp.f32 v50;
	v50 =	vsub.f32 v54, v53;
	v54 =	vmax.f32 v55, $0.0e+00  }
0x216: {  	v49 =	vld.idx.msk [tilespmem:v37+s30+$0x0], $0xffff;
	v55 =	vadd.f32 v13, v26;
	v52 =	vmul.f32 v52, v54;
	v60 =	vmax.f32 v56, $0.0e+00  }
0x217: {  	v8 =	vmax.f32 v8, $0.0e+00;
	v12 =	vmax.f32 v12, $0.0e+00;
	v62 =	vpop (erf);
	(erf) = vrcp.f32 v50  }
0x218: {  	v56 =	vmax.f32 v18, v57;
	v8 =	vmul.f32 v12, v8;
	v1 =	vmul.f32 v62, v1  }
0x219: {  	v50 =	vsub.f32 v55, v52;
	v62 =	vmax.f32 v63, $0.0e+00;
	v55 =	vadd.f32 v13, v29  }
0x21a: {  	v51 =	vmin.f32 v24, v59;
	v13 =	vadd.f32 v13, v32;
	v54 =	vmul.f32 v62, v60  }
0x21b: {  	v60 =	vmax.f32 v19, v61;
	v63 =	vsub.f32 v51, v56;
	v56 =	vadd.f32 v49, v22  }
0x21c: {  	v51 =	vmin.f32 v25, v59;
	(erf) = vrcp.f32 v50;
	v60 =	vsub.f32 v58, v60  }
0x21d: {  	vm2 =	vgt.f32 v1, v48;
	v13 =	vsub.f32 v13, v8;
	v55 =	vsub.f32 v55, v54  }
0x21e: {  	v58 =	vmax.f32 v14, v61;
	v12 =	vmax.f32 v63, $0.0e+00;
	v62 =	vmax.f32 v60, $0.0e+00  }
0x21f: {  	v1 =	vsel vm2, v1, v48;
	v63 =	vpop (erf);
	v12 =	vmul.f32 v62, v12;
	(erf) = vrcp.f32 v55  }
0x220: {  	v55 =	vmax.f32 v15, v57;
	v62 =	vmin.f32 v34, v4;
	v9 =	vmul.f32 v63, v9  }
0x221: {  	(erf) = vrcp.f32 v13;
	v13 =	vsub.f32 v51, v55;
	v63 =	vmax.f32 v10, v61  }
0x222: {  	v60 =	vpop (erf);
	v55 =	vmin.f32 v28, v59;
	v50 =	vsub.f32 v56, v12;
	v56 =	vmin.f32 v33, v4  }
0x223: {  	v5 =	vmul.f32 v60, v5;
	v60 =	vmax.f32 v11, v57;
	v51 =	vsub.f32 v62, v63  }
0x224: {  	v62 =	vmin.f32 v30, v59;
	v63 =	vmax.f32 v2, v61;
	v58 =	vsub.f32 v56, v58  }
0x225: {  	v13 =	vmax.f32 v13, $0.0e+00;
	v56 =	vmax.f32 v7, v57;
	v57 =	vmax.f32 v3, v57  }
0x226: {  	(erf) = vrcp.f32 v50;
	v50 =	vmin.f32 v27, v59;
	v57 =	vsub.f32 v62, v57  }
0x227: {  	v48 =	vmax.f32 v58, $0.0e+00;
	v50 =	vsub.f32 v50, v60;
	v58 =	vmin.f32 v35, v4  }
0x228: {  	v60 =	vmax.f32 v6, v61;
	v13 =	vmul.f32 v48, v13;
	v48 =	vsub.f32 v55, v56  }
0x229: {  	v4 =	vmin.f32 v36, v4;
	v55 =	vsub.f32 v58, v60;
	v60 =	vadd.f32 v49, v23  }
0x22a: {  	v51 =	vmax.f32 v51, $0.0e+00;
	v61 =	vadd.f32 v49, v29;
	v4 =	vsub.f32 v4, v63  }
0x22b: {  	v50 =	vmax.f32 v50, $0.0e+00;
	v56 =	vsub.f32 v60, v13;
	v48 =	vmax.f32 v48, $0.0e+00  }
0x22c: {  	v55 =	vmax.f32 v55, $0.0e+00;
	v50 =	vmul.f32 v51, v50;
	v60 =	vadd.f32 v49, v26  }
0x22d: {  	v57 =	vmax.f32 v57, $0.0e+00;
	v4 =	vmax.f32 v4, $0.0e+00;
	v55 =	vmul.f32 v55, v48  }
0x22e: {  	v49 =	vadd.f32 v49, v32;
	v4 =	vmul.f32 v4, v57;
	v51 =	vsub.f32 v60, v50  }
0x22f: {  	v45 =	vsel vm15, v38, v45;
	(erf) = vrcp.f32 v56;
	v48 =	vsub.f32 v61, v55  }
0x230: {  	v41 =	vsel vm4, v38, v41;
	v49 =	vsub.f32 v49, v4;
	(erf) = vrcp.f32 v51  }
0x231: {  	v43 =	vsel vm2, v38, v43;
	vm5 =	vgt.f32 v9, v47;
	v62 =	vpop (erf);
	(erf) = vrcp.f32 v48  }
0x232: {  	vm6 =	vgt.f32 v5, v44;
	v63 =	vmul.f32 v62, v53;
	v53 =	vpop (erf);
	(erf) = vrcp.f32 v49  }
0x233: {  	v9 =	vsel vm5, v9, v47;
	v38 =	vsel vm5, v38, v42;
	v5 =	vsel vm6, v5, v44;
	v56 =	vpop (erf)  }
0x234: {  	vm7 =	vgt.f32 v63, v46;
	v48 =	vmul.f32 v53, v52;
	v42 =	vmul.f32 v56, v54  }
0x235: {  	v40 =	vsel vm6, v39, v40;
	v57 =	vsel vm7, v63, v46;
	v60 =	vsel vm7, v39, v45;
	v58 =	vpop (erf)  }
0x236: {  	v59 =	vpop (erf);
	v8 =	vmul.f32 v58, v8;
	vm8 =	vgt.f32 v48, v0;
	vm9 =	vgt.f32 v42, v1  }
0x237: {  	v12 =	vmul.f32 v59, v12;
	v0 =	vsel vm8, v48, v0;
	v41 =	vsel vm8, v39, v41  }
0x238: {  	v1 =	vsel vm9, v42, v1;
	v62 =	vsel vm9, v39, v43;
	vm10 =	vgt.f32 v8, v9;
	v61 =	vpop (erf)  }
0x239: {  	v8 =	vsel vm10, v8, v9;
	vm11 =	vgt.f32 v12, v5;
	v9 =	vmul.f32 v61, v13;
	v63 =	vpop (erf)  }
0x23a: {  	p0 =	sne.s32 s1, $0x70;
	v38 =	vsel vm10, v39, v38;
	v48 =	vsel vm11, v12, v5;
	v13 =	vpop (erf);
	v5 =	vmul.f32 v63, v50  }
.Ltmp0:
0x23b: {  	v47 =	vsel vm11, v37, v40;
	vm12 =	vgt.f32 v9, v57;
	v12 =	vmul.f32 v13, v55;
	v13 =	vpop (erf);
	(pc) =	sbr.rel @p0 .LBB2_3-.Ltmp0, $4  }
0x23c: {  	v45 =	vsel vm12, v9, v57;
	vm13 =	vgt.f32 v5, v0;
	v4 =	vmul.f32 v13, v4  }
0x23d: {  	v44 =	vsel vm12, v37, v60;
	v43 =	vsel vm13, v5, v0;
	vm14 =	vgt.f32 v12, v1  }
0x23e: {  	v42 =	vsel vm13, v37, v41;
	v41 =	vsel vm14, v12, v1;
	vm15 =	vgt.f32 v4, v8  }
0x23f: {  	s1 =	sadd.s32 $0x10, s1;
	v40 =	vsel vm14, v37, v62;
	v39 =	vsel vm15, v4, v8;
	v38 =	vsel vm15, v37, v38  }
0x240: {  	_ =	sdelay $0x3  }
0x241: {  	v0 =	vld.idx.msk [tilespmem:v47+s21+$0x0], $0xffff  }
0x242: {  	v1 =	vld.idx.msk [tilespmem:v47+s22+$0x0], $0xffff;
	(erf) = vrcp.f32 v21  }
0x243: {  	v4 =	vld.idx.msk [tilespmem:v47+s23+$0x0], $0xffff;
	(erf) = vrcp.f32 v20  }
0x244: {  	v5 =	vld.idx.msk [tilespmem:v47+s24+$0x0], $0xffff;
	_ =	sdelay $0x3  }
0x245: {  	v4 =	vsub.f32 v4, v0  }
0x246: {  	v5 =	vsub.f32 v5, v1  }
0x247: {  	v4 =	vadd.f32 $1.000000000e+00, v4  }
0x248: {  	v5 =	vadd.f32 $1.000000000e+00, v5;
	v8 =	vpop (erf)  }
0x249: {  	v9 =	vpop (erf);
	v12 =	vmul.f32 v4, v8  }
0x24a: {  	v13 =	vmul.f32 v5, v9  }
0x24b: {  	v22 =	vand.u32 $0x7FFFFF, v12  }
0x24c: {  	v22 =	vor.u32 $0x3F800000, v22;
	v23 =	vand.u32 $0x7FFFFF, v13  }
0x24d: {  	v24 =	vmul.f32 $5.000000000e-01, v22;
	v23 =	vor.u32 $0x3F800000, v23  }
0x24e: {  	vm1 =	vgt.f32 v22, $1.414213540e+00;
	v25 =	vmul.f32 $5.000000000e-01, v23  }
0x24f: {  	vm0 =	vgt.f32 v23, $1.414213540e+00;
	v22 =	vsel vm1, v24, v22  }
0x250: {  	v24 =	vadd.f32 $1.000000000e+00, v22;
	v23 =	vsel vm0, v25, v23  }
0x251: {  	v25 =	vadd.f32 $1.000000000e+00, v23  }
0x252: {  	(erf) = vrcp.f32 v24  }
0x253: {  	(erf) = vrcp.f32 v25;
	_ =	sdelay $0x6  }
0x254: {  	v22 =	vadd.f32 $-1.000000000e+00, v22  }
0x255: {  	v23 =	vadd.f32 $-1.000000000e+00, v23;
	v24 =	vpop (erf)  }
0x256: {  	v22 =	vmul.f32 v24, v22;
	v53 =	vpop (erf)  }
0x257: {  	v23 =	vmul.f32 v53, v23  }
0x258: {  	v54 =	vmul.f32 v22, v22  }
0x259: {  	v55 =	vmul.f32 v23, v23  }
0x25a: {  	v26 =	vmul.f32 $2.222222240e-01, v54  }
0x25b: {  	v27 =	vmul.f32 $2.222222240e-01, v55  }
0x25c: {  	v26 =	vadd.f32 $2.857142980e-01, v26  }
0x25d: {  	v27 =	vadd.f32 $2.857142980e-01, v27  }
0x25e: {  	v56 =	vmul.f32 $5.000000000e-01, v21;
	v58 =	vmul.f32 v26, v54  }
0x25f: {  	v57 =	vmul.f32 $5.000000000e-01, v20;
	vm2 =	vge.f32 v48, $5.000000000e-01;
	v60 =	vmul.f32 v27, v55  }
0x260: {  	vm11 =	vlt.f32 v48, $4.000000060e-01;
	v4 =	vmul.f32 $5.000000000e-01, v4;
	v61 =	vadd.f32 $4.000000060e-01, v58  }
0x261: {  	v59 =	vadd.f32 v56, v18;
	v5 =	vmul.f32 $5.000000000e-01, v5;
	v62 =	vadd.f32 $4.000000060e-01, v60  }
0x262: {  	v0 =	vadd.f32 v4, v0;
	v4 =	vadd.f32 v57, v19;
	v63 =	vmul.f32 v61, v54  }
0x263: {  	v12 =	vshra.s32 v12, $0x17;
	v1 =	vadd.f32 v5, v1;
	v21 =	vmul.f32 v62, v55  }
0x264: {  	v32 =	vshra.s32 v13, $0x17;
	v0 =	vsub.f32 v0, v59;
	v29 =	vadd.f32 $6.666666860e-01, v63  }
0x265: {  	v1 =	vsub.f32 v1, v4;
	v27 =	vimm.s32 $0xFFFFFF81;
	v4 =	vadd.f32 $6.666666860e-01, v21  }
0x266: {  	v0 =	vmul.f32 v0, v8;
	v28 =	vsel vm1, $0xFFFFFF82, v27;
	v8 =	vmul.f32 v29, v54  }
0x267: {  	v30 =	vld.idx.msk [tilespmem:v47+s25+$0x0], $0xffff;
	v33 =	vsel vm0, $0xFFFFFF82, v27;
	v5 =	vadd.s32 v12, v28;
	v4 =	vmul.f32 v4, v55  }
0x268: {  	v12 =	vadd.s32 v32, v33;
	v5 =	vcvt.s32.f32 v5;
	v8 =	vadd.f32 $2.000000000e+00, v8  }
0x269: {  	v1 =	vmul.f32 v1, v9;
	v34 =	vcvt.s32.f32 v12;
	v4 =	vadd.f32 $2.000000000e+00, v4  }
0x26a: {  	v26 =	vimm.f32 $-1.000000000e+00;
	v5 =	vmul.f32 $6.931471820e-01, v5;
	v8 =	vmul.f32 v8, v22  }
0x26b: {  	[tilespmem:s18+$0x1080] =	vst v0;
	v31 =	vsel vm11, $0x0, v26;
	v9 =	vmul.f32 $6.931471820e-01, v34;
	v4 =	vmul.f32 v4, v23  }
0x26c: {  	[tilespmem:s18+$0x1300] =	vst v1;
	v35 =	vsel vm2, v30, v31;
	v36 =	vadd.f32 v8, v5  }
0x26d: {  	[tilespmem:s18+$0xE00] =	vst v35;
	v37 =	vadd.f32 v4, v9  }
0x26e: {  	[tilespmem:s18+$0x1580] =	vst v36  }
0x26f: {  	[tilespmem:s18+$0x1800] =	vst v37  }
0x270: {  	v0 =	vld.idx.msk [tilespmem:v44+s21+$0x0], $0xffff  }
0x271: {  	(erf) = vrcp.f32 v17;
	v1 =	vld.idx.msk [tilespmem:v44+s22+$0x0], $0xffff  }
0x272: {  	(erf) = vrcp.f32 v16;
	v46 =	vld.idx.msk [tilespmem:v44+s23+$0x0], $0xffff  }
0x273: {  	v47 =	vld.idx.msk [tilespmem:v44+s24+$0x0], $0xffff;
	_ =	sdelay $0x3  }
0x274: {  	v4 =	vsub.f32 v46, v0  }
0x275: {  	v5 =	vsub.f32 v47, v1  }
0x276: {  	v4 =	vadd.f32 $1.000000000e+00, v4  }
0x277: {  	v48 =	vpop (erf);
	v5 =	vadd.f32 $1.000000000e+00, v5  }
0x278: {  	v49 =	vpop (erf);
	v50 =	vmul.f32 v4, v48  }
0x279: {  	v51 =	vmul.f32 v5, v49  }
0x27a: {  	v52 =	vand.u32 $0x7FFFFF, v50  }
0x27b: {  	v53 =	vand.u32 $0x7FFFFF, v51;
	v18 =	vor.u32 $0x3F800000, v52  }
0x27c: {  	v19 =	vor.u32 $0x3F800000, v53;
	v54 =	vmul.f32 $5.000000000e-01, v18  }
0x27d: {  	vm12 =	vgt.f32 v18, $1.414213540e+00;
	v55 =	vmul.f32 $5.000000000e-01, v19  }
0x27e: {  	vm13 =	vgt.f32 v19, $1.414213540e+00;
	v18 =	vsel vm12, v54, v18  }
0x27f: {  	v19 =	vsel vm13, v55, v19;
	v20 =	vadd.f32 $1.000000000e+00, v18  }
0x280: {  	v21 =	vadd.f32 $1.000000000e+00, v19  }
0x281: {  	(erf) = vrcp.f32 v20  }
0x282: {  	(erf) = vrcp.f32 v21;
	_ =	sdelay $0x6  }
0x283: {  	v18 =	vadd.f32 $-1.000000000e+00, v18  }
0x284: {  	v19 =	vadd.f32 $-1.000000000e+00, v19;
	v20 =	vpop (erf)  }
0x285: {  	v18 =	vmul.f32 v20, v18;
	v56 =	vpop (erf)  }
0x286: {  	v19 =	vmul.f32 v56, v19  }
0x287: {  	v57 =	vmul.f32 v18, v18  }
0x288: {  	v58 =	vmul.f32 v19, v19  }
0x289: {  	v59 =	vmul.f32 $2.222222240e-01, v57  }
0x28a: {  	v60 =	vmul.f32 $2.222222240e-01, v58  }
0x28b: {  	v22 =	vadd.f32 $2.857142980e-01, v59  }
0x28c: {  	v23 =	vadd.f32 $2.857142980e-01, v60  }
0x28d: {  	vm14 =	vlt.f32 v45, $4.000000060e-01;
	v22 =	vmul.f32 v22, v57  }
0x28e: {  	vm15 =	vge.f32 v45, $5.000000000e-01;
	v61 =	vmul.f32 $5.000000000e-01, v17;
	v63 =	vmul.f32 v23, v58  }
0x28f: {  	v30 =	vsel vm14, $0x0, v26;
	v4 =	vmul.f32 $5.000000000e-01, v4;
	v24 =	vadd.f32 $4.000000060e-01, v22  }
0x290: {  	v62 =	vadd.f32 v61, v15;
	v5 =	vmul.f32 $5.000000000e-01, v5;
	v25 =	vadd.f32 $4.000000060e-01, v63  }
0x291: {  	v0 =	vadd.f32 v4, v0;
	v23 =	vmul.f32 $5.000000000e-01, v16;
	v29 =	vmul.f32 v24, v57  }
0x292: {  	v1 =	vadd.f32 v5, v1;
	v12 =	vshra.s32 v50, $0x17;
	v4 =	vmul.f32 v25, v58  }
0x293: {  	v13 =	vshra.s32 v51, $0x17;
	v28 =	vadd.f32 v23, v14;
	v14 =	vadd.f32 $6.666666860e-01, v29  }
0x294: {  	v31 =	vld.idx.msk [tilespmem:v44+s25+$0x0], $0xffff;
	v0 =	vsub.f32 v0, v62;
	v32 =	vsel vm12, $0xFFFFFF82, v27;
	v4 =	vadd.f32 $6.666666860e-01, v4  }
0x295: {  	v35 =	vsel vm13, $0xFFFFFF82, v27;
	v33 =	vadd.s32 v12, v32;
	v34 =	vmul.f32 v14, v57  }
0x296: {  	v13 =	vadd.s32 v13, v35;
	v5 =	vcvt.s32.f32 v33;
	v4 =	vmul.f32 v4, v58  }
0x297: {  	v0 =	vmul.f32 v0, v48;
	v36 =	vcvt.s32.f32 v13;
	v12 =	vadd.f32 $2.000000000e+00, v34  }
0x298: {  	v5 =	vmul.f32 $6.931471820e-01, v5;
	v1 =	vsub.f32 v1, v28;
	v4 =	vadd.f32 $2.000000000e+00, v4  }
0x299: {  	v8 =	vsel vm15, v31, v30;
	v37 =	vmul.f32 $6.931471820e-01, v36;
	v12 =	vmul.f32 v12, v18  }
0x29a: {  	[tilespmem:s3+$0xE00] =	vst v8;
	v1 =	vmul.f32 v1, v49;
	v4 =	vmul.f32 v4, v19  }
0x29b: {  	v46 =	vld [tilespmem:$0x1FFB0];
	[tilespmem:s3+$0x1080] =	vst v0;
	v44 =	vadd.f32 v12, v5  }
0x29c: {  	v48 =	vld [tilespmem:$0x1FFA0];
	[tilespmem:s3+$0x1300] =	vst v1;
	v45 =	vadd.f32 v4, v37  }
0x29d: {  	[tilespmem:s3+$0x1580] =	vst v44  }
0x29e: {  	[tilespmem:s3+$0x1800] =	vst v45  }
0x29f: {  	v0 =	vld.idx.msk [tilespmem:v42+s21+$0x0], $0xffff  }
0x2a0: {  	(erf) = vrcp.f32 v46;
	v1 =	vld.idx.msk [tilespmem:v42+s22+$0x0], $0xffff  }
0x2a1: {  	(erf) = vrcp.f32 v48;
	v47 =	vld.idx.msk [tilespmem:v42+s23+$0x0], $0xffff  }
0x2a2: {  	v49 =	vld.idx.msk [tilespmem:v42+s24+$0x0], $0xffff;
	_ =	sdelay $0x3  }
0x2a3: {  	v4 =	vsub.f32 v47, v0  }
0x2a4: {  	v5 =	vsub.f32 v49, v1  }
0x2a5: {  	v4 =	vadd.f32 $1.000000000e+00, v4  }
0x2a6: {  	v50 =	vpop (erf);
	v5 =	vadd.f32 $1.000000000e+00, v5  }
0x2a7: {  	v51 =	vpop (erf);
	v52 =	vmul.f32 v4, v50  }
0x2a8: {  	v53 =	vmul.f32 v5, v51  }
0x2a9: {  	v54 =	vand.u32 $0x7FFFFF, v52  }
0x2aa: {  	v55 =	vand.u32 $0x7FFFFF, v53;
	v14 =	vor.u32 $0x3F800000, v54  }
0x2ab: {  	v15 =	vor.u32 $0x3F800000, v55;
	v56 =	vmul.f32 $5.000000000e-01, v14  }
0x2ac: {  	vm4 =	vgt.f32 v14, $1.414213540e+00;
	v57 =	vmul.f32 $5.000000000e-01, v15  }
0x2ad: {  	vm5 =	vgt.f32 v15, $1.414213540e+00;
	v14 =	vsel vm4, v56, v14  }
0x2ae: {  	v15 =	vsel vm5, v57, v15;
	v16 =	vadd.f32 $1.000000000e+00, v14  }
0x2af: {  	v17 =	vadd.f32 $1.000000000e+00, v15  }
0x2b0: {  	(erf) = vrcp.f32 v16  }
0x2b1: {  	(erf) = vrcp.f32 v17;
	_ =	sdelay $0x6  }
0x2b2: {  	v14 =	vadd.f32 $-1.000000000e+00, v14  }
0x2b3: {  	v15 =	vadd.f32 $-1.000000000e+00, v15;
	v16 =	vpop (erf)  }
0x2b4: {  	v14 =	vmul.f32 v16, v14;
	v58 =	vpop (erf)  }
0x2b5: {  	v15 =	vmul.f32 v58, v15  }
0x2b6: {  	v59 =	vmul.f32 v14, v14  }
0x2b7: {  	v60 =	vmul.f32 v15, v15  }
0x2b8: {  	v61 =	vmul.f32 $2.222222240e-01, v59  }
0x2b9: {  	v62 =	vmul.f32 $2.222222240e-01, v60  }
0x2ba: {  	v18 =	vadd.f32 $2.857142980e-01, v61  }
0x2bb: {  	v19 =	vadd.f32 $2.857142980e-01, v62  }
0x2bc: {  	v20 =	vmul.f32 $5.000000000e-01, v46;
	v18 =	vmul.f32 v18, v59  }
0x2bd: {  	vm6 =	vlt.f32 v43, $4.000000060e-01;
	vm7 =	vge.f32 v43, $5.000000000e-01;
	v22 =	vmul.f32 v19, v60  }
0x2be: {  	v11 =	vadd.f32 v20, v11;
	v4 =	vmul.f32 $5.000000000e-01, v4;
	v18 =	vadd.f32 $4.000000060e-01, v18  }
0x2bf: {  	v23 =	vmul.f32 $5.000000000e-01, v48;
	v63 =	vmul.f32 $5.000000000e-01, v5;
	v5 =	vadd.f32 $4.000000060e-01, v22  }
0x2c0: {  	v25 =	vsel vm6, $0x0, v26;
	v0 =	vadd.f32 v4, v0;
	v24 =	vmul.f32 v18, v59  }
0x2c1: {  	v1 =	vadd.f32 v63, v1;
	v4 =	vadd.f32 v23, v10;
	v5 =	vmul.f32 v5, v60  }
0x2c2: {  	v12 =	vshra.s32 v52, $0x17;
	v0 =	vsub.f32 v0, v11;
	v28 =	vadd.f32 $6.666666860e-01, v24  }
0x2c3: {  	v29 =	vld.idx.msk [tilespmem:v42+s25+$0x0], $0xffff;
	v32 =	vshra.s32 v53, $0x17;
	v1 =	vsub.f32 v1, v4;
	v5 =	vadd.f32 $6.666666860e-01, v5  }
0x2c4: {  	v30 =	vsel vm4, $0xFFFFFF82, v27;
	v33 =	vsel vm5, $0xFFFFFF82, v27;
	v8 =	vmul.f32 v28, v59  }
0x2c5: {  	v0 =	vmul.f32 v0, v50;
	v31 =	vadd.s32 v12, v30;
	v5 =	vmul.f32 v5, v60  }
0x2c6: {  	v12 =	vadd.s32 v32, v33;
	v4 =	vcvt.s32.f32 v31;
	v8 =	vadd.f32 $2.000000000e+00, v8  }
0x2c7: {  	v1 =	vmul.f32 v1, v51;
	v34 =	vcvt.s32.f32 v12;
	v5 =	vadd.f32 $2.000000000e+00, v5  }
0x2c8: {  	v10 =	vsel vm7, v29, v25;
	v4 =	vmul.f32 $6.931471820e-01, v4;
	v8 =	vmul.f32 v8, v14  }
0x2c9: {  	[tilespmem:s0+$0xE00] =	vst v10;
	v9 =	vmul.f32 $6.931471820e-01, v34;
	v5 =	vmul.f32 v5, v15  }
0x2ca: {  	v37 =	vld [tilespmem:$0x1FFD0];
	[tilespmem:s0+$0x1080] =	vst v0;
	v35 =	vadd.f32 v8, v4  }
0x2cb: {  	v43 =	vld [tilespmem:$0x1FFC0];
	[tilespmem:s0+$0x1300] =	vst v1;
	v36 =	vadd.f32 v5, v9  }
0x2cc: {  	[tilespmem:s0+$0x1580] =	vst v35  }
0x2cd: {  	[tilespmem:s0+$0x1800] =	vst v36  }
0x2ce: {  	v0 =	vld.idx.msk [tilespmem:v40+s21+$0x0], $0xffff  }
0x2cf: {  	(erf) = vrcp.f32 v37;
	v1 =	vld.idx.msk [tilespmem:v40+s22+$0x0], $0xffff  }
0x2d0: {  	(erf) = vrcp.f32 v43;
	v42 =	vld.idx.msk [tilespmem:v40+s23+$0x0], $0xffff  }
0x2d1: {  	v44 =	vld.idx.msk [tilespmem:v40+s24+$0x0], $0xffff;
	_ =	sdelay $0x3  }
0x2d2: {  	v4 =	vsub.f32 v42, v0  }
0x2d3: {  	v5 =	vsub.f32 v44, v1  }
0x2d4: {  	v4 =	vadd.f32 $1.000000000e+00, v4  }
0x2d5: {  	v45 =	vpop (erf);
	v5 =	vadd.f32 $1.000000000e+00, v5  }
0x2d6: {  	v46 =	vpop (erf);
	v47 =	vmul.f32 v4, v45  }
0x2d7: {  	v48 =	vmul.f32 v5, v46  }
0x2d8: {  	v49 =	vand.u32 $0x7FFFFF, v47  }
0x2d9: {  	v50 =	vand.u32 $0x7FFFFF, v48;
	v12 =	vor.u32 $0x3F800000, v49  }
0x2da: {  	v13 =	vor.u32 $0x3F800000, v50;
	v51 =	vmul.f32 $5.000000000e-01, v12  }
0x2db: {  	vm8 =	vgt.f32 v12, $1.414213540e+00;
	v52 =	vmul.f32 $5.000000000e-01, v13  }
0x2dc: {  	vm9 =	vgt.f32 v13, $1.414213540e+00;
	v12 =	vsel vm8, v51, v12  }
0x2dd: {  	v13 =	vsel vm9, v52, v13;
	v14 =	vadd.f32 $1.000000000e+00, v12  }
0x2de: {  	v15 =	vadd.f32 $1.000000000e+00, v13  }
0x2df: {  	(erf) = vrcp.f32 v14  }
0x2e0: {  	(erf) = vrcp.f32 v15;
	_ =	sdelay $0x6  }
0x2e1: {  	v12 =	vadd.f32 $-1.000000000e+00, v12  }
0x2e2: {  	v13 =	vadd.f32 $-1.000000000e+00, v13;
	v14 =	vpop (erf)  }
0x2e3: {  	v12 =	vmul.f32 v14, v12;
	v53 =	vpop (erf)  }
0x2e4: {  	v13 =	vmul.f32 v53, v13  }
0x2e5: {  	v54 =	vmul.f32 v12, v12  }
0x2e6: {  	v55 =	vmul.f32 v13, v13  }
0x2e7: {  	v56 =	vmul.f32 $2.222222240e-01, v54  }
0x2e8: {  	v57 =	vmul.f32 $2.222222240e-01, v55  }
0x2e9: {  	v16 =	vadd.f32 $2.857142980e-01, v56  }
0x2ea: {  	v17 =	vadd.f32 $2.857142980e-01, v57  }
0x2eb: {  	vm10 =	vlt.f32 v41, $4.000000060e-01;
	v16 =	vmul.f32 v16, v54  }
0x2ec: {  	vm11 =	vge.f32 v41, $5.000000000e-01;
	v62 =	vsel vm10, $0x0, v26;
	v59 =	vmul.f32 v17, v55  }
0x2ed: {  	v18 =	vmul.f32 $5.000000000e-01, v37;
	v4 =	vmul.f32 $5.000000000e-01, v4;
	v16 =	vadd.f32 $4.000000060e-01, v16  }
0x2ee: {  	v60 =	vmul.f32 $5.000000000e-01, v43;
	v58 =	vmul.f32 $5.000000000e-01, v5;
	v5 =	vadd.f32 $4.000000060e-01, v59  }
0x2ef: {  	v7 =	vadd.f32 v18, v7;
	v0 =	vadd.f32 v4, v0;
	v61 =	vmul.f32 v16, v54  }
0x2f0: {  	v1 =	vadd.f32 v58, v1;
	v4 =	vadd.f32 v60, v6;
	v5 =	vmul.f32 v5, v55  }
0x2f1: {  	v10 =	vshra.s32 v47, $0x17;
	v0 =	vsub.f32 v0, v7;
	v7 =	vadd.f32 $6.666666860e-01, v61  }
0x2f2: {  	v63 =	vld.idx.msk [tilespmem:v40+s25+$0x0], $0xffff;
	v22 =	vshra.s32 v48, $0x17;
	v1 =	vsub.f32 v1, v4;
	v5 =	vadd.f32 $6.666666860e-01, v5  }
0x2f3: {  	v20 =	vsel vm8, $0xFFFFFF82, v27;
	v23 =	vsel vm9, $0xFFFFFF82, v27;
	v7 =	vmul.f32 v7, v54  }
0x2f4: {  	v0 =	vmul.f32 v0, v45;
	v21 =	vadd.s32 v10, v20;
	v5 =	vmul.f32 v5, v55  }
0x2f5: {  	v10 =	vadd.s32 v22, v23;
	v4 =	vcvt.s32.f32 v21;
	v7 =	vadd.f32 $2.000000000e+00, v7  }
0x2f6: {  	v1 =	vmul.f32 v1, v46;
	v24 =	vcvt.s32.f32 v10;
	v5 =	vadd.f32 $2.000000000e+00, v5  }
0x2f7: {  	v6 =	vsel vm11, v63, v62;
	v4 =	vmul.f32 $6.931471820e-01, v4;
	v7 =	vmul.f32 v7, v12  }
0x2f8: {  	[tilespmem:s2+$0xE00] =	vst v6;
	v25 =	vmul.f32 $6.931471820e-01, v24;
	v5 =	vmul.f32 v5, v13  }
0x2f9: {  	v30 =	vld [tilespmem:$0x1FFF0];
	[tilespmem:s2+$0x1080] =	vst v0;
	v28 =	vadd.f32 v7, v4  }
0x2fa: {  	v32 =	vld [tilespmem:$0x1FFE0];
	[tilespmem:s2+$0x1300] =	vst v1;
	v29 =	vadd.f32 v5, v25  }
0x2fb: {  	[tilespmem:s2+$0x1580] =	vst v28  }
0x2fc: {  	[tilespmem:s2+$0x1800] =	vst v29  }
0x2fd: {  	v0 =	vld.idx.msk [tilespmem:v38+s21+$0x0], $0xffff  }
0x2fe: {  	(erf) = vrcp.f32 v30;
	v1 =	vld.idx.msk [tilespmem:v38+s22+$0x0], $0xffff  }
0x2ff: {  	(erf) = vrcp.f32 v32;
	v31 =	vld.idx.msk [tilespmem:v38+s23+$0x0], $0xffff  }
0x300: {  	v33 =	vld.idx.msk [tilespmem:v38+s24+$0x0], $0xffff;
	_ =	sdelay $0x3  }
0x301: {  	v4 =	vsub.f32 v31, v0  }
0x302: {  	v5 =	vsub.f32 v33, v1  }
0x303: {  	v4 =	vadd.f32 $1.000000000e+00, v4  }
0x304: {  	v34 =	vpop (erf);
	v5 =	vadd.f32 $1.000000000e+00, v5  }
0x305: {  	v35 =	vpop (erf);
	v36 =	vmul.f32 v4, v34  }
0x306: {  	v37 =	vmul.f32 v5, v35  }
0x307: {  	v40 =	vand.u32 $0x7FFFFF, v36  }
0x308: {  	v41 =	vand.u32 $0x7FFFFF, v37;
	v10 =	vor.u32 $0x3F800000, v40  }
0x309: {  	v11 =	vor.u32 $0x3F800000, v41;
	v42 =	vmul.f32 $5.000000000e-01, v10  }
0x30a: {  	vm12 =	vgt.f32 v10, $1.414213540e+00;
	v43 =	vmul.f32 $5.000000000e-01, v11  }
0x30b: {  	vm13 =	vgt.f32 v11, $1.414213540e+00;
	v10 =	vsel vm12, v42, v10  }
0x30c: {  	v11 =	vsel vm13, v43, v11;
	v12 =	vadd.f32 $1.000000000e+00, v10  }
0x30d: {  	v13 =	vadd.f32 $1.000000000e+00, v11  }
0x30e: {  	(erf) = vrcp.f32 v12  }
0x30f: {  	(erf) = vrcp.f32 v13;
	_ =	sdelay $0x6  }
0x310: {  	v10 =	vadd.f32 $-1.000000000e+00, v10  }
0x311: {  	v11 =	vadd.f32 $-1.000000000e+00, v11;
	v12 =	vpop (erf)  }
0x312: {  	v10 =	vmul.f32 v12, v10;
	v44 =	vpop (erf)  }
0x313: {  	v11 =	vmul.f32 v44, v11  }
0x314: {  	v45 =	vmul.f32 v10, v10  }
0x315: {  	v46 =	vmul.f32 v11, v11  }
0x316: {  	v47 =	vmul.f32 $2.222222240e-01, v45  }
0x317: {  	v48 =	vmul.f32 $2.222222240e-01, v46  }
0x318: {  	v14 =	vadd.f32 $2.857142980e-01, v47  }
0x319: {  	v15 =	vadd.f32 $2.857142980e-01, v48  }
0x31a: {  	vm14 =	vlt.f32 v39, $4.000000060e-01;
	v14 =	vmul.f32 v14, v45  }
0x31b: {  	vm15 =	vge.f32 v39, $5.000000000e-01;
	v4 =	vmul.f32 $5.000000000e-01, v4;
	v49 =	vmul.f32 v15, v46  }
0x31c: {  	v50 =	vmul.f32 $5.000000000e-01, v32;
	v16 =	vmul.f32 $5.000000000e-01, v30;
	v14 =	vadd.f32 $4.000000060e-01, v14  }
0x31d: {  	v5 =	vmul.f32 $5.000000000e-01, v5;
	v0 =	vadd.f32 v4, v0;
	v4 =	vadd.f32 $4.000000060e-01, v49  }
0x31e: {  	v2 =	vadd.f32 v50, v2;
	v3 =	vadd.f32 v16, v3;
	v52 =	vmul.f32 v14, v45  }
0x31f: {  	v51 =	vsel vm14, $0x0, v26;
	v1 =	vadd.f32 v5, v1;
	v53 =	vmul.f32 v4, v46  }
0x320: {  	v56 =	vshra.s32 v36, $0x17;
	v0 =	vsub.f32 v0, v3;
	v5 =	vadd.f32 $6.666666860e-01, v52  }
0x321: {  	v55 =	vld.idx.msk [tilespmem:v38+s25+$0x0], $0xffff;
	v59 =	vshra.s32 v37, $0x17;
	v1 =	vsub.f32 v1, v2;
	v3 =	vadd.f32 $6.666666860e-01, v53  }
0x322: {  	v54 =	vsel vm12, $0xFFFFFF82, v27;
	v60 =	vsel vm13, $0xFFFFFF82, v27;
	v58 =	vmul.f32 v5, v45  }
0x323: {  	v0 =	vmul.f32 v0, v34;
	v57 =	vadd.s32 v56, v54;
	v3 =	vmul.f32 v3, v46  }
0x324: {  	v2 =	vcvt.s32.f32 v57;
	v5 =	vadd.s32 v59, v60;
	v4 =	vadd.f32 $2.000000000e+00, v58  }
0x325: {  	s20 =	sadd.s32 $0x1, s20;
	v1 =	vmul.f32 v1, v35;
	v5 =	vcvt.s32.f32 v5;
	v3 =	vadd.f32 $2.000000000e+00, v3  }
0x326: {  	p0 =	sne.s32 s20, $0x8;
	v61 =	vsel vm15, v55, v51;
	v2 =	vmul.f32 $6.931471820e-01, v2;
	v4 =	vmul.f32 v4, v10  }
.Ltmp1:
0x327: {  	[tilespmem:s31+$0xE00] =	vst v61;
	v5 =	vmul.f32 $6.931471820e-01, v5;
	v3 =	vmul.f32 v3, v11;
	(pc) =	sbr.rel @p0 .LBB2_2-.Ltmp1, $4  }
0x328: {  	[tilespmem:s31+$0x1080] =	vst v0;
	v62 =	vadd.f32 v4, v2  }
0x329: {  	[tilespmem:s31+$0x1300] =	vst v1;
	v63 =	vadd.f32 v3, v5  }
0x32a: {  	[tilespmem:s31+$0x1580] =	vst v62  }
0x32b: {  	[tilespmem:s31+$0x1800] =	vst v63  }
0x32c: {  	s0 =	simm.s32 $0xE00  }
0x32d: {  	[hbm4b:s12+s4] =	stream.linear.scatter [tilespmem:s0], [sflag:$0x1], $0x280, $0x38;
	[tilespmem:$0x1A80] =	vst v63  }
0x32e: {  	s3 =	simm.s32 $0x1080  }
0x32f: {  	[hbm4b:s13+s4] =	stream.linear.scatter [tilespmem:s3], [sflag:$0x1], $0x280, $0x38;
	[tilespmem:$0x1A80] =	vst v63  }
0x330: {  	s18 =	simm.s32 $0x1300  }
0x331: {  	[hbm4b:s14+s4] =	stream.linear.scatter [tilespmem:s18], [sflag:$0x1], $0x280, $0x38;
	[tilespmem:$0x1A80] =	vst v63  }
0x332: {  	s20 =	simm.s32 $0x1580  }
0x333: {  	[hbm4b:s15+s4] =	stream.linear.scatter [tilespmem:s20], [sflag:$0x1], $0x280, $0x38;
	[tilespmem:$0x1A80] =	vst v63  }
0x334: {  	s31 =	simm.s32 $0x1800  }
0x335: {  	[hbm4b:s16+s4] =	stream.linear.scatter [tilespmem:s31], [sflag:$0x1], $0x280, $0x38;
	[tilespmem:$0x1A80] =	vst v63  }
0x336: {  	_ =	swait.ge [sflag:s26], $0x280  }
0x337: {  	[sflag:s26] =	ssyncset.done $0x0  }
0x338: {  	[sflag:s26] =	ssyncadd.s32 $0xFFFFFD80  }
0x339: {  	_ =	swait.ge [sflag:s26], $0x280  }
0x33a: {  	[sflag:s26] =	ssyncset.done $0x0  }
0x33b: {  	[sflag:s26] =	ssyncadd.s32 $0xFFFFFD80  }
0x33c: {  	_ =	swait.ge [sflag:s26], $0x280  }
0x33d: {  	[sflag:s26] =	ssyncset.done $0x0  }
0x33e: {  	s19 =	sadd.s32 $0x1, s19;
	[sflag:s26] =	ssyncadd.s32 $0xFFFFFD80  }
0x33f: {  	p0 =	sne.s32 s19, s17;
	_ =	swait.ge [sflag:s26], $0x280  }
.Ltmp2:
0x340: {  	[sflag:s26] =	ssyncset.done $0x0;
	(pc) =	sbr.rel @p0 .LBB2_1-.Ltmp2, $4  }
0x341: {  	[sflag:s26] =	ssyncadd.s32 $0xFFFFFD80  }
0x342: {  	_ =	swait.ge [sflag:s26], $0x280  }
0x343: {  	[sflag:s26] =	ssyncset.done $0x0  }
0x344: {  	[sflag:s26] =	ssyncadd.s32 $0xFFFFFD80  }
0x345: {  	_ =	sfence.sel $0x180000  }
0x346: {  	[bflag:$0x0] =	sbarrier.arrive $0xFFFF  }
0x347: {  	_ =	strace $0x90000047  }
0x348: {  	s0 =	stileid.u32;
	[bflag:$0x2] =	sbarrier.arrive $0xFFFF  }
0x349: {  	p0 =	sne.s32 s0, $0x0;
	s0 =	rddreg [dreg:$0x3]  }
0x34a: {  	s0 =	sadd.s32 @!p0 $0x100000, s0  }
0x34b: {  	[sflag:s0] =	ssyncadd.tile.s32 @!p0 $0x1;
	_ =	shalt  }
.Lfunc_end2:
_tile_overlayer_lowered:
.L_overlay_start_2:
0x34c: {  	(tag) =	ssettag $0x2  }
0x34d: {  	s0 =	rddreg [dreg:$0x0];
	s2 =	stileid.u32  }
0x34e: {  	s1 =	rddreg [dreg:$0x1];
	p0 =	sne.s32 s2, $0x0  }
0x34f: {  	s3 =	rddreg [dreg:$0x2];
	[bflag:$0x3] =	sbarrier.arrive $0xFFFF;
	s2 =	simm.s32 @!p0 $0x1C02  }
0x350: {  	[timem:s3], [sflag:s2] =	dma.local @!p0 [hbm:s0], s1  }
0x351: {  	s0 =	simm.s32 @!p0 $0x2  }
0x352: {  	_ =	swait.ge @!p0 [sflag:s0], s1  }
0x353: {  	s1 =	ssub.s32 @!p0 $0x0, s1;
	[sflag:s0] =	ssyncset.done @!p0 $0x0  }
0x354: {  	[sflag:s0] =	ssyncadd.s32 @!p0 s1  }
0x355: {  	[bflag:$0x3] =	sbarrier.arrive $0xFFFF  }
0x356: {  	_ =	shalt  }

</sc_bundles>
